<compile_context>
chip_gen: v7x
topology: tpu7x:2x2x1
jax: 0.10.2.dev20260603
libtpu: 0.0.44.dev20260713+nightly
codegen_flags: <defaults>
</compile_context>

<pallas_src>
import functools

import jax
import jax.numpy as jnp
from jax import lax
from jax.experimental import pallas as pl
from jax.experimental.pallas import tpu as pltpu
from jax.experimental.pallas import tpu_sc as plsc

B = 32
NH = 512
N = B * NH
E = N * 16
H = 64
C = 128


_NTILES = 16
_EPT = E // _NTILES
_GP = 2
_NPASS = (B // 2) // _GP
_SLABW = _GP * NH * NH
_TRASH = _SLABW
_CHUNK = 128
_NCHUNK = _EPT // _CHUNK
_ZCH = 4096
_ZPT = _SLABW // _NTILES
_ROUNDS = 8


def _sc_body(src_hbm, dst_hbm, out_hbm, src_v, cidx_v, idx_v, tag_v, w_v,
             cval_v, zero_v, slab, sem):
    c = lax.axis_index("c")
    s = lax.axis_index("s")
    f32 = jnp.float32
    i32 = jnp.int32

    def zfill(i, _):
        zero_v[pl.ds(i * 16, 16)] = jnp.full((16,), 0.0, f32)
        return _
    lax.fori_loop(0, _ZCH // 16, zfill, None)

    def tfill(i, _):
        lane = lax.iota(i32, 16)
        tag = (s * _EPT + i * 16 + lane).astype(f32)
        tag_v[i >> 3, pl.ds(jnp.bitwise_and(i, 7) * 16, 16)] = tag
        return _
    lax.fori_loop(0, _EPT // 16, tfill, None)

    pltpu.sync_copy(src_hbm.at[pl.ds(s * _EPT, _EPT)], src_v)

    def dfire(j, _):
        pltpu.async_copy(dst_hbm.at[pl.ds(s * _EPT + j * _CHUNK, _CHUNK)],
                         cidx_v.at[j], sem)
        return _
    lax.fori_loop(0, _NCHUNK, dfire, None)

    def ddrain(j, _):
        pltpu.make_async_copy(dst_hbm.at[pl.ds(s * _EPT + j * _CHUNK, _CHUNK)],
                              cidx_v.at[j], sem).wait()
        return _
    lax.fori_loop(0, _NCHUNK, ddrain, None)

    def pre(i, _):
        sv = src_v[pl.ds(i * 16, 16)]
        dv = cidx_v[i >> 3, pl.ds(jnp.bitwise_and(i, 7) * 16, 16)]
        cell = lax.shift_left(sv, 9) | jnp.bitwise_and(dv, 511)
        src_v[pl.ds(i * 16, 16)] = cell
        return _
    lax.fori_loop(0, _EPT // 16, pre, None)

    for p in range(_NPASS):
        g_lo = c * (B // 2) + p * _GP

        for k in range(_ZPT // _ZCH):
            pltpu.sync_copy(zero_v, slab.at[pl.ds(s * _ZPT + k * _ZCH, _ZCH)])
        plsc.subcore_barrier()

        def mkidx(i, _):
            cell = src_v[pl.ds(i * 16, 16)]
            rel = cell - g_lo * (NH * NH)
            ok = jnp.logical_and(rel >= 0, rel < _SLABW)
            idx = jnp.where(ok, rel, _TRASH)
            idx_v[i >> 3, pl.ds(jnp.bitwise_and(i, 7) * 16, 16)] = idx
            return _
        lax.fori_loop(0, _EPT // 16, mkidx, None)

        def round_body(r, _):
            for k in range(_CHUNK // 16):
                cval_v[pl.ds(k * 16, 16)] = jnp.broadcast_to(
                    (r + 1).astype(jnp.float32), (16,))

            def fire_tag(j, __):
                pltpu.async_copy(tag_v.at[j], slab.at[idx_v.at[j]], sem)
                return __
            lax.fori_loop(0, _NCHUNK, fire_tag, None)

            def drain_tag(j, __):
                pltpu.make_async_copy(tag_v.at[j], slab.at[idx_v.at[j]], sem).wait()
                return __
            lax.fori_loop(0, _NCHUNK, drain_tag, None)
            plsc.subcore_barrier()

            def fire_gather(j, __):
                pltpu.async_copy(slab.at[idx_v.at[j]], w_v.at[j], sem)
                return __
            lax.fori_loop(0, _NCHUNK, fire_gather, None)

            def drain_gather(j, __):
                pltpu.make_async_copy(slab.at[idx_v.at[j]], w_v.at[j], sem).wait()
                return __
            lax.fori_loop(0, _NCHUNK, drain_gather, None)

            def judge(i, __):
                jj = i >> 3
                kk = jnp.bitwise_and(i, 7) * 16
                idx = idx_v[jj, pl.ds(kk, 16)]
                w = w_v[jj, pl.ds(kk, 16)]
                tag = tag_v[jj, pl.ds(kk, 16)]
                live = idx != _TRASH
                win = jnp.logical_and(live, w == tag)
                idx_v[jj, pl.ds(kk, 16)] = jnp.where(win, _TRASH, idx)
                cidx_v[jj, pl.ds(kk, 16)] = jnp.where(win, idx, _TRASH)
                return __
            lax.fori_loop(0, _EPT // 16, judge, None)

            def fire_cnt(j, __):
                pltpu.async_copy(cval_v, slab.at[cidx_v.at[j]], sem)
                return __
            lax.fori_loop(0, _NCHUNK, fire_cnt, None)

            def drain_cnt(j, __):
                pltpu.make_async_copy(cval_v, slab.at[cidx_v.at[j]], sem).wait()
                return __
            lax.fori_loop(0, _NCHUNK, drain_cnt, None)
            plsc.subcore_barrier()
            return _

        lax.fori_loop(0, _ROUNDS, round_body, None)

        out_off = g_lo * (NH * NH) + s * _ZPT
        pltpu.sync_copy(slab.at[pl.ds(s * _ZPT, _ZPT)],
                        out_hbm.at[pl.ds(out_off, _ZPT)])
        plsc.subcore_barrier()


def _build_cnt(src, dst):
    mesh = plsc.VectorSubcoreMesh(core_axis_name="c", subcore_axis_name="s")
    f = pl.kernel(
        _sc_body,
        out_type=jax.ShapeDtypeStruct((N * NH,), jnp.float32),
        mesh=mesh,
        scratch_types=[
            pltpu.VMEM((_EPT,), jnp.int32),
            pltpu.VMEM((_NCHUNK, _CHUNK), jnp.int32),
            pltpu.VMEM((_NCHUNK, _CHUNK), jnp.int32),
            pltpu.VMEM((_NCHUNK, _CHUNK), jnp.float32),
            pltpu.VMEM((_NCHUNK, _CHUNK), jnp.float32),
            pltpu.VMEM((_CHUNK,), jnp.float32),
            pltpu.VMEM((_ZCH,), jnp.float32),
            pltpu.VMEM_SHARED((_SLABW + 64,), jnp.float32),
            pltpu.SemaphoreType.DMA,
        ],
    )
    return f(src, dst)




def _tc_body(x_ref, cnt_ref, w_in_ref, b_in_ref, wm_ref, wnh_ref, wnm_ref,
             bn_ref, we1_ref, we2_ref, be_ref, emb_ref, aw0_ref, aw1_ref,
             post_ref, pw1_ref, pb1_ref, pw2_ref, pb2_ref, out_ref):
    f32 = jnp.float32
    _PREC = lax.Precision.HIGHEST
    _DEF = lax.Precision.DEFAULT
    x = x_ref[0]
    cnt = cnt_ref[0]

    h = jnp.tanh(jnp.dot(x, w_in_ref[...], preferred_element_type=f32, precision=_PREC)
                 + b_in_ref[...])
    for l in range(3):
        hm = jnp.dot(h, wm_ref[l], preferred_element_type=f32, precision=_PREC)
        m = lax.dot_general(cnt, hm, (((0,), (0,)), ((), ())),
                            preferred_element_type=f32, precision=_PREC)
        h = jnp.tanh(jnp.dot(h, wnh_ref[l], preferred_element_type=f32, precision=_PREC)
                     + jnp.dot(m, wnm_ref[l], preferred_element_type=f32, precision=_PREC)
                     + bn_ref[l])

    u = jnp.dot(h, we1_ref[...], preferred_element_type=f32, precision=_PREC)
    v = lax.dot_general(we2_ref[...], h, (((0,), (1,)), ((), ())),
                        preferred_element_type=f32, precision=_PREC)
    a = jnp.where(cnt > 0.0, jax.nn.sigmoid(u + v + be_ref[0, 0]), 0.0)
    ri = lax.broadcasted_iota(jnp.int32, (NH, NH), 0)
    ci = lax.broadcasted_iota(jnp.int32, (NH, NH), 1)
    a_hat = jnp.where(ri == ci, a + 1.0, a)

    z = h
    for l in range(2):
        z = jax.nn.relu(jnp.dot(jnp.dot(a_hat, z, preferred_element_type=f32, precision=_DEF),
                                emb_ref[l], preferred_element_type=f32, precision=_DEF))
    sh = jax.nn.relu(jnp.dot(jnp.dot(a_hat, h, preferred_element_type=f32, precision=_DEF),
                             aw0_ref[...], preferred_element_type=f32, precision=_DEF))
    sh = jnp.dot(jnp.dot(a_hat, sh, preferred_element_type=f32, precision=_DEF),
                 aw1_ref[...], preferred_element_type=f32, precision=_DEF)
    sm = jnp.max(sh, axis=-1, keepdims=True)
    se = jnp.exp(sh - sm)
    s = se / jnp.sum(se, axis=-1, keepdims=True)

    xp = lax.dot_general(s, z, (((0,), (0,)), ((), ())),
                         preferred_element_type=f32, precision=_DEF)
    sta = lax.dot_general(s, a, (((0,), (0,)), ((), ())),
                          preferred_element_type=f32, precision=_DEF)
    ap = jnp.dot(sta, s, preferred_element_type=f32, precision=_DEF)
    ri2 = lax.broadcasted_iota(jnp.int32, (C, C), 0)
    ci2 = lax.broadcasted_iota(jnp.int32, (C, C), 1)
    ap_hat = jnp.where(ri2 == ci2, ap + 1.0, ap)

    zp = xp
    for l in range(2):
        zp = jax.nn.relu(jnp.dot(jnp.dot(ap_hat, zp, preferred_element_type=f32, precision=_DEF),
                                 post_ref[l], preferred_element_type=f32, precision=_DEF))
    g = jnp.max(zp, axis=0, keepdims=True)
    hg = jax.nn.relu(jnp.dot(g, pw1_ref[...], preferred_element_type=f32, precision=_DEF)
                     + pb1_ref[...])
    out_ref[0] = jnp.dot(hg, pw2_ref[...], preferred_element_type=f32, precision=_DEF) \
        + pb2_ref[...]


def _dense_forward(x3, cnt3, w):
    full = lambda a: pl.BlockSpec(a.shape, lambda g: (0,) * a.ndim)
    in_specs = [
        pl.BlockSpec((1, NH, 4), lambda g: (g, 0, 0)),
        pl.BlockSpec((1, NH, NH), lambda g: (g, 0, 0)),
    ] + [full(a) for a in w]
    return pl.pallas_call(
        _tc_body,
        grid=(B,),
        in_specs=in_specs,
        out_specs=pl.BlockSpec((1, 1, 1), lambda g: (g, 0, 0)),
        out_shape=jax.ShapeDtypeStruct((B, 1, 1), jnp.float32),
        compiler_params=pltpu.CompilerParams(
            dimension_semantics=("arbitrary",)),
    )(x3, cnt3, *w)


def kernel(x, edge_index, batch, batch_size, params):
    src = edge_index[0].astype(jnp.int32)
    dst = edge_index[1].astype(jnp.int32)

    cnt = _build_cnt(src, dst).reshape(B, NH, NH)

    p = params
    wn = jnp.stack(p["Wn"])
    w = [
        p["W_in"],
        p["b_in"].reshape(1, H),
        jnp.stack(p["Wm"]),
        wn[:, :H, :],
        wn[:, H:, :],
        jnp.stack(p["bn"]).reshape(3, 1, H),
        p["We"][:H],
        p["We"][H:],
        p["be"].reshape(1, 1),
        jnp.stack(p["emb_W"]),
        p["assign_W"][0],
        p["assign_W"][1],
        jnp.stack(p["post_W"]),
        p["pred_W1"],
        p["pred_b1"].reshape(1, H),
        p["pred_W2"],
        p["pred_b2"].reshape(1, 1),
    ]
    out = _dense_forward(x.reshape(B, NH, 4), cnt, w).reshape(B, 1)
    bs_dep = (jnp.asarray(batch_size, jnp.int32) - B).astype(jnp.float32)
    return out + bs_dep

# --- scband reference (transcript-rebuilt; emitter-appended) ---
"""Pipeline reference for scband-gnndiffpool-81647328297541 (READ-ONLY COPY).

The authoritative reference and input builder live on the scoring server;
editing this copy changes nothing except your own understanding.
"""

import jax, jax.numpy as jnp
import numpy as np

B = 32
NH = 512
N = B * NH
E = N * 16
DIN = 4
H = 64
C = 128


def _init_params(key):
    ks = jax.random.split(key, 24)
    s = 0.1
    p = {}
    p["W_in"] = jax.random.normal(ks[0], (DIN, H), dtype=jnp.float32) * s
    p["b_in"] = jnp.zeros((H,), dtype=jnp.float32)
    p["Wm"] = [jax.random.normal(ks[1 + l], (H, H), dtype=jnp.float32) * s for l in range(3)]
    p["Wn"] = [jax.random.normal(ks[4 + l], (2 * H, H), dtype=jnp.float32) * s for l in range(3)]
    p["bn"] = [jnp.zeros((H,), dtype=jnp.float32) for _ in range(3)]
    p["We"] = jax.random.normal(ks[7], (2 * H, 1), dtype=jnp.float32) * s
    p["be"] = jnp.zeros((1,), dtype=jnp.float32)
    p["emb_W"] = [jax.random.normal(ks[8], (H, H), dtype=jnp.float32) * s, jax.random.normal(ks[9], (H, H), dtype=jnp.float32) * s]
    p["assign_W"] = [jax.random.normal(ks[10], (H, H), dtype=jnp.float32) * s, jax.random.normal(ks[11], (H, C), dtype=jnp.float32) * s]
    p["post_W"] = [jax.random.normal(ks[12], (H, H), dtype=jnp.float32) * s, jax.random.normal(ks[13], (H, H), dtype=jnp.float32) * s]
    p["pred_W1"] = jax.random.normal(ks[14], (H, H), dtype=jnp.float32) * s
    p["pred_b1"] = jnp.zeros((H,), dtype=jnp.float32)
    p["pred_W2"] = jax.random.normal(ks[15], (H, 1), dtype=jnp.float32) * s
    p["pred_b2"] = jnp.zeros((1,), dtype=jnp.float32)
    return p


def setup_inputs(seed: int = 0):
    key = jax.random.key(seed)
    kx, ks_, ko, kp = jax.random.split(key, 4)
    x = jax.random.normal(kx, (N, DIN), dtype=jnp.float32)
    src = jax.random.randint(ks_, (E,), 0, N)
    off = jax.random.randint(ko, (E,), 0, NH)
    dst = (src // NH) * NH + off  # edges stay within each graph of NH hits
    edge_index = jnp.stack([src, dst], axis=0)
    batch = jnp.arange(N) // NH
    params = _init_params(kp)
    return {"x": x, "edge_index": edge_index, "batch": batch, "batch_size": B, "params": params}


def _gcn(A_hat, X, W):
    return jax.nn.relu(jnp.einsum("bij,bjd->bid", A_hat, X) @ W)


def _forward(x, params, edge_index, batch, batch_size):
    src, dst = edge_index[0], edge_index[1]
    # GNN message passing (edge scores + node embeddings)
    h = jnp.tanh(x @ params["W_in"] + params["b_in"])
    for l in range(3):
        m = jax.ops.segment_sum(h[src] @ params["Wm"][l], dst, num_segments=x.shape[0])
        h = jnp.tanh(jnp.concatenate([h, m], axis=-1) @ params["Wn"][l] + params["bn"][l])
    edge_output = jax.nn.sigmoid(jnp.concatenate([h[src], h[dst]], axis=-1) @ params["We"] + params["be"])[:, 0]
    static_bs = B
    n_hits = x.shape[0] // static_bs
    nodes = h.reshape(static_bs, n_hits, h.shape[1])
    # dense per-graph adjacency from predicted edge scores (scatter-overwrite)
    b_e = batch[src]
    A = jnp.zeros((static_bs, n_hits, n_hits), dtype=jnp.float32)
    A = A.at[b_e, src - n_hits * b_e, dst - n_hits * b_e].set(edge_output)
    # SoftPoolingGcnEncoder (DiffPool)
    I = jnp.eye(n_hits, dtype=jnp.float32)
    A_hat = A + I[None]
    Z = nodes
    for W in params["emb_W"]:
        Z = _gcn(A_hat, Z, W)
    Sh = _gcn(A_hat, nodes, params["assign_W"][0])
    Sh = jnp.einsum("bij,bjd->bid", A_hat, Sh) @ params["assign_W"][1]
    S = jax.nn.softmax(Sh, axis=-1)
    Xp = jnp.einsum("bnc,bnd->bcd", S, Z)
    Ap = jnp.einsum("bnc,bnm,bmk->bck", S, A, S)
    Ap_hat = Ap + jnp.eye(S.shape[-1], dtype=jnp.float32)[None]
    Zp = Xp
    for W in params["post_W"]:
        Zp = _gcn(Ap_hat, Zp, W)
    g = jnp.max(Zp, axis=1)
    hg = jax.nn.relu(g @ params["pred_W1"] + params["pred_b1"])
    ip_pred = hg @ params["pred_W2"] + params["pred_b2"]
    bs_dep = (jnp.asarray(batch_size, jnp.int32) - static_bs).astype(jnp.float32)
    ip_pred = ip_pred + bs_dep
    return ip_pred


def reference(x, edge_index, batch, batch_size, params):
    return _forward(x, params, edge_index, batch, batch_size)

if __name__ == "__main__":
    import jax
    _d = setup_inputs()
    print(jax.jit(kernel)(*tuple(_d.values())))

</pallas_src>

<mosaic_0001>
#map = affine_map<(d0, d1) -> (0)>
module attributes {stable_mosaic.version = 14 : i64} {
  func.func @_sc_body(%arg0: i32, %arg1: i32, %arg2: memref<262144xi32, #tpu.memory_space<hbm>>, %arg3: memref<262144xi32, #tpu.memory_space<hbm>>, %arg4: memref<8388608xf32, #tpu.memory_space<hbm>>, %arg5: memref<16384xi32, #tpu.memory_space<vmem>>, %arg6: memref<128x128xi32, #tpu.memory_space<vmem>>, %arg7: memref<128x128xi32, #tpu.memory_space<vmem>>, %arg8: memref<128x128xf32, #tpu.memory_space<vmem>>, %arg9: memref<128x128xf32, #tpu.memory_space<vmem>>, %arg10: memref<128xf32, #tpu.memory_space<vmem>>, %arg11: memref<4096xf32, #tpu.memory_space<vmem>>, %arg12: memref<524352xf32, #tpu.memory_space<vmem_shared>>, %arg13: memref<!tpu.dma_semaphore, #tpu.memory_space<semaphore_mem>>) attributes {dimension_semantics = [#tpu.dimension_semantics<core_parallel>, #tpu.dimension_semantics<subcore_parallel>], iteration_bounds = array<i64: 2, 16>, scalar_prefetch = 0 : i64, scratch_operands = 9 : i64, tpu.core_type = #tpu.core_type<sc_vector_subcore>, window_params = [{transform_indices = #map}, {transform_indices = #map}, {transform_indices = #map}]} {
    %scan3A = arith.constant 0 : i32
    %scan3A_0 = arith.constant 256 : i32
    %scan3A_1 = arith.addi %scan3A, %scan3A_0 : i32
    %scan3A_2 = arith.constant 1 : i32
    scf.for %scan3A_463 = %scan3A to %scan3A_1 step %scan3A_2  : i32 {
      %broadcast_in_dim3A = arith.constant 0.000000e+00 : f32
      %broadcast_in_dim3A_464 = vector.broadcast %broadcast_in_dim3A : f32 to vector<16xf32>
      %mul3A_465 = arith.constant 16 : i32
      %mul3A_466 = arith.muli %scan3A_463, %mul3A_465 : i32
      %swap3A = arith.index_cast %mul3A_466 : i32 to index
      %swap3A_467 = tpu.vector_load %arg11[%swap3A] {strides = array<i32>} : memref<4096xf32, #tpu.memory_space<vmem>>, vector<16xf32>,
      %swap3A_468 = vector.shape_cast %swap3A_467 : vector<16xf32> to vector<16xf32>
      %swap3A_469 = vector.shape_cast %broadcast_in_dim3A_464 : vector<16xf32> to vector<16xf32>
      tpu.vector_store %arg11[%swap3A], %swap3A_469 {strides = array<i32>} : memref<4096xf32, #tpu.memory_space<vmem>>, vector<16xf32>,
    }
    %scan3A_3 = arith.constant 256 : i32
    %scan3A_4 = arith.constant 0 : i32
    %scan3A_5 = arith.constant 1024 : i32
    %scan3A_6 = arith.addi %scan3A_4, %scan3A_5 : i32
    %scan3A_7 = arith.constant 1 : i32
    scf.for %scan3A_463 = %scan3A_4 to %scan3A_6 step %scan3A_7  : i32 {
      %iota3A = tpu.iota {dimensions = array<i32: 0>} : vector<16xi32>
      %mul3A_464 = arith.constant 16384 : i32
      %mul3A_465 = arith.muli %arg1, %mul3A_464 : i32
      %mul3A_466 = arith.constant 16 : i32
      %mul3A_467 = arith.muli %scan3A_463, %mul3A_466 : i32
      %add3A_468 = arith.addi %mul3A_465, %mul3A_467 : i32
      %add3A_469 = vector.broadcast %add3A_468 : i32 to vector<16xi32>
      %add3A_470 = arith.addi %add3A_469, %iota3A : vector<16xi32>
      %convert_element_type3A = arith.sitofp %add3A_470 : vector<16xi32> to vector<16xf32>
      %shift_right_arithmetic3A = arith.constant 3 : i32
      %shift_right_arithmetic3A_471 = arith.shrsi %scan3A_463, %shift_right_arithmetic3A : i32
      %and3A = arith.constant 7 : i32
      %and3A_472 = arith.andi %scan3A_463, %and3A : i32
      %mul3A_473 = arith.constant 16 : i32
      %mul3A_474 = arith.muli %and3A_472, %mul3A_473 : i32
      %swap3A = arith.index_cast %shift_right_arithmetic3A_471 : i32 to index
      %swap3A_475 = arith.index_cast %mul3A_474 : i32 to index
      %swap3A_476 = tpu.vector_load %arg8[%swap3A, %swap3A_475] {strides = array<i32>} : memref<128x128xf32, #tpu.memory_space<vmem>>, vector<1x16xf32>,
      %swap3A_477 = vector.shape_cast %swap3A_476 : vector<1x16xf32> to vector<16xf32>
      %swap3A_478 = vector.shape_cast %convert_element_type3A : vector<16xf32> to vector<1x16xf32>
      tpu.vector_store %arg8[%swap3A, %swap3A_475], %swap3A_478 {strides = array<i32>} : memref<128x128xf32, #tpu.memory_space<vmem>>, vector<1x16xf32>,
    }
    %scan3A_8 = arith.constant 1024 : i32
    %mul3A = arith.constant 16384 : i32
    %mul3A_9 = arith.muli %arg1, %mul3A : i32
    "tpu.region"() ({
      %run_scoped3A = tpu.sem_alloc : memref<!tpu.dma_semaphore, #tpu.memory_space<semaphore_mem>>
      %dma_start3A = tpu.memref_slice %arg2[%mul3A_9] : memref<262144xi32, #tpu.memory_space<hbm>> -> memref<16384xi32, #tpu.memory_space<hbm>>
      %dma_start3A_463 = tpu.memref_slice %arg2[%mul3A_9] : memref<262144xi32, #tpu.memory_space<hbm>> -> memref<16384xi32, #tpu.memory_space<hbm>>
      tpu.enqueue_dma source(%dma_start3A_463 : memref<16384xi32, #tpu.memory_space<hbm>>) target(%arg5 : memref<16384xi32, #tpu.memory_space<vmem>>) target_semaphore(%run_scoped3A : memref<!tpu.dma_semaphore, #tpu.memory_space<semaphore_mem>>)
      %dma_wait3A = tpu.memref_slice %arg2[%mul3A_9] : memref<262144xi32, #tpu.memory_space<hbm>> -> memref<16384xi32, #tpu.memory_space<hbm>>
      %dma_wait3A_464 = tpu.memref_slice %arg2[%mul3A_9] : memref<262144xi32, #tpu.memory_space<hbm>> -> memref<16384xi32, #tpu.memory_space<hbm>>
      tpu.wait_dma2 semaphore(%run_scoped3A : memref<!tpu.dma_semaphore, #tpu.memory_space<semaphore_mem>>) src(%dma_wait3A_464 : memref<16384xi32, #tpu.memory_space<hbm>>) dst(%arg5 : memref<16384xi32, #tpu.memory_space<vmem>>)
      tpu.yield
    }) : () -> ()
    %scan3A_10 = arith.constant 0 : i32
    %scan3A_11 = arith.constant 128 : i32
    %scan3A_12 = arith.addi %scan3A_10, %scan3A_11 : i32
    %scan3A_13 = arith.constant 1 : i32
    scf.for %scan3A_463 = %scan3A_10 to %scan3A_12 step %scan3A_13  : i32 {
      %mul3A_464 = arith.constant 16384 : i32
      %mul3A_465 = arith.muli %arg1, %mul3A_464 : i32
      %mul3A_466 = arith.constant 128 : i32
      %mul3A_467 = arith.muli %scan3A_463, %mul3A_466 : i32
      %add3A_468 = arith.addi %mul3A_465, %mul3A_467 : i32
      %dma_start3A = arith.constant 0 : i32
      %dma_start3A_469 = tpu.memref_slice %arg6[%scan3A_463, %dma_start3A] : memref<128x128xi32, #tpu.memory_space<vmem>> -> memref<1x128xi32, #tpu.memory_space<vmem>>
      %dma_start3A_470 = tpu.memref_squeeze %dma_start3A_469 : memref<1x128xi32, #tpu.memory_space<vmem>> -> memref<128xi32, #tpu.memory_space<vmem>>
      %dma_start3A_471 = tpu.memref_slice %arg3[%add3A_468] : memref<262144xi32, #tpu.memory_space<hbm>> -> memref<128xi32, #tpu.memory_space<hbm>>
      %dma_start3A_472 = arith.constant 0 : i32
      %dma_start3A_473 = tpu.memref_slice %arg6[%scan3A_463, %dma_start3A_472] : memref<128x128xi32, #tpu.memory_space<vmem>> -> memref<1x128xi32, #tpu.memory_space<vmem>>
      %dma_start3A_474 = tpu.memref_squeeze %dma_start3A_473 : memref<1x128xi32, #tpu.memory_space<vmem>> -> memref<128xi32, #tpu.memory_space<vmem>>
      %dma_start3A_475 = tpu.memref_slice %arg3[%add3A_468] : memref<262144xi32, #tpu.memory_space<hbm>> -> memref<128xi32, #tpu.memory_space<hbm>>
      tpu.enqueue_dma source(%dma_start3A_475 : memref<128xi32, #tpu.memory_space<hbm>>) target(%dma_start3A_474 : memref<128xi32, #tpu.memory_space<vmem>>) target_semaphore(%arg13 : memref<!tpu.dma_semaphore, #tpu.memory_space<semaphore_mem>>)
    }
    %scan3A_14 = arith.constant 128 : i32
    %scan3A_15 = arith.constant 0 : i32
    %scan3A_16 = arith.constant 128 : i32
    %scan3A_17 = arith.addi %scan3A_15, %scan3A_16 : i32
    %scan3A_18 = arith.constant 1 : i32
    scf.for %scan3A_463 = %scan3A_15 to %scan3A_17 step %scan3A_18  : i32 {
      %mul3A_464 = arith.constant 16384 : i32
      %mul3A_465 = arith.muli %arg1, %mul3A_464 : i32
      %mul3A_466 = arith.constant 128 : i32
      %mul3A_467 = arith.muli %scan3A_463, %mul3A_466 : i32
      %add3A_468 = arith.addi %mul3A_465, %mul3A_467 : i32
      %dma_wait3A = arith.constant 0 : i32
      %dma_wait3A_469 = tpu.memref_slice %arg6[%scan3A_463, %dma_wait3A] : memref<128x128xi32, #tpu.memory_space<vmem>> -> memref<1x128xi32, #tpu.memory_space<vmem>>
      %dma_wait3A_470 = tpu.memref_squeeze %dma_wait3A_469 : memref<1x128xi32, #tpu.memory_space<vmem>> -> memref<128xi32, #tpu.memory_space<vmem>>
      %dma_wait3A_471 = tpu.memref_slice %arg3[%add3A_468] : memref<262144xi32, #tpu.memory_space<hbm>> -> memref<128xi32, #tpu.memory_space<hbm>>
      %dma_wait3A_472 = arith.constant 0 : i32
      %dma_wait3A_473 = tpu.memref_slice %arg6[%scan3A_463, %dma_wait3A_472] : memref<128x128xi32, #tpu.memory_space<vmem>> -> memref<1x128xi32, #tpu.memory_space<vmem>>
      %dma_wait3A_474 = tpu.memref_squeeze %dma_wait3A_473 : memref<1x128xi32, #tpu.memory_space<vmem>> -> memref<128xi32, #tpu.memory_space<vmem>>
      %dma_wait3A_475 = tpu.memref_slice %arg3[%add3A_468] : memref<262144xi32, #tpu.memory_space<hbm>> -> memref<128xi32, #tpu.memory_space<hbm>>
      tpu.wait_dma2 semaphore(%arg13 : memref<!tpu.dma_semaphore, #tpu.memory_space<semaphore_mem>>) src(%dma_wait3A_475 : memref<128xi32, #tpu.memory_space<hbm>>) dst(%dma_wait3A_474 : memref<128xi32, #tpu.memory_space<vmem>>)
    }
    %scan3A_19 = arith.constant 128 : i32
    %scan3A_20 = arith.constant 0 : i32
    %scan3A_21 = arith.constant 1024 : i32
    %scan3A_22 = arith.addi %scan3A_20, %scan3A_21 : i32
    %scan3A_23 = arith.constant 1 : i32
    scf.for %scan3A_463 = %scan3A_20 to %scan3A_22 step %scan3A_23  : i32 {
      %mul3A_464 = arith.constant 16 : i32
      %mul3A_465 = arith.muli %scan3A_463, %mul3A_464 : i32
      %get3A = arith.index_cast %mul3A_465 : i32 to index
      %get3A_466 = tpu.vector_load %arg5[%get3A] {strides = array<i32>} : memref<16384xi32, #tpu.memory_space<vmem>>, vector<16xi32>,
      %get3A_467 = vector.shape_cast %get3A_466 : vector<16xi32> to vector<16xi32>
      %shift_right_arithmetic3A = arith.constant 3 : i32
      %shift_right_arithmetic3A_468 = arith.shrsi %scan3A_463, %shift_right_arithmetic3A : i32
      %and3A = arith.constant 7 : i32
      %and3A_469 = arith.andi %scan3A_463, %and3A : i32
      %mul3A_470 = arith.constant 16 : i32
      %mul3A_471 = arith.muli %and3A_469, %mul3A_470 : i32
      %get3A_472 = arith.index_cast %shift_right_arithmetic3A_468 : i32 to index
      %get3A_473 = arith.index_cast %mul3A_471 : i32 to index
      %get3A_474 = tpu.vector_load %arg6[%get3A_472, %get3A_473] {strides = array<i32>} : memref<128x128xi32, #tpu.memory_space<vmem>>, vector<1x16xi32>,
      %get3A_475 = vector.shape_cast %get3A_474 : vector<1x16xi32> to vector<16xi32>
      %shift_left3A = arith.constant 9 : i32
      %shift_left3A_476 = vector.broadcast %shift_left3A : i32 to vector<16xi32>
      %shift_left3A_477 = arith.shli %get3A_467, %shift_left3A_476 : vector<16xi32>
      %and3A_478 = arith.constant 511 : i32
      %and3A_479 = vector.broadcast %and3A_478 : i32 to vector<16xi32>
      %and3A_480 = arith.andi %get3A_475, %and3A_479 : vector<16xi32>
      %or3A = arith.ori %shift_left3A_477, %and3A_480 : vector<16xi32>
      %mul3A_481 = arith.constant 16 : i32
      %mul3A_482 = arith.muli %scan3A_463, %mul3A_481 : i32
      %swap3A = arith.index_cast %mul3A_482 : i32 to index
      %swap3A_483 = tpu.vector_load %arg5[%swap3A] {strides = array<i32>} : memref<16384xi32, #tpu.memory_space<vmem>>, vector<16xi32>,
      %swap3A_484 = vector.shape_cast %swap3A_483 : vector<16xi32> to vector<16xi32>
      %swap3A_485 = vector.shape_cast %or3A : vector<16xi32> to vector<16xi32>
      tpu.vector_store %arg5[%swap3A], %swap3A_485 {strides = array<i32>} : memref<16384xi32, #tpu.memory_space<vmem>>, vector<16xi32>,
    }
    %scan3A_24 = arith.constant 1024 : i32
    %mul3A_25 = arith.constant 16 : i32
    %mul3A_26 = arith.muli %arg0, %mul3A_25 : i32
    %add3A = arith.constant 0 : i32
    %add3A_27 = arith.addi %mul3A_26, %add3A : i32
    %mul3A_28 = arith.constant 32768 : i32
    %mul3A_29 = arith.muli %arg1, %mul3A_28 : i32
    %add3A_30 = arith.constant 0 : i32
    %add3A_31 = arith.addi %mul3A_29, %add3A_30 : i32
    "tpu.region"() ({
      %run_scoped3A = tpu.sem_alloc : memref<!tpu.dma_semaphore, #tpu.memory_space<semaphore_mem>>
      %dma_start3A = tpu.memref_slice %arg12[%add3A_31] : memref<524352xf32, #tpu.memory_space<vmem_shared>> -> memref<4096xf32, #tpu.memory_space<vmem_shared>>
      %dma_start3A_463 = tpu.memref_slice %arg12[%add3A_31] : memref<524352xf32, #tpu.memory_space<vmem_shared>> -> memref<4096xf32, #tpu.memory_space<vmem_shared>>
      tpu.enqueue_dma source(%arg11 : memref<4096xf32, #tpu.memory_space<vmem>>) target(%dma_start3A_463 : memref<4096xf32, #tpu.memory_space<vmem_shared>>) target_semaphore(%run_scoped3A : memref<!tpu.dma_semaphore, #tpu.memory_space<semaphore_mem>>)
      %dma_wait3A = tpu.memref_slice %arg12[%add3A_31] : memref<524352xf32, #tpu.memory_space<vmem_shared>> -> memref<4096xf32, #tpu.memory_space<vmem_shared>>
      %dma_wait3A_464 = tpu.memref_slice %arg12[%add3A_31] : memref<524352xf32, #tpu.memory_space<vmem_shared>> -> memref<4096xf32, #tpu.memory_space<vmem_shared>>
      tpu.wait_dma2 semaphore(%run_scoped3A : memref<!tpu.dma_semaphore, #tpu.memory_space<semaphore_mem>>) src(%arg11 : memref<4096xf32, #tpu.memory_space<vmem>>) dst(%dma_wait3A_464 : memref<4096xf32, #tpu.memory_space<vmem_shared>>)
      tpu.yield
    }) : () -> ()
    %mul3A_32 = arith.constant 32768 : i32
    %mul3A_33 = arith.muli %arg1, %mul3A_32 : i32
    %add3A_34 = arith.constant 4096 : i32
    %add3A_35 = arith.addi %mul3A_33, %add3A_34 : i32
    "tpu.region"() ({
      %run_scoped3A = tpu.sem_alloc : memref<!tpu.dma_semaphore, #tpu.memory_space<semaphore_mem>>
      %dma_start3A = tpu.memref_slice %arg12[%add3A_35] : memref<524352xf32, #tpu.memory_space<vmem_shared>> -> memref<4096xf32, #tpu.memory_space<vmem_shared>>
      %dma_start3A_463 = tpu.memref_slice %arg12[%add3A_35] : memref<524352xf32, #tpu.memory_space<vmem_shared>> -> memref<4096xf32, #tpu.memory_space<vmem_shared>>
      tpu.enqueue_dma source(%arg11 : memref<4096xf32, #tpu.memory_space<vmem>>) target(%dma_start3A_463 : memref<4096xf32, #tpu.memory_space<vmem_shared>>) target_semaphore(%run_scoped3A : memref<!tpu.dma_semaphore, #tpu.memory_space<semaphore_mem>>)
      %dma_wait3A = tpu.memref_slice %arg12[%add3A_35] : memref<524352xf32, #tpu.memory_space<vmem_shared>> -> memref<4096xf32, #tpu.memory_space<vmem_shared>>
      %dma_wait3A_464 = tpu.memref_slice %arg12[%add3A_35] : memref<524352xf32, #tpu.memory_space<vmem_shared>> -> memref<4096xf32, #tpu.memory_space<vmem_shared>>
      tpu.wait_dma2 semaphore(%run_scoped3A : memref<!tpu.dma_semaphore, #tpu.memory_space<semaphore_mem>>) src(%arg11 : memref<4096xf32, #tpu.memory_space<vmem>>) dst(%dma_wait3A_464 : memref<4096xf32, #tpu.memory_space<vmem_shared>>)
      tpu.yield
    }) : () -> ()
    %mul3A_36 = arith.constant 32768 : i32
    %mul3A_37 = arith.muli %arg1, %mul3A_36 : i32
    %add3A_38 = arith.constant 8192 : i32
    %add3A_39 = arith.addi %mul3A_37, %add3A_38 : i32
    "tpu.region"() ({
      %run_scoped3A = tpu.sem_alloc : memref<!tpu.dma_semaphore, #tpu.memory_space<semaphore_mem>>
      %dma_start3A = tpu.memref_slice %arg12[%add3A_39] : memref<524352xf32, #tpu.memory_space<vmem_shared>> -> memref<4096xf32, #tpu.memory_space<vmem_shared>>
      %dma_start3A_463 = tpu.memref_slice %arg12[%add3A_39] : memref<524352xf32, #tpu.memory_space<vmem_shared>> -> memref<4096xf32, #tpu.memory_space<vmem_shared>>
      tpu.enqueue_dma source(%arg11 : memref<4096xf32, #tpu.memory_space<vmem>>) target(%dma_start3A_463 : memref<4096xf32, #tpu.memory_space<vmem_shared>>) target_semaphore(%run_scoped3A : memref<!tpu.dma_semaphore, #tpu.memory_space<semaphore_mem>>)
      %dma_wait3A = tpu.memref_slice %arg12[%add3A_39] : memref<524352xf32, #tpu.memory_space<vmem_shared>> -> memref<4096xf32, #tpu.memory_space<vmem_shared>>
      %dma_wait3A_464 = tpu.memref_slice %arg12[%add3A_39] : memref<524352xf32, #tpu.memory_space<vmem_shared>> -> memref<4096xf32, #tpu.memory_space<vmem_shared>>
      tpu.wait_dma2 semaphore(%run_scoped3A : memref<!tpu.dma_semaphore, #tpu.memory_space<semaphore_mem>>) src(%arg11 : memref<4096xf32, #tpu.memory_space<vmem>>) dst(%dma_wait3A_464 : memref<4096xf32, #tpu.memory_space<vmem_shared>>)
      tpu.yield
    }) : () -> ()
    %mul3A_40 = arith.constant 32768 : i32
    %mul3A_41 = arith.muli %arg1, %mul3A_40 : i32
    %add3A_42 = arith.constant 12288 : i32
    %add3A_43 = arith.addi %mul3A_41, %add3A_42 : i32
    "tpu.region"() ({
      %run_scoped3A = tpu.sem_alloc : memref<!tpu.dma_semaphore, #tpu.memory_space<semaphore_mem>>
      %dma_start3A = tpu.memref_slice %arg12[%add3A_43] : memref<524352xf32, #tpu.memory_space<vmem_shared>> -> memref<4096xf32, #tpu.memory_space<vmem_shared>>
      %dma_start3A_463 = tpu.memref_slice %arg12[%add3A_43] : memref<524352xf32, #tpu.memory_space<vmem_shared>> -> memref<4096xf32, #tpu.memory_space<vmem_shared>>
      tpu.enqueue_dma source(%arg11 : memref<4096xf32, #tpu.memory_space<vmem>>) target(%dma_start3A_463 : memref<4096xf32, #tpu.memory_space<vmem_shared>>) target_semaphore(%run_scoped3A : memref<!tpu.dma_semaphore, #tpu.memory_space<semaphore_mem>>)
      %dma_wait3A = tpu.memref_slice %arg12[%add3A_43] : memref<524352xf32, #tpu.memory_space<vmem_shared>> -> memref<4096xf32, #tpu.memory_space<vmem_shared>>
      %dma_wait3A_464 = tpu.memref_slice %arg12[%add3A_43] : memref<524352xf32, #tpu.memory_space<vmem_shared>> -> memref<4096xf32, #tpu.memory_space<vmem_shared>>
      tpu.wait_dma2 semaphore(%run_scoped3A : memref<!tpu.dma_semaphore, #tpu.memory_space<semaphore_mem>>) src(%arg11 : memref<4096xf32, #tpu.memory_space<vmem>>) dst(%dma_wait3A_464 : memref<4096xf32, #tpu.memory_space<vmem_shared>>)
      tpu.yield
    }) : () -> ()
    %mul3A_44 = arith.constant 32768 : i32
    %mul3A_45 = arith.muli %arg1, %mul3A_44 : i32
    %add3A_46 = arith.constant 16384 : i32
    %add3A_47 = arith.addi %mul3A_45, %add3A_46 : i32
    "tpu.region"() ({
      %run_scoped3A = tpu.sem_alloc : memref<!tpu.dma_semaphore, #tpu.memory_space<semaphore_mem>>
      %dma_start3A = tpu.memref_slice %arg12[%add3A_47] : memref<524352xf32, #tpu.memory_space<vmem_shared>> -> memref<4096xf32, #tpu.memory_space<vmem_shared>>
      %dma_start3A_463 = tpu.memref_slice %arg12[%add3A_47] : memref<524352xf32, #tpu.memory_space<vmem_shared>> -> memref<4096xf32, #tpu.memory_space<vmem_shared>>
      tpu.enqueue_dma source(%arg11 : memref<4096xf32, #tpu.memory_space<vmem>>) target(%dma_start3A_463 : memref<4096xf32, #tpu.memory_space<vmem_shared>>) target_semaphore(%run_scoped3A : memref<!tpu.dma_semaphore, #tpu.memory_space<semaphore_mem>>)
      %dma_wait3A = tpu.memref_slice %arg12[%add3A_47] : memref<524352xf32, #tpu.memory_space<vmem_shared>> -> memref<4096xf32, #tpu.memory_space<vmem_shared>>
      %dma_wait3A_464 = tpu.memref_slice %arg12[%add3A_47] : memref<524352xf32, #tpu.memory_space<vmem_shared>> -> memref<4096xf32, #tpu.memory_space<vmem_shared>>
      tpu.wait_dma2 semaphore(%run_scoped3A : memref<!tpu.dma_semaphore, #tpu.memory_space<semaphore_mem>>) src(%arg11 : memref<4096xf32, #tpu.memory_space<vmem>>) dst(%dma_wait3A_464 : memref<4096xf32, #tpu.memory_space<vmem_shared>>)
      tpu.yield
    }) : () -> ()
    %mul3A_48 = arith.constant 32768 : i32
    %mul3A_49 = arith.muli %arg1, %mul3A_48 : i32
    %add3A_50 = arith.constant 20480 : i32
    %add3A_51 = arith.addi %mul3A_49, %add3A_50 : i32
    "tpu.region"() ({
      %run_scoped3A = tpu.sem_alloc : memref<!tpu.dma_semaphore, #tpu.memory_space<semaphore_mem>>
      %dma_start3A = tpu.memref_slice %arg12[%add3A_51] : memref<524352xf32, #tpu.memory_space<vmem_shared>> -> memref<4096xf32, #tpu.memory_space<vmem_shared>>
      %dma_start3A_463 = tpu.memref_slice %arg12[%add3A_51] : memref<524352xf32, #tpu.memory_space<vmem_shared>> -> memref<4096xf32, #tpu.memory_space<vmem_shared>>
      tpu.enqueue_dma source(%arg11 : memref<4096xf32, #tpu.memory_space<vmem>>) target(%dma_start3A_463 : memref<4096xf32, #tpu.memory_space<vmem_shared>>) target_semaphore(%run_scoped3A : memref<!tpu.dma_semaphore, #tpu.memory_space<semaphore_mem>>)
      %dma_wait3A = tpu.memref_slice %arg12[%add3A_51] : memref<524352xf32, #tpu.memory_space<vmem_shared>> -> memref<4096xf32, #tpu.memory_space<vmem_shared>>
      %dma_wait3A_464 = tpu.memref_slice %arg12[%add3A_51] : memref<524352xf32, #tpu.memory_space<vmem_shared>> -> memref<4096xf32, #tpu.memory_space<vmem_shared>>
      tpu.wait_dma2 semaphore(%run_scoped3A : memref<!tpu.dma_semaphore, #tpu.memory_space<semaphore_mem>>) src(%arg11 : memref<4096xf32, #tpu.memory_space<vmem>>) dst(%dma_wait3A_464 : memref<4096xf32, #tpu.memory_space<vmem_shared>>)
      tpu.yield
    }) : () -> ()
    %mul3A_52 = arith.constant 32768 : i32
    %mul3A_53 = arith.muli %arg1, %mul3A_52 : i32
    %add3A_54 = arith.constant 24576 : i32
    %add3A_55 = arith.addi %mul3A_53, %add3A_54 : i32
    "tpu.region"() ({
      %run_scoped3A = tpu.sem_alloc : memref<!tpu.dma_semaphore, #tpu.memory_space<semaphore_mem>>
      %dma_start3A = tpu.memref_slice %arg12[%add3A_55] : memref<524352xf32, #tpu.memory_space<vmem_shared>> -> memref<4096xf32, #tpu.memory_space<vmem_shared>>
      %dma_start3A_463 = tpu.memref_slice %arg12[%add3A_55] : memref<524352xf32, #tpu.memory_space<vmem_shared>> -> memref<4096xf32, #tpu.memory_space<vmem_shared>>
      tpu.enqueue_dma source(%arg11 : memref<4096xf32, #tpu.memory_space<vmem>>) target(%dma_start3A_463 : memref<4096xf32, #tpu.memory_space<vmem_shared>>) target_semaphore(%run_scoped3A : memref<!tpu.dma_semaphore, #tpu.memory_space<semaphore_mem>>)
      %dma_wait3A = tpu.memref_slice %arg12[%add3A_55] : memref<524352xf32, #tpu.memory_space<vmem_shared>> -> memref<4096xf32, #tpu.memory_space<vmem_shared>>
      %dma_wait3A_464 = tpu.memref_slice %arg12[%add3A_55] : memref<524352xf32, #tpu.memory_space<vmem_shared>> -> memref<4096xf32, #tpu.memory_space<vmem_shared>>
      tpu.wait_dma2 semaphore(%run_scoped3A : memref<!tpu.dma_semaphore, #tpu.memory_space<semaphore_mem>>) src(%arg11 : memref<4096xf32, #tpu.memory_space<vmem>>) dst(%dma_wait3A_464 : memref<4096xf32, #tpu.memory_space<vmem_shared>>)
      tpu.yield
    }) : () -> ()
    %mul3A_56 = arith.constant 32768 : i32
    %mul3A_57 = arith.muli %arg1, %mul3A_56 : i32
    %add3A_58 = arith.constant 28672 : i32
    %add3A_59 = arith.addi %mul3A_57, %add3A_58 : i32
    "tpu.region"() ({
      %run_scoped3A = tpu.sem_alloc : memref<!tpu.dma_semaphore, #tpu.memory_space<semaphore_mem>>
      %dma_start3A = tpu.memref_slice %arg12[%add3A_59] : memref<524352xf32, #tpu.memory_space<vmem_shared>> -> memref<4096xf32, #tpu.memory_space<vmem_shared>>
      %dma_start3A_463 = tpu.memref_slice %arg12[%add3A_59] : memref<524352xf32, #tpu.memory_space<vmem_shared>> -> memref<4096xf32, #tpu.memory_space<vmem_shared>>
      tpu.enqueue_dma source(%arg11 : memref<4096xf32, #tpu.memory_space<vmem>>) target(%dma_start3A_463 : memref<4096xf32, #tpu.memory_space<vmem_shared>>) target_semaphore(%run_scoped3A : memref<!tpu.dma_semaphore, #tpu.memory_space<semaphore_mem>>)
      %dma_wait3A = tpu.memref_slice %arg12[%add3A_59] : memref<524352xf32, #tpu.memory_space<vmem_shared>> -> memref<4096xf32, #tpu.memory_space<vmem_shared>>
      %dma_wait3A_464 = tpu.memref_slice %arg12[%add3A_59] : memref<524352xf32, #tpu.memory_space<vmem_shared>> -> memref<4096xf32, #tpu.memory_space<vmem_shared>>
      tpu.wait_dma2 semaphore(%run_scoped3A : memref<!tpu.dma_semaphore, #tpu.memory_space<semaphore_mem>>) src(%arg11 : memref<4096xf32, #tpu.memory_space<vmem>>) dst(%dma_wait3A_464 : memref<4096xf32, #tpu.memory_space<vmem_shared>>)
      tpu.yield
    }) : () -> ()
    %barrier3A = arith.constant 0 : index
    tpu.barrier barrier_id(%barrier3A)
    %scan3A_60 = arith.constant 0 : i32
    %scan3A_61 = arith.constant 1024 : i32
    %scan3A_62 = arith.addi %scan3A_60, %scan3A_61 : i32
    %scan3A_63 = arith.constant 1 : i32
    scf.for %scan3A_463 = %scan3A_60 to %scan3A_62 step %scan3A_63  : i32 {
      %mul3A_464 = arith.constant 16 : i32
      %mul3A_465 = arith.muli %scan3A_463, %mul3A_464 : i32
      %get3A = arith.index_cast %mul3A_465 : i32 to index
      %get3A_466 = tpu.vector_load %arg5[%get3A] {strides = array<i32>} : memref<16384xi32, #tpu.memory_space<vmem>>, vector<16xi32>,
      %get3A_467 = vector.shape_cast %get3A_466 : vector<16xi32> to vector<16xi32>
      %mul3A_468 = arith.constant 262144 : i32
      %mul3A_469 = arith.muli %add3A_27, %mul3A_468 : i32
      %sub3A = vector.broadcast %mul3A_469 : i32 to vector<16xi32>
      %sub3A_470 = arith.subi %get3A_467, %sub3A : vector<16xi32>
      %ge3A = arith.constant 0 : i32
      %ge3A_471 = vector.broadcast %ge3A : i32 to vector<16xi32>
      %ge3A_472 = arith.cmpi sge, %sub3A_470, %ge3A_471 : vector<16xi32>
      %lt3A = arith.constant 524288 : i32
      %lt3A_473 = vector.broadcast %lt3A : i32 to vector<16xi32>
      %lt3A_474 = arith.cmpi slt, %sub3A_470, %lt3A_473 : vector<16xi32>
      %and3A = arith.andi %ge3A_472, %lt3A_474 : vector<16xi1>
      %jit3A = arith.constant 524288 : i32
      %broadcast_in_dim3A = vector.broadcast %jit3A : i32 to vector<16xi32>
      %select_n3A = arith.select %and3A, %sub3A_470, %broadcast_in_dim3A : vector<16xi1>, vector<16xi32>
      %shift_right_arithmetic3A = arith.constant 3 : i32
      %shift_right_arithmetic3A_475 = arith.shrsi %scan3A_463, %shift_right_arithmetic3A : i32
      %and3A_476 = arith.constant 7 : i32
      %and3A_477 = arith.andi %scan3A_463, %and3A_476 : i32
      %mul3A_478 = arith.constant 16 : i32
      %mul3A_479 = arith.muli %and3A_477, %mul3A_478 : i32
      %swap3A = arith.index_cast %shift_right_arithmetic3A_475 : i32 to index
      %swap3A_480 = arith.index_cast %mul3A_479 : i32 to index
      %swap3A_481 = tpu.vector_load %arg7[%swap3A, %swap3A_480] {strides = array<i32>} : memref<128x128xi32, #tpu.memory_space<vmem>>, vector<1x16xi32>,
      %swap3A_482 = vector.shape_cast %swap3A_481 : vector<1x16xi32> to vector<16xi32>
      %swap3A_483 = vector.shape_cast %select_n3A : vector<16xi32> to vector<1x16xi32>
      tpu.vector_store %arg7[%swap3A, %swap3A_480], %swap3A_483 {strides = array<i32>} : memref<128x128xi32, #tpu.memory_space<vmem>>, vector<1x16xi32>,
    }
    %scan3A_64 = arith.constant 1024 : i32
    %scan3A_65 = arith.constant 0 : i32
    %scan3A_66 = arith.constant 8 : i32
    %scan3A_67 = arith.addi %scan3A_65, %scan3A_66 : i32
    %scan3A_68 = arith.constant 1 : i32
    scf.for %scan3A_463 = %scan3A_65 to %scan3A_67 step %scan3A_68  : i32 {
      %add3A_464 = arith.constant 1 : i32
      %add3A_465 = arith.addi %scan3A_463, %add3A_464 : i32
      %convert_element_type3A = arith.sitofp %add3A_465 : i32 to f32
      %broadcast_in_dim3A = vector.broadcast %convert_element_type3A : f32 to vector<16xf32>
      %swap3A = arith.constant 0 : index
      %swap3A_466 = tpu.vector_load %arg10[%swap3A] {strides = array<i32>} : memref<128xf32, #tpu.memory_space<vmem>>, vector<16xf32>,
      %swap3A_467 = vector.shape_cast %swap3A_466 : vector<16xf32> to vector<16xf32>
      %swap3A_468 = vector.shape_cast %broadcast_in_dim3A : vector<16xf32> to vector<16xf32>
      tpu.vector_store %arg10[%swap3A], %swap3A_468 {strides = array<i32>} : memref<128xf32, #tpu.memory_space<vmem>>, vector<16xf32>,
      %add3A_469 = arith.constant 1 : i32
      %add3A_470 = arith.addi %scan3A_463, %add3A_469 : i32
      %convert_element_type3A_471 = arith.sitofp %add3A_470 : i32 to f32
      %broadcast_in_dim3A_472 = vector.broadcast %convert_element_type3A_471 : f32 to vector<16xf32>
      %swap3A_473 = arith.constant 16 : index
      %swap3A_474 = tpu.vector_load %arg10[%swap3A_473] {strides = array<i32>} : memref<128xf32, #tpu.memory_space<vmem>>, vector<16xf32>,
      %swap3A_475 = vector.shape_cast %swap3A_474 : vector<16xf32> to vector<16xf32>
      %swap3A_476 = vector.shape_cast %broadcast_in_dim3A_472 : vector<16xf32> to vector<16xf32>
      tpu.vector_store %arg10[%swap3A_473], %swap3A_476 {strides = array<i32>} : memref<128xf32, #tpu.memory_space<vmem>>, vector<16xf32>,
      %add3A_477 = arith.constant 1 : i32
      %add3A_478 = arith.addi %scan3A_463, %add3A_477 : i32
      %convert_element_type3A_479 = arith.sitofp %add3A_478 : i32 to f32
      %broadcast_in_dim3A_480 = vector.broadcast %convert_element_type3A_479 : f32 to vector<16xf32>
      %swap3A_481 = arith.constant 32 : index
      %swap3A_482 = tpu.vector_load %arg10[%swap3A_481] {strides = array<i32>} : memref<128xf32, #tpu.memory_space<vmem>>, vector<16xf32>,
      %swap3A_483 = vector.shape_cast %swap3A_482 : vector<16xf32> to vector<16xf32>
      %swap3A_484 = vector.shape_cast %broadcast_in_dim3A_480 : vector<16xf32> to vector<16xf32>
      tpu.vector_store %arg10[%swap3A_481], %swap3A_484 {strides = array<i32>} : memref<128xf32, #tpu.memory_space<vmem>>, vector<16xf32>,
      %add3A_485 = arith.constant 1 : i32
      %add3A_486 = arith.addi %scan3A_463, %add3A_485 : i32
      %convert_element_type3A_487 = arith.sitofp %add3A_486 : i32 to f32
      %broadcast_in_dim3A_488 = vector.broadcast %convert_element_type3A_487 : f32 to vector<16xf32>
      %swap3A_489 = arith.constant 48 : index
      %swap3A_490 = tpu.vector_load %arg10[%swap3A_489] {strides = array<i32>} : memref<128xf32, #tpu.memory_space<vmem>>, vector<16xf32>,
      %swap3A_491 = vector.shape_cast %swap3A_490 : vector<16xf32> to vector<16xf32>
      %swap3A_492 = vector.shape_cast %broadcast_in_dim3A_488 : vector<16xf32> to vector<16xf32>
      tpu.vector_store %arg10[%swap3A_489], %swap3A_492 {strides = array<i32>} : memref<128xf32, #tpu.memory_space<vmem>>, vector<16xf32>,
      %add3A_493 = arith.constant 1 : i32
      %add3A_494 = arith.addi %scan3A_463, %add3A_493 : i32
      %convert_element_type3A_495 = arith.sitofp %add3A_494 : i32 to f32
      %broadcast_in_dim3A_496 = vector.broadcast %convert_element_type3A_495 : f32 to vector<16xf32>
      %swap3A_497 = arith.constant 64 : index
      %swap3A_498 = tpu.vector_load %arg10[%swap3A_497] {strides = array<i32>} : memref<128xf32, #tpu.memory_space<vmem>>, vector<16xf32>,
      %swap3A_499 = vector.shape_cast %swap3A_498 : vector<16xf32> to vector<16xf32>
      %swap3A_500 = vector.shape_cast %broadcast_in_dim3A_496 : vector<16xf32> to vector<16xf32>
      tpu.vector_store %arg10[%swap3A_497], %swap3A_500 {strides = array<i32>} : memref<128xf32, #tpu.memory_space<vmem>>, vector<16xf32>,
      %add3A_501 = arith.constant 1 : i32
      %add3A_502 = arith.addi %scan3A_463, %add3A_501 : i32
      %convert_element_type3A_503 = arith.sitofp %add3A_502 : i32 to f32
      %broadcast_in_dim3A_504 = vector.broadcast %convert_element_type3A_503 : f32 to vector<16xf32>
      %swap3A_505 = arith.constant 80 : index
      %swap3A_506 = tpu.vector_load %arg10[%swap3A_505] {strides = array<i32>} : memref<128xf32, #tpu.memory_space<vmem>>, vector<16xf32>,
      %swap3A_507 = vector.shape_cast %swap3A_506 : vector<16xf32> to vector<16xf32>
      %swap3A_508 = vector.shape_cast %broadcast_in_dim3A_504 : vector<16xf32> to vector<16xf32>
      tpu.vector_store %arg10[%swap3A_505], %swap3A_508 {strides = array<i32>} : memref<128xf32, #tpu.memory_space<vmem>>, vector<16xf32>,
      %add3A_509 = arith.constant 1 : i32
      %add3A_510 = arith.addi %scan3A_463, %add3A_509 : i32
      %convert_element_type3A_511 = arith.sitofp %add3A_510 : i32 to f32
      %broadcast_in_dim3A_512 = vector.broadcast %convert_element_type3A_511 : f32 to vector<16xf32>
      %swap3A_513 = arith.constant 96 : index
      %swap3A_514 = tpu.vector_load %arg10[%swap3A_513] {strides = array<i32>} : memref<128xf32, #tpu.memory_space<vmem>>, vector<16xf32>,
      %swap3A_515 = vector.shape_cast %swap3A_514 : vector<16xf32> to vector<16xf32>
      %swap3A_516 = vector.shape_cast %broadcast_in_dim3A_512 : vector<16xf32> to vector<16xf32>
      tpu.vector_store %arg10[%swap3A_513], %swap3A_516 {strides = array<i32>} : memref<128xf32, #tpu.memory_space<vmem>>, vector<16xf32>,
      %add3A_517 = arith.constant 1 : i32
      %add3A_518 = arith.addi %scan3A_463, %add3A_517 : i32
      %convert_element_type3A_519 = arith.sitofp %add3A_518 : i32 to f32
      %broadcast_in_dim3A_520 = vector.broadcast %convert_element_type3A_519 : f32 to vector<16xf32>
      %swap3A_521 = arith.constant 112 : index
      %swap3A_522 = tpu.vector_load %arg10[%swap3A_521] {strides = array<i32>} : memref<128xf32, #tpu.memory_space<vmem>>, vector<16xf32>,
      %swap3A_523 = vector.shape_cast %swap3A_522 : vector<16xf32> to vector<16xf32>
      %swap3A_524 = vector.shape_cast %broadcast_in_dim3A_520 : vector<16xf32> to vector<16xf32>
      tpu.vector_store %arg10[%swap3A_521], %swap3A_524 {strides = array<i32>} : memref<128xf32, #tpu.memory_space<vmem>>, vector<16xf32>,
      %scan3A_525 = arith.constant 0 : i32
      %scan3A_526 = arith.constant 128 : i32
      %scan3A_527 = arith.addi %scan3A_525, %scan3A_526 : i32
      %scan3A_528 = arith.constant 1 : i32
      scf.for %scan3A_562 = %scan3A_525 to %scan3A_527 step %scan3A_528  : i32 {
        %dma_start3A = arith.constant 0 : i32
        %dma_start3A_563 = tpu.memref_slice %arg8[%scan3A_562, %dma_start3A] : memref<128x128xf32, #tpu.memory_space<vmem>> -> memref<1x128xf32, #tpu.memory_space<vmem>>
        %dma_start3A_564 = tpu.memref_squeeze %dma_start3A_563 : memref<1x128xf32, #tpu.memory_space<vmem>> -> memref<128xf32, #tpu.memory_space<vmem>>
        %dma_start3A_565 = arith.constant 0 : i32
        %dma_start3A_566 = tpu.memref_slice %arg7[%scan3A_562, %dma_start3A_565] : memref<128x128xi32, #tpu.memory_space<vmem>> -> memref<1x128xi32, #tpu.memory_space<vmem>>
        %dma_start3A_567 = tpu.memref_squeeze %dma_start3A_566 : memref<1x128xi32, #tpu.memory_space<vmem>> -> memref<128xi32, #tpu.memory_space<vmem>>
        %dma_start3A_568 = arith.constant 0 : i32
        %dma_start3A_569 = tpu.memref_slice %arg12[%dma_start3A_568] : memref<524352xf32, #tpu.memory_space<vmem_shared>> -> memref<524352xf32, #tpu.memory_space<vmem_shared>>
        tpu.enqueue_indirect_dma source(%dma_start3A_564 : memref<128xf32, #tpu.memory_space<vmem>>) target(%dma_start3A_569 : memref<524352xf32, #tpu.memory_space<vmem_shared>>) offsets(%dma_start3A_567 : memref<128xi32, #tpu.memory_space<vmem>>) semaphore(%arg13 : memref<!tpu.dma_semaphore, #tpu.memory_space<semaphore_mem>>)
      }
      %scan3A_529 = arith.constant 128 : i32
      %scan3A_530 = arith.constant 0 : i32
      %scan3A_531 = arith.constant 128 : i32
      %scan3A_532 = arith.addi %scan3A_530, %scan3A_531 : i32
      %scan3A_533 = arith.constant 1 : i32
      scf.for %scan3A_562 = %scan3A_530 to %scan3A_532 step %scan3A_533  : i32 {
        %dma_wait3A = arith.constant 0 : i32
        %dma_wait3A_563 = tpu.memref_slice %arg8[%scan3A_562, %dma_wait3A] : memref<128x128xf32, #tpu.memory_space<vmem>> -> memref<1x128xf32, #tpu.memory_space<vmem>>
        %dma_wait3A_564 = tpu.memref_squeeze %dma_wait3A_563 : memref<1x128xf32, #tpu.memory_space<vmem>> -> memref<128xf32, #tpu.memory_space<vmem>>
        %dma_wait3A_565 = arith.constant 0 : i32
        %dma_wait3A_566 = tpu.memref_slice %arg7[%scan3A_562, %dma_wait3A_565] : memref<128x128xi32, #tpu.memory_space<vmem>> -> memref<1x128xi32, #tpu.memory_space<vmem>>
        %dma_wait3A_567 = tpu.memref_squeeze %dma_wait3A_566 : memref<1x128xi32, #tpu.memory_space<vmem>> -> memref<128xi32, #tpu.memory_space<vmem>>
        %dma_wait3A_568 = arith.constant 0 : i32
        %dma_wait3A_569 = tpu.memref_slice %arg12[%dma_wait3A_568] : memref<524352xf32, #tpu.memory_space<vmem_shared>> -> memref<524352xf32, #tpu.memory_space<vmem_shared>>
        tpu.wait_indirect_dma semaphore(%arg13 : memref<!tpu.dma_semaphore, #tpu.memory_space<semaphore_mem>>) src(%dma_wait3A_564 : memref<128xf32, #tpu.memory_space<vmem>>) dst(%dma_wait3A_569 : memref<524352xf32, #tpu.memory_space<vmem_shared>>)
      }
      %scan3A_534 = arith.constant 128 : i32
      %barrier3A_535 = arith.constant 0 : index
      tpu.barrier barrier_id(%barrier3A_535)
      %scan3A_536 = arith.constant 0 : i32
      %scan3A_537 = arith.constant 128 : i32
      %scan3A_538 = arith.addi %scan3A_536, %scan3A_537 : i32
      %scan3A_539 = arith.constant 1 : i32
      scf.for %scan3A_562 = %scan3A_536 to %scan3A_538 step %scan3A_539  : i32 {
        %dma_start3A = arith.constant 0 : i32
        %dma_start3A_563 = tpu.memref_slice %arg9[%scan3A_562, %dma_start3A] : memref<128x128xf32, #tpu.memory_space<vmem>> -> memref<1x128xf32, #tpu.memory_space<vmem>>
        %dma_start3A_564 = tpu.memref_squeeze %dma_start3A_563 : memref<1x128xf32, #tpu.memory_space<vmem>> -> memref<128xf32, #tpu.memory_space<vmem>>
        %dma_start3A_565 = arith.constant 0 : i32
        %dma_start3A_566 = tpu.memref_slice %arg7[%scan3A_562, %dma_start3A_565] : memref<128x128xi32, #tpu.memory_space<vmem>> -> memref<1x128xi32, #tpu.memory_space<vmem>>
        %dma_start3A_567 = tpu.memref_squeeze %dma_start3A_566 : memref<1x128xi32, #tpu.memory_space<vmem>> -> memref<128xi32, #tpu.memory_space<vmem>>
        %dma_start3A_568 = arith.constant 0 : i32
        %dma_start3A_569 = tpu.memref_slice %arg12[%dma_start3A_568] : memref<524352xf32, #tpu.memory_space<vmem_shared>> -> memref<524352xf32, #tpu.memory_space<vmem_shared>>
        tpu.enqueue_indirect_dma source(%dma_start3A_569 : memref<524352xf32, #tpu.memory_space<vmem_shared>>) target(%dma_start3A_564 : memref<128xf32, #tpu.memory_space<vmem>>) offsets(%dma_start3A_567 : memref<128xi32, #tpu.memory_space<vmem>>) semaphore(%arg13 : memref<!tpu.dma_semaphore, #tpu.memory_space<semaphore_mem>>)
      }
      %scan3A_540 = arith.constant 128 : i32
      %scan3A_541 = arith.constant 0 : i32
      %scan3A_542 = arith.constant 128 : i32
      %scan3A_543 = arith.addi %scan3A_541, %scan3A_542 : i32
      %scan3A_544 = arith.constant 1 : i32
      scf.for %scan3A_562 = %scan3A_541 to %scan3A_543 step %scan3A_544  : i32 {
        %dma_wait3A = arith.constant 0 : i32
        %dma_wait3A_563 = tpu.memref_slice %arg9[%scan3A_562, %dma_wait3A] : memref<128x128xf32, #tpu.memory_space<vmem>> -> memref<1x128xf32, #tpu.memory_space<vmem>>
        %dma_wait3A_564 = tpu.memref_squeeze %dma_wait3A_563 : memref<1x128xf32, #tpu.memory_space<vmem>> -> memref<128xf32, #tpu.memory_space<vmem>>
        %dma_wait3A_565 = arith.constant 0 : i32
        %dma_wait3A_566 = tpu.memref_slice %arg7[%scan3A_562, %dma_wait3A_565] : memref<128x128xi32, #tpu.memory_space<vmem>> -> memref<1x128xi32, #tpu.memory_space<vmem>>
        %dma_wait3A_567 = tpu.memref_squeeze %dma_wait3A_566 : memref<1x128xi32, #tpu.memory_space<vmem>> -> memref<128xi32, #tpu.memory_space<vmem>>
        %dma_wait3A_568 = arith.constant 0 : i32
        %dma_wait3A_569 = tpu.memref_slice %arg12[%dma_wait3A_568] : memref<524352xf32, #tpu.memory_space<vmem_shared>> -> memref<524352xf32, #tpu.memory_space<vmem_shared>>
        tpu.wait_indirect_dma semaphore(%arg13 : memref<!tpu.dma_semaphore, #tpu.memory_space<semaphore_mem>>) src(%dma_wait3A_569 : memref<524352xf32, #tpu.memory_space<vmem_shared>>) dst(%dma_wait3A_564 : memref<128xf32, #tpu.memory_space<vmem>>)
      }
      %scan3A_545 = arith.constant 128 : i32
      %scan3A_546 = arith.constant 0 : i32
      %scan3A_547 = arith.constant 1024 : i32
      %scan3A_548 = arith.addi %scan3A_546, %scan3A_547 : i32
      %scan3A_549 = arith.constant 1 : i32
      scf.for %scan3A_562 = %scan3A_546 to %scan3A_548 step %scan3A_549  : i32 {
        %shift_right_arithmetic3A = arith.constant 3 : i32
        %shift_right_arithmetic3A_563 = arith.shrsi %scan3A_562, %shift_right_arithmetic3A : i32
        %and3A = arith.constant 7 : i32
        %and3A_564 = arith.andi %scan3A_562, %and3A : i32
        %mul3A_565 = arith.constant 16 : i32
        %mul3A_566 = arith.muli %and3A_564, %mul3A_565 : i32
        %get3A = arith.index_cast %shift_right_arithmetic3A_563 : i32 to index
        %get3A_567 = arith.index_cast %mul3A_566 : i32 to index
        %get3A_568 = tpu.vector_load %arg7[%get3A, %get3A_567] {strides = array<i32>} : memref<128x128xi32, #tpu.memory_space<vmem>>, vector<1x16xi32>,
        %get3A_569 = vector.shape_cast %get3A_568 : vector<1x16xi32> to vector<16xi32>
        %get3A_570 = arith.index_cast %shift_right_arithmetic3A_563 : i32 to index
        %get3A_571 = arith.index_cast %mul3A_566 : i32 to index
        %get3A_572 = tpu.vector_load %arg9[%get3A_570, %get3A_571] {strides = array<i32>} : memref<128x128xf32, #tpu.memory_space<vmem>>, vector<1x16xf32>,
        %get3A_573 = vector.shape_cast %get3A_572 : vector<1x16xf32> to vector<16xf32>
        %get3A_574 = arith.index_cast %shift_right_arithmetic3A_563 : i32 to index
        %get3A_575 = arith.index_cast %mul3A_566 : i32 to index
        %get3A_576 = tpu.vector_load %arg8[%get3A_574, %get3A_575] {strides = array<i32>} : memref<128x128xf32, #tpu.memory_space<vmem>>, vector<1x16xf32>,
        %get3A_577 = vector.shape_cast %get3A_576 : vector<1x16xf32> to vector<16xf32>
        %ne3A = arith.constant 524288 : i32
        %ne3A_578 = vector.broadcast %ne3A : i32 to vector<16xi32>
        %ne3A_579 = arith.cmpi ne, %get3A_569, %ne3A_578 : vector<16xi32>
        %eq3A = arith.cmpf oeq, %get3A_573, %get3A_577 : vector<16xf32>
        %and3A_580 = arith.andi %ne3A_579, %eq3A : vector<16xi1>
        %jit3A = arith.constant 524288 : i32
        %broadcast_in_dim3A_581 = vector.broadcast %jit3A : i32 to vector<16xi32>
        %select_n3A = arith.select %and3A_580, %broadcast_in_dim3A_581, %get3A_569 : vector<16xi1>, vector<16xi32>
        %swap3A_582 = arith.index_cast %shift_right_arithmetic3A_563 : i32 to index
        %swap3A_583 = arith.index_cast %mul3A_566 : i32 to index
        %swap3A_584 = tpu.vector_load %arg7[%swap3A_582, %swap3A_583] {strides = array<i32>} : memref<128x128xi32, #tpu.memory_space<vmem>>, vector<1x16xi32>,
        %swap3A_585 = vector.shape_cast %swap3A_584 : vector<1x16xi32> to vector<16xi32>
        %swap3A_586 = vector.shape_cast %select_n3A : vector<16xi32> to vector<1x16xi32>
        tpu.vector_store %arg7[%swap3A_582, %swap3A_583], %swap3A_586 {strides = array<i32>} : memref<128x128xi32, #tpu.memory_space<vmem>>, vector<1x16xi32>,
        %jit3A_587 = arith.constant 524288 : i32
        %broadcast_in_dim3A_588 = vector.broadcast %jit3A_587 : i32 to vector<16xi32>
        %select_n3A_589 = arith.select %and3A_580, %get3A_569, %broadcast_in_dim3A_588 : vector<16xi1>, vector<16xi32>
        %swap3A_590 = arith.index_cast %shift_right_arithmetic3A_563 : i32 to index
        %swap3A_591 = arith.index_cast %mul3A_566 : i32 to index
        %swap3A_592 = tpu.vector_load %arg6[%swap3A_590, %swap3A_591] {strides = array<i32>} : memref<128x128xi32, #tpu.memory_space<vmem>>, vector<1x16xi32>,
        %swap3A_593 = vector.shape_cast %swap3A_592 : vector<1x16xi32> to vector<16xi32>
        %swap3A_594 = vector.shape_cast %select_n3A_589 : vector<16xi32> to vector<1x16xi32>
        tpu.vector_store %arg6[%swap3A_590, %swap3A_591], %swap3A_594 {strides = array<i32>} : memref<128x128xi32, #tpu.memory_space<vmem>>, vector<1x16xi32>,
      }
      %scan3A_550 = arith.constant 1024 : i32
      %scan3A_551 = arith.constant 0 : i32
      %scan3A_552 = arith.constant 128 : i32
      %scan3A_553 = arith.addi %scan3A_551, %scan3A_552 : i32
      %scan3A_554 = arith.constant 1 : i32
      scf.for %scan3A_562 = %scan3A_551 to %scan3A_553 step %scan3A_554  : i32 {
        %dma_start3A = arith.constant 0 : i32
        %dma_start3A_563 = tpu.memref_slice %arg6[%scan3A_562, %dma_start3A] : memref<128x128xi32, #tpu.memory_space<vmem>> -> memref<1x128xi32, #tpu.memory_space<vmem>>
        %dma_start3A_564 = tpu.memref_squeeze %dma_start3A_563 : memref<1x128xi32, #tpu.memory_space<vmem>> -> memref<128xi32, #tpu.memory_space<vmem>>
        %dma_start3A_565 = arith.constant 0 : i32
        %dma_start3A_566 = tpu.memref_slice %arg12[%dma_start3A_565] : memref<524352xf32, #tpu.memory_space<vmem_shared>> -> memref<524352xf32, #tpu.memory_space<vmem_shared>>
        tpu.enqueue_indirect_dma source(%arg10 : memref<128xf32, #tpu.memory_space<vmem>>) target(%dma_start3A_566 : memref<524352xf32, #tpu.memory_space<vmem_shared>>) offsets(%dma_start3A_564 : memref<128xi32, #tpu.memory_space<vmem>>) semaphore(%arg13 : memref<!tpu.dma_semaphore, #tpu.memory_space<semaphore_mem>>)
      }
      %scan3A_555 = arith.constant 128 : i32
      %scan3A_556 = arith.constant 0 : i32
      %scan3A_557 = arith.constant 128 : i32
      %scan3A_558 = arith.addi %scan3A_556, %scan3A_557 : i32
      %scan3A_559 = arith.constant 1 : i32
      scf.for %scan3A_562 = %scan3A_556 to %scan3A_558 step %scan3A_559  : i32 {
        %dma_wait3A = arith.constant 0 : i32
        %dma_wait3A_563 = tpu.memref_slice %arg6[%scan3A_562, %dma_wait3A] : memref<128x128xi32, #tpu.memory_space<vmem>> -> memref<1x128xi32, #tpu.memory_space<vmem>>
        %dma_wait3A_564 = tpu.memref_squeeze %dma_wait3A_563 : memref<1x128xi32, #tpu.memory_space<vmem>> -> memref<128xi32, #tpu.memory_space<vmem>>
        %dma_wait3A_565 = arith.constant 0 : i32
        %dma_wait3A_566 = tpu.memref_slice %arg12[%dma_wait3A_565] : memref<524352xf32, #tpu.memory_space<vmem_shared>> -> memref<524352xf32, #tpu.memory_space<vmem_shared>>
        tpu.wait_indirect_dma semaphore(%arg13 : memref<!tpu.dma_semaphore, #tpu.memory_space<semaphore_mem>>) src(%arg10 : memref<128xf32, #tpu.memory_space<vmem>>) dst(%dma_wait3A_566 : memref<524352xf32, #tpu.memory_space<vmem_shared>>)
      }
      %scan3A_560 = arith.constant 128 : i32
      %barrier3A_561 = arith.constant 0 : index
      tpu.barrier barrier_id(%barrier3A_561)
    }
    %scan3A_69 = arith.constant 8 : i32
    %mul3A_70 = arith.constant 262144 : i32
    %mul3A_71 = arith.muli %add3A_27, %mul3A_70 : i32
    %mul3A_72 = arith.constant 32768 : i32
    %mul3A_73 = arith.muli %arg1, %mul3A_72 : i32
    %add3A_74 = arith.addi %mul3A_71, %mul3A_73 : i32
    %mul3A_75 = arith.constant 32768 : i32
    %mul3A_76 = arith.muli %arg1, %mul3A_75 : i32
    "tpu.region"() ({
      %run_scoped3A = tpu.sem_alloc : memref<!tpu.dma_semaphore, #tpu.memory_space<semaphore_mem>>
      %dma_start3A = tpu.memref_slice %arg4[%add3A_74] : memref<8388608xf32, #tpu.memory_space<hbm>> -> memref<32768xf32, #tpu.memory_space<hbm>>
      %dma_start3A_463 = tpu.memref_slice %arg12[%mul3A_76] : memref<524352xf32, #tpu.memory_space<vmem_shared>> -> memref<32768xf32, #tpu.memory_space<vmem_shared>>
      tpu.enqueue_dma source(%dma_start3A_463 : memref<32768xf32, #tpu.memory_space<vmem_shared>>) target(%dma_start3A : memref<32768xf32, #tpu.memory_space<hbm>>) target_semaphore(%run_scoped3A : memref<!tpu.dma_semaphore, #tpu.memory_space<semaphore_mem>>)
      %dma_wait3A = tpu.memref_slice %arg4[%add3A_74] : memref<8388608xf32, #tpu.memory_space<hbm>> -> memref<32768xf32, #tpu.memory_space<hbm>>
      %dma_wait3A_464 = tpu.memref_slice %arg12[%mul3A_76] : memref<524352xf32, #tpu.memory_space<vmem_shared>> -> memref<32768xf32, #tpu.memory_space<vmem_shared>>
      tpu.wait_dma2 semaphore(%run_scoped3A : memref<!tpu.dma_semaphore, #tpu.memory_space<semaphore_mem>>) src(%dma_wait3A_464 : memref<32768xf32, #tpu.memory_space<vmem_shared>>) dst(%dma_wait3A : memref<32768xf32, #tpu.memory_space<hbm>>)
      tpu.yield
    }) : () -> ()
    %barrier3A_77 = arith.constant 0 : index
    tpu.barrier barrier_id(%barrier3A_77)
    %mul3A_78 = arith.constant 16 : i32
    %mul3A_79 = arith.muli %arg0, %mul3A_78 : i32
    %add3A_80 = arith.constant 2 : i32
    %add3A_81 = arith.addi %mul3A_79, %add3A_80 : i32
    %mul3A_82 = arith.constant 32768 : i32
    %mul3A_83 = arith.muli %arg1, %mul3A_82 : i32
    %add3A_84 = arith.constant 0 : i32
    %add3A_85 = arith.addi %mul3A_83, %add3A_84 : i32
    "tpu.region"() ({
      %run_scoped3A = tpu.sem_alloc : memref<!tpu.dma_semaphore, #tpu.memory_space<semaphore_mem>>
      %dma_start3A = tpu.memref_slice %arg12[%add3A_85] : memref<524352xf32, #tpu.memory_space<vmem_shared>> -> memref<4096xf32, #tpu.memory_space<vmem_shared>>
      %dma_start3A_463 = tpu.memref_slice %arg12[%add3A_85] : memref<524352xf32, #tpu.memory_space<vmem_shared>> -> memref<4096xf32, #tpu.memory_space<vmem_shared>>
      tpu.enqueue_dma source(%arg11 : memref<4096xf32, #tpu.memory_space<vmem>>) target(%dma_start3A_463 : memref<4096xf32, #tpu.memory_space<vmem_shared>>) target_semaphore(%run_scoped3A : memref<!tpu.dma_semaphore, #tpu.memory_space<semaphore_mem>>)
      %dma_wait3A = tpu.memref_slice %arg12[%add3A_85] : memref<524352xf32, #tpu.memory_space<vmem_shared>> -> memref<4096xf32, #tpu.memory_space<vmem_shared>>
      %dma_wait3A_464 = tpu.memref_slice %arg12[%add3A_85] : memref<524352xf32, #tpu.memory_space<vmem_shared>> -> memref<4096xf32, #tpu.memory_space<vmem_shared>>
      tpu.wait_dma2 semaphore(%run_scoped3A : memref<!tpu.dma_semaphore, #tpu.memory_space<semaphore_mem>>) src(%arg11 : memref<4096xf32, #tpu.memory_space<vmem>>) dst(%dma_wait3A_464 : memref<4096xf32, #tpu.memory_space<vmem_shared>>)
      tpu.yield
    }) : () -> ()
    %mul3A_86 = arith.constant 32768 : i32
    %mul3A_87 = arith.muli %arg1, %mul3A_86 : i32
    %add3A_88 = arith.constant 4096 : i32
    %add3A_89 = arith.addi %mul3A_87, %add3A_88 : i32
    "tpu.region"() ({
      %run_scoped3A = tpu.sem_alloc : memref<!tpu.dma_semaphore, #tpu.memory_space<semaphore_mem>>
      %dma_start3A = tpu.memref_slice %arg12[%add3A_89] : memref<524352xf32, #tpu.memory_space<vmem_shared>> -> memref<4096xf32, #tpu.memory_space<vmem_shared>>
      %dma_start3A_463 = tpu.memref_slice %arg12[%add3A_89] : memref<524352xf32, #tpu.memory_space<vmem_shared>> -> memref<4096xf32, #tpu.memory_space<vmem_shared>>
      tpu.enqueue_dma source(%arg11 : memref<4096xf32, #tpu.memory_space<vmem>>) target(%dma_start3A_463 : memref<4096xf32, #tpu.memory_space<vmem_shared>>) target_semaphore(%run_scoped3A : memref<!tpu.dma_semaphore, #tpu.memory_space<semaphore_mem>>)
      %dma_wait3A = tpu.memref_slice %arg12[%add3A_89] : memref<524352xf32, #tpu.memory_space<vmem_shared>> -> memref<4096xf32, #tpu.memory_space<vmem_shared>>
      %dma_wait3A_464 = tpu.memref_slice %arg12[%add3A_89] : memref<524352xf32, #tpu.memory_space<vmem_shared>> -> memref<4096xf32, #tpu.memory_space<vmem_shared>>
      tpu.wait_dma2 semaphore(%run_scoped3A : memref<!tpu.dma_semaphore, #tpu.memory_space<semaphore_mem>>) src(%arg11 : memref<4096xf32, #tpu.memory_space<vmem>>) dst(%dma_wait3A_464 : memref<4096xf32, #tpu.memory_space<vmem_shared>>)
      tpu.yield
    }) : () -> ()
    %mul3A_90 = arith.constant 32768 : i32
    %mul3A_91 = arith.muli %arg1, %mul3A_90 : i32
    %add3A_92 = arith.constant 8192 : i32
    %add3A_93 = arith.addi %mul3A_91, %add3A_92 : i32
    "tpu.region"() ({
      %run_scoped3A = tpu.sem_alloc : memref<!tpu.dma_semaphore, #tpu.memory_space<semaphore_mem>>
      %dma_start3A = tpu.memref_slice %arg12[%add3A_93] : memref<524352xf32, #tpu.memory_space<vmem_shared>> -> memref<4096xf32, #tpu.memory_space<vmem_shared>>
      %dma_start3A_463 = tpu.memref_slice %arg12[%add3A_93] : memref<524352xf32, #tpu.memory_space<vmem_shared>> -> memref<4096xf32, #tpu.memory_space<vmem_shared>>
      tpu.enqueue_dma source(%arg11 : memref<4096xf32, #tpu.memory_space<vmem>>) target(%dma_start3A_463 : memref<4096xf32, #tpu.memory_space<vmem_shared>>) target_semaphore(%run_scoped3A : memref<!tpu.dma_semaphore, #tpu.memory_space<semaphore_mem>>)
      %dma_wait3A = tpu.memref_slice %arg12[%add3A_93] : memref<524352xf32, #tpu.memory_space<vmem_shared>> -> memref<4096xf32, #tpu.memory_space<vmem_shared>>
      %dma_wait3A_464 = tpu.memref_slice %arg12[%add3A_93] : memref<524352xf32, #tpu.memory_space<vmem_shared>> -> memref<4096xf32, #tpu.memory_space<vmem_shared>>
      tpu.wait_dma2 semaphore(%run_scoped3A : memref<!tpu.dma_semaphore, #tpu.memory_space<semaphore_mem>>) src(%arg11 : memref<4096xf32, #tpu.memory_space<vmem>>) dst(%dma_wait3A_464 : memref<4096xf32, #tpu.memory_space<vmem_shared>>)
      tpu.yield
    }) : () -> ()
    %mul3A_94 = arith.constant 32768 : i32
    %mul3A_95 = arith.muli %arg1, %mul3A_94 : i32
    %add3A_96 = arith.constant 12288 : i32
    %add3A_97 = arith.addi %mul3A_95, %add3A_96 : i32
    "tpu.region"() ({
      %run_scoped3A = tpu.sem_alloc : memref<!tpu.dma_semaphore, #tpu.memory_space<semaphore_mem>>
      %dma_start3A = tpu.memref_slice %arg12[%add3A_97] : memref<524352xf32, #tpu.memory_space<vmem_shared>> -> memref<4096xf32, #tpu.memory_space<vmem_shared>>
      %dma_start3A_463 = tpu.memref_slice %arg12[%add3A_97] : memref<524352xf32, #tpu.memory_space<vmem_shared>> -> memref<4096xf32, #tpu.memory_space<vmem_shared>>
      tpu.enqueue_dma source(%arg11 : memref<4096xf32, #tpu.memory_space<vmem>>) target(%dma_start3A_463 : memref<4096xf32, #tpu.memory_space<vmem_shared>>) target_semaphore(%run_scoped3A : memref<!tpu.dma_semaphore, #tpu.memory_space<semaphore_mem>>)
      %dma_wait3A = tpu.memref_slice %arg12[%add3A_97] : memref<524352xf32, #tpu.memory_space<vmem_shared>> -> memref<4096xf32, #tpu.memory_space<vmem_shared>>
      %dma_wait3A_464 = tpu.memref_slice %arg12[%add3A_97] : memref<524352xf32, #tpu.memory_space<vmem_shared>> -> memref<4096xf32, #tpu.memory_space<vmem_shared>>
      tpu.wait_dma2 semaphore(%run_scoped3A : memref<!tpu.dma_semaphore, #tpu.memory_space<semaphore_mem>>) src(%arg11 : memref<4096xf32, #tpu.memory_space<vmem>>) dst(%dma_wait3A_464 : memref<4096xf32, #tpu.memory_space<vmem_shared>>)
      tpu.yield
    }) : () -> ()
    %mul3A_98 = arith.constant 32768 : i32
    %mul3A_99 = arith.muli %arg1, %mul3A_98 : i32
    %add3A_100 = arith.constant 16384 : i32
    %add3A_101 = arith.addi %mul3A_99, %add3A_100 : i32
    "tpu.region"() ({
      %run_scoped3A = tpu.sem_alloc : memref<!tpu.dma_semaphore, #tpu.memory_space<semaphore_mem>>
      %dma_start3A = tpu.memref_slice %arg12[%add3A_101] : memref<524352xf32, #tpu.memory_space<vmem_shared>> -> memref<4096xf32, #tpu.memory_space<vmem_shared>>
      %dma_start3A_463 = tpu.memref_slice %arg12[%add3A_101] : memref<524352xf32, #tpu.memory_space<vmem_shared>> -> memref<4096xf32, #tpu.memory_space<vmem_shared>>
      tpu.enqueue_dma source(%arg11 : memref<4096xf32, #tpu.memory_space<vmem>>) target(%dma_start3A_463 : memref<4096xf32, #tpu.memory_space<vmem_shared>>) target_semaphore(%run_scoped3A : memref<!tpu.dma_semaphore, #tpu.memory_space<semaphore_mem>>)
      %dma_wait3A = tpu.memref_slice %arg12[%add3A_101] : memref<524352xf32, #tpu.memory_space<vmem_shared>> -> memref<4096xf32, #tpu.memory_space<vmem_shared>>
      %dma_wait3A_464 = tpu.memref_slice %arg12[%add3A_101] : memref<524352xf32, #tpu.memory_space<vmem_shared>> -> memref<4096xf32, #tpu.memory_space<vmem_shared>>
      tpu.wait_dma2 semaphore(%run_scoped3A : memref<!tpu.dma_semaphore, #tpu.memory_space<semaphore_mem>>) src(%arg11 : memref<4096xf32, #tpu.memory_space<vmem>>) dst(%dma_wait3A_464 : memref<4096xf32, #tpu.memory_space<vmem_shared>>)
      tpu.yield
    }) : () -> ()
    %mul3A_102 = arith.constant 32768 : i32
    %mul3A_103 = arith.muli %arg1, %mul3A_102 : i32
    %add3A_104 = arith.constant 20480 : i32
    %add3A_105 = arith.addi %mul3A_103, %add3A_104 : i32
    "tpu.region"() ({
      %run_scoped3A = tpu.sem_alloc : memref<!tpu.dma_semaphore, #tpu.memory_space<semaphore_mem>>
      %dma_start3A = tpu.memref_slice %arg12[%add3A_105] : memref<524352xf32, #tpu.memory_space<vmem_shared>> -> memref<4096xf32, #tpu.memory_space<vmem_shared>>
      %dma_start3A_463 = tpu.memref_slice %arg12[%add3A_105] : memref<524352xf32, #tpu.memory_space<vmem_shared>> -> memref<4096xf32, #tpu.memory_space<vmem_shared>>
      tpu.enqueue_dma source(%arg11 : memref<4096xf32, #tpu.memory_space<vmem>>) target(%dma_start3A_463 : memref<4096xf32, #tpu.memory_space<vmem_shared>>) target_semaphore(%run_scoped3A : memref<!tpu.dma_semaphore, #tpu.memory_space<semaphore_mem>>)
      %dma_wait3A = tpu.memref_slice %arg12[%add3A_105] : memref<524352xf32, #tpu.memory_space<vmem_shared>> -> memref<4096xf32, #tpu.memory_space<vmem_shared>>
      %dma_wait3A_464 = tpu.memref_slice %arg12[%add3A_105] : memref<524352xf32, #tpu.memory_space<vmem_shared>> -> memref<4096xf32, #tpu.memory_space<vmem_shared>>
      tpu.wait_dma2 semaphore(%run_scoped3A : memref<!tpu.dma_semaphore, #tpu.memory_space<semaphore_mem>>) src(%arg11 : memref<4096xf32, #tpu.memory_space<vmem>>) dst(%dma_wait3A_464 : memref<4096xf32, #tpu.memory_space<vmem_shared>>)
      tpu.yield
    }) : () -> ()
    %mul3A_106 = arith.constant 32768 : i32
    %mul3A_107 = arith.muli %arg1, %mul3A_106 : i32
    %add3A_108 = arith.constant 24576 : i32
    %add3A_109 = arith.addi %mul3A_107, %add3A_108 : i32
    "tpu.region"() ({
      %run_scoped3A = tpu.sem_alloc : memref<!tpu.dma_semaphore, #tpu.memory_space<semaphore_mem>>
      %dma_start3A = tpu.memref_slice %arg12[%add3A_109] : memref<524352xf32, #tpu.memory_space<vmem_shared>> -> memref<4096xf32, #tpu.memory_space<vmem_shared>>
      %dma_start3A_463 = tpu.memref_slice %arg12[%add3A_109] : memref<524352xf32, #tpu.memory_space<vmem_shared>> -> memref<4096xf32, #tpu.memory_space<vmem_shared>>
      tpu.enqueue_dma source(%arg11 : memref<4096xf32, #tpu.memory_space<vmem>>) target(%dma_start3A_463 : memref<4096xf32, #tpu.memory_space<vmem_shared>>) target_semaphore(%run_scoped3A : memref<!tpu.dma_semaphore, #tpu.memory_space<semaphore_mem>>)
      %dma_wait3A = tpu.memref_slice %arg12[%add3A_109] : memref<524352xf32, #tpu.memory_space<vmem_shared>> -> memref<4096xf32, #tpu.memory_space<vmem_shared>>
      %dma_wait3A_464 = tpu.memref_slice %arg12[%add3A_109] : memref<524352xf32, #tpu.memory_space<vmem_shared>> -> memref<4096xf32, #tpu.memory_space<vmem_shared>>
      tpu.wait_dma2 semaphore(%run_scoped3A : memref<!tpu.dma_semaphore, #tpu.memory_space<semaphore_mem>>) src(%arg11 : memref<4096xf32, #tpu.memory_space<vmem>>) dst(%dma_wait3A_464 : memref<4096xf32, #tpu.memory_space<vmem_shared>>)
      tpu.yield
    }) : () -> ()
    %mul3A_110 = arith.constant 32768 : i32
    %mul3A_111 = arith.muli %arg1, %mul3A_110 : i32
    %add3A_112 = arith.constant 28672 : i32
    %add3A_113 = arith.addi %mul3A_111, %add3A_112 : i32
    "tpu.region"() ({
      %run_scoped3A = tpu.sem_alloc : memref<!tpu.dma_semaphore, #tpu.memory_space<semaphore_mem>>
      %dma_start3A = tpu.memref_slice %arg12[%add3A_113] : memref<524352xf32, #tpu.memory_space<vmem_shared>> -> memref<4096xf32, #tpu.memory_space<vmem_shared>>
      %dma_start3A_463 = tpu.memref_slice %arg12[%add3A_113] : memref<524352xf32, #tpu.memory_space<vmem_shared>> -> memref<4096xf32, #tpu.memory_space<vmem_shared>>
      tpu.enqueue_dma source(%arg11 : memref<4096xf32, #tpu.memory_space<vmem>>) target(%dma_start3A_463 : memref<4096xf32, #tpu.memory_space<vmem_shared>>) target_semaphore(%run_scoped3A : memref<!tpu.dma_semaphore, #tpu.memory_space<semaphore_mem>>)
      %dma_wait3A = tpu.memref_slice %arg12[%add3A_113] : memref<524352xf32, #tpu.memory_space<vmem_shared>> -> memref<4096xf32, #tpu.memory_space<vmem_shared>>
      %dma_wait3A_464 = tpu.memref_slice %arg12[%add3A_113] : memref<524352xf32, #tpu.memory_space<vmem_shared>> -> memref<4096xf32, #tpu.memory_space<vmem_shared>>
      tpu.wait_dma2 semaphore(%run_scoped3A : memref<!tpu.dma_semaphore, #tpu.memory_space<semaphore_mem>>) src(%arg11 : memref<4096xf32, #tpu.memory_space<vmem>>) dst(%dma_wait3A_464 : memref<4096xf32, #tpu.memory_space<vmem_shared>>)
      tpu.yield
    }) : () -> ()
    %barrier3A_114 = arith.constant 0 : index
    tpu.barrier barrier_id(%barrier3A_114)
    %scan3A_115 = arith.constant 0 : i32
    %scan3A_116 = arith.constant 1024 : i32
    %scan3A_117 = arith.addi %scan3A_115, %scan3A_116 : i32
    %scan3A_118 = arith.constant 1 : i32
    scf.for %scan3A_463 = %scan3A_115 to %scan3A_117 step %scan3A_118  : i32 {
      %mul3A_464 = arith.constant 16 : i32
      %mul3A_465 = arith.muli %scan3A_463, %mul3A_464 : i32
      %get3A = arith.index_cast %mul3A_465 : i32 to index
      %get3A_466 = tpu.vector_load %arg5[%get3A] {strides = array<i32>} : memref<16384xi32, #tpu.memory_space<vmem>>, vector<16xi32>,
      %get3A_467 = vector.shape_cast %get3A_466 : vector<16xi32> to vector<16xi32>
      %mul3A_468 = arith.constant 262144 : i32
      %mul3A_469 = arith.muli %add3A_81, %mul3A_468 : i32
      %sub3A = vector.broadcast %mul3A_469 : i32 to vector<16xi32>
      %sub3A_470 = arith.subi %get3A_467, %sub3A : vector<16xi32>
      %ge3A = arith.constant 0 : i32
      %ge3A_471 = vector.broadcast %ge3A : i32 to vector<16xi32>
      %ge3A_472 = arith.cmpi sge, %sub3A_470, %ge3A_471 : vector<16xi32>
      %lt3A = arith.constant 524288 : i32
      %lt3A_473 = vector.broadcast %lt3A : i32 to vector<16xi32>
      %lt3A_474 = arith.cmpi slt, %sub3A_470, %lt3A_473 : vector<16xi32>
      %and3A = arith.andi %ge3A_472, %lt3A_474 : vector<16xi1>
      %jit3A = arith.constant 524288 : i32
      %broadcast_in_dim3A = vector.broadcast %jit3A : i32 to vector<16xi32>
      %select_n3A = arith.select %and3A, %sub3A_470, %broadcast_in_dim3A : vector<16xi1>, vector<16xi32>
      %shift_right_arithmetic3A = arith.constant 3 : i32
      %shift_right_arithmetic3A_475 = arith.shrsi %scan3A_463, %shift_right_arithmetic3A : i32
      %and3A_476 = arith.constant 7 : i32
      %and3A_477 = arith.andi %scan3A_463, %and3A_476 : i32
      %mul3A_478 = arith.constant 16 : i32
      %mul3A_479 = arith.muli %and3A_477, %mul3A_478 : i32
      %swap3A = arith.index_cast %shift_right_arithmetic3A_475 : i32 to index
      %swap3A_480 = arith.index_cast %mul3A_479 : i32 to index
      %swap3A_481 = tpu.vector_load %arg7[%swap3A, %swap3A_480] {strides = array<i32>} : memref<128x128xi32, #tpu.memory_space<vmem>>, vector<1x16xi32>,
      %swap3A_482 = vector.shape_cast %swap3A_481 : vector<1x16xi32> to vector<16xi32>
      %swap3A_483 = vector.shape_cast %select_n3A : vector<16xi32> to vector<1x16xi32>
      tpu.vector_store %arg7[%swap3A, %swap3A_480], %swap3A_483 {strides = array<i32>} : memref<128x128xi32, #tpu.memory_space<vmem>>, vector<1x16xi32>,
    }
    %scan3A_119 = arith.constant 1024 : i32
    %scan3A_120 = arith.constant 0 : i32
    %scan3A_121 = arith.constant 8 : i32
    %scan3A_122 = arith.addi %scan3A_120, %scan3A_121 : i32
    %scan3A_123 = arith.constant 1 : i32
    scf.for %scan3A_463 = %scan3A_120 to %scan3A_122 step %scan3A_123  : i32 {
      %add3A_464 = arith.constant 1 : i32
      %add3A_465 = arith.addi %scan3A_463, %add3A_464 : i32
      %convert_element_type3A = arith.sitofp %add3A_465 : i32 to f32
      %broadcast_in_dim3A = vector.broadcast %convert_element_type3A : f32 to vector<16xf32>
      %swap3A = arith.constant 0 : index
      %swap3A_466 = tpu.vector_load %arg10[%swap3A] {strides = array<i32>} : memref<128xf32, #tpu.memory_space<vmem>>, vector<16xf32>,
      %swap3A_467 = vector.shape_cast %swap3A_466 : vector<16xf32> to vector<16xf32>
      %swap3A_468 = vector.shape_cast %broadcast_in_dim3A : vector<16xf32> to vector<16xf32>
      tpu.vector_store %arg10[%swap3A], %swap3A_468 {strides = array<i32>} : memref<128xf32, #tpu.memory_space<vmem>>, vector<16xf32>,
      %add3A_469 = arith.constant 1 : i32
      %add3A_470 = arith.addi %scan3A_463, %add3A_469 : i32
      %convert_element_type3A_471 = arith.sitofp %add3A_470 : i32 to f32
      %broadcast_in_dim3A_472 = vector.broadcast %convert_element_type3A_471 : f32 to vector<16xf32>
      %swap3A_473 = arith.constant 16 : index
      %swap3A_474 = tpu.vector_load %arg10[%swap3A_473] {strides = array<i32>} : memref<128xf32, #tpu.memory_space<vmem>>, vector<16xf32>,
      %swap3A_475 = vector.shape_cast %swap3A_474 : vector<16xf32> to vector<16xf32>
      %swap3A_476 = vector.shape_cast %broadcast_in_dim3A_472 : vector<16xf32> to vector<16xf32>
      tpu.vector_store %arg10[%swap3A_473], %swap3A_476 {strides = array<i32>} : memref<128xf32, #tpu.memory_space<vmem>>, vector<16xf32>,
      %add3A_477 = arith.constant 1 : i32
      %add3A_478 = arith.addi %scan3A_463, %add3A_477 : i32
      %convert_element_type3A_479 = arith.sitofp %add3A_478 : i32 to f32
      %broadcast_in_dim3A_480 = vector.broadcast %convert_element_type3A_479 : f32 to vector<16xf32>
      %swap3A_481 = arith.constant 32 : index
      %swap3A_482 = tpu.vector_load %arg10[%swap3A_481] {strides = array<i32>} : memref<128xf32, #tpu.memory_space<vmem>>, vector<16xf32>,
      %swap3A_483 = vector.shape_cast %swap3A_482 : vector<16xf32> to vector<16xf32>
      %swap3A_484 = vector.shape_cast %broadcast_in_dim3A_480 : vector<16xf32> to vector<16xf32>
      tpu.vector_store %arg10[%swap3A_481], %swap3A_484 {strides = array<i32>} : memref<128xf32, #tpu.memory_space<vmem>>, vector<16xf32>,
      %add3A_485 = arith.constant 1 : i32
      %add3A_486 = arith.addi %scan3A_463, %add3A_485 : i32
      %convert_element_type3A_487 = arith.sitofp %add3A_486 : i32 to f32
      %broadcast_in_dim3A_488 = vector.broadcast %convert_element_type3A_487 : f32 to vector<16xf32>
      %swap3A_489 = arith.constant 48 : index
      %swap3A_490 = tpu.vector_load %arg10[%swap3A_489] {strides = array<i32>} : memref<128xf32, #tpu.memory_space<vmem>>, vector<16xf32>,
      %swap3A_491 = vector.shape_cast %swap3A_490 : vector<16xf32> to vector<16xf32>
      %swap3A_492 = vector.shape_cast %broadcast_in_dim3A_488 : vector<16xf32> to vector<16xf32>
      tpu.vector_store %arg10[%swap3A_489], %swap3A_492 {strides = array<i32>} : memref<128xf32, #tpu.memory_space<vmem>>, vector<16xf32>,
      %add3A_493 = arith.constant 1 : i32
      %add3A_494 = arith.addi %scan3A_463, %add3A_493 : i32
      %convert_element_type3A_495 = arith.sitofp %add3A_494 : i32 to f32
      %broadcast_in_dim3A_496 = vector.broadcast %convert_element_type3A_495 : f32 to vector<16xf32>
      %swap3A_497 = arith.constant 64 : index
      %swap3A_498 = tpu.vector_load %arg10[%swap3A_497] {strides = array<i32>} : memref<128xf32, #tpu.memory_space<vmem>>, vector<16xf32>,
      %swap3A_499 = vector.shape_cast %swap3A_498 : vector<16xf32> to vector<16xf32>
      %swap3A_500 = vector.shape_cast %broadcast_in_dim3A_496 : vector<16xf32> to vector<16xf32>
      tpu.vector_store %arg10[%swap3A_497], %swap3A_500 {strides = array<i32>} : memref<128xf32, #tpu.memory_space<vmem>>, vector<16xf32>,
      %add3A_501 = arith.constant 1 : i32
      %add3A_502 = arith.addi %scan3A_463, %add3A_501 : i32
      %convert_element_type3A_503 = arith.sitofp %add3A_502 : i32 to f32
      %broadcast_in_dim3A_504 = vector.broadcast %convert_element_type3A_503 : f32 to vector<16xf32>
      %swap3A_505 = arith.constant 80 : index
      %swap3A_506 = tpu.vector_load %arg10[%swap3A_505] {strides = array<i32>} : memref<128xf32, #tpu.memory_space<vmem>>, vector<16xf32>,
      %swap3A_507 = vector.shape_cast %swap3A_506 : vector<16xf32> to vector<16xf32>
      %swap3A_508 = vector.shape_cast %broadcast_in_dim3A_504 : vector<16xf32> to vector<16xf32>
      tpu.vector_store %arg10[%swap3A_505], %swap3A_508 {strides = array<i32>} : memref<128xf32, #tpu.memory_space<vmem>>, vector<16xf32>,
      %add3A_509 = arith.constant 1 : i32
      %add3A_510 = arith.addi %scan3A_463, %add3A_509 : i32
      %convert_element_type3A_511 = arith.sitofp %add3A_510 : i32 to f32
      %broadcast_in_dim3A_512 = vector.broadcast %convert_element_type3A_511 : f32 to vector<16xf32>
      %swap3A_513 = arith.constant 96 : index
      %swap3A_514 = tpu.vector_load %arg10[%swap3A_513] {strides = array<i32>} : memref<128xf32, #tpu.memory_space<vmem>>, vector<16xf32>,
      %swap3A_515 = vector.shape_cast %swap3A_514 : vector<16xf32> to vector<16xf32>
      %swap3A_516 = vector.shape_cast %broadcast_in_dim3A_512 : vector<16xf32> to vector<16xf32>
      tpu.vector_store %arg10[%swap3A_513], %swap3A_516 {strides = array<i32>} : memref<128xf32, #tpu.memory_space<vmem>>, vector<16xf32>,
      %add3A_517 = arith.constant 1 : i32
      %add3A_518 = arith.addi %scan3A_463, %add3A_517 : i32
      %convert_element_type3A_519 = arith.sitofp %add3A_518 : i32 to f32
      %broadcast_in_dim3A_520 = vector.broadcast %convert_element_type3A_519 : f32 to vector<16xf32>
      %swap3A_521 = arith.constant 112 : index
      %swap3A_522 = tpu.vector_load %arg10[%swap3A_521] {strides = array<i32>} : memref<128xf32, #tpu.memory_space<vmem>>, vector<16xf32>,
      %swap3A_523 = vector.shape_cast %swap3A_522 : vector<16xf32> to vector<16xf32>
      %swap3A_524 = vector.shape_cast %broadcast_in_dim3A_520 : vector<16xf32> to vector<16xf32>
      tpu.vector_store %arg10[%swap3A_521], %swap3A_524 {strides = array<i32>} : memref<128xf32, #tpu.memory_space<vmem>>, vector<16xf32>,
      %scan3A_525 = arith.constant 0 : i32
      %scan3A_526 = arith.constant 128 : i32
      %scan3A_527 = arith.addi %scan3A_525, %scan3A_526 : i32
      %scan3A_528 = arith.constant 1 : i32
      scf.for %scan3A_562 = %scan3A_525 to %scan3A_527 step %scan3A_528  : i32 {
        %dma_start3A = arith.constant 0 : i32
        %dma_start3A_563 = tpu.memref_slice %arg8[%scan3A_562, %dma_start3A] : memref<128x128xf32, #tpu.memory_space<vmem>> -> memref<1x128xf32, #tpu.memory_space<vmem>>
        %dma_start3A_564 = tpu.memref_squeeze %dma_start3A_563 : memref<1x128xf32, #tpu.memory_space<vmem>> -> memref<128xf32, #tpu.memory_space<vmem>>
        %dma_start3A_565 = arith.constant 0 : i32
        %dma_start3A_566 = tpu.memref_slice %arg7[%scan3A_562, %dma_start3A_565] : memref<128x128xi32, #tpu.memory_space<vmem>> -> memref<1x128xi32, #tpu.memory_space<vmem>>
        %dma_start3A_567 = tpu.memref_squeeze %dma_start3A_566 : memref<1x128xi32, #tpu.memory_space<vmem>> -> memref<128xi32, #tpu.memory_space<vmem>>
        %dma_start3A_568 = arith.constant 0 : i32
        %dma_start3A_569 = tpu.memref_slice %arg12[%dma_start3A_568] : memref<524352xf32, #tpu.memory_space<vmem_shared>> -> memref<524352xf32, #tpu.memory_space<vmem_shared>>
        tpu.enqueue_indirect_dma source(%dma_start3A_564 : memref<128xf32, #tpu.memory_space<vmem>>) target(%dma_start3A_569 : memref<524352xf32, #tpu.memory_space<vmem_shared>>) offsets(%dma_start3A_567 : memref<128xi32, #tpu.memory_space<vmem>>) semaphore(%arg13 : memref<!tpu.dma_semaphore, #tpu.memory_space<semaphore_mem>>)
      }
      %scan3A_529 = arith.constant 128 : i32
      %scan3A_530 = arith.constant 0 : i32
      %scan3A_531 = arith.constant 128 : i32
      %scan3A_532 = arith.addi %scan3A_530, %scan3A_531 : i32
      %scan3A_533 = arith.constant 1 : i32
      scf.for %scan3A_562 = %scan3A_530 to %scan3A_532 step %scan3A_533  : i32 {
        %dma_wait3A = arith.constant 0 : i32
        %dma_wait3A_563 = tpu.memref_slice %arg8[%scan3A_562, %dma_wait3A] : memref<128x128xf32, #tpu.memory_space<vmem>> -> memref<1x128xf32, #tpu.memory_space<vmem>>
        %dma_wait3A_564 = tpu.memref_squeeze %dma_wait3A_563 : memref<1x128xf32, #tpu.memory_space<vmem>> -> memref<128xf32, #tpu.memory_space<vmem>>
        %dma_wait3A_565 = arith.constant 0 : i32
        %dma_wait3A_566 = tpu.memref_slice %arg7[%scan3A_562, %dma_wait3A_565] : memref<128x128xi32, #tpu.memory_space<vmem>> -> memref<1x128xi32, #tpu.memory_space<vmem>>
        %dma_wait3A_567 = tpu.memref_squeeze %dma_wait3A_566 : memref<1x128xi32, #tpu.memory_space<vmem>> -> memref<128xi32, #tpu.memory_space<vmem>>
        %dma_wait3A_568 = arith.constant 0 : i32
        %dma_wait3A_569 = tpu.memref_slice %arg12[%dma_wait3A_568] : memref<524352xf32, #tpu.memory_space<vmem_shared>> -> memref<524352xf32, #tpu.memory_space<vmem_shared>>
        tpu.wait_indirect_dma semaphore(%arg13 : memref<!tpu.dma_semaphore, #tpu.memory_space<semaphore_mem>>) src(%dma_wait3A_564 : memref<128xf32, #tpu.memory_space<vmem>>) dst(%dma_wait3A_569 : memref<524352xf32, #tpu.memory_space<vmem_shared>>)
      }
      %scan3A_534 = arith.constant 128 : i32
      %barrier3A_535 = arith.constant 0 : index
      tpu.barrier barrier_id(%barrier3A_535)
      %scan3A_536 = arith.constant 0 : i32
      %scan3A_537 = arith.constant 128 : i32
      %scan3A_538 = arith.addi %scan3A_536, %scan3A_537 : i32
      %scan3A_539 = arith.constant 1 : i32
      scf.for %scan3A_562 = %scan3A_536 to %scan3A_538 step %scan3A_539  : i32 {
        %dma_start3A = arith.constant 0 : i32
        %dma_start3A_563 = tpu.memref_slice %arg9[%scan3A_562, %dma_start3A] : memref<128x128xf32, #tpu.memory_space<vmem>> -> memref<1x128xf32, #tpu.memory_space<vmem>>
        %dma_start3A_564 = tpu.memref_squeeze %dma_start3A_563 : memref<1x128xf32, #tpu.memory_space<vmem>> -> memref<128xf32, #tpu.memory_space<vmem>>
        %dma_start3A_565 = arith.constant 0 : i32
        %dma_start3A_566 = tpu.memref_slice %arg7[%scan3A_562, %dma_start3A_565] : memref<128x128xi32, #tpu.memory_space<vmem>> -> memref<1x128xi32, #tpu.memory_space<vmem>>
        %dma_start3A_567 = tpu.memref_squeeze %dma_start3A_566 : memref<1x128xi32, #tpu.memory_space<vmem>> -> memref<128xi32, #tpu.memory_space<vmem>>
        %dma_start3A_568 = arith.constant 0 : i32
        %dma_start3A_569 = tpu.memref_slice %arg12[%dma_start3A_568] : memref<524352xf32, #tpu.memory_space<vmem_shared>> -> memref<524352xf32, #tpu.memory_space<vmem_shared>>
        tpu.enqueue_indirect_dma source(%dma_start3A_569 : memref<524352xf32, #tpu.memory_space<vmem_shared>>) target(%dma_start3A_564 : memref<128xf32, #tpu.memory_space<vmem>>) offsets(%dma_start3A_567 : memref<128xi32, #tpu.memory_space<vmem>>) semaphore(%arg13 : memref<!tpu.dma_semaphore, #tpu.memory_space<semaphore_mem>>)
      }
      %scan3A_540 = arith.constant 128 : i32
      %scan3A_541 = arith.constant 0 : i32
      %scan3A_542 = arith.constant 128 : i32
      %scan3A_543 = arith.addi %scan3A_541, %scan3A_542 : i32
      %scan3A_544 = arith.constant 1 : i32
      scf.for %scan3A_562 = %scan3A_541 to %scan3A_543 step %scan3A_544  : i32 {
        %dma_wait3A = arith.constant 0 : i32
        %dma_wait3A_563 = tpu.memref_slice %arg9[%scan3A_562, %dma_wait3A] : memref<128x128xf32, #tpu.memory_space<vmem>> -> memref<1x128xf32, #tpu.memory_space<vmem>>
        %dma_wait3A_564 = tpu.memref_squeeze %dma_wait3A_563 : memref<1x128xf32, #tpu.memory_space<vmem>> -> memref<128xf32, #tpu.memory_space<vmem>>
        %dma_wait3A_565 = arith.constant 0 : i32
        %dma_wait3A_566 = tpu.memref_slice %arg7[%scan3A_562, %dma_wait3A_565] : memref<128x128xi32, #tpu.memory_space<vmem>> -> memref<1x128xi32, #tpu.memory_space<vmem>>
        %dma_wait3A_567 = tpu.memref_squeeze %dma_wait3A_566 : memref<1x128xi32, #tpu.memory_space<vmem>> -> memref<128xi32, #tpu.memory_space<vmem>>
        %dma_wait3A_568 = arith.constant 0 : i32
        %dma_wait3A_569 = tpu.memref_slice %arg12[%dma_wait3A_568] : memref<524352xf32, #tpu.memory_space<vmem_shared>> -> memref<524352xf32, #tpu.memory_space<vmem_shared>>
        tpu.wait_indirect_dma semaphore(%arg13 : memref<!tpu.dma_semaphore, #tpu.memory_space<semaphore_mem>>) src(%dma_wait3A_569 : memref<524352xf32, #tpu.memory_space<vmem_shared>>) dst(%dma_wait3A_564 : memref<128xf32, #tpu.memory_space<vmem>>)
      }
      %scan3A_545 = arith.constant 128 : i32
      %scan3A_546 = arith.constant 0 : i32
      %scan3A_547 = arith.constant 1024 : i32
      %scan3A_548 = arith.addi %scan3A_546, %scan3A_547 : i32
      %scan3A_549 = arith.constant 1 : i32
      scf.for %scan3A_562 = %scan3A_546 to %scan3A_548 step %scan3A_549  : i32 {
        %shift_right_arithmetic3A = arith.constant 3 : i32
        %shift_right_arithmetic3A_563 = arith.shrsi %scan3A_562, %shift_right_arithmetic3A : i32
        %and3A = arith.constant 7 : i32
        %and3A_564 = arith.andi %scan3A_562, %and3A : i32
        %mul3A_565 = arith.constant 16 : i32
        %mul3A_566 = arith.muli %and3A_564, %mul3A_565 : i32
        %get3A = arith.index_cast %shift_right_arithmetic3A_563 : i32 to index
        %get3A_567 = arith.index_cast %mul3A_566 : i32 to index
        %get3A_568 = tpu.vector_load %arg7[%get3A, %get3A_567] {strides = array<i32>} : memref<128x128xi32, #tpu.memory_space<vmem>>, vector<1x16xi32>,
        %get3A_569 = vector.shape_cast %get3A_568 : vector<1x16xi32> to vector<16xi32>
        %get3A_570 = arith.index_cast %shift_right_arithmetic3A_563 : i32 to index
        %get3A_571 = arith.index_cast %mul3A_566 : i32 to index
        %get3A_572 = tpu.vector_load %arg9[%get3A_570, %get3A_571] {strides = array<i32>} : memref<128x128xf32, #tpu.memory_space<vmem>>, vector<1x16xf32>,
        %get3A_573 = vector.shape_cast %get3A_572 : vector<1x16xf32> to vector<16xf32>
        %get3A_574 = arith.index_cast %shift_right_arithmetic3A_563 : i32 to index
        %get3A_575 = arith.index_cast %mul3A_566 : i32 to index
        %get3A_576 = tpu.vector_load %arg8[%get3A_574, %get3A_575] {strides = array<i32>} : memref<128x128xf32, #tpu.memory_space<vmem>>, vector<1x16xf32>,
        %get3A_577 = vector.shape_cast %get3A_576 : vector<1x16xf32> to vector<16xf32>
        %ne3A = arith.constant 524288 : i32
        %ne3A_578 = vector.broadcast %ne3A : i32 to vector<16xi32>
        %ne3A_579 = arith.cmpi ne, %get3A_569, %ne3A_578 : vector<16xi32>
        %eq3A = arith.cmpf oeq, %get3A_573, %get3A_577 : vector<16xf32>
        %and3A_580 = arith.andi %ne3A_579, %eq3A : vector<16xi1>
        %jit3A = arith.constant 524288 : i32
        %broadcast_in_dim3A_581 = vector.broadcast %jit3A : i32 to vector<16xi32>
        %select_n3A = arith.select %and3A_580, %broadcast_in_dim3A_581, %get3A_569 : vector<16xi1>, vector<16xi32>
        %swap3A_582 = arith.index_cast %shift_right_arithmetic3A_563 : i32 to index
        %swap3A_583 = arith.index_cast %mul3A_566 : i32 to index
        %swap3A_584 = tpu.vector_load %arg7[%swap3A_582, %swap3A_583] {strides = array<i32>} : memref<128x128xi32, #tpu.memory_space<vmem>>, vector<1x16xi32>,
        %swap3A_585 = vector.shape_cast %swap3A_584 : vector<1x16xi32> to vector<16xi32>
        %swap3A_586 = vector.shape_cast %select_n3A : vector<16xi32> to vector<1x16xi32>
        tpu.vector_store %arg7[%swap3A_582, %swap3A_583], %swap3A_586 {strides = array<i32>} : memref<128x128xi32, #tpu.memory_space<vmem>>, vector<1x16xi32>,
        %jit3A_587 = arith.constant 524288 : i32
        %broadcast_in_dim3A_588 = vector.broadcast %jit3A_587 : i32 to vector<16xi32>
        %select_n3A_589 = arith.select %and3A_580, %get3A_569, %broadcast_in_dim3A_588 : vector<16xi1>, vector<16xi32>
        %swap3A_590 = arith.index_cast %shift_right_arithmetic3A_563 : i32 to index
        %swap3A_591 = arith.index_cast %mul3A_566 : i32 to index
        %swap3A_592 = tpu.vector_load %arg6[%swap3A_590, %swap3A_591] {strides = array<i32>} : memref<128x128xi32, #tpu.memory_space<vmem>>, vector<1x16xi32>,
        %swap3A_593 = vector.shape_cast %swap3A_592 : vector<1x16xi32> to vector<16xi32>
        %swap3A_594 = vector.shape_cast %select_n3A_589 : vector<16xi32> to vector<1x16xi32>
        tpu.vector_store %arg6[%swap3A_590, %swap3A_591], %swap3A_594 {strides = array<i32>} : memref<128x128xi32, #tpu.memory_space<vmem>>, vector<1x16xi32>,
      }
      %scan3A_550 = arith.constant 1024 : i32
      %scan3A_551 = arith.constant 0 : i32
      %scan3A_552 = arith.constant 128 : i32
      %scan3A_553 = arith.addi %scan3A_551, %scan3A_552 : i32
      %scan3A_554 = arith.constant 1 : i32
      scf.for %scan3A_562 = %scan3A_551 to %scan3A_553 step %scan3A_554  : i32 {
        %dma_start3A = arith.constant 0 : i32
        %dma_start3A_563 = tpu.memref_slice %arg6[%scan3A_562, %dma_start3A] : memref<128x128xi32, #tpu.memory_space<vmem>> -> memref<1x128xi32, #tpu.memory_space<vmem>>
        %dma_start3A_564 = tpu.memref_squeeze %dma_start3A_563 : memref<1x128xi32, #tpu.memory_space<vmem>> -> memref<128xi32, #tpu.memory_space<vmem>>
        %dma_start3A_565 = arith.constant 0 : i32
        %dma_start3A_566 = tpu.memref_slice %arg12[%dma_start3A_565] : memref<524352xf32, #tpu.memory_space<vmem_shared>> -> memref<524352xf32, #tpu.memory_space<vmem_shared>>
        tpu.enqueue_indirect_dma source(%arg10 : memref<128xf32, #tpu.memory_space<vmem>>) target(%dma_start3A_566 : memref<524352xf32, #tpu.memory_space<vmem_shared>>) offsets(%dma_start3A_564 : memref<128xi32, #tpu.memory_space<vmem>>) semaphore(%arg13 : memref<!tpu.dma_semaphore, #tpu.memory_space<semaphore_mem>>)
      }
      %scan3A_555 = arith.constant 128 : i32
      %scan3A_556 = arith.constant 0 : i32
      %scan3A_557 = arith.constant 128 : i32
      %scan3A_558 = arith.addi %scan3A_556, %scan3A_557 : i32
      %scan3A_559 = arith.constant 1 : i32
      scf.for %scan3A_562 = %scan3A_556 to %scan3A_558 step %scan3A_559  : i32 {
        %dma_wait3A = arith.constant 0 : i32
        %dma_wait3A_563 = tpu.memref_slice %arg6[%scan3A_562, %dma_wait3A] : memref<128x128xi32, #tpu.memory_space<vmem>> -> memref<1x128xi32, #tpu.memory_space<vmem>>
        %dma_wait3A_564 = tpu.memref_squeeze %dma_wait3A_563 : memref<1x128xi32, #tpu.memory_space<vmem>> -> memref<128xi32, #tpu.memory_space<vmem>>
        %dma_wait3A_565 = arith.constant 0 : i32
        %dma_wait3A_566 = tpu.memref_slice %arg12[%dma_wait3A_565] : memref<524352xf32, #tpu.memory_space<vmem_shared>> -> memref<524352xf32, #tpu.memory_space<vmem_shared>>
        tpu.wait_indirect_dma semaphore(%arg13 : memref<!tpu.dma_semaphore, #tpu.memory_space<semaphore_mem>>) src(%arg10 : memref<128xf32, #tpu.memory_space<vmem>>) dst(%dma_wait3A_566 : memref<524352xf32, #tpu.memory_space<vmem_shared>>)
      }
      %scan3A_560 = arith.constant 128 : i32
      %barrier3A_561 = arith.constant 0 : index
      tpu.barrier barrier_id(%barrier3A_561)
    }
    %scan3A_124 = arith.constant 8 : i32
    %mul3A_125 = arith.constant 262144 : i32
    %mul3A_126 = arith.muli %add3A_81, %mul3A_125 : i32
    %mul3A_127 = arith.constant 32768 : i32
    %mul3A_128 = arith.muli %arg1, %mul3A_127 : i32
    %add3A_129 = arith.addi %mul3A_126, %mul3A_128 : i32
    %mul3A_130 = arith.constant 32768 : i32
    %mul3A_131 = arith.muli %arg1, %mul3A_130 : i32
    "tpu.region"() ({
      %run_scoped3A = tpu.sem_alloc : memref<!tpu.dma_semaphore, #tpu.memory_space<semaphore_mem>>
      %dma_start3A = tpu.memref_slice %arg4[%add3A_129] : memref<8388608xf32, #tpu.memory_space<hbm>> -> memref<32768xf32, #tpu.memory_space<hbm>>
      %dma_start3A_463 = tpu.memref_slice %arg12[%mul3A_131] : memref<524352xf32, #tpu.memory_space<vmem_shared>> -> memref<32768xf32, #tpu.memory_space<vmem_shared>>
      tpu.enqueue_dma source(%dma_start3A_463 : memref<32768xf32, #tpu.memory_space<vmem_shared>>) target(%dma_start3A : memref<32768xf32, #tpu.memory_space<hbm>>) target_semaphore(%run_scoped3A : memref<!tpu.dma_semaphore, #tpu.memory_space<semaphore_mem>>)
      %dma_wait3A = tpu.memref_slice %arg4[%add3A_129] : memref<8388608xf32, #tpu.memory_space<hbm>> -> memref<32768xf32, #tpu.memory_space<hbm>>
      %dma_wait3A_464 = tpu.memref_slice %arg12[%mul3A_131] : memref<524352xf32, #tpu.memory_space<vmem_shared>> -> memref<32768xf32, #tpu.memory_space<vmem_shared>>
      tpu.wait_dma2 semaphore(%run_scoped3A : memref<!tpu.dma_semaphore, #tpu.memory_space<semaphore_mem>>) src(%dma_wait3A_464 : memref<32768xf32, #tpu.memory_space<vmem_shared>>) dst(%dma_wait3A : memref<32768xf32, #tpu.memory_space<hbm>>)
      tpu.yield
    }) : () -> ()
    %barrier3A_132 = arith.constant 0 : index
    tpu.barrier barrier_id(%barrier3A_132)
    %mul3A_133 = arith.constant 16 : i32
    %mul3A_134 = arith.muli %arg0, %mul3A_133 : i32
    %add3A_135 = arith.constant 4 : i32
    %add3A_136 = arith.addi %mul3A_134, %add3A_135 : i32
    %mul3A_137 = arith.constant 32768 : i32
    %mul3A_138 = arith.muli %arg1, %mul3A_137 : i32
    %add3A_139 = arith.constant 0 : i32
    %add3A_140 = arith.addi %mul3A_138, %add3A_139 : i32
    "tpu.region"() ({
      %run_scoped3A = tpu.sem_alloc : memref<!tpu.dma_semaphore, #tpu.memory_space<semaphore_mem>>
      %dma_start3A = tpu.memref_slice %arg12[%add3A_140] : memref<524352xf32, #tpu.memory_space<vmem_shared>> -> memref<4096xf32, #tpu.memory_space<vmem_shared>>
      %dma_start3A_463 = tpu.memref_slice %arg12[%add3A_140] : memref<524352xf32, #tpu.memory_space<vmem_shared>> -> memref<4096xf32, #tpu.memory_space<vmem_shared>>
      tpu.enqueue_dma source(%arg11 : memref<4096xf32, #tpu.memory_space<vmem>>) target(%dma_start3A_463 : memref<4096xf32, #tpu.memory_space<vmem_shared>>) target_semaphore(%run_scoped3A : memref<!tpu.dma_semaphore, #tpu.memory_space<semaphore_mem>>)
      %dma_wait3A = tpu.memref_slice %arg12[%add3A_140] : memref<524352xf32, #tpu.memory_space<vmem_shared>> -> memref<4096xf32, #tpu.memory_space<vmem_shared>>
      %dma_wait3A_464 = tpu.memref_slice %arg12[%add3A_140] : memref<524352xf32, #tpu.memory_space<vmem_shared>> -> memref<4096xf32, #tpu.memory_space<vmem_shared>>
      tpu.wait_dma2 semaphore(%run_scoped3A : memref<!tpu.dma_semaphore, #tpu.memory_space<semaphore_mem>>) src(%arg11 : memref<4096xf32, #tpu.memory_space<vmem>>) dst(%dma_wait3A_464 : memref<4096xf32, #tpu.memory_space<vmem_shared>>)
      tpu.yield
    }) : () -> ()
    %mul3A_141 = arith.constant 32768 : i32
    %mul3A_142 = arith.muli %arg1, %mul3A_141 : i32
    %add3A_143 = arith.constant 4096 : i32
    %add3A_144 = arith.addi %mul3A_142, %add3A_143 : i32
    "tpu.region"() ({
      %run_scoped3A = tpu.sem_alloc : memref<!tpu.dma_semaphore, #tpu.memory_space<semaphore_mem>>
      %dma_start3A = tpu.memref_slice %arg12[%add3A_144] : memref<524352xf32, #tpu.memory_space<vmem_shared>> -> memref<4096xf32, #tpu.memory_space<vmem_shared>>
      %dma_start3A_463 = tpu.memref_slice %arg12[%add3A_144] : memref<524352xf32, #tpu.memory_space<vmem_shared>> -> memref<4096xf32, #tpu.memory_space<vmem_shared>>
      tpu.enqueue_dma source(%arg11 : memref<4096xf32, #tpu.memory_space<vmem>>) target(%dma_start3A_463 : memref<4096xf32, #tpu.memory_space<vmem_shared>>) target_semaphore(%run_scoped3A : memref<!tpu.dma_semaphore, #tpu.memory_space<semaphore_mem>>)
      %dma_wait3A = tpu.memref_slice %arg12[%add3A_144] : memref<524352xf32, #tpu.memory_space<vmem_shared>> -> memref<4096xf32, #tpu.memory_space<vmem_shared>>
      %dma_wait3A_464 = tpu.memref_slice %arg12[%add3A_144] : memref<524352xf32, #tpu.memory_space<vmem_shared>> -> memref<4096xf32, #tpu.memory_space<vmem_shared>>
      tpu.wait_dma2 semaphore(%run_scoped3A : memref<!tpu.dma_semaphore, #tpu.memory_space<semaphore_mem>>) src(%arg11 : memref<4096xf32, #tpu.memory_space<vmem>>) dst(%dma_wait3A_464 : memref<4096xf32, #tpu.memory_space<vmem_shared>>)
      tpu.yield
    }) : () -> ()
    %mul3A_145 = arith.constant 32768 : i32
    %mul3A_146 = arith.muli %arg1, %mul3A_145 : i32
    %add3A_147 = arith.constant 8192 : i32
    %add3A_148 = arith.addi %mul3A_146, %add3A_147 : i32
    "tpu.region"() ({
      %run_scoped3A = tpu.sem_alloc : memref<!tpu.dma_semaphore, #tpu.memory_space<semaphore_mem>>
      %dma_start3A = tpu.memref_slice %arg12[%add3A_148] : memref<524352xf32, #tpu.memory_space<vmem_shared>> -> memref<4096xf32, #tpu.memory_space<vmem_shared>>
      %dma_start3A_463 = tpu.memref_slice %arg12[%add3A_148] : memref<524352xf32, #tpu.memory_space<vmem_shared>> -> memref<4096xf32, #tpu.memory_space<vmem_shared>>
      tpu.enqueue_dma source(%arg11 : memref<4096xf32, #tpu.memory_space<vmem>>) target(%dma_start3A_463 : memref<4096xf32, #tpu.memory_space<vmem_shared>>) target_semaphore(%run_scoped3A : memref<!tpu.dma_semaphore, #tpu.memory_space<semaphore_mem>>)
      %dma_wait3A = tpu.memref_slice %arg12[%add3A_148] : memref<524352xf32, #tpu.memory_space<vmem_shared>> -> memref<4096xf32, #tpu.memory_space<vmem_shared>>
      %dma_wait3A_464 = tpu.memref_slice %arg12[%add3A_148] : memref<524352xf32, #tpu.memory_space<vmem_shared>> -> memref<4096xf32, #tpu.memory_space<vmem_shared>>
      tpu.wait_dma2 semaphore(%run_scoped3A : memref<!tpu.dma_semaphore, #tpu.memory_space<semaphore_mem>>) src(%arg11 : memref<4096xf32, #tpu.memory_space<vmem>>) dst(%dma_wait3A_464 : memref<4096xf32, #tpu.memory_space<vmem_shared>>)
      tpu.yield
    }) : () -> ()
    %mul3A_149 = arith.constant 32768 : i32
    %mul3A_150 = arith.muli %arg1, %mul3A_149 : i32
    %add3A_151 = arith.constant 12288 : i32
    %add3A_152 = arith.addi %mul3A_150, %add3A_151 : i32
    "tpu.region"() ({
      %run_scoped3A = tpu.sem_alloc : memref<!tpu.dma_semaphore, #tpu.memory_space<semaphore_mem>>
      %dma_start3A = tpu.memref_slice %arg12[%add3A_152] : memref<524352xf32, #tpu.memory_space<vmem_shared>> -> memref<4096xf32, #tpu.memory_space<vmem_shared>>
      %dma_start3A_463 = tpu.memref_slice %arg12[%add3A_152] : memref<524352xf32, #tpu.memory_space<vmem_shared>> -> memref<4096xf32, #tpu.memory_space<vmem_shared>>
      tpu.enqueue_dma source(%arg11 : memref<4096xf32, #tpu.memory_space<vmem>>) target(%dma_start3A_463 : memref<4096xf32, #tpu.memory_space<vmem_shared>>) target_semaphore(%run_scoped3A : memref<!tpu.dma_semaphore, #tpu.memory_space<semaphore_mem>>)
      %dma_wait3A = tpu.memref_slice %arg12[%add3A_152] : memref<524352xf32, #tpu.memory_space<vmem_shared>> -> memref<4096xf32, #tpu.memory_space<vmem_shared>>
      %dma_wait3A_464 = tpu.memref_slice %arg12[%add3A_152] : memref<524352xf32, #tpu.memory_space<vmem_shared>> -> memref<4096xf32, #tpu.memory_space<vmem_shared>>
      tpu.wait_dma2 semaphore(%run_scoped3A : memref<!tpu.dma_semaphore, #tpu.memory_space<semaphore_mem>>) src(%arg11 : memref<4096xf32, #tpu.memory_space<vmem>>) dst(%dma_wait3A_464 : memref<4096xf32, #tpu.memory_space<vmem_shared>>)
      tpu.yield
    }) : () -> ()
    %mul3A_153 = arith.constant 32768 : i32
    %mul3A_154 = arith.muli %arg1, %mul3A_153 : i32
    %add3A_155 = arith.constant 16384 : i32
    %add3A_156 = arith.addi %mul3A_154, %add3A_155 : i32
    "tpu.region"() ({
      %run_scoped3A = tpu.sem_alloc : memref<!tpu.dma_semaphore, #tpu.memory_space<semaphore_mem>>
      %dma_start3A = tpu.memref_slice %arg12[%add3A_156] : memref<524352xf32, #tpu.memory_space<vmem_shared>> -> memref<4096xf32, #tpu.memory_space<vmem_shared>>
      %dma_start3A_463 = tpu.memref_slice %arg12[%add3A_156] : memref<524352xf32, #tpu.memory_space<vmem_shared>> -> memref<4096xf32, #tpu.memory_space<vmem_shared>>
      tpu.enqueue_dma source(%arg11 : memref<4096xf32, #tpu.memory_space<vmem>>) target(%dma_start3A_463 : memref<4096xf32, #tpu.memory_space<vmem_shared>>) target_semaphore(%run_scoped3A : memref<!tpu.dma_semaphore, #tpu.memory_space<semaphore_mem>>)
      %dma_wait3A = tpu.memref_slice %arg12[%add3A_156] : memref<524352xf32, #tpu.memory_space<vmem_shared>> -> memref<4096xf32, #tpu.memory_space<vmem_shared>>
      %dma_wait3A_464 = tpu.memref_slice %arg12[%add3A_156] : memref<524352xf32, #tpu.memory_space<vmem_shared>> -> memref<4096xf32, #tpu.memory_space<vmem_shared>>
      tpu.wait_dma2 semaphore(%run_scoped3A : memref<!tpu.dma_semaphore, #tpu.memory_space<semaphore_mem>>) src(%arg11 : memref<4096xf32, #tpu.memory_space<vmem>>) dst(%dma_wait3A_464 : memref<4096xf32, #tpu.memory_space<vmem_shared>>)
      tpu.yield
    }) : () -> ()
    %mul3A_157 = arith.constant 32768 : i32
    %mul3A_158 = arith.muli %arg1, %mul3A_157 : i32
    %add3A_159 = arith.constant 20480 : i32
    %add3A_160 = arith.addi %mul3A_158, %add3A_159 : i32
    "tpu.region"() ({
      %run_scoped3A = tpu.sem_alloc : memref<!tpu.dma_semaphore, #tpu.memory_space<semaphore_mem>>
      %dma_start3A = tpu.memref_slice %arg12[%add3A_160] : memref<524352xf32, #tpu.memory_space<vmem_shared>> -> memref<4096xf32, #tpu.memory_space<vmem_shared>>
      %dma_start3A_463 = tpu.memref_slice %arg12[%add3A_160] : memref<524352xf32, #tpu.memory_space<vmem_shared>> -> memref<4096xf32, #tpu.memory_space<vmem_shared>>
      tpu.enqueue_dma source(%arg11 : memref<4096xf32, #tpu.memory_space<vmem>>) target(%dma_start3A_463 : memref<4096xf32, #tpu.memory_space<vmem_shared>>) target_semaphore(%run_scoped3A : memref<!tpu.dma_semaphore, #tpu.memory_space<semaphore_mem>>)
      %dma_wait3A = tpu.memref_slice %arg12[%add3A_160] : memref<524352xf32, #tpu.memory_space<vmem_shared>> -> memref<4096xf32, #tpu.memory_space<vmem_shared>>
      %dma_wait3A_464 = tpu.memref_slice %arg12[%add3A_160] : memref<524352xf32, #tpu.memory_space<vmem_shared>> -> memref<4096xf32, #tpu.memory_space<vmem_shared>>
      tpu.wait_dma2 semaphore(%run_scoped3A : memref<!tpu.dma_semaphore, #tpu.memory_space<semaphore_mem>>) src(%arg11 : memref<4096xf32, #tpu.memory_space<vmem>>) dst(%dma_wait3A_464 : memref<4096xf32, #tpu.memory_space<vmem_shared>>)
      tpu.yield
    }) : () -> ()
    %mul3A_161 = arith.constant 32768 : i32
    %mul3A_162 = arith.muli %arg1, %mul3A_161 : i32
    %add3A_163 = arith.constant 24576 : i32
    %add3A_164 = arith.addi %mul3A_162, %add3A_163 : i32
    "tpu.region"() ({
      %run_scoped3A = tpu.sem_alloc : memref<!tpu.dma_semaphore, #tpu.memory_space<semaphore_mem>>
      %dma_start3A = tpu.memref_slice %arg12[%add3A_164] : memref<524352xf32, #tpu.memory_space<vmem_shared>> -> memref<4096xf32, #tpu.memory_space<vmem_shared>>
      %dma_start3A_463 = tpu.memref_slice %arg12[%add3A_164] : memref<524352xf32, #tpu.memory_space<vmem_shared>> -> memref<4096xf32, #tpu.memory_space<vmem_shared>>
      tpu.enqueue_dma source(%arg11 : memref<4096xf32, #tpu.memory_space<vmem>>) target(%dma_start3A_463 : memref<4096xf32, #tpu.memory_space<vmem_shared>>) target_semaphore(%run_scoped3A : memref<!tpu.dma_semaphore, #tpu.memory_space<semaphore_mem>>)
      %dma_wait3A = tpu.memref_slice %arg12[%add3A_164] : memref<524352xf32, #tpu.memory_space<vmem_shared>> -> memref<4096xf32, #tpu.memory_space<vmem_shared>>
      %dma_wait3A_464 = tpu.memref_slice %arg12[%add3A_164] : memref<524352xf32, #tpu.memory_space<vmem_shared>> -> memref<4096xf32, #tpu.memory_space<vmem_shared>>
      tpu.wait_dma2 semaphore(%run_scoped3A : memref<!tpu.dma_semaphore, #tpu.memory_space<semaphore_mem>>) src(%arg11 : memref<4096xf32, #tpu.memory_space<vmem>>) dst(%dma_wait3A_464 : memref<4096xf32, #tpu.memory_space<vmem_shared>>)
      tpu.yield
    }) : () -> ()
    %mul3A_165 = arith.constant 32768 : i32
    %mul3A_166 = arith.muli %arg1, %mul3A_165 : i32
    %add3A_167 = arith.constant 28672 : i32
    %add3A_168 = arith.addi %mul3A_166, %add3A_167 : i32
    "tpu.region"() ({
      %run_scoped3A = tpu.sem_alloc : memref<!tpu.dma_semaphore, #tpu.memory_space<semaphore_mem>>
      %dma_start3A = tpu.memref_slice %arg12[%add3A_168] : memref<524352xf32, #tpu.memory_space<vmem_shared>> -> memref<4096xf32, #tpu.memory_space<vmem_shared>>
      %dma_start3A_463 = tpu.memref_slice %arg12[%add3A_168] : memref<524352xf32, #tpu.memory_space<vmem_shared>> -> memref<4096xf32, #tpu.memory_space<vmem_shared>>
      tpu.enqueue_dma source(%arg11 : memref<4096xf32, #tpu.memory_space<vmem>>) target(%dma_start3A_463 : memref<4096xf32, #tpu.memory_space<vmem_shared>>) target_semaphore(%run_scoped3A : memref<!tpu.dma_semaphore, #tpu.memory_space<semaphore_mem>>)
      %dma_wait3A = tpu.memref_slice %arg12[%add3A_168] : memref<524352xf32, #tpu.memory_space<vmem_shared>> -> memref<4096xf32, #tpu.memory_space<vmem_shared>>
      %dma_wait3A_464 = tpu.memref_slice %arg12[%add3A_168] : memref<524352xf32, #tpu.memory_space<vmem_shared>> -> memref<4096xf32, #tpu.memory_space<vmem_shared>>
      tpu.wait_dma2 semaphore(%run_scoped3A : memref<!tpu.dma_semaphore, #tpu.memory_space<semaphore_mem>>) src(%arg11 : memref<4096xf32, #tpu.memory_space<vmem>>) dst(%dma_wait3A_464 : memref<4096xf32, #tpu.memory_space<vmem_shared>>)
      tpu.yield
    }) : () -> ()
    %barrier3A_169 = arith.constant 0 : index
    tpu.barrier barrier_id(%barrier3A_169)
    %scan3A_170 = arith.constant 0 : i32
    %scan3A_171 = arith.constant 1024 : i32
    %scan3A_172 = arith.addi %scan3A_170, %scan3A_171 : i32
    %scan3A_173 = arith.constant 1 : i32
    scf.for %scan3A_463 = %scan3A_170 to %scan3A_172 step %scan3A_173  : i32 {
      %mul3A_464 = arith.constant 16 : i32
      %mul3A_465 = arith.muli %scan3A_463, %mul3A_464 : i32
      %get3A = arith.index_cast %mul3A_465 : i32 to index
      %get3A_466 = tpu.vector_load %arg5[%get3A] {strides = array<i32>} : memref<16384xi32, #tpu.memory_space<vmem>>, vector<16xi32>,
      %get3A_467 = vector.shape_cast %get3A_466 : vector<16xi32> to vector<16xi32>
      %mul3A_468 = arith.constant 262144 : i32
      %mul3A_469 = arith.muli %add3A_136, %mul3A_468 : i32
      %sub3A = vector.broadcast %mul3A_469 : i32 to vector<16xi32>
      %sub3A_470 = arith.subi %get3A_467, %sub3A : vector<16xi32>
      %ge3A = arith.constant 0 : i32
      %ge3A_471 = vector.broadcast %ge3A : i32 to vector<16xi32>
      %ge3A_472 = arith.cmpi sge, %sub3A_470, %ge3A_471 : vector<16xi32>
      %lt3A = arith.constant 524288 : i32
      %lt3A_473 = vector.broadcast %lt3A : i32 to vector<16xi32>
      %lt3A_474 = arith.cmpi slt, %sub3A_470, %lt3A_473 : vector<16xi32>
      %and3A = arith.andi %ge3A_472, %lt3A_474 : vector<16xi1>
      %jit3A = arith.constant 524288 : i32
      %broadcast_in_dim3A = vector.broadcast %jit3A : i32 to vector<16xi32>
      %select_n3A = arith.select %and3A, %sub3A_470, %broadcast_in_dim3A : vector<16xi1>, vector<16xi32>
      %shift_right_arithmetic3A = arith.constant 3 : i32
      %shift_right_arithmetic3A_475 = arith.shrsi %scan3A_463, %shift_right_arithmetic3A : i32
      %and3A_476 = arith.constant 7 : i32
      %and3A_477 = arith.andi %scan3A_463, %and3A_476 : i32
      %mul3A_478 = arith.constant 16 : i32
      %mul3A_479 = arith.muli %and3A_477, %mul3A_478 : i32
      %swap3A = arith.index_cast %shift_right_arithmetic3A_475 : i32 to index
      %swap3A_480 = arith.index_cast %mul3A_479 : i32 to index
      %swap3A_481 = tpu.vector_load %arg7[%swap3A, %swap3A_480] {strides = array<i32>} : memref<128x128xi32, #tpu.memory_space<vmem>>, vector<1x16xi32>,
      %swap3A_482 = vector.shape_cast %swap3A_481 : vector<1x16xi32> to vector<16xi32>
      %swap3A_483 = vector.shape_cast %select_n3A : vector<16xi32> to vector<1x16xi32>
      tpu.vector_store %arg7[%swap3A, %swap3A_480], %swap3A_483 {strides = array<i32>} : memref<128x128xi32, #tpu.memory_space<vmem>>, vector<1x16xi32>,
    }
    %scan3A_174 = arith.constant 1024 : i32
    %scan3A_175 = arith.constant 0 : i32
    %scan3A_176 = arith.constant 8 : i32
    %scan3A_177 = arith.addi %scan3A_175, %scan3A_176 : i32
    %scan3A_178 = arith.constant 1 : i32
    scf.for %scan3A_463 = %scan3A_175 to %scan3A_177 step %scan3A_178  : i32 {
      %add3A_464 = arith.constant 1 : i32
      %add3A_465 = arith.addi %scan3A_463, %add3A_464 : i32
      %convert_element_type3A = arith.sitofp %add3A_465 : i32 to f32
      %broadcast_in_dim3A = vector.broadcast %convert_element_type3A : f32 to vector<16xf32>
      %swap3A = arith.constant 0 : index
      %swap3A_466 = tpu.vector_load %arg10[%swap3A] {strides = array<i32>} : memref<128xf32, #tpu.memory_space<vmem>>, vector<16xf32>,
      %swap3A_467 = vector.shape_cast %swap3A_466 : vector<16xf32> to vector<16xf32>
      %swap3A_468 = vector.shape_cast %broadcast_in_dim3A : vector<16xf32> to vector<16xf32>
      tpu.vector_store %arg10[%swap3A], %swap3A_468 {strides = array<i32>} : memref<128xf32, #tpu.memory_space<vmem>>, vector<16xf32>,
      %add3A_469 = arith.constant 1 : i32
      %add3A_470 = arith.addi %scan3A_463, %add3A_469 : i32
      %convert_element_type3A_471 = arith.sitofp %add3A_470 : i32 to f32
      %broadcast_in_dim3A_472 = vector.broadcast %convert_element_type3A_471 : f32 to vector<16xf32>
      %swap3A_473 = arith.constant 16 : index
      %swap3A_474 = tpu.vector_load %arg10[%swap3A_473] {strides = array<i32>} : memref<128xf32, #tpu.memory_space<vmem>>, vector<16xf32>,
      %swap3A_475 = vector.shape_cast %swap3A_474 : vector<16xf32> to vector<16xf32>
      %swap3A_476 = vector.shape_cast %broadcast_in_dim3A_472 : vector<16xf32> to vector<16xf32>
      tpu.vector_store %arg10[%swap3A_473], %swap3A_476 {strides = array<i32>} : memref<128xf32, #tpu.memory_space<vmem>>, vector<16xf32>,
      %add3A_477 = arith.constant 1 : i32
      %add3A_478 = arith.addi %scan3A_463, %add3A_477 : i32
      %convert_element_type3A_479 = arith.sitofp %add3A_478 : i32 to f32
      %broadcast_in_dim3A_480 = vector.broadcast %convert_element_type3A_479 : f32 to vector<16xf32>
      %swap3A_481 = arith.constant 32 : index
      %swap3A_482 = tpu.vector_load %arg10[%swap3A_481] {strides = array<i32>} : memref<128xf32, #tpu.memory_space<vmem>>, vector<16xf32>,
      %swap3A_483 = vector.shape_cast %swap3A_482 : vector<16xf32> to vector<16xf32>
      %swap3A_484 = vector.shape_cast %broadcast_in_dim3A_480 : vector<16xf32> to vector<16xf32>
      tpu.vector_store %arg10[%swap3A_481], %swap3A_484 {strides = array<i32>} : memref<128xf32, #tpu.memory_space<vmem>>, vector<16xf32>,
      %add3A_485 = arith.constant 1 : i32
      %add3A_486 = arith.addi %scan3A_463, %add3A_485 : i32
      %convert_element_type3A_487 = arith.sitofp %add3A_486 : i32 to f32
      %broadcast_in_dim3A_488 = vector.broadcast %convert_element_type3A_487 : f32 to vector<16xf32>
      %swap3A_489 = arith.constant 48 : index
      %swap3A_490 = tpu.vector_load %arg10[%swap3A_489] {strides = array<i32>} : memref<128xf32, #tpu.memory_space<vmem>>, vector<16xf32>,
      %swap3A_491 = vector.shape_cast %swap3A_490 : vector<16xf32> to vector<16xf32>
      %swap3A_492 = vector.shape_cast %broadcast_in_dim3A_488 : vector<16xf32> to vector<16xf32>
      tpu.vector_store %arg10[%swap3A_489], %swap3A_492 {strides = array<i32>} : memref<128xf32, #tpu.memory_space<vmem>>, vector<16xf32>,
      %add3A_493 = arith.constant 1 : i32
      %add3A_494 = arith.addi %scan3A_463, %add3A_493 : i32
      %convert_element_type3A_495 = arith.sitofp %add3A_494 : i32 to f32
      %broadcast_in_dim3A_496 = vector.broadcast %convert_element_type3A_495 : f32 to vector<16xf32>
      %swap3A_497 = arith.constant 64 : index
      %swap3A_498 = tpu.vector_load %arg10[%swap3A_497] {strides = array<i32>} : memref<128xf32, #tpu.memory_space<vmem>>, vector<16xf32>,
      %swap3A_499 = vector.shape_cast %swap3A_498 : vector<16xf32> to vector<16xf32>
      %swap3A_500 = vector.shape_cast %broadcast_in_dim3A_496 : vector<16xf32> to vector<16xf32>
      tpu.vector_store %arg10[%swap3A_497], %swap3A_500 {strides = array<i32>} : memref<128xf32, #tpu.memory_space<vmem>>, vector<16xf32>,
      %add3A_501 = arith.constant 1 : i32
      %add3A_502 = arith.addi %scan3A_463, %add3A_501 : i32
      %convert_element_type3A_503 = arith.sitofp %add3A_502 : i32 to f32
      %broadcast_in_dim3A_504 = vector.broadcast %convert_element_type3A_503 : f32 to vector<16xf32>
      %swap3A_505 = arith.constant 80 : index
      %swap3A_506 = tpu.vector_load %arg10[%swap3A_505] {strides = array<i32>} : memref<128xf32, #tpu.memory_space<vmem>>, vector<16xf32>,
      %swap3A_507 = vector.shape_cast %swap3A_506 : vector<16xf32> to vector<16xf32>
      %swap3A_508 = vector.shape_cast %broadcast_in_dim3A_504 : vector<16xf32> to vector<16xf32>
      tpu.vector_store %arg10[%swap3A_505], %swap3A_508 {strides = array<i32>} : memref<128xf32, #tpu.memory_space<vmem>>, vector<16xf32>,
      %add3A_509 = arith.constant 1 : i32
      %add3A_510 = arith.addi %scan3A_463, %add3A_509 : i32
      %convert_element_type3A_511 = arith.sitofp %add3A_510 : i32 to f32
      %broadcast_in_dim3A_512 = vector.broadcast %convert_element_type3A_511 : f32 to vector<16xf32>
      %swap3A_513 = arith.constant 96 : index
      %swap3A_514 = tpu.vector_load %arg10[%swap3A_513] {strides = array<i32>} : memref<128xf32, #tpu.memory_space<vmem>>, vector<16xf32>,
      %swap3A_515 = vector.shape_cast %swap3A_514 : vector<16xf32> to vector<16xf32>
      %swap3A_516 = vector.shape_cast %broadcast_in_dim3A_512 : vector<16xf32> to vector<16xf32>
      tpu.vector_store %arg10[%swap3A_513], %swap3A_516 {strides = array<i32>} : memref<128xf32, #tpu.memory_space<vmem>>, vector<16xf32>,
      %add3A_517 = arith.constant 1 : i32
      %add3A_518 = arith.addi %scan3A_463, %add3A_517 : i32
      %convert_element_type3A_519 = arith.sitofp %add3A_518 : i32 to f32
      %broadcast_in_dim3A_520 = vector.broadcast %convert_element_type3A_519 : f32 to vector<16xf32>
      %swap3A_521 = arith.constant 112 : index
      %swap3A_522 = tpu.vector_load %arg10[%swap3A_521] {strides = array<i32>} : memref<128xf32, #tpu.memory_space<vmem>>, vector<16xf32>,
      %swap3A_523 = vector.shape_cast %swap3A_522 : vector<16xf32> to vector<16xf32>
      %swap3A_524 = vector.shape_cast %broadcast_in_dim3A_520 : vector<16xf32> to vector<16xf32>
      tpu.vector_store %arg10[%swap3A_521], %swap3A_524 {strides = array<i32>} : memref<128xf32, #tpu.memory_space<vmem>>, vector<16xf32>,
      %scan3A_525 = arith.constant 0 : i32
      %scan3A_526 = arith.constant 128 : i32
      %scan3A_527 = arith.addi %scan3A_525, %scan3A_526 : i32
      %scan3A_528 = arith.constant 1 : i32
      scf.for %scan3A_562 = %scan3A_525 to %scan3A_527 step %scan3A_528  : i32 {
        %dma_start3A = arith.constant 0 : i32
        %dma_start3A_563 = tpu.memref_slice %arg8[%scan3A_562, %dma_start3A] : memref<128x128xf32, #tpu.memory_space<vmem>> -> memref<1x128xf32, #tpu.memory_space<vmem>>
        %dma_start3A_564 = tpu.memref_squeeze %dma_start3A_563 : memref<1x128xf32, #tpu.memory_space<vmem>> -> memref<128xf32, #tpu.memory_space<vmem>>
        %dma_start3A_565 = arith.constant 0 : i32
        %dma_start3A_566 = tpu.memref_slice %arg7[%scan3A_562, %dma_start3A_565] : memref<128x128xi32, #tpu.memory_space<vmem>> -> memref<1x128xi32, #tpu.memory_space<vmem>>
        %dma_start3A_567 = tpu.memref_squeeze %dma_start3A_566 : memref<1x128xi32, #tpu.memory_space<vmem>> -> memref<128xi32, #tpu.memory_space<vmem>>
        %dma_start3A_568 = arith.constant 0 : i32
        %dma_start3A_569 = tpu.memref_slice %arg12[%dma_start3A_568] : memref<524352xf32, #tpu.memory_space<vmem_shared>> -> memref<524352xf32, #tpu.memory_space<vmem_shared>>
        tpu.enqueue_indirect_dma source(%dma_start3A_564 : memref<128xf32, #tpu.memory_space<vmem>>) target(%dma_start3A_569 : memref<524352xf32, #tpu.memory_space<vmem_shared>>) offsets(%dma_start3A_567 : memref<128xi32, #tpu.memory_space<vmem>>) semaphore(%arg13 : memref<!tpu.dma_semaphore, #tpu.memory_space<semaphore_mem>>)
      }
      %scan3A_529 = arith.constant 128 : i32
      %scan3A_530 = arith.constant 0 : i32
      %scan3A_531 = arith.constant 128 : i32
      %scan3A_532 = arith.addi %scan3A_530, %scan3A_531 : i32
      %scan3A_533 = arith.constant 1 : i32
      scf.for %scan3A_562 = %scan3A_530 to %scan3A_532 step %scan3A_533  : i32 {
        %dma_wait3A = arith.constant 0 : i32
        %dma_wait3A_563 = tpu.memref_slice %arg8[%scan3A_562, %dma_wait3A] : memref<128x128xf32, #tpu.memory_space<vmem>> -> memref<1x128xf32, #tpu.memory_space<vmem>>
        %dma_wait3A_564 = tpu.memref_squeeze %dma_wait3A_563 : memref<1x128xf32, #tpu.memory_space<vmem>> -> memref<128xf32, #tpu.memory_space<vmem>>
        %dma_wait3A_565 = arith.constant 0 : i32
        %dma_wait3A_566 = tpu.memref_slice %arg7[%scan3A_562, %dma_wait3A_565] : memref<128x128xi32, #tpu.memory_space<vmem>> -> memref<1x128xi32, #tpu.memory_space<vmem>>
        %dma_wait3A_567 = tpu.memref_squeeze %dma_wait3A_566 : memref<1x128xi32, #tpu.memory_space<vmem>> -> memref<128xi32, #tpu.memory_space<vmem>>
        %dma_wait3A_568 = arith.constant 0 : i32
        %dma_wait3A_569 = tpu.memref_slice %arg12[%dma_wait3A_568] : memref<524352xf32, #tpu.memory_space<vmem_shared>> -> memref<524352xf32, #tpu.memory_space<vmem_shared>>
        tpu.wait_indirect_dma semaphore(%arg13 : memref<!tpu.dma_semaphore, #tpu.memory_space<semaphore_mem>>) src(%dma_wait3A_564 : memref<128xf32, #tpu.memory_space<vmem>>) dst(%dma_wait3A_569 : memref<524352xf32, #tpu.memory_space<vmem_shared>>)
      }
      %scan3A_534 = arith.constant 128 : i32
      %barrier3A_535 = arith.constant 0 : index
      tpu.barrier barrier_id(%barrier3A_535)
      %scan3A_536 = arith.constant 0 : i32
      %scan3A_537 = arith.constant 128 : i32
      %scan3A_538 = arith.addi %scan3A_536, %scan3A_537 : i32
      %scan3A_539 = arith.constant 1 : i32
      scf.for %scan3A_562 = %scan3A_536 to %scan3A_538 step %scan3A_539  : i32 {
        %dma_start3A = arith.constant 0 : i32
        %dma_start3A_563 = tpu.memref_slice %arg9[%scan3A_562, %dma_start3A] : memref<128x128xf32, #tpu.memory_space<vmem>> -> memref<1x128xf32, #tpu.memory_space<vmem>>
        %dma_start3A_564 = tpu.memref_squeeze %dma_start3A_563 : memref<1x128xf32, #tpu.memory_space<vmem>> -> memref<128xf32, #tpu.memory_space<vmem>>
        %dma_start3A_565 = arith.constant 0 : i32
        %dma_start3A_566 = tpu.memref_slice %arg7[%scan3A_562, %dma_start3A_565] : memref<128x128xi32, #tpu.memory_space<vmem>> -> memref<1x128xi32, #tpu.memory_space<vmem>>
        %dma_start3A_567 = tpu.memref_squeeze %dma_start3A_566 : memref<1x128xi32, #tpu.memory_space<vmem>> -> memref<128xi32, #tpu.memory_space<vmem>>
        %dma_start3A_568 = arith.constant 0 : i32
        %dma_start3A_569 = tpu.memref_slice %arg12[%dma_start3A_568] : memref<524352xf32, #tpu.memory_space<vmem_shared>> -> memref<524352xf32, #tpu.memory_space<vmem_shared>>
        tpu.enqueue_indirect_dma source(%dma_start3A_569 : memref<524352xf32, #tpu.memory_space<vmem_shared>>) target(%dma_start3A_564 : memref<128xf32, #tpu.memory_space<vmem>>) offsets(%dma_start3A_567 : memref<128xi32, #tpu.memory_space<vmem>>) semaphore(%arg13 : memref<!tpu.dma_semaphore, #tpu.memory_space<semaphore_mem>>)
      }
      %scan3A_540 = arith.constant 128 : i32
      %scan3A_541 = arith.constant 0 : i32
      %scan3A_542 = arith.constant 128 : i32
      %scan3A_543 = arith.addi %scan3A_541, %scan3A_542 : i32
      %scan3A_544 = arith.constant 1 : i32
      scf.for %scan3A_562 = %scan3A_541 to %scan3A_543 step %scan3A_544  : i32 {
        %dma_wait3A = arith.constant 0 : i32
        %dma_wait3A_563 = tpu.memref_slice %arg9[%scan3A_562, %dma_wait3A] : memref<128x128xf32, #tpu.memory_space<vmem>> -> memref<1x128xf32, #tpu.memory_space<vmem>>
        %dma_wait3A_564 = tpu.memref_squeeze %dma_wait3A_563 : memref<1x128xf32, #tpu.memory_space<vmem>> -> memref<128xf32, #tpu.memory_space<vmem>>
        %dma_wait3A_565 = arith.constant 0 : i32
        %dma_wait3A_566 = tpu.memref_slice %arg7[%scan3A_562, %dma_wait3A_565] : memref<128x128xi32, #tpu.memory_space<vmem>> -> memref<1x128xi32, #tpu.memory_space<vmem>>
        %dma_wait3A_567 = tpu.memref_squeeze %dma_wait3A_566 : memref<1x128xi32, #tpu.memory_space<vmem>> -> memref<128xi32, #tpu.memory_space<vmem>>
        %dma_wait3A_568 = arith.constant 0 : i32
        %dma_wait3A_569 = tpu.memref_slice %arg12[%dma_wait3A_568] : memref<524352xf32, #tpu.memory_space<vmem_shared>> -> memref<524352xf32, #tpu.memory_space<vmem_shared>>
        tpu.wait_indirect_dma semaphore(%arg13 : memref<!tpu.dma_semaphore, #tpu.memory_space<semaphore_mem>>) src(%dma_wait3A_569 : memref<524352xf32, #tpu.memory_space<vmem_shared>>) dst(%dma_wait3A_564 : memref<128xf32, #tpu.memory_space<vmem>>)
      }
      %scan3A_545 = arith.constant 128 : i32
      %scan3A_546 = arith.constant 0 : i32
      %scan3A_547 = arith.constant 1024 : i32
      %scan3A_548 = arith.addi %scan3A_546, %scan3A_547 : i32
      %scan3A_549 = arith.constant 1 : i32
      scf.for %scan3A_562 = %scan3A_546 to %scan3A_548 step %scan3A_549  : i32 {
        %shift_right_arithmetic3A = arith.constant 3 : i32
        %shift_right_arithmetic3A_563 = arith.shrsi %scan3A_562, %shift_right_arithmetic3A : i32
        %and3A = arith.constant 7 : i32
        %and3A_564 = arith.andi %scan3A_562, %and3A : i32
        %mul3A_565 = arith.constant 16 : i32
        %mul3A_566 = arith.muli %and3A_564, %mul3A_565 : i32
        %get3A = arith.index_cast %shift_right_arithmetic3A_563 : i32 to index
        %get3A_567 = arith.index_cast %mul3A_566 : i32 to index
        %get3A_568 = tpu.vector_load %arg7[%get3A, %get3A_567] {strides = array<i32>} : memref<128x128xi32, #tpu.memory_space<vmem>>, vector<1x16xi32>,
        %get3A_569 = vector.shape_cast %get3A_568 : vector<1x16xi32> to vector<16xi32>
        %get3A_570 = arith.index_cast %shift_right_arithmetic3A_563 : i32 to index
        %get3A_571 = arith.index_cast %mul3A_566 : i32 to index
        %get3A_572 = tpu.vector_load %arg9[%get3A_570, %get3A_571] {strides = array<i32>} : memref<128x128xf32, #tpu.memory_space<vmem>>, vector<1x16xf32>,
        %get3A_573 = vector.shape_cast %get3A_572 : vector<1x16xf32> to vector<16xf32>
        %get3A_574 = arith.index_cast %shift_right_arithmetic3A_563 : i32 to index
        %get3A_575 = arith.index_cast %mul3A_566 : i32 to index
        %get3A_576 = tpu.vector_load %arg8[%get3A_574, %get3A_575] {strides = array<i32>} : memref<128x128xf32, #tpu.memory_space<vmem>>, vector<1x16xf32>,
        %get3A_577 = vector.shape_cast %get3A_576 : vector<1x16xf32> to vector<16xf32>
        %ne3A = arith.constant 524288 : i32
        %ne3A_578 = vector.broadcast %ne3A : i32 to vector<16xi32>
        %ne3A_579 = arith.cmpi ne, %get3A_569, %ne3A_578 : vector<16xi32>
        %eq3A = arith.cmpf oeq, %get3A_573, %get3A_577 : vector<16xf32>
        %and3A_580 = arith.andi %ne3A_579, %eq3A : vector<16xi1>
        %jit3A = arith.constant 524288 : i32
        %broadcast_in_dim3A_581 = vector.broadcast %jit3A : i32 to vector<16xi32>
        %select_n3A = arith.select %and3A_580, %broadcast_in_dim3A_581, %get3A_569 : vector<16xi1>, vector<16xi32>
        %swap3A_582 = arith.index_cast %shift_right_arithmetic3A_563 : i32 to index
        %swap3A_583 = arith.index_cast %mul3A_566 : i32 to index
        %swap3A_584 = tpu.vector_load %arg7[%swap3A_582, %swap3A_583] {strides = array<i32>} : memref<128x128xi32, #tpu.memory_space<vmem>>, vector<1x16xi32>,
        %swap3A_585 = vector.shape_cast %swap3A_584 : vector<1x16xi32> to vector<16xi32>
        %swap3A_586 = vector.shape_cast %select_n3A : vector<16xi32> to vector<1x16xi32>
        tpu.vector_store %arg7[%swap3A_582, %swap3A_583], %swap3A_586 {strides = array<i32>} : memref<128x128xi32, #tpu.memory_space<vmem>>, vector<1x16xi32>,
        %jit3A_587 = arith.constant 524288 : i32
        %broadcast_in_dim3A_588 = vector.broadcast %jit3A_587 : i32 to vector<16xi32>
        %select_n3A_589 = arith.select %and3A_580, %get3A_569, %broadcast_in_dim3A_588 : vector<16xi1>, vector<16xi32>
        %swap3A_590 = arith.index_cast %shift_right_arithmetic3A_563 : i32 to index
        %swap3A_591 = arith.index_cast %mul3A_566 : i32 to index
        %swap3A_592 = tpu.vector_load %arg6[%swap3A_590, %swap3A_591] {strides = array<i32>} : memref<128x128xi32, #tpu.memory_space<vmem>>, vector<1x16xi32>,
        %swap3A_593 = vector.shape_cast %swap3A_592 : vector<1x16xi32> to vector<16xi32>
        %swap3A_594 = vector.shape_cast %select_n3A_589 : vector<16xi32> to vector<1x16xi32>
        tpu.vector_store %arg6[%swap3A_590, %swap3A_591], %swap3A_594 {strides = array<i32>} : memref<128x128xi32, #tpu.memory_space<vmem>>, vector<1x16xi32>,
      }
      %scan3A_550 = arith.constant 1024 : i32
      %scan3A_551 = arith.constant 0 : i32
      %scan3A_552 = arith.constant 128 : i32
      %scan3A_553 = arith.addi %scan3A_551, %scan3A_552 : i32
      %scan3A_554 = arith.constant 1 : i32
      scf.for %scan3A_562 = %scan3A_551 to %scan3A_553 step %scan3A_554  : i32 {
        %dma_start3A = arith.constant 0 : i32
        %dma_start3A_563 = tpu.memref_slice %arg6[%scan3A_562, %dma_start3A] : memref<128x128xi32, #tpu.memory_space<vmem>> -> memref<1x128xi32, #tpu.memory_space<vmem>>
        %dma_start3A_564 = tpu.memref_squeeze %dma_start3A_563 : memref<1x128xi32, #tpu.memory_space<vmem>> -> memref<128xi32, #tpu.memory_space<vmem>>
        %dma_start3A_565 = arith.constant 0 : i32
        %dma_start3A_566 = tpu.memref_slice %arg12[%dma_start3A_565] : memref<524352xf32, #tpu.memory_space<vmem_shared>> -> memref<524352xf32, #tpu.memory_space<vmem_shared>>
        tpu.enqueue_indirect_dma source(%arg10 : memref<128xf32, #tpu.memory_space<vmem>>) target(%dma_start3A_566 : memref<524352xf32, #tpu.memory_space<vmem_shared>>) offsets(%dma_start3A_564 : memref<128xi32, #tpu.memory_space<vmem>>) semaphore(%arg13 : memref<!tpu.dma_semaphore, #tpu.memory_space<semaphore_mem>>)
      }
      %scan3A_555 = arith.constant 128 : i32
      %scan3A_556 = arith.constant 0 : i32
      %scan3A_557 = arith.constant 128 : i32
      %scan3A_558 = arith.addi %scan3A_556, %scan3A_557 : i32
      %scan3A_559 = arith.constant 1 : i32
      scf.for %scan3A_562 = %scan3A_556 to %scan3A_558 step %scan3A_559  : i32 {
        %dma_wait3A = arith.constant 0 : i32
        %dma_wait3A_563 = tpu.memref_slice %arg6[%scan3A_562, %dma_wait3A] : memref<128x128xi32, #tpu.memory_space<vmem>> -> memref<1x128xi32, #tpu.memory_space<vmem>>
        %dma_wait3A_564 = tpu.memref_squeeze %dma_wait3A_563 : memref<1x128xi32, #tpu.memory_space<vmem>> -> memref<128xi32, #tpu.memory_space<vmem>>
        %dma_wait3A_565 = arith.constant 0 : i32
        %dma_wait3A_566 = tpu.memref_slice %arg12[%dma_wait3A_565] : memref<524352xf32, #tpu.memory_space<vmem_shared>> -> memref<524352xf32, #tpu.memory_space<vmem_shared>>
        tpu.wait_indirect_dma semaphore(%arg13 : memref<!tpu.dma_semaphore, #tpu.memory_space<semaphore_mem>>) src(%arg10 : memref<128xf32, #tpu.memory_space<vmem>>) dst(%dma_wait3A_566 : memref<524352xf32, #tpu.memory_space<vmem_shared>>)
      }
      %scan3A_560 = arith.constant 128 : i32
      %barrier3A_561 = arith.constant 0 : index
      tpu.barrier barrier_id(%barrier3A_561)
    }
    %scan3A_179 = arith.constant 8 : i32
    %mul3A_180 = arith.constant 262144 : i32
    %mul3A_181 = arith.muli %add3A_136, %mul3A_180 : i32
    %mul3A_182 = arith.constant 32768 : i32
    %mul3A_183 = arith.muli %arg1, %mul3A_182 : i32
    %add3A_184 = arith.addi %mul3A_181, %mul3A_183 : i32
    %mul3A_185 = arith.constant 32768 : i32
    %mul3A_186 = arith.muli %arg1, %mul3A_185 : i32
    "tpu.region"() ({
      %run_scoped3A = tpu.sem_alloc : memref<!tpu.dma_semaphore, #tpu.memory_space<semaphore_mem>>
      %dma_start3A = tpu.memref_slice %arg4[%add3A_184] : memref<8388608xf32, #tpu.memory_space<hbm>> -> memref<32768xf32, #tpu.memory_space<hbm>>
      %dma_start3A_463 = tpu.memref_slice %arg12[%mul3A_186] : memref<524352xf32, #tpu.memory_space<vmem_shared>> -> memref<32768xf32, #tpu.memory_space<vmem_shared>>
      tpu.enqueue_dma source(%dma_start3A_463 : memref<32768xf32, #tpu.memory_space<vmem_shared>>) target(%dma_start3A : memref<32768xf32, #tpu.memory_space<hbm>>) target_semaphore(%run_scoped3A : memref<!tpu.dma_semaphore, #tpu.memory_space<semaphore_mem>>)
      %dma_wait3A = tpu.memref_slice %arg4[%add3A_184] : memref<8388608xf32, #tpu.memory_space<hbm>> -> memref<32768xf32, #tpu.memory_space<hbm>>
      %dma_wait3A_464 = tpu.memref_slice %arg12[%mul3A_186] : memref<524352xf32, #tpu.memory_space<vmem_shared>> -> memref<32768xf32, #tpu.memory_space<vmem_shared>>
      tpu.wait_dma2 semaphore(%run_scoped3A : memref<!tpu.dma_semaphore, #tpu.memory_space<semaphore_mem>>) src(%dma_wait3A_464 : memref<32768xf32, #tpu.memory_space<vmem_shared>>) dst(%dma_wait3A : memref<32768xf32, #tpu.memory_space<hbm>>)
      tpu.yield
    }) : () -> ()
    %barrier3A_187 = arith.constant 0 : index
    tpu.barrier barrier_id(%barrier3A_187)
    %mul3A_188 = arith.constant 16 : i32
    %mul3A_189 = arith.muli %arg0, %mul3A_188 : i32
    %add3A_190 = arith.constant 6 : i32
    %add3A_191 = arith.addi %mul3A_189, %add3A_190 : i32
    %mul3A_192 = arith.constant 32768 : i32
    %mul3A_193 = arith.muli %arg1, %mul3A_192 : i32
    %add3A_194 = arith.constant 0 : i32
    %add3A_195 = arith.addi %mul3A_193, %add3A_194 : i32
    "tpu.region"() ({
      %run_scoped3A = tpu.sem_alloc : memref<!tpu.dma_semaphore, #tpu.memory_space<semaphore_mem>>
      %dma_start3A = tpu.memref_slice %arg12[%add3A_195] : memref<524352xf32, #tpu.memory_space<vmem_shared>> -> memref<4096xf32, #tpu.memory_space<vmem_shared>>
      %dma_start3A_463 = tpu.memref_slice %arg12[%add3A_195] : memref<524352xf32, #tpu.memory_space<vmem_shared>> -> memref<4096xf32, #tpu.memory_space<vmem_shared>>
      tpu.enqueue_dma source(%arg11 : memref<4096xf32, #tpu.memory_space<vmem>>) target(%dma_start3A_463 : memref<4096xf32, #tpu.memory_space<vmem_shared>>) target_semaphore(%run_scoped3A : memref<!tpu.dma_semaphore, #tpu.memory_space<semaphore_mem>>)
      %dma_wait3A = tpu.memref_slice %arg12[%add3A_195] : memref<524352xf32, #tpu.memory_space<vmem_shared>> -> memref<4096xf32, #tpu.memory_space<vmem_shared>>
      %dma_wait3A_464 = tpu.memref_slice %arg12[%add3A_195] : memref<524352xf32, #tpu.memory_space<vmem_shared>> -> memref<4096xf32, #tpu.memory_space<vmem_shared>>
      tpu.wait_dma2 semaphore(%run_scoped3A : memref<!tpu.dma_semaphore, #tpu.memory_space<semaphore_mem>>) src(%arg11 : memref<4096xf32, #tpu.memory_space<vmem>>) dst(%dma_wait3A_464 : memref<4096xf32, #tpu.memory_space<vmem_shared>>)
      tpu.yield
    }) : () -> ()
    %mul3A_196 = arith.constant 32768 : i32
    %mul3A_197 = arith.muli %arg1, %mul3A_196 : i32
    %add3A_198 = arith.constant 4096 : i32
    %add3A_199 = arith.addi %mul3A_197, %add3A_198 : i32
    "tpu.region"() ({
      %run_scoped3A = tpu.sem_alloc : memref<!tpu.dma_semaphore, #tpu.memory_space<semaphore_mem>>
      %dma_start3A = tpu.memref_slice %arg12[%add3A_199] : memref<524352xf32, #tpu.memory_space<vmem_shared>> -> memref<4096xf32, #tpu.memory_space<vmem_shared>>
      %dma_start3A_463 = tpu.memref_slice %arg12[%add3A_199] : memref<524352xf32, #tpu.memory_space<vmem_shared>> -> memref<4096xf32, #tpu.memory_space<vmem_shared>>
      tpu.enqueue_dma source(%arg11 : memref<4096xf32, #tpu.memory_space<vmem>>) target(%dma_start3A_463 : memref<4096xf32, #tpu.memory_space<vmem_shared>>) target_semaphore(%run_scoped3A : memref<!tpu.dma_semaphore, #tpu.memory_space<semaphore_mem>>)
      %dma_wait3A = tpu.memref_slice %arg12[%add3A_199] : memref<524352xf32, #tpu.memory_space<vmem_shared>> -> memref<4096xf32, #tpu.memory_space<vmem_shared>>
      %dma_wait3A_464 = tpu.memref_slice %arg12[%add3A_199] : memref<524352xf32, #tpu.memory_space<vmem_shared>> -> memref<4096xf32, #tpu.memory_space<vmem_shared>>
      tpu.wait_dma2 semaphore(%run_scoped3A : memref<!tpu.dma_semaphore, #tpu.memory_space<semaphore_mem>>) src(%arg11 : memref<4096xf32, #tpu.memory_space<vmem>>) dst(%dma_wait3A_464 : memref<4096xf32, #tpu.memory_space<vmem_shared>>)
      tpu.yield
    }) : () -> ()
    %mul3A_200 = arith.constant 32768 : i32
    %mul3A_201 = arith.muli %arg1, %mul3A_200 : i32
    %add3A_202 = arith.constant 8192 : i32
    %add3A_203 = arith.addi %mul3A_201, %add3A_202 : i32
    "tpu.region"() ({
      %run_scoped3A = tpu.sem_alloc : memref<!tpu.dma_semaphore, #tpu.memory_space<semaphore_mem>>
      %dma_start3A = tpu.memref_slice %arg12[%add3A_203] : memref<524352xf32, #tpu.memory_space<vmem_shared>> -> memref<4096xf32, #tpu.memory_space<vmem_shared>>
      %dma_start3A_463 = tpu.memref_slice %arg12[%add3A_203] : memref<524352xf32, #tpu.memory_space<vmem_shared>> -> memref<4096xf32, #tpu.memory_space<vmem_shared>>
      tpu.enqueue_dma source(%arg11 : memref<4096xf32, #tpu.memory_space<vmem>>) target(%dma_start3A_463 : memref<4096xf32, #tpu.memory_space<vmem_shared>>) target_semaphore(%run_scoped3A : memref<!tpu.dma_semaphore, #tpu.memory_space<semaphore_mem>>)
      %dma_wait3A = tpu.memref_slice %arg12[%add3A_203] : memref<524352xf32, #tpu.memory_space<vmem_shared>> -> memref<4096xf32, #tpu.memory_space<vmem_shared>>
      %dma_wait3A_464 = tpu.memref_slice %arg12[%add3A_203] : memref<524352xf32, #tpu.memory_space<vmem_shared>> -> memref<4096xf32, #tpu.memory_space<vmem_shared>>
      tpu.wait_dma2 semaphore(%run_scoped3A : memref<!tpu.dma_semaphore, #tpu.memory_space<semaphore_mem>>) src(%arg11 : memref<4096xf32, #tpu.memory_space<vmem>>) dst(%dma_wait3A_464 : memref<4096xf32, #tpu.memory_space<vmem_shared>>)
      tpu.yield
    }) : () -> ()
    %mul3A_204 = arith.constant 32768 : i32
    %mul3A_205 = arith.muli %arg1, %mul3A_204 : i32
    %add3A_206 = arith.constant 12288 : i32
    %add3A_207 = arith.addi %mul3A_205, %add3A_206 : i32
    "tpu.region"() ({
      %run_scoped3A = tpu.sem_alloc : memref<!tpu.dma_semaphore, #tpu.memory_space<semaphore_mem>>
      %dma_start3A = tpu.memref_slice %arg12[%add3A_207] : memref<524352xf32, #tpu.memory_space<vmem_shared>> -> memref<4096xf32, #tpu.memory_space<vmem_shared>>
      %dma_start3A_463 = tpu.memref_slice %arg12[%add3A_207] : memref<524352xf32, #tpu.memory_space<vmem_shared>> -> memref<4096xf32, #tpu.memory_space<vmem_shared>>
      tpu.enqueue_dma source(%arg11 : memref<4096xf32, #tpu.memory_space<vmem>>) target(%dma_start3A_463 : memref<4096xf32, #tpu.memory_space<vmem_shared>>) target_semaphore(%run_scoped3A : memref<!tpu.dma_semaphore, #tpu.memory_space<semaphore_mem>>)
      %dma_wait3A = tpu.memref_slice %arg12[%add3A_207] : memref<524352xf32, #tpu.memory_space<vmem_shared>> -> memref<4096xf32, #tpu.memory_space<vmem_shared>>
      %dma_wait3A_464 = tpu.memref_slice %arg12[%add3A_207] : memref<524352xf32, #tpu.memory_space<vmem_shared>> -> memref<4096xf32, #tpu.memory_space<vmem_shared>>
      tpu.wait_dma2 semaphore(%run_scoped3A : memref<!tpu.dma_semaphore, #tpu.memory_space<semaphore_mem>>) src(%arg11 : memref<4096xf32, #tpu.memory_space<vmem>>) dst(%dma_wait3A_464 : memref<4096xf32, #tpu.memory_space<vmem_shared>>)
      tpu.yield
    }) : () -> ()
    %mul3A_208 = arith.constant 32768 : i32
    %mul3A_209 = arith.muli %arg1, %mul3A_208 : i32
    %add3A_210 = arith.constant 16384 : i32
    %add3A_211 = arith.addi %mul3A_209, %add3A_210 : i32
    "tpu.region"() ({
      %run_scoped3A = tpu.sem_alloc : memref<!tpu.dma_semaphore, #tpu.memory_space<semaphore_mem>>
      %dma_start3A = tpu.memref_slice %arg12[%add3A_211] : memref<524352xf32, #tpu.memory_space<vmem_shared>> -> memref<4096xf32, #tpu.memory_space<vmem_shared>>
      %dma_start3A_463 = tpu.memref_slice %arg12[%add3A_211] : memref<524352xf32, #tpu.memory_space<vmem_shared>> -> memref<4096xf32, #tpu.memory_space<vmem_shared>>
      tpu.enqueue_dma source(%arg11 : memref<4096xf32, #tpu.memory_space<vmem>>) target(%dma_start3A_463 : memref<4096xf32, #tpu.memory_space<vmem_shared>>) target_semaphore(%run_scoped3A : memref<!tpu.dma_semaphore, #tpu.memory_space<semaphore_mem>>)
      %dma_wait3A = tpu.memref_slice %arg12[%add3A_211] : memref<524352xf32, #tpu.memory_space<vmem_shared>> -> memref<4096xf32, #tpu.memory_space<vmem_shared>>
      %dma_wait3A_464 = tpu.memref_slice %arg12[%add3A_211] : memref<524352xf32, #tpu.memory_space<vmem_shared>> -> memref<4096xf32, #tpu.memory_space<vmem_shared>>
      tpu.wait_dma2 semaphore(%run_scoped3A : memref<!tpu.dma_semaphore, #tpu.memory_space<semaphore_mem>>) src(%arg11 : memref<4096xf32, #tpu.memory_space<vmem>>) dst(%dma_wait3A_464 : memref<4096xf32, #tpu.memory_space<vmem_shared>>)
      tpu.yield
    }) : () -> ()
    %mul3A_212 = arith.constant 32768 : i32
    %mul3A_213 = arith.muli %arg1, %mul3A_212 : i32
    %add3A_214 = arith.constant 20480 : i32
    %add3A_215 = arith.addi %mul3A_213, %add3A_214 : i32
    "tpu.region"() ({
      %run_scoped3A = tpu.sem_alloc : memref<!tpu.dma_semaphore, #tpu.memory_space<semaphore_mem>>
      %dma_start3A = tpu.memref_slice %arg12[%add3A_215] : memref<524352xf32, #tpu.memory_space<vmem_shared>> -> memref<4096xf32, #tpu.memory_space<vmem_shared>>
      %dma_start3A_463 = tpu.memref_slice %arg12[%add3A_215] : memref<524352xf32, #tpu.memory_space<vmem_shared>> -> memref<4096xf32, #tpu.memory_space<vmem_shared>>
      tpu.enqueue_dma source(%arg11 : memref<4096xf32, #tpu.memory_space<vmem>>) target(%dma_start3A_463 : memref<4096xf32, #tpu.memory_space<vmem_shared>>) target_semaphore(%run_scoped3A : memref<!tpu.dma_semaphore, #tpu.memory_space<semaphore_mem>>)
      %dma_wait3A = tpu.memref_slice %arg12[%add3A_215] : memref<524352xf32, #tpu.memory_space<vmem_shared>> -> memref<4096xf32, #tpu.memory_space<vmem_shared>>
      %dma_wait3A_464 = tpu.memref_slice %arg12[%add3A_215] : memref<524352xf32, #tpu.memory_space<vmem_shared>> -> memref<4096xf32, #tpu.memory_space<vmem_shared>>
      tpu.wait_dma2 semaphore(%run_scoped3A : memref<!tpu.dma_semaphore, #tpu.memory_space<semaphore_mem>>) src(%arg11 : memref<4096xf32, #tpu.memory_space<vmem>>) dst(%dma_wait3A_464 : memref<4096xf32, #tpu.memory_space<vmem_shared>>)
      tpu.yield
    }) : () -> ()
    %mul3A_216 = arith.constant 32768 : i32
    %mul3A_217 = arith.muli %arg1, %mul3A_216 : i32
    %add3A_218 = arith.constant 24576 : i32
    %add3A_219 = arith.addi %mul3A_217, %add3A_218 : i32
    "tpu.region"() ({
      %run_scoped3A = tpu.sem_alloc : memref<!tpu.dma_semaphore, #tpu.memory_space<semaphore_mem>>
      %dma_start3A = tpu.memref_slice %arg12[%add3A_219] : memref<524352xf32, #tpu.memory_space<vmem_shared>> -> memref<4096xf32, #tpu.memory_space<vmem_shared>>
      %dma_start3A_463 = tpu.memref_slice %arg12[%add3A_219] : memref<524352xf32, #tpu.memory_space<vmem_shared>> -> memref<4096xf32, #tpu.memory_space<vmem_shared>>
      tpu.enqueue_dma source(%arg11 : memref<4096xf32, #tpu.memory_space<vmem>>) target(%dma_start3A_463 : memref<4096xf32, #tpu.memory_space<vmem_shared>>) target_semaphore(%run_scoped3A : memref<!tpu.dma_semaphore, #tpu.memory_space<semaphore_mem>>)
      %dma_wait3A = tpu.memref_slice %arg12[%add3A_219] : memref<524352xf32, #tpu.memory_space<vmem_shared>> -> memref<4096xf32, #tpu.memory_space<vmem_shared>>
      %dma_wait3A_464 = tpu.memref_slice %arg12[%add3A_219] : memref<524352xf32, #tpu.memory_space<vmem_shared>> -> memref<4096xf32, #tpu.memory_space<vmem_shared>>
      tpu.wait_dma2 semaphore(%run_scoped3A : memref<!tpu.dma_semaphore, #tpu.memory_space<semaphore_mem>>) src(%arg11 : memref<4096xf32, #tpu.memory_space<vmem>>) dst(%dma_wait3A_464 : memref<4096xf32, #tpu.memory_space<vmem_shared>>)
      tpu.yield
    }) : () -> ()
    %mul3A_220 = arith.constant 32768 : i32
    %mul3A_221 = arith.muli %arg1, %mul3A_220 : i32
    %add3A_222 = arith.constant 28672 : i32
    %add3A_223 = arith.addi %mul3A_221, %add3A_222 : i32
    "tpu.region"() ({
      %run_scoped3A = tpu.sem_alloc : memref<!tpu.dma_semaphore, #tpu.memory_space<semaphore_mem>>
      %dma_start3A = tpu.memref_slice %arg12[%add3A_223] : memref<524352xf32, #tpu.memory_space<vmem_shared>> -> memref<4096xf32, #tpu.memory_space<vmem_shared>>
      %dma_start3A_463 = tpu.memref_slice %arg12[%add3A_223] : memref<524352xf32, #tpu.memory_space<vmem_shared>> -> memref<4096xf32, #tpu.memory_space<vmem_shared>>
      tpu.enqueue_dma source(%arg11 : memref<4096xf32, #tpu.memory_space<vmem>>) target(%dma_start3A_463 : memref<4096xf32, #tpu.memory_space<vmem_shared>>) target_semaphore(%run_scoped3A : memref<!tpu.dma_semaphore, #tpu.memory_space<semaphore_mem>>)
      %dma_wait3A = tpu.memref_slice %arg12[%add3A_223] : memref<524352xf32, #tpu.memory_space<vmem_shared>> -> memref<4096xf32, #tpu.memory_space<vmem_shared>>
      %dma_wait3A_464 = tpu.memref_slice %arg12[%add3A_223] : memref<524352xf32, #tpu.memory_space<vmem_shared>> -> memref<4096xf32, #tpu.memory_space<vmem_shared>>
      tpu.wait_dma2 semaphore(%run_scoped3A : memref<!tpu.dma_semaphore, #tpu.memory_space<semaphore_mem>>) src(%arg11 : memref<4096xf32, #tpu.memory_space<vmem>>) dst(%dma_wait3A_464 : memref<4096xf32, #tpu.memory_space<vmem_shared>>)
      tpu.yield
    }) : () -> ()
    %barrier3A_224 = arith.constant 0 : index
    tpu.barrier barrier_id(%barrier3A_224)
    %scan3A_225 = arith.constant 0 : i32
    %scan3A_226 = arith.constant 1024 : i32
    %scan3A_227 = arith.addi %scan3A_225, %scan3A_226 : i32
    %scan3A_228 = arith.constant 1 : i32
    scf.for %scan3A_463 = %scan3A_225 to %scan3A_227 step %scan3A_228  : i32 {
      %mul3A_464 = arith.constant 16 : i32
      %mul3A_465 = arith.muli %scan3A_463, %mul3A_464 : i32
      %get3A = arith.index_cast %mul3A_465 : i32 to index
      %get3A_466 = tpu.vector_load %arg5[%get3A] {strides = array<i32>} : memref<16384xi32, #tpu.memory_space<vmem>>, vector<16xi32>,
      %get3A_467 = vector.shape_cast %get3A_466 : vector<16xi32> to vector<16xi32>
      %mul3A_468 = arith.constant 262144 : i32
      %mul3A_469 = arith.muli %add3A_191, %mul3A_468 : i32
      %sub3A = vector.broadcast %mul3A_469 : i32 to vector<16xi32>
      %sub3A_470 = arith.subi %get3A_467, %sub3A : vector<16xi32>
      %ge3A = arith.constant 0 : i32
      %ge3A_471 = vector.broadcast %ge3A : i32 to vector<16xi32>
      %ge3A_472 = arith.cmpi sge, %sub3A_470, %ge3A_471 : vector<16xi32>
      %lt3A = arith.constant 524288 : i32
      %lt3A_473 = vector.broadcast %lt3A : i32 to vector<16xi32>
      %lt3A_474 = arith.cmpi slt, %sub3A_470, %lt3A_473 : vector<16xi32>
      %and3A = arith.andi %ge3A_472, %lt3A_474 : vector<16xi1>
      %jit3A = arith.constant 524288 : i32
      %broadcast_in_dim3A = vector.broadcast %jit3A : i32 to vector<16xi32>
      %select_n3A = arith.select %and3A, %sub3A_470, %broadcast_in_dim3A : vector<16xi1>, vector<16xi32>
      %shift_right_arithmetic3A = arith.constant 3 : i32
      %shift_right_arithmetic3A_475 = arith.shrsi %scan3A_463, %shift_right_arithmetic3A : i32
      %and3A_476 = arith.constant 7 : i32
      %and3A_477 = arith.andi %scan3A_463, %and3A_476 : i32
      %mul3A_478 = arith.constant 16 : i32
      %mul3A_479 = arith.muli %and3A_477, %mul3A_478 : i32
      %swap3A = arith.index_cast %shift_right_arithmetic3A_475 : i32 to index
      %swap3A_480 = arith.index_cast %mul3A_479 : i32 to index
      %swap3A_481 = tpu.vector_load %arg7[%swap3A, %swap3A_480] {strides = array<i32>} : memref<128x128xi32, #tpu.memory_space<vmem>>, vector<1x16xi32>,
      %swap3A_482 = vector.shape_cast %swap3A_481 : vector<1x16xi32> to vector<16xi32>
      %swap3A_483 = vector.shape_cast %select_n3A : vector<16xi32> to vector<1x16xi32>
      tpu.vector_store %arg7[%swap3A, %swap3A_480], %swap3A_483 {strides = array<i32>} : memref<128x128xi32, #tpu.memory_space<vmem>>, vector<1x16xi32>,
    }
    %scan3A_229 = arith.constant 1024 : i32
    %scan3A_230 = arith.constant 0 : i32
    %scan3A_231 = arith.constant 8 : i32
    %scan3A_232 = arith.addi %scan3A_230, %scan3A_231 : i32
    %scan3A_233 = arith.constant 1 : i32
    scf.for %scan3A_463 = %scan3A_230 to %scan3A_232 step %scan3A_233  : i32 {
      %add3A_464 = arith.constant 1 : i32
      %add3A_465 = arith.addi %scan3A_463, %add3A_464 : i32
      %convert_element_type3A = arith.sitofp %add3A_465 : i32 to f32
      %broadcast_in_dim3A = vector.broadcast %convert_element_type3A : f32 to vector<16xf32>
      %swap3A = arith.constant 0 : index
      %swap3A_466 = tpu.vector_load %arg10[%swap3A] {strides = array<i32>} : memref<128xf32, #tpu.memory_space<vmem>>, vector<16xf32>,
      %swap3A_467 = vector.shape_cast %swap3A_466 : vector<16xf32> to vector<16xf32>
      %swap3A_468 = vector.shape_cast %broadcast_in_dim3A : vector<16xf32> to vector<16xf32>
      tpu.vector_store %arg10[%swap3A], %swap3A_468 {strides = array<i32>} : memref<128xf32, #tpu.memory_space<vmem>>, vector<16xf32>,
      %add3A_469 = arith.constant 1 : i32
      %add3A_470 = arith.addi %scan3A_463, %add3A_469 : i32
      %convert_element_type3A_471 = arith.sitofp %add3A_470 : i32 to f32
      %broadcast_in_dim3A_472 = vector.broadcast %convert_element_type3A_471 : f32 to vector<16xf32>
      %swap3A_473 = arith.constant 16 : index
      %swap3A_474 = tpu.vector_load %arg10[%swap3A_473] {strides = array<i32>} : memref<128xf32, #tpu.memory_space<vmem>>, vector<16xf32>,
      %swap3A_475 = vector.shape_cast %swap3A_474 : vector<16xf32> to vector<16xf32>
      %swap3A_476 = vector.shape_cast %broadcast_in_dim3A_472 : vector<16xf32> to vector<16xf32>
      tpu.vector_store %arg10[%swap3A_473], %swap3A_476 {strides = array<i32>} : memref<128xf32, #tpu.memory_space<vmem>>, vector<16xf32>,
      %add3A_477 = arith.constant 1 : i32
      %add3A_478 = arith.addi %scan3A_463, %add3A_477 : i32
      %convert_element_type3A_479 = arith.sitofp %add3A_478 : i32 to f32
      %broadcast_in_dim3A_480 = vector.broadcast %convert_element_type3A_479 : f32 to vector<16xf32>
      %swap3A_481 = arith.constant 32 : index
      %swap3A_482 = tpu.vector_load %arg10[%swap3A_481] {strides = array<i32>} : memref<128xf32, #tpu.memory_space<vmem>>, vector<16xf32>,
      %swap3A_483 = vector.shape_cast %swap3A_482 : vector<16xf32> to vector<16xf32>
      %swap3A_484 = vector.shape_cast %broadcast_in_dim3A_480 : vector<16xf32> to vector<16xf32>
      tpu.vector_store %arg10[%swap3A_481], %swap3A_484 {strides = array<i32>} : memref<128xf32, #tpu.memory_space<vmem>>, vector<16xf32>,
      %add3A_485 = arith.constant 1 : i32
      %add3A_486 = arith.addi %scan3A_463, %add3A_485 : i32
      %convert_element_type3A_487 = arith.sitofp %add3A_486 : i32 to f32
      %broadcast_in_dim3A_488 = vector.broadcast %convert_element_type3A_487 : f32 to vector<16xf32>
      %swap3A_489 = arith.constant 48 : index
      %swap3A_490 = tpu.vector_load %arg10[%swap3A_489] {strides = array<i32>} : memref<128xf32, #tpu.memory_space<vmem>>, vector<16xf32>,
      %swap3A_491 = vector.shape_cast %swap3A_490 : vector<16xf32> to vector<16xf32>
      %swap3A_492 = vector.shape_cast %broadcast_in_dim3A_488 : vector<16xf32> to vector<16xf32>
      tpu.vector_store %arg10[%swap3A_489], %swap3A_492 {strides = array<i32>} : memref<128xf32, #tpu.memory_space<vmem>>, vector<16xf32>,
      %add3A_493 = arith.constant 1 : i32
      %add3A_494 = arith.addi %scan3A_463, %add3A_493 : i32
      %convert_element_type3A_495 = arith.sitofp %add3A_494 : i32 to f32
      %broadcast_in_dim3A_496 = vector.broadcast %convert_element_type3A_495 : f32 to vector<16xf32>
      %swap3A_497 = arith.constant 64 : index
      %swap3A_498 = tpu.vector_load %arg10[%swap3A_497] {strides = array<i32>} : memref<128xf32, #tpu.memory_space<vmem>>, vector<16xf32>,
      %swap3A_499 = vector.shape_cast %swap3A_498 : vector<16xf32> to vector<16xf32>
      %swap3A_500 = vector.shape_cast %broadcast_in_dim3A_496 : vector<16xf32> to vector<16xf32>
      tpu.vector_store %arg10[%swap3A_497], %swap3A_500 {strides = array<i32>} : memref<128xf32, #tpu.memory_space<vmem>>, vector<16xf32>,
      %add3A_501 = arith.constant 1 : i32
      %add3A_502 = arith.addi %scan3A_463, %add3A_501 : i32
      %convert_element_type3A_503 = arith.sitofp %add3A_502 : i32 to f32
      %broadcast_in_dim3A_504 = vector.broadcast %convert_element_type3A_503 : f32 to vector<16xf32>
      %swap3A_505 = arith.constant 80 : index
      %swap3A_506 = tpu.vector_load %arg10[%swap3A_505] {strides = array<i32>} : memref<128xf32, #tpu.memory_space<vmem>>, vector<16xf32>,
      %swap3A_507 = vector.shape_cast %swap3A_506 : vector<16xf32> to vector<16xf32>
      %swap3A_508 = vector.shape_cast %broadcast_in_dim3A_504 : vector<16xf32> to vector<16xf32>
      tpu.vector_store %arg10[%swap3A_505], %swap3A_508 {strides = array<i32>} : memref<128xf32, #tpu.memory_space<vmem>>, vector<16xf32>,
      %add3A_509 = arith.constant 1 : i32
      %add3A_510 = arith.addi %scan3A_463, %add3A_509 : i32
      %convert_element_type3A_511 = arith.sitofp %add3A_510 : i32 to f32
      %broadcast_in_dim3A_512 = vector.broadcast %convert_element_type3A_511 : f32 to vector<16xf32>
      %swap3A_513 = arith.constant 96 : index
      %swap3A_514 = tpu.vector_load %arg10[%swap3A_513] {strides = array<i32>} : memref<128xf32, #tpu.memory_space<vmem>>, vector<16xf32>,
      %swap3A_515 = vector.shape_cast %swap3A_514 : vector<16xf32> to vector<16xf32>
      %swap3A_516 = vector.shape_cast %broadcast_in_dim3A_512 : vector<16xf32> to vector<16xf32>
      tpu.vector_store %arg10[%swap3A_513], %swap3A_516 {strides = array<i32>} : memref<128xf32, #tpu.memory_space<vmem>>, vector<16xf32>,
      %add3A_517 = arith.constant 1 : i32
      %add3A_518 = arith.addi %scan3A_463, %add3A_517 : i32
      %convert_element_type3A_519 = arith.sitofp %add3A_518 : i32 to f32
      %broadcast_in_dim3A_520 = vector.broadcast %convert_element_type3A_519 : f32 to vector<16xf32>
      %swap3A_521 = arith.constant 112 : index
      %swap3A_522 = tpu.vector_load %arg10[%swap3A_521] {strides = array<i32>} : memref<128xf32, #tpu.memory_space<vmem>>, vector<16xf32>,
      %swap3A_523 = vector.shape_cast %swap3A_522 : vector<16xf32> to vector<16xf32>
      %swap3A_524 = vector.shape_cast %broadcast_in_dim3A_520 : vector<16xf32> to vector<16xf32>
      tpu.vector_store %arg10[%swap3A_521], %swap3A_524 {strides = array<i32>} : memref<128xf32, #tpu.memory_space<vmem>>, vector<16xf32>,
      %scan3A_525 = arith.constant 0 : i32
      %scan3A_526 = arith.constant 128 : i32
      %scan3A_527 = arith.addi %scan3A_525, %scan3A_526 : i32
      %scan3A_528 = arith.constant 1 : i32
      scf.for %scan3A_562 = %scan3A_525 to %scan3A_527 step %scan3A_528  : i32 {
        %dma_start3A = arith.constant 0 : i32
        %dma_start3A_563 = tpu.memref_slice %arg8[%scan3A_562, %dma_start3A] : memref<128x128xf32, #tpu.memory_space<vmem>> -> memref<1x128xf32, #tpu.memory_space<vmem>>
        %dma_start3A_564 = tpu.memref_squeeze %dma_start3A_563 : memref<1x128xf32, #tpu.memory_space<vmem>> -> memref<128xf32, #tpu.memory_space<vmem>>
        %dma_start3A_565 = arith.constant 0 : i32
        %dma_start3A_566 = tpu.memref_slice %arg7[%scan3A_562, %dma_start3A_565] : memref<128x128xi32, #tpu.memory_space<vmem>> -> memref<1x128xi32, #tpu.memory_space<vmem>>
        %dma_start3A_567 = tpu.memref_squeeze %dma_start3A_566 : memref<1x128xi32, #tpu.memory_space<vmem>> -> memref<128xi32, #tpu.memory_space<vmem>>
        %dma_start3A_568 = arith.constant 0 : i32
        %dma_start3A_569 = tpu.memref_slice %arg12[%dma_start3A_568] : memref<524352xf32, #tpu.memory_space<vmem_shared>> -> memref<524352xf32, #tpu.memory_space<vmem_shared>>
        tpu.enqueue_indirect_dma source(%dma_start3A_564 : memref<128xf32, #tpu.memory_space<vmem>>) target(%dma_start3A_569 : memref<524352xf32, #tpu.memory_space<vmem_shared>>) offsets(%dma_start3A_567 : memref<128xi32, #tpu.memory_space<vmem>>) semaphore(%arg13 : memref<!tpu.dma_semaphore, #tpu.memory_space<semaphore_mem>>)
      }
      %scan3A_529 = arith.constant 128 : i32
      %scan3A_530 = arith.constant 0 : i32
      %scan3A_531 = arith.constant 128 : i32
      %scan3A_532 = arith.addi %scan3A_530, %scan3A_531 : i32
      %scan3A_533 = arith.constant 1 : i32
      scf.for %scan3A_562 = %scan3A_530 to %scan3A_532 step %scan3A_533  : i32 {
        %dma_wait3A = arith.constant 0 : i32
        %dma_wait3A_563 = tpu.memref_slice %arg8[%scan3A_562, %dma_wait3A] : memref<128x128xf32, #tpu.memory_space<vmem>> -> memref<1x128xf32, #tpu.memory_space<vmem>>
        %dma_wait3A_564 = tpu.memref_squeeze %dma_wait3A_563 : memref<1x128xf32, #tpu.memory_space<vmem>> -> memref<128xf32, #tpu.memory_space<vmem>>
        %dma_wait3A_565 = arith.constant 0 : i32
        %dma_wait3A_566 = tpu.memref_slice %arg7[%scan3A_562, %dma_wait3A_565] : memref<128x128xi32, #tpu.memory_space<vmem>> -> memref<1x128xi32, #tpu.memory_space<vmem>>
        %dma_wait3A_567 = tpu.memref_squeeze %dma_wait3A_566 : memref<1x128xi32, #tpu.memory_space<vmem>> -> memref<128xi32, #tpu.memory_space<vmem>>
        %dma_wait3A_568 = arith.constant 0 : i32
        %dma_wait3A_569 = tpu.memref_slice %arg12[%dma_wait3A_568] : memref<524352xf32, #tpu.memory_space<vmem_shared>> -> memref<524352xf32, #tpu.memory_space<vmem_shared>>
        tpu.wait_indirect_dma semaphore(%arg13 : memref<!tpu.dma_semaphore, #tpu.memory_space<semaphore_mem>>) src(%dma_wait3A_564 : memref<128xf32, #tpu.memory_space<vmem>>) dst(%dma_wait3A_569 : memref<524352xf32, #tpu.memory_space<vmem_shared>>)
      }
      %scan3A_534 = arith.constant 128 : i32
      %barrier3A_535 = arith.constant 0 : index
      tpu.barrier barrier_id(%barrier3A_535)
      %scan3A_536 = arith.constant 0 : i32
      %scan3A_537 = arith.constant 128 : i32
      %scan3A_538 = arith.addi %scan3A_536, %scan3A_537 : i32
      %scan3A_539 = arith.constant 1 : i32
      scf.for %scan3A_562 = %scan3A_536 to %scan3A_538 step %scan3A_539  : i32 {
        %dma_start3A = arith.constant 0 : i32
        %dma_start3A_563 = tpu.memref_slice %arg9[%scan3A_562, %dma_start3A] : memref<128x128xf32, #tpu.memory_space<vmem>> -> memref<1x128xf32, #tpu.memory_space<vmem>>
        %dma_start3A_564 = tpu.memref_squeeze %dma_start3A_563 : memref<1x128xf32, #tpu.memory_space<vmem>> -> memref<128xf32, #tpu.memory_space<vmem>>
        %dma_start3A_565 = arith.constant 0 : i32
        %dma_start3A_566 = tpu.memref_slice %arg7[%scan3A_562, %dma_start3A_565] : memref<128x128xi32, #tpu.memory_space<vmem>> -> memref<1x128xi32, #tpu.memory_space<vmem>>
        %dma_start3A_567 = tpu.memref_squeeze %dma_start3A_566 : memref<1x128xi32, #tpu.memory_space<vmem>> -> memref<128xi32, #tpu.memory_space<vmem>>
        %dma_start3A_568 = arith.constant 0 : i32
        %dma_start3A_569 = tpu.memref_slice %arg12[%dma_start3A_568] : memref<524352xf32, #tpu.memory_space<vmem_shared>> -> memref<524352xf32, #tpu.memory_space<vmem_shared>>
        tpu.enqueue_indirect_dma source(%dma_start3A_569 : memref<524352xf32, #tpu.memory_space<vmem_shared>>) target(%dma_start3A_564 : memref<128xf32, #tpu.memory_space<vmem>>) offsets(%dma_start3A_567 : memref<128xi32, #tpu.memory_space<vmem>>) semaphore(%arg13 : memref<!tpu.dma_semaphore, #tpu.memory_space<semaphore_mem>>)
      }
      %scan3A_540 = arith.constant 128 : i32
      %scan3A_541 = arith.constant 0 : i32
      %scan3A_542 = arith.constant 128 : i32
      %scan3A_543 = arith.addi %scan3A_541, %scan3A_542 : i32
      %scan3A_544 = arith.constant 1 : i32
      scf.for %scan3A_562 = %scan3A_541 to %scan3A_543 step %scan3A_544  : i32 {
        %dma_wait3A = arith.constant 0 : i32
        %dma_wait3A_563 = tpu.memref_slice %arg9[%scan3A_562, %dma_wait3A] : memref<128x128xf32, #tpu.memory_space<vmem>> -> memref<1x128xf32, #tpu.memory_space<vmem>>
        %dma_wait3A_564 = tpu.memref_squeeze %dma_wait3A_563 : memref<1x128xf32, #tpu.memory_space<vmem>> -> memref<128xf32, #tpu.memory_space<vmem>>
        %dma_wait3A_565 = arith.constant 0 : i32
        %dma_wait3A_566 = tpu.memref_slice %arg7[%scan3A_562, %dma_wait3A_565] : memref<128x128xi32, #tpu.memory_space<vmem>> -> memref<1x128xi32, #tpu.memory_space<vmem>>
        %dma_wait3A_567 = tpu.memref_squeeze %dma_wait3A_566 : memref<1x128xi32, #tpu.memory_space<vmem>> -> memref<128xi32, #tpu.memory_space<vmem>>
        %dma_wait3A_568 = arith.constant 0 : i32
        %dma_wait3A_569 = tpu.memref_slice %arg12[%dma_wait3A_568] : memref<524352xf32, #tpu.memory_space<vmem_shared>> -> memref<524352xf32, #tpu.memory_space<vmem_shared>>
        tpu.wait_indirect_dma semaphore(%arg13 : memref<!tpu.dma_semaphore, #tpu.memory_space<semaphore_mem>>) src(%dma_wait3A_569 : memref<524352xf32, #tpu.memory_space<vmem_shared>>) dst(%dma_wait3A_564 : memref<128xf32, #tpu.memory_space<vmem>>)
      }
      %scan3A_545 = arith.constant 128 : i32
      %scan3A_546 = arith.constant 0 : i32
      %scan3A_547 = arith.constant 1024 : i32
      %scan3A_548 = arith.addi %scan3A_546, %scan3A_547 : i32
      %scan3A_549 = arith.constant 1 : i32
      scf.for %scan3A_562 = %scan3A_546 to %scan3A_548 step %scan3A_549  : i32 {
        %shift_right_arithmetic3A = arith.constant 3 : i32
        %shift_right_arithmetic3A_563 = arith.shrsi %scan3A_562, %shift_right_arithmetic3A : i32
        %and3A = arith.constant 7 : i32
        %and3A_564 = arith.andi %scan3A_562, %and3A : i32
        %mul3A_565 = arith.constant 16 : i32
        %mul3A_566 = arith.muli %and3A_564, %mul3A_565 : i32
        %get3A = arith.index_cast %shift_right_arithmetic3A_563 : i32 to index
        %get3A_567 = arith.index_cast %mul3A_566 : i32 to index
        %get3A_568 = tpu.vector_load %arg7[%get3A, %get3A_567] {strides = array<i32>} : memref<128x128xi32, #tpu.memory_space<vmem>>, vector<1x16xi32>,
        %get3A_569 = vector.shape_cast %get3A_568 : vector<1x16xi32> to vector<16xi32>
        %get3A_570 = arith.index_cast %shift_right_arithmetic3A_563 : i32 to index
        %get3A_571 = arith.index_cast %mul3A_566 : i32 to index
        %get3A_572 = tpu.vector_load %arg9[%get3A_570, %get3A_571] {strides = array<i32>} : memref<128x128xf32, #tpu.memory_space<vmem>>, vector<1x16xf32>,
        %get3A_573 = vector.shape_cast %get3A_572 : vector<1x16xf32> to vector<16xf32>
        %get3A_574 = arith.index_cast %shift_right_arithmetic3A_563 : i32 to index
        %get3A_575 = arith.index_cast %mul3A_566 : i32 to index
        %get3A_576 = tpu.vector_load %arg8[%get3A_574, %get3A_575] {strides = array<i32>} : memref<128x128xf32, #tpu.memory_space<vmem>>, vector<1x16xf32>,
        %get3A_577 = vector.shape_cast %get3A_576 : vector<1x16xf32> to vector<16xf32>
        %ne3A = arith.constant 524288 : i32
        %ne3A_578 = vector.broadcast %ne3A : i32 to vector<16xi32>
        %ne3A_579 = arith.cmpi ne, %get3A_569, %ne3A_578 : vector<16xi32>
        %eq3A = arith.cmpf oeq, %get3A_573, %get3A_577 : vector<16xf32>
        %and3A_580 = arith.andi %ne3A_579, %eq3A : vector<16xi1>
        %jit3A = arith.constant 524288 : i32
        %broadcast_in_dim3A_581 = vector.broadcast %jit3A : i32 to vector<16xi32>
        %select_n3A = arith.select %and3A_580, %broadcast_in_dim3A_581, %get3A_569 : vector<16xi1>, vector<16xi32>
        %swap3A_582 = arith.index_cast %shift_right_arithmetic3A_563 : i32 to index
        %swap3A_583 = arith.index_cast %mul3A_566 : i32 to index
        %swap3A_584 = tpu.vector_load %arg7[%swap3A_582, %swap3A_583] {strides = array<i32>} : memref<128x128xi32, #tpu.memory_space<vmem>>, vector<1x16xi32>,
        %swap3A_585 = vector.shape_cast %swap3A_584 : vector<1x16xi32> to vector<16xi32>
        %swap3A_586 = vector.shape_cast %select_n3A : vector<16xi32> to vector<1x16xi32>
        tpu.vector_store %arg7[%swap3A_582, %swap3A_583], %swap3A_586 {strides = array<i32>} : memref<128x128xi32, #tpu.memory_space<vmem>>, vector<1x16xi32>,
        %jit3A_587 = arith.constant 524288 : i32
        %broadcast_in_dim3A_588 = vector.broadcast %jit3A_587 : i32 to vector<16xi32>
        %select_n3A_589 = arith.select %and3A_580, %get3A_569, %broadcast_in_dim3A_588 : vector<16xi1>, vector<16xi32>
        %swap3A_590 = arith.index_cast %shift_right_arithmetic3A_563 : i32 to index
        %swap3A_591 = arith.index_cast %mul3A_566 : i32 to index
        %swap3A_592 = tpu.vector_load %arg6[%swap3A_590, %swap3A_591] {strides = array<i32>} : memref<128x128xi32, #tpu.memory_space<vmem>>, vector<1x16xi32>,
        %swap3A_593 = vector.shape_cast %swap3A_592 : vector<1x16xi32> to vector<16xi32>
        %swap3A_594 = vector.shape_cast %select_n3A_589 : vector<16xi32> to vector<1x16xi32>
        tpu.vector_store %arg6[%swap3A_590, %swap3A_591], %swap3A_594 {strides = array<i32>} : memref<128x128xi32, #tpu.memory_space<vmem>>, vector<1x16xi32>,
      }
      %scan3A_550 = arith.constant 1024 : i32
      %scan3A_551 = arith.constant 0 : i32
      %scan3A_552 = arith.constant 128 : i32
      %scan3A_553 = arith.addi %scan3A_551, %scan3A_552 : i32
      %scan3A_554 = arith.constant 1 : i32
      scf.for %scan3A_562 = %scan3A_551 to %scan3A_553 step %scan3A_554  : i32 {
        %dma_start3A = arith.constant 0 : i32
        %dma_start3A_563 = tpu.memref_slice %arg6[%scan3A_562, %dma_start3A] : memref<128x128xi32, #tpu.memory_space<vmem>> -> memref<1x128xi32, #tpu.memory_space<vmem>>
        %dma_start3A_564 = tpu.memref_squeeze %dma_start3A_563 : memref<1x128xi32, #tpu.memory_space<vmem>> -> memref<128xi32, #tpu.memory_space<vmem>>
        %dma_start3A_565 = arith.constant 0 : i32
        %dma_start3A_566 = tpu.memref_slice %arg12[%dma_start3A_565] : memref<524352xf32, #tpu.memory_space<vmem_shared>> -> memref<524352xf32, #tpu.memory_space<vmem_shared>>
        tpu.enqueue_indirect_dma source(%arg10 : memref<128xf32, #tpu.memory_space<vmem>>) target(%dma_start3A_566 : memref<524352xf32, #tpu.memory_space<vmem_shared>>) offsets(%dma_start3A_564 : memref<128xi32, #tpu.memory_space<vmem>>) semaphore(%arg13 : memref<!tpu.dma_semaphore, #tpu.memory_space<semaphore_mem>>)
      }
      %scan3A_555 = arith.constant 128 : i32
      %scan3A_556 = arith.constant 0 : i32
      %scan3A_557 = arith.constant 128 : i32
      %scan3A_558 = arith.addi %scan3A_556, %scan3A_557 : i32
      %scan3A_559 = arith.constant 1 : i32
      scf.for %scan3A_562 = %scan3A_556 to %scan3A_558 step %scan3A_559  : i32 {
        %dma_wait3A = arith.constant 0 : i32
        %dma_wait3A_563 = tpu.memref_slice %arg6[%scan3A_562, %dma_wait3A] : memref<128x128xi32, #tpu.memory_space<vmem>> -> memref<1x128xi32, #tpu.memory_space<vmem>>
        %dma_wait3A_564 = tpu.memref_squeeze %dma_wait3A_563 : memref<1x128xi32, #tpu.memory_space<vmem>> -> memref<128xi32, #tpu.memory_space<vmem>>
        %dma_wait3A_565 = arith.constant 0 : i32
        %dma_wait3A_566 = tpu.memref_slice %arg12[%dma_wait3A_565] : memref<524352xf32, #tpu.memory_space<vmem_shared>> -> memref<524352xf32, #tpu.memory_space<vmem_shared>>
        tpu.wait_indirect_dma semaphore(%arg13 : memref<!tpu.dma_semaphore, #tpu.memory_space<semaphore_mem>>) src(%arg10 : memref<128xf32, #tpu.memory_space<vmem>>) dst(%dma_wait3A_566 : memref<524352xf32, #tpu.memory_space<vmem_shared>>)
      }
      %scan3A_560 = arith.constant 128 : i32
      %barrier3A_561 = arith.constant 0 : index
      tpu.barrier barrier_id(%barrier3A_561)
    }
    %scan3A_234 = arith.constant 8 : i32
    %mul3A_235 = arith.constant 262144 : i32
    %mul3A_236 = arith.muli %add3A_191, %mul3A_235 : i32
    %mul3A_237 = arith.constant 32768 : i32
    %mul3A_238 = arith.muli %arg1, %mul3A_237 : i32
    %add3A_239 = arith.addi %mul3A_236, %mul3A_238 : i32
    %mul3A_240 = arith.constant 32768 : i32
    %mul3A_241 = arith.muli %arg1, %mul3A_240 : i32
    "tpu.region"() ({
      %run_scoped3A = tpu.sem_alloc : memref<!tpu.dma_semaphore, #tpu.memory_space<semaphore_mem>>
      %dma_start3A = tpu.memref_slice %arg4[%add3A_239] : memref<8388608xf32, #tpu.memory_space<hbm>> -> memref<32768xf32, #tpu.memory_space<hbm>>
      %dma_start3A_463 = tpu.memref_slice %arg12[%mul3A_241] : memref<524352xf32, #tpu.memory_space<vmem_shared>> -> memref<32768xf32, #tpu.memory_space<vmem_shared>>
      tpu.enqueue_dma source(%dma_start3A_463 : memref<32768xf32, #tpu.memory_space<vmem_shared>>) target(%dma_start3A : memref<32768xf32, #tpu.memory_space<hbm>>) target_semaphore(%run_scoped3A : memref<!tpu.dma_semaphore, #tpu.memory_space<semaphore_mem>>)
      %dma_wait3A = tpu.memref_slice %arg4[%add3A_239] : memref<8388608xf32, #tpu.memory_space<hbm>> -> memref<32768xf32, #tpu.memory_space<hbm>>
      %dma_wait3A_464 = tpu.memref_slice %arg12[%mul3A_241] : memref<524352xf32, #tpu.memory_space<vmem_shared>> -> memref<32768xf32, #tpu.memory_space<vmem_shared>>
      tpu.wait_dma2 semaphore(%run_scoped3A : memref<!tpu.dma_semaphore, #tpu.memory_space<semaphore_mem>>) src(%dma_wait3A_464 : memref<32768xf32, #tpu.memory_space<vmem_shared>>) dst(%dma_wait3A : memref<32768xf32, #tpu.memory_space<hbm>>)
      tpu.yield
    }) : () -> ()
    %barrier3A_242 = arith.constant 0 : index
    tpu.barrier barrier_id(%barrier3A_242)
    %mul3A_243 = arith.constant 16 : i32
    %mul3A_244 = arith.muli %arg0, %mul3A_243 : i32
    %add3A_245 = arith.constant 8 : i32
    %add3A_246 = arith.addi %mul3A_244, %add3A_245 : i32
    %mul3A_247 = arith.constant 32768 : i32
    %mul3A_248 = arith.muli %arg1, %mul3A_247 : i32
    %add3A_249 = arith.constant 0 : i32
    %add3A_250 = arith.addi %mul3A_248, %add3A_249 : i32
    "tpu.region"() ({
      %run_scoped3A = tpu.sem_alloc : memref<!tpu.dma_semaphore, #tpu.memory_space<semaphore_mem>>
      %dma_start3A = tpu.memref_slice %arg12[%add3A_250] : memref<524352xf32, #tpu.memory_space<vmem_shared>> -> memref<4096xf32, #tpu.memory_space<vmem_shared>>
      %dma_start3A_463 = tpu.memref_slice %arg12[%add3A_250] : memref<524352xf32, #tpu.memory_space<vmem_shared>> -> memref<4096xf32, #tpu.memory_space<vmem_shared>>
      tpu.enqueue_dma source(%arg11 : memref<4096xf32, #tpu.memory_space<vmem>>) target(%dma_start3A_463 : memref<4096xf32, #tpu.memory_space<vmem_shared>>) target_semaphore(%run_scoped3A : memref<!tpu.dma_semaphore, #tpu.memory_space<semaphore_mem>>)
      %dma_wait3A = tpu.memref_slice %arg12[%add3A_250] : memref<524352xf32, #tpu.memory_space<vmem_shared>> -> memref<4096xf32, #tpu.memory_space<vmem_shared>>
      %dma_wait3A_464 = tpu.memref_slice %arg12[%add3A_250] : memref<524352xf32, #tpu.memory_space<vmem_shared>> -> memref<4096xf32, #tpu.memory_space<vmem_shared>>
      tpu.wait_dma2 semaphore(%run_scoped3A : memref<!tpu.dma_semaphore, #tpu.memory_space<semaphore_mem>>) src(%arg11 : memref<4096xf32, #tpu.memory_space<vmem>>) dst(%dma_wait3A_464 : memref<4096xf32, #tpu.memory_space<vmem_shared>>)
      tpu.yield
    }) : () -> ()
    %mul3A_251 = arith.constant 32768 : i32
    %mul3A_252 = arith.muli %arg1, %mul3A_251 : i32
    %add3A_253 = arith.constant 4096 : i32
    %add3A_254 = arith.addi %mul3A_252, %add3A_253 : i32
    "tpu.region"() ({
      %run_scoped3A = tpu.sem_alloc : memref<!tpu.dma_semaphore, #tpu.memory_space<semaphore_mem>>
      %dma_start3A = tpu.memref_slice %arg12[%add3A_254] : memref<524352xf32, #tpu.memory_space<vmem_shared>> -> memref<4096xf32, #tpu.memory_space<vmem_shared>>
      %dma_start3A_463 = tpu.memref_slice %arg12[%add3A_254] : memref<524352xf32, #tpu.memory_space<vmem_shared>> -> memref<4096xf32, #tpu.memory_space<vmem_shared>>
      tpu.enqueue_dma source(%arg11 : memref<4096xf32, #tpu.memory_space<vmem>>) target(%dma_start3A_463 : memref<4096xf32, #tpu.memory_space<vmem_shared>>) target_semaphore(%run_scoped3A : memref<!tpu.dma_semaphore, #tpu.memory_space<semaphore_mem>>)
      %dma_wait3A = tpu.memref_slice %arg12[%add3A_254] : memref<524352xf32, #tpu.memory_space<vmem_shared>> -> memref<4096xf32, #tpu.memory_space<vmem_shared>>
      %dma_wait3A_464 = tpu.memref_slice %arg12[%add3A_254] : memref<524352xf32, #tpu.memory_space<vmem_shared>> -> memref<4096xf32, #tpu.memory_space<vmem_shared>>
      tpu.wait_dma2 semaphore(%run_scoped3A : memref<!tpu.dma_semaphore, #tpu.memory_space<semaphore_mem>>) src(%arg11 : memref<4096xf32, #tpu.memory_space<vmem>>) dst(%dma_wait3A_464 : memref<4096xf32, #tpu.memory_space<vmem_shared>>)
      tpu.yield
    }) : () -> ()
    %mul3A_255 = arith.constant 32768 : i32
    %mul3A_256 = arith.muli %arg1, %mul3A_255 : i32
    %add3A_257 = arith.constant 8192 : i32
    %add3A_258 = arith.addi %mul3A_256, %add3A_257 : i32
    "tpu.region"() ({
      %run_scoped3A = tpu.sem_alloc : memref<!tpu.dma_semaphore, #tpu.memory_space<semaphore_mem>>
      %dma_start3A = tpu.memref_slice %arg12[%add3A_258] : memref<524352xf32, #tpu.memory_space<vmem_shared>> -> memref<4096xf32, #tpu.memory_space<vmem_shared>>
      %dma_start3A_463 = tpu.memref_slice %arg12[%add3A_258] : memref<524352xf32, #tpu.memory_space<vmem_shared>> -> memref<4096xf32, #tpu.memory_space<vmem_shared>>
      tpu.enqueue_dma source(%arg11 : memref<4096xf32, #tpu.memory_space<vmem>>) target(%dma_start3A_463 : memref<4096xf32, #tpu.memory_space<vmem_shared>>) target_semaphore(%run_scoped3A : memref<!tpu.dma_semaphore, #tpu.memory_space<semaphore_mem>>)
      %dma_wait3A = tpu.memref_slice %arg12[%add3A_258] : memref<524352xf32, #tpu.memory_space<vmem_shared>> -> memref<4096xf32, #tpu.memory_space<vmem_shared>>
      %dma_wait3A_464 = tpu.memref_slice %arg12[%add3A_258] : memref<524352xf32, #tpu.memory_space<vmem_shared>> -> memref<4096xf32, #tpu.memory_space<vmem_shared>>
      tpu.wait_dma2 semaphore(%run_scoped3A : memref<!tpu.dma_semaphore, #tpu.memory_space<semaphore_mem>>) src(%arg11 : memref<4096xf32, #tpu.memory_space<vmem>>) dst(%dma_wait3A_464 : memref<4096xf32, #tpu.memory_space<vmem_shared>>)
      tpu.yield
    }) : () -> ()
    %mul3A_259 = arith.constant 32768 : i32
    %mul3A_260 = arith.muli %arg1, %mul3A_259 : i32
    %add3A_261 = arith.constant 12288 : i32
    %add3A_262 = arith.addi %mul3A_260, %add3A_261 : i32
    "tpu.region"() ({
      %run_scoped3A = tpu.sem_alloc : memref<!tpu.dma_semaphore, #tpu.memory_space<semaphore_mem>>
      %dma_start3A = tpu.memref_slice %arg12[%add3A_262] : memref<524352xf32, #tpu.memory_space<vmem_shared>> -> memref<4096xf32, #tpu.memory_space<vmem_shared>>
      %dma_start3A_463 = tpu.memref_slice %arg12[%add3A_262] : memref<524352xf32, #tpu.memory_space<vmem_shared>> -> memref<4096xf32, #tpu.memory_space<vmem_shared>>
      tpu.enqueue_dma source(%arg11 : memref<4096xf32, #tpu.memory_space<vmem>>) target(%dma_start3A_463 : memref<4096xf32, #tpu.memory_space<vmem_shared>>) target_semaphore(%run_scoped3A : memref<!tpu.dma_semaphore, #tpu.memory_space<semaphore_mem>>)
      %dma_wait3A = tpu.memref_slice %arg12[%add3A_262] : memref<524352xf32, #tpu.memory_space<vmem_shared>> -> memref<4096xf32, #tpu.memory_space<vmem_shared>>
      %dma_wait3A_464 = tpu.memref_slice %arg12[%add3A_262] : memref<524352xf32, #tpu.memory_space<vmem_shared>> -> memref<4096xf32, #tpu.memory_space<vmem_shared>>
      tpu.wait_dma2 semaphore(%run_scoped3A : memref<!tpu.dma_semaphore, #tpu.memory_space<semaphore_mem>>) src(%arg11 : memref<4096xf32, #tpu.memory_space<vmem>>) dst(%dma_wait3A_464 : memref<4096xf32, #tpu.memory_space<vmem_shared>>)
      tpu.yield
    }) : () -> ()
    %mul3A_263 = arith.constant 32768 : i32
    %mul3A_264 = arith.muli %arg1, %mul3A_263 : i32
    %add3A_265 = arith.constant 16384 : i32
    %add3A_266 = arith.addi %mul3A_264, %add3A_265 : i32
    "tpu.region"() ({
      %run_scoped3A = tpu.sem_alloc : memref<!tpu.dma_semaphore, #tpu.memory_space<semaphore_mem>>
      %dma_start3A = tpu.memref_slice %arg12[%add3A_266] : memref<524352xf32, #tpu.memory_space<vmem_shared>> -> memref<4096xf32, #tpu.memory_space<vmem_shared>>
      %dma_start3A_463 = tpu.memref_slice %arg12[%add3A_266] : memref<524352xf32, #tpu.memory_space<vmem_shared>> -> memref<4096xf32, #tpu.memory_space<vmem_shared>>
      tpu.enqueue_dma source(%arg11 : memref<4096xf32, #tpu.memory_space<vmem>>) target(%dma_start3A_463 : memref<4096xf32, #tpu.memory_space<vmem_shared>>) target_semaphore(%run_scoped3A : memref<!tpu.dma_semaphore, #tpu.memory_space<semaphore_mem>>)
      %dma_wait3A = tpu.memref_slice %arg12[%add3A_266] : memref<524352xf32, #tpu.memory_space<vmem_shared>> -> memref<4096xf32, #tpu.memory_space<vmem_shared>>
      %dma_wait3A_464 = tpu.memref_slice %arg12[%add3A_266] : memref<524352xf32, #tpu.memory_space<vmem_shared>> -> memref<4096xf32, #tpu.memory_space<vmem_shared>>
      tpu.wait_dma2 semaphore(%run_scoped3A : memref<!tpu.dma_semaphore, #tpu.memory_space<semaphore_mem>>) src(%arg11 : memref<4096xf32, #tpu.memory_space<vmem>>) dst(%dma_wait3A_464 : memref<4096xf32, #tpu.memory_space<vmem_shared>>)
      tpu.yield
    }) : () -> ()
    %mul3A_267 = arith.constant 32768 : i32
    %mul3A_268 = arith.muli %arg1, %mul3A_267 : i32
    %add3A_269 = arith.constant 20480 : i32
    %add3A_270 = arith.addi %mul3A_268, %add3A_269 : i32
    "tpu.region"() ({
      %run_scoped3A = tpu.sem_alloc : memref<!tpu.dma_semaphore, #tpu.memory_space<semaphore_mem>>
      %dma_start3A = tpu.memref_slice %arg12[%add3A_270] : memref<524352xf32, #tpu.memory_space<vmem_shared>> -> memref<4096xf32, #tpu.memory_space<vmem_shared>>
      %dma_start3A_463 = tpu.memref_slice %arg12[%add3A_270] : memref<524352xf32, #tpu.memory_space<vmem_shared>> -> memref<4096xf32, #tpu.memory_space<vmem_shared>>
      tpu.enqueue_dma source(%arg11 : memref<4096xf32, #tpu.memory_space<vmem>>) target(%dma_start3A_463 : memref<4096xf32, #tpu.memory_space<vmem_shared>>) target_semaphore(%run_scoped3A : memref<!tpu.dma_semaphore, #tpu.memory_space<semaphore_mem>>)
      %dma_wait3A = tpu.memref_slice %arg12[%add3A_270] : memref<524352xf32, #tpu.memory_space<vmem_shared>> -> memref<4096xf32, #tpu.memory_space<vmem_shared>>
      %dma_wait3A_464 = tpu.memref_slice %arg12[%add3A_270] : memref<524352xf32, #tpu.memory_space<vmem_shared>> -> memref<4096xf32, #tpu.memory_space<vmem_shared>>
      tpu.wait_dma2 semaphore(%run_scoped3A : memref<!tpu.dma_semaphore, #tpu.memory_space<semaphore_mem>>) src(%arg11 : memref<4096xf32, #tpu.memory_space<vmem>>) dst(%dma_wait3A_464 : memref<4096xf32, #tpu.memory_space<vmem_shared>>)
      tpu.yield
    }) : () -> ()
    %mul3A_271 = arith.constant 32768 : i32
    %mul3A_272 = arith.muli %arg1, %mul3A_271 : i32
    %add3A_273 = arith.constant 24576 : i32
    %add3A_274 = arith.addi %mul3A_272, %add3A_273 : i32
    "tpu.region"() ({
      %run_scoped3A = tpu.sem_alloc : memref<!tpu.dma_semaphore, #tpu.memory_space<semaphore_mem>>
      %dma_start3A = tpu.memref_slice %arg12[%add3A_274] : memref<524352xf32, #tpu.memory_space<vmem_shared>> -> memref<4096xf32, #tpu.memory_space<vmem_shared>>
      %dma_start3A_463 = tpu.memref_slice %arg12[%add3A_274] : memref<524352xf32, #tpu.memory_space<vmem_shared>> -> memref<4096xf32, #tpu.memory_space<vmem_shared>>
      tpu.enqueue_dma source(%arg11 : memref<4096xf32, #tpu.memory_space<vmem>>) target(%dma_start3A_463 : memref<4096xf32, #tpu.memory_space<vmem_shared>>) target_semaphore(%run_scoped3A : memref<!tpu.dma_semaphore, #tpu.memory_space<semaphore_mem>>)
      %dma_wait3A = tpu.memref_slice %arg12[%add3A_274] : memref<524352xf32, #tpu.memory_space<vmem_shared>> -> memref<4096xf32, #tpu.memory_space<vmem_shared>>
      %dma_wait3A_464 = tpu.memref_slice %arg12[%add3A_274] : memref<524352xf32, #tpu.memory_space<vmem_shared>> -> memref<4096xf32, #tpu.memory_space<vmem_shared>>
      tpu.wait_dma2 semaphore(%run_scoped3A : memref<!tpu.dma_semaphore, #tpu.memory_space<semaphore_mem>>) src(%arg11 : memref<4096xf32, #tpu.memory_space<vmem>>) dst(%dma_wait3A_464 : memref<4096xf32, #tpu.memory_space<vmem_shared>>)
      tpu.yield
    }) : () -> ()
    %mul3A_275 = arith.constant 32768 : i32
    %mul3A_276 = arith.muli %arg1, %mul3A_275 : i32
    %add3A_277 = arith.constant 28672 : i32
    %add3A_278 = arith.addi %mul3A_276, %add3A_277 : i32
    "tpu.region"() ({
      %run_scoped3A = tpu.sem_alloc : memref<!tpu.dma_semaphore, #tpu.memory_space<semaphore_mem>>
      %dma_start3A = tpu.memref_slice %arg12[%add3A_278] : memref<524352xf32, #tpu.memory_space<vmem_shared>> -> memref<4096xf32, #tpu.memory_space<vmem_shared>>
      %dma_start3A_463 = tpu.memref_slice %arg12[%add3A_278] : memref<524352xf32, #tpu.memory_space<vmem_shared>> -> memref<4096xf32, #tpu.memory_space<vmem_shared>>
      tpu.enqueue_dma source(%arg11 : memref<4096xf32, #tpu.memory_space<vmem>>) target(%dma_start3A_463 : memref<4096xf32, #tpu.memory_space<vmem_shared>>) target_semaphore(%run_scoped3A : memref<!tpu.dma_semaphore, #tpu.memory_space<semaphore_mem>>)
      %dma_wait3A = tpu.memref_slice %arg12[%add3A_278] : memref<524352xf32, #tpu.memory_space<vmem_shared>> -> memref<4096xf32, #tpu.memory_space<vmem_shared>>
      %dma_wait3A_464 = tpu.memref_slice %arg12[%add3A_278] : memref<524352xf32, #tpu.memory_space<vmem_shared>> -> memref<4096xf32, #tpu.memory_space<vmem_shared>>
      tpu.wait_dma2 semaphore(%run_scoped3A : memref<!tpu.dma_semaphore, #tpu.memory_space<semaphore_mem>>) src(%arg11 : memref<4096xf32, #tpu.memory_space<vmem>>) dst(%dma_wait3A_464 : memref<4096xf32, #tpu.memory_space<vmem_shared>>)
      tpu.yield
    }) : () -> ()
    %barrier3A_279 = arith.constant 0 : index
    tpu.barrier barrier_id(%barrier3A_279)
    %scan3A_280 = arith.constant 0 : i32
    %scan3A_281 = arith.constant 1024 : i32
    %scan3A_282 = arith.addi %scan3A_280, %scan3A_281 : i32
    %scan3A_283 = arith.constant 1 : i32
    scf.for %scan3A_463 = %scan3A_280 to %scan3A_282 step %scan3A_283  : i32 {
      %mul3A_464 = arith.constant 16 : i32
      %mul3A_465 = arith.muli %scan3A_463, %mul3A_464 : i32
      %get3A = arith.index_cast %mul3A_465 : i32 to index
      %get3A_466 = tpu.vector_load %arg5[%get3A] {strides = array<i32>} : memref<16384xi32, #tpu.memory_space<vmem>>, vector<16xi32>,
      %get3A_467 = vector.shape_cast %get3A_466 : vector<16xi32> to vector<16xi32>
      %mul3A_468 = arith.constant 262144 : i32
      %mul3A_469 = arith.muli %add3A_246, %mul3A_468 : i32
      %sub3A = vector.broadcast %mul3A_469 : i32 to vector<16xi32>
      %sub3A_470 = arith.subi %get3A_467, %sub3A : vector<16xi32>
      %ge3A = arith.constant 0 : i32
      %ge3A_471 = vector.broadcast %ge3A : i32 to vector<16xi32>
      %ge3A_472 = arith.cmpi sge, %sub3A_470, %ge3A_471 : vector<16xi32>
      %lt3A = arith.constant 524288 : i32
      %lt3A_473 = vector.broadcast %lt3A : i32 to vector<16xi32>
      %lt3A_474 = arith.cmpi slt, %sub3A_470, %lt3A_473 : vector<16xi32>
      %and3A = arith.andi %ge3A_472, %lt3A_474 : vector<16xi1>
      %jit3A = arith.constant 524288 : i32
      %broadcast_in_dim3A = vector.broadcast %jit3A : i32 to vector<16xi32>
      %select_n3A = arith.select %and3A, %sub3A_470, %broadcast_in_dim3A : vector<16xi1>, vector<16xi32>
      %shift_right_arithmetic3A = arith.constant 3 : i32
      %shift_right_arithmetic3A_475 = arith.shrsi %scan3A_463, %shift_right_arithmetic3A : i32
      %and3A_476 = arith.constant 7 : i32
      %and3A_477 = arith.andi %scan3A_463, %and3A_476 : i32
      %mul3A_478 = arith.constant 16 : i32
      %mul3A_479 = arith.muli %and3A_477, %mul3A_478 : i32
      %swap3A = arith.index_cast %shift_right_arithmetic3A_475 : i32 to index
      %swap3A_480 = arith.index_cast %mul3A_479 : i32 to index
      %swap3A_481 = tpu.vector_load %arg7[%swap3A, %swap3A_480] {strides = array<i32>} : memref<128x128xi32, #tpu.memory_space<vmem>>, vector<1x16xi32>,
      %swap3A_482 = vector.shape_cast %swap3A_481 : vector<1x16xi32> to vector<16xi32>
      %swap3A_483 = vector.shape_cast %select_n3A : vector<16xi32> to vector<1x16xi32>
      tpu.vector_store %arg7[%swap3A, %swap3A_480], %swap3A_483 {strides = array<i32>} : memref<128x128xi32, #tpu.memory_space<vmem>>, vector<1x16xi32>,
    }
    %scan3A_284 = arith.constant 1024 : i32
    %scan3A_285 = arith.constant 0 : i32
    %scan3A_286 = arith.constant 8 : i32
    %scan3A_287 = arith.addi %scan3A_285, %scan3A_286 : i32
    %scan3A_288 = arith.constant 1 : i32
    scf.for %scan3A_463 = %scan3A_285 to %scan3A_287 step %scan3A_288  : i32 {
      %add3A_464 = arith.constant 1 : i32
      %add3A_465 = arith.addi %scan3A_463, %add3A_464 : i32
      %convert_element_type3A = arith.sitofp %add3A_465 : i32 to f32
      %broadcast_in_dim3A = vector.broadcast %convert_element_type3A : f32 to vector<16xf32>
      %swap3A = arith.constant 0 : index
      %swap3A_466 = tpu.vector_load %arg10[%swap3A] {strides = array<i32>} : memref<128xf32, #tpu.memory_space<vmem>>, vector<16xf32>,
      %swap3A_467 = vector.shape_cast %swap3A_466 : vector<16xf32> to vector<16xf32>
      %swap3A_468 = vector.shape_cast %broadcast_in_dim3A : vector<16xf32> to vector<16xf32>
      tpu.vector_store %arg10[%swap3A], %swap3A_468 {strides = array<i32>} : memref<128xf32, #tpu.memory_space<vmem>>, vector<16xf32>,
      %add3A_469 = arith.constant 1 : i32
      %add3A_470 = arith.addi %scan3A_463, %add3A_469 : i32
      %convert_element_type3A_471 = arith.sitofp %add3A_470 : i32 to f32
      %broadcast_in_dim3A_472 = vector.broadcast %convert_element_type3A_471 : f32 to vector<16xf32>
      %swap3A_473 = arith.constant 16 : index
      %swap3A_474 = tpu.vector_load %arg10[%swap3A_473] {strides = array<i32>} : memref<128xf32, #tpu.memory_space<vmem>>, vector<16xf32>,
      %swap3A_475 = vector.shape_cast %swap3A_474 : vector<16xf32> to vector<16xf32>
      %swap3A_476 = vector.shape_cast %broadcast_in_dim3A_472 : vector<16xf32> to vector<16xf32>
      tpu.vector_store %arg10[%swap3A_473], %swap3A_476 {strides = array<i32>} : memref<128xf32, #tpu.memory_space<vmem>>, vector<16xf32>,
      %add3A_477 = arith.constant 1 : i32
      %add3A_478 = arith.addi %scan3A_463, %add3A_477 : i32
      %convert_element_type3A_479 = arith.sitofp %add3A_478 : i32 to f32
      %broadcast_in_dim3A_480 = vector.broadcast %convert_element_type3A_479 : f32 to vector<16xf32>
      %swap3A_481 = arith.constant 32 : index
      %swap3A_482 = tpu.vector_load %arg10[%swap3A_481] {strides = array<i32>} : memref<128xf32, #tpu.memory_space<vmem>>, vector<16xf32>,
      %swap3A_483 = vector.shape_cast %swap3A_482 : vector<16xf32> to vector<16xf32>
      %swap3A_484 = vector.shape_cast %broadcast_in_dim3A_480 : vector<16xf32> to vector<16xf32>
      tpu.vector_store %arg10[%swap3A_481], %swap3A_484 {strides = array<i32>} : memref<128xf32, #tpu.memory_space<vmem>>, vector<16xf32>,
      %add3A_485 = arith.constant 1 : i32
      %add3A_486 = arith.addi %scan3A_463, %add3A_485 : i32
      %convert_element_type3A_487 = arith.sitofp %add3A_486 : i32 to f32
      %broadcast_in_dim3A_488 = vector.broadcast %convert_element_type3A_487 : f32 to vector<16xf32>
      %swap3A_489 = arith.constant 48 : index
      %swap3A_490 = tpu.vector_load %arg10[%swap3A_489] {strides = array<i32>} : memref<128xf32, #tpu.memory_space<vmem>>, vector<16xf32>,
      %swap3A_491 = vector.shape_cast %swap3A_490 : vector<16xf32> to vector<16xf32>
      %swap3A_492 = vector.shape_cast %broadcast_in_dim3A_488 : vector<16xf32> to vector<16xf32>
      tpu.vector_store %arg10[%swap3A_489], %swap3A_492 {strides = array<i32>} : memref<128xf32, #tpu.memory_space<vmem>>, vector<16xf32>,
      %add3A_493 = arith.constant 1 : i32
      %add3A_494 = arith.addi %scan3A_463, %add3A_493 : i32
      %convert_element_type3A_495 = arith.sitofp %add3A_494 : i32 to f32
      %broadcast_in_dim3A_496 = vector.broadcast %convert_element_type3A_495 : f32 to vector<16xf32>
      %swap3A_497 = arith.constant 64 : index
      %swap3A_498 = tpu.vector_load %arg10[%swap3A_497] {strides = array<i32>} : memref<128xf32, #tpu.memory_space<vmem>>, vector<16xf32>,
      %swap3A_499 = vector.shape_cast %swap3A_498 : vector<16xf32> to vector<16xf32>
      %swap3A_500 = vector.shape_cast %broadcast_in_dim3A_496 : vector<16xf32> to vector<16xf32>
      tpu.vector_store %arg10[%swap3A_497], %swap3A_500 {strides = array<i32>} : memref<128xf32, #tpu.memory_space<vmem>>, vector<16xf32>,
      %add3A_501 = arith.constant 1 : i32
      %add3A_502 = arith.addi %scan3A_463, %add3A_501 : i32
      %convert_element_type3A_503 = arith.sitofp %add3A_502 : i32 to f32
      %broadcast_in_dim3A_504 = vector.broadcast %convert_element_type3A_503 : f32 to vector<16xf32>
      %swap3A_505 = arith.constant 80 : index
      %swap3A_506 = tpu.vector_load %arg10[%swap3A_505] {strides = array<i32>} : memref<128xf32, #tpu.memory_space<vmem>>, vector<16xf32>,
      %swap3A_507 = vector.shape_cast %swap3A_506 : vector<16xf32> to vector<16xf32>
      %swap3A_508 = vector.shape_cast %broadcast_in_dim3A_504 : vector<16xf32> to vector<16xf32>
      tpu.vector_store %arg10[%swap3A_505], %swap3A_508 {strides = array<i32>} : memref<128xf32, #tpu.memory_space<vmem>>, vector<16xf32>,
      %add3A_509 = arith.constant 1 : i32
      %add3A_510 = arith.addi %scan3A_463, %add3A_509 : i32
      %convert_element_type3A_511 = arith.sitofp %add3A_510 : i32 to f32
      %broadcast_in_dim3A_512 = vector.broadcast %convert_element_type3A_511 : f32 to vector<16xf32>
      %swap3A_513 = arith.constant 96 : index
      %swap3A_514 = tpu.vector_load %arg10[%swap3A_513] {strides = array<i32>} : memref<128xf32, #tpu.memory_space<vmem>>, vector<16xf32>,
      %swap3A_515 = vector.shape_cast %swap3A_514 : vector<16xf32> to vector<16xf32>
      %swap3A_516 = vector.shape_cast %broadcast_in_dim3A_512 : vector<16xf32> to vector<16xf32>
      tpu.vector_store %arg10[%swap3A_513], %swap3A_516 {strides = array<i32>} : memref<128xf32, #tpu.memory_space<vmem>>, vector<16xf32>,
      %add3A_517 = arith.constant 1 : i32
      %add3A_518 = arith.addi %scan3A_463, %add3A_517 : i32
      %convert_element_type3A_519 = arith.sitofp %add3A_518 : i32 to f32
      %broadcast_in_dim3A_520 = vector.broadcast %convert_element_type3A_519 : f32 to vector<16xf32>
      %swap3A_521 = arith.constant 112 : index
      %swap3A_522 = tpu.vector_load %arg10[%swap3A_521] {strides = array<i32>} : memref<128xf32, #tpu.memory_space<vmem>>, vector<16xf32>,
      %swap3A_523 = vector.shape_cast %swap3A_522 : vector<16xf32> to vector<16xf32>
      %swap3A_524 = vector.shape_cast %broadcast_in_dim3A_520 : vector<16xf32> to vector<16xf32>
      tpu.vector_store %arg10[%swap3A_521], %swap3A_524 {strides = array<i32>} : memref<128xf32, #tpu.memory_space<vmem>>, vector<16xf32>,
      %scan3A_525 = arith.constant 0 : i32
      %scan3A_526 = arith.constant 128 : i32
      %scan3A_527 = arith.addi %scan3A_525, %scan3A_526 : i32
      %scan3A_528 = arith.constant 1 : i32
      scf.for %scan3A_562 = %scan3A_525 to %scan3A_527 step %scan3A_528  : i32 {
        %dma_start3A = arith.constant 0 : i32
        %dma_start3A_563 = tpu.memref_slice %arg8[%scan3A_562, %dma_start3A] : memref<128x128xf32, #tpu.memory_space<vmem>> -> memref<1x128xf32, #tpu.memory_space<vmem>>
        %dma_start3A_564 = tpu.memref_squeeze %dma_start3A_563 : memref<1x128xf32, #tpu.memory_space<vmem>> -> memref<128xf32, #tpu.memory_space<vmem>>
        %dma_start3A_565 = arith.constant 0 : i32
        %dma_start3A_566 = tpu.memref_slice %arg7[%scan3A_562, %dma_start3A_565] : memref<128x128xi32, #tpu.memory_space<vmem>> -> memref<1x128xi32, #tpu.memory_space<vmem>>
        %dma_start3A_567 = tpu.memref_squeeze %dma_start3A_566 : memref<1x128xi32, #tpu.memory_space<vmem>> -> memref<128xi32, #tpu.memory_space<vmem>>
        %dma_start3A_568 = arith.constant 0 : i32
        %dma_start3A_569 = tpu.memref_slice %arg12[%dma_start3A_568] : memref<524352xf32, #tpu.memory_space<vmem_shared>> -> memref<524352xf32, #tpu.memory_space<vmem_shared>>
        tpu.enqueue_indirect_dma source(%dma_start3A_564 : memref<128xf32, #tpu.memory_space<vmem>>) target(%dma_start3A_569 : memref<524352xf32, #tpu.memory_space<vmem_shared>>) offsets(%dma_start3A_567 : memref<128xi32, #tpu.memory_space<vmem>>) semaphore(%arg13 : memref<!tpu.dma_semaphore, #tpu.memory_space<semaphore_mem>>)
      }
      %scan3A_529 = arith.constant 128 : i32
      %scan3A_530 = arith.constant 0 : i32
      %scan3A_531 = arith.constant 128 : i32
      %scan3A_532 = arith.addi %scan3A_530, %scan3A_531 : i32
      %scan3A_533 = arith.constant 1 : i32
      scf.for %scan3A_562 = %scan3A_530 to %scan3A_532 step %scan3A_533  : i32 {
        %dma_wait3A = arith.constant 0 : i32
        %dma_wait3A_563 = tpu.memref_slice %arg8[%scan3A_562, %dma_wait3A] : memref<128x128xf32, #tpu.memory_space<vmem>> -> memref<1x128xf32, #tpu.memory_space<vmem>>
        %dma_wait3A_564 = tpu.memref_squeeze %dma_wait3A_563 : memref<1x128xf32, #tpu.memory_space<vmem>> -> memref<128xf32, #tpu.memory_space<vmem>>
        %dma_wait3A_565 = arith.constant 0 : i32
        %dma_wait3A_566 = tpu.memref_slice %arg7[%scan3A_562, %dma_wait3A_565] : memref<128x128xi32, #tpu.memory_space<vmem>> -> memref<1x128xi32, #tpu.memory_space<vmem>>
        %dma_wait3A_567 = tpu.memref_squeeze %dma_wait3A_566 : memref<1x128xi32, #tpu.memory_space<vmem>> -> memref<128xi32, #tpu.memory_space<vmem>>
        %dma_wait3A_568 = arith.constant 0 : i32
        %dma_wait3A_569 = tpu.memref_slice %arg12[%dma_wait3A_568] : memref<524352xf32, #tpu.memory_space<vmem_shared>> -> memref<524352xf32, #tpu.memory_space<vmem_shared>>
        tpu.wait_indirect_dma semaphore(%arg13 : memref<!tpu.dma_semaphore, #tpu.memory_space<semaphore_mem>>) src(%dma_wait3A_564 : memref<128xf32, #tpu.memory_space<vmem>>) dst(%dma_wait3A_569 : memref<524352xf32, #tpu.memory_space<vmem_shared>>)
      }
      %scan3A_534 = arith.constant 128 : i32
      %barrier3A_535 = arith.constant 0 : index
      tpu.barrier barrier_id(%barrier3A_535)
      %scan3A_536 = arith.constant 0 : i32
      %scan3A_537 = arith.constant 128 : i32
      %scan3A_538 = arith.addi %scan3A_536, %scan3A_537 : i32
      %scan3A_539 = arith.constant 1 : i32
      scf.for %scan3A_562 = %scan3A_536 to %scan3A_538 step %scan3A_539  : i32 {
        %dma_start3A = arith.constant 0 : i32
        %dma_start3A_563 = tpu.memref_slice %arg9[%scan3A_562, %dma_start3A] : memref<128x128xf32, #tpu.memory_space<vmem>> -> memref<1x128xf32, #tpu.memory_space<vmem>>
        %dma_start3A_564 = tpu.memref_squeeze %dma_start3A_563 : memref<1x128xf32, #tpu.memory_space<vmem>> -> memref<128xf32, #tpu.memory_space<vmem>>
        %dma_start3A_565 = arith.constant 0 : i32
        %dma_start3A_566 = tpu.memref_slice %arg7[%scan3A_562, %dma_start3A_565] : memref<128x128xi32, #tpu.memory_space<vmem>> -> memref<1x128xi32, #tpu.memory_space<vmem>>
        %dma_start3A_567 = tpu.memref_squeeze %dma_start3A_566 : memref<1x128xi32, #tpu.memory_space<vmem>> -> memref<128xi32, #tpu.memory_space<vmem>>
        %dma_start3A_568 = arith.constant 0 : i32
        %dma_start3A_569 = tpu.memref_slice %arg12[%dma_start3A_568] : memref<524352xf32, #tpu.memory_space<vmem_shared>> -> memref<524352xf32, #tpu.memory_space<vmem_shared>>
        tpu.enqueue_indirect_dma source(%dma_start3A_569 : memref<524352xf32, #tpu.memory_space<vmem_shared>>) target(%dma_start3A_564 : memref<128xf32, #tpu.memory_space<vmem>>) offsets(%dma_start3A_567 : memref<128xi32, #tpu.memory_space<vmem>>) semaphore(%arg13 : memref<!tpu.dma_semaphore, #tpu.memory_space<semaphore_mem>>)
      }
      %scan3A_540 = arith.constant 128 : i32
      %scan3A_541 = arith.constant 0 : i32
      %scan3A_542 = arith.constant 128 : i32
      %scan3A_543 = arith.addi %scan3A_541, %scan3A_542 : i32
      %scan3A_544 = arith.constant 1 : i32
      scf.for %scan3A_562 = %scan3A_541 to %scan3A_543 step %scan3A_544  : i32 {
        %dma_wait3A = arith.constant 0 : i32
        %dma_wait3A_563 = tpu.memref_slice %arg9[%scan3A_562, %dma_wait3A] : memref<128x128xf32, #tpu.memory_space<vmem>> -> memref<1x128xf32, #tpu.memory_space<vmem>>
        %dma_wait3A_564 = tpu.memref_squeeze %dma_wait3A_563 : memref<1x128xf32, #tpu.memory_space<vmem>> -> memref<128xf32, #tpu.memory_space<vmem>>
        %dma_wait3A_565 = arith.constant 0 : i32
        %dma_wait3A_566 = tpu.memref_slice %arg7[%scan3A_562, %dma_wait3A_565] : memref<128x128xi32, #tpu.memory_space<vmem>> -> memref<1x128xi32, #tpu.memory_space<vmem>>
        %dma_wait3A_567 = tpu.memref_squeeze %dma_wait3A_566 : memref<1x128xi32, #tpu.memory_space<vmem>> -> memref<128xi32, #tpu.memory_space<vmem>>
        %dma_wait3A_568 = arith.constant 0 : i32
        %dma_wait3A_569 = tpu.memref_slice %arg12[%dma_wait3A_568] : memref<524352xf32, #tpu.memory_space<vmem_shared>> -> memref<524352xf32, #tpu.memory_space<vmem_shared>>
        tpu.wait_indirect_dma semaphore(%arg13 : memref<!tpu.dma_semaphore, #tpu.memory_space<semaphore_mem>>) src(%dma_wait3A_569 : memref<524352xf32, #tpu.memory_space<vmem_shared>>) dst(%dma_wait3A_564 : memref<128xf32, #tpu.memory_space<vmem>>)
      }
      %scan3A_545 = arith.constant 128 : i32
      %scan3A_546 = arith.constant 0 : i32
      %scan3A_547 = arith.constant 1024 : i32
      %scan3A_548 = arith.addi %scan3A_546, %scan3A_547 : i32
      %scan3A_549 = arith.constant 1 : i32
      scf.for %scan3A_562 = %scan3A_546 to %scan3A_548 step %scan3A_549  : i32 {
        %shift_right_arithmetic3A = arith.constant 3 : i32
        %shift_right_arithmetic3A_563 = arith.shrsi %scan3A_562, %shift_right_arithmetic3A : i32
        %and3A = arith.constant 7 : i32
        %and3A_564 = arith.andi %scan3A_562, %and3A : i32
        %mul3A_565 = arith.constant 16 : i32
        %mul3A_566 = arith.muli %and3A_564, %mul3A_565 : i32
        %get3A = arith.index_cast %shift_right_arithmetic3A_563 : i32 to index
        %get3A_567 = arith.index_cast %mul3A_566 : i32 to index
        %get3A_568 = tpu.vector_load %arg7[%get3A, %get3A_567] {strides = array<i32>} : memref<128x128xi32, #tpu.memory_space<vmem>>, vector<1x16xi32>,
        %get3A_569 = vector.shape_cast %get3A_568 : vector<1x16xi32> to vector<16xi32>
        %get3A_570 = arith.index_cast %shift_right_arithmetic3A_563 : i32 to index
        %get3A_571 = arith.index_cast %mul3A_566 : i32 to index
        %get3A_572 = tpu.vector_load %arg9[%get3A_570, %get3A_571] {strides = array<i32>} : memref<128x128xf32, #tpu.memory_space<vmem>>, vector<1x16xf32>,
        %get3A_573 = vector.shape_cast %get3A_572 : vector<1x16xf32> to vector<16xf32>
        %get3A_574 = arith.index_cast %shift_right_arithmetic3A_563 : i32 to index
        %get3A_575 = arith.index_cast %mul3A_566 : i32 to index
        %get3A_576 = tpu.vector_load %arg8[%get3A_574, %get3A_575] {strides = array<i32>} : memref<128x128xf32, #tpu.memory_space<vmem>>, vector<1x16xf32>,
        %get3A_577 = vector.shape_cast %get3A_576 : vector<1x16xf32> to vector<16xf32>
        %ne3A = arith.constant 524288 : i32
        %ne3A_578 = vector.broadcast %ne3A : i32 to vector<16xi32>
        %ne3A_579 = arith.cmpi ne, %get3A_569, %ne3A_578 : vector<16xi32>
        %eq3A = arith.cmpf oeq, %get3A_573, %get3A_577 : vector<16xf32>
        %and3A_580 = arith.andi %ne3A_579, %eq3A : vector<16xi1>
        %jit3A = arith.constant 524288 : i32
        %broadcast_in_dim3A_581 = vector.broadcast %jit3A : i32 to vector<16xi32>
        %select_n3A = arith.select %and3A_580, %broadcast_in_dim3A_581, %get3A_569 : vector<16xi1>, vector<16xi32>
        %swap3A_582 = arith.index_cast %shift_right_arithmetic3A_563 : i32 to index
        %swap3A_583 = arith.index_cast %mul3A_566 : i32 to index
        %swap3A_584 = tpu.vector_load %arg7[%swap3A_582, %swap3A_583] {strides = array<i32>} : memref<128x128xi32, #tpu.memory_space<vmem>>, vector<1x16xi32>,
        %swap3A_585 = vector.shape_cast %swap3A_584 : vector<1x16xi32> to vector<16xi32>
        %swap3A_586 = vector.shape_cast %select_n3A : vector<16xi32> to vector<1x16xi32>
        tpu.vector_store %arg7[%swap3A_582, %swap3A_583], %swap3A_586 {strides = array<i32>} : memref<128x128xi32, #tpu.memory_space<vmem>>, vector<1x16xi32>,
        %jit3A_587 = arith.constant 524288 : i32
        %broadcast_in_dim3A_588 = vector.broadcast %jit3A_587 : i32 to vector<16xi32>
        %select_n3A_589 = arith.select %and3A_580, %get3A_569, %broadcast_in_dim3A_588 : vector<16xi1>, vector<16xi32>
        %swap3A_590 = arith.index_cast %shift_right_arithmetic3A_563 : i32 to index
        %swap3A_591 = arith.index_cast %mul3A_566 : i32 to index
        %swap3A_592 = tpu.vector_load %arg6[%swap3A_590, %swap3A_591] {strides = array<i32>} : memref<128x128xi32, #tpu.memory_space<vmem>>, vector<1x16xi32>,
        %swap3A_593 = vector.shape_cast %swap3A_592 : vector<1x16xi32> to vector<16xi32>
        %swap3A_594 = vector.shape_cast %select_n3A_589 : vector<16xi32> to vector<1x16xi32>
        tpu.vector_store %arg6[%swap3A_590, %swap3A_591], %swap3A_594 {strides = array<i32>} : memref<128x128xi32, #tpu.memory_space<vmem>>, vector<1x16xi32>,
      }
      %scan3A_550 = arith.constant 1024 : i32
      %scan3A_551 = arith.constant 0 : i32
      %scan3A_552 = arith.constant 128 : i32
      %scan3A_553 = arith.addi %scan3A_551, %scan3A_552 : i32
      %scan3A_554 = arith.constant 1 : i32
      scf.for %scan3A_562 = %scan3A_551 to %scan3A_553 step %scan3A_554  : i32 {
        %dma_start3A = arith.constant 0 : i32
        %dma_start3A_563 = tpu.memref_slice %arg6[%scan3A_562, %dma_start3A] : memref<128x128xi32, #tpu.memory_space<vmem>> -> memref<1x128xi32, #tpu.memory_space<vmem>>
        %dma_start3A_564 = tpu.memref_squeeze %dma_start3A_563 : memref<1x128xi32, #tpu.memory_space<vmem>> -> memref<128xi32, #tpu.memory_space<vmem>>
        %dma_start3A_565 = arith.constant 0 : i32
        %dma_start3A_566 = tpu.memref_slice %arg12[%dma_start3A_565] : memref<524352xf32, #tpu.memory_space<vmem_shared>> -> memref<524352xf32, #tpu.memory_space<vmem_shared>>
        tpu.enqueue_indirect_dma source(%arg10 : memref<128xf32, #tpu.memory_space<vmem>>) target(%dma_start3A_566 : memref<524352xf32, #tpu.memory_space<vmem_shared>>) offsets(%dma_start3A_564 : memref<128xi32, #tpu.memory_space<vmem>>) semaphore(%arg13 : memref<!tpu.dma_semaphore, #tpu.memory_space<semaphore_mem>>)
      }
      %scan3A_555 = arith.constant 128 : i32
      %scan3A_556 = arith.constant 0 : i32
      %scan3A_557 = arith.constant 128 : i32
      %scan3A_558 = arith.addi %scan3A_556, %scan3A_557 : i32
      %scan3A_559 = arith.constant 1 : i32
      scf.for %scan3A_562 = %scan3A_556 to %scan3A_558 step %scan3A_559  : i32 {
        %dma_wait3A = arith.constant 0 : i32
        %dma_wait3A_563 = tpu.memref_slice %arg6[%scan3A_562, %dma_wait3A] : memref<128x128xi32, #tpu.memory_space<vmem>> -> memref<1x128xi32, #tpu.memory_space<vmem>>
        %dma_wait3A_564 = tpu.memref_squeeze %dma_wait3A_563 : memref<1x128xi32, #tpu.memory_space<vmem>> -> memref<128xi32, #tpu.memory_space<vmem>>
        %dma_wait3A_565 = arith.constant 0 : i32
        %dma_wait3A_566 = tpu.memref_slice %arg12[%dma_wait3A_565] : memref<524352xf32, #tpu.memory_space<vmem_shared>> -> memref<524352xf32, #tpu.memory_space<vmem_shared>>
        tpu.wait_indirect_dma semaphore(%arg13 : memref<!tpu.dma_semaphore, #tpu.memory_space<semaphore_mem>>) src(%arg10 : memref<128xf32, #tpu.memory_space<vmem>>) dst(%dma_wait3A_566 : memref<524352xf32, #tpu.memory_space<vmem_shared>>)
      }
      %scan3A_560 = arith.constant 128 : i32
      %barrier3A_561 = arith.constant 0 : index
      tpu.barrier barrier_id(%barrier3A_561)
    }
    %scan3A_289 = arith.constant 8 : i32
    %mul3A_290 = arith.constant 262144 : i32
    %mul3A_291 = arith.muli %add3A_246, %mul3A_290 : i32
    %mul3A_292 = arith.constant 32768 : i32
    %mul3A_293 = arith.muli %arg1, %mul3A_292 : i32
    %add3A_294 = arith.addi %mul3A_291, %mul3A_293 : i32
    %mul3A_295 = arith.constant 32768 : i32
    %mul3A_296 = arith.muli %arg1, %mul3A_295 : i32
    "tpu.region"() ({
      %run_scoped3A = tpu.sem_alloc : memref<!tpu.dma_semaphore, #tpu.memory_space<semaphore_mem>>
      %dma_start3A = tpu.memref_slice %arg4[%add3A_294] : memref<8388608xf32, #tpu.memory_space<hbm>> -> memref<32768xf32, #tpu.memory_space<hbm>>
      %dma_start3A_463 = tpu.memref_slice %arg12[%mul3A_296] : memref<524352xf32, #tpu.memory_space<vmem_shared>> -> memref<32768xf32, #tpu.memory_space<vmem_shared>>
      tpu.enqueue_dma source(%dma_start3A_463 : memref<32768xf32, #tpu.memory_space<vmem_shared>>) target(%dma_start3A : memref<32768xf32, #tpu.memory_space<hbm>>) target_semaphore(%run_scoped3A : memref<!tpu.dma_semaphore, #tpu.memory_space<semaphore_mem>>)
      %dma_wait3A = tpu.memref_slice %arg4[%add3A_294] : memref<8388608xf32, #tpu.memory_space<hbm>> -> memref<32768xf32, #tpu.memory_space<hbm>>
      %dma_wait3A_464 = tpu.memref_slice %arg12[%mul3A_296] : memref<524352xf32, #tpu.memory_space<vmem_shared>> -> memref<32768xf32, #tpu.memory_space<vmem_shared>>
      tpu.wait_dma2 semaphore(%run_scoped3A : memref<!tpu.dma_semaphore, #tpu.memory_space<semaphore_mem>>) src(%dma_wait3A_464 : memref<32768xf32, #tpu.memory_space<vmem_shared>>) dst(%dma_wait3A : memref<32768xf32, #tpu.memory_space<hbm>>)
      tpu.yield
    }) : () -> ()
    %barrier3A_297 = arith.constant 0 : index
    tpu.barrier barrier_id(%barrier3A_297)
    %mul3A_298 = arith.constant 16 : i32
    %mul3A_299 = arith.muli %arg0, %mul3A_298 : i32
    %add3A_300 = arith.constant 10 : i32
    %add3A_301 = arith.addi %mul3A_299, %add3A_300 : i32
    %mul3A_302 = arith.constant 32768 : i32
    %mul3A_303 = arith.muli %arg1, %mul3A_302 : i32
    %add3A_304 = arith.constant 0 : i32
    %add3A_305 = arith.addi %mul3A_303, %add3A_304 : i32
    "tpu.region"() ({
      %run_scoped3A = tpu.sem_alloc : memref<!tpu.dma_semaphore, #tpu.memory_space<semaphore_mem>>
      %dma_start3A = tpu.memref_slice %arg12[%add3A_305] : memref<524352xf32, #tpu.memory_space<vmem_shared>> -> memref<4096xf32, #tpu.memory_space<vmem_shared>>
      %dma_start3A_463 = tpu.memref_slice %arg12[%add3A_305] : memref<524352xf32, #tpu.memory_space<vmem_shared>> -> memref<4096xf32, #tpu.memory_space<vmem_shared>>
      tpu.enqueue_dma source(%arg11 : memref<4096xf32, #tpu.memory_space<vmem>>) target(%dma_start3A_463 : memref<4096xf32, #tpu.memory_space<vmem_shared>>) target_semaphore(%run_scoped3A : memref<!tpu.dma_semaphore, #tpu.memory_space<semaphore_mem>>)
      %dma_wait3A = tpu.memref_slice %arg12[%add3A_305] : memref<524352xf32, #tpu.memory_space<vmem_shared>> -> memref<4096xf32, #tpu.memory_space<vmem_shared>>
      %dma_wait3A_464 = tpu.memref_slice %arg12[%add3A_305] : memref<524352xf32, #tpu.memory_space<vmem_shared>> -> memref<4096xf32, #tpu.memory_space<vmem_shared>>
      tpu.wait_dma2 semaphore(%run_scoped3A : memref<!tpu.dma_semaphore, #tpu.memory_space<semaphore_mem>>) src(%arg11 : memref<4096xf32, #tpu.memory_space<vmem>>) dst(%dma_wait3A_464 : memref<4096xf32, #tpu.memory_space<vmem_shared>>)
      tpu.yield
    }) : () -> ()
    %mul3A_306 = arith.constant 32768 : i32
    %mul3A_307 = arith.muli %arg1, %mul3A_306 : i32
    %add3A_308 = arith.constant 4096 : i32
    %add3A_309 = arith.addi %mul3A_307, %add3A_308 : i32
    "tpu.region"() ({
      %run_scoped3A = tpu.sem_alloc : memref<!tpu.dma_semaphore, #tpu.memory_space<semaphore_mem>>
      %dma_start3A = tpu.memref_slice %arg12[%add3A_309] : memref<524352xf32, #tpu.memory_space<vmem_shared>> -> memref<4096xf32, #tpu.memory_space<vmem_shared>>
      %dma_start3A_463 = tpu.memref_slice %arg12[%add3A_309] : memref<524352xf32, #tpu.memory_space<vmem_shared>> -> memref<4096xf32, #tpu.memory_space<vmem_shared>>
      tpu.enqueue_dma source(%arg11 : memref<4096xf32, #tpu.memory_space<vmem>>) target(%dma_start3A_463 : memref<4096xf32, #tpu.memory_space<vmem_shared>>) target_semaphore(%run_scoped3A : memref<!tpu.dma_semaphore, #tpu.memory_space<semaphore_mem>>)
      %dma_wait3A = tpu.memref_slice %arg12[%add3A_309] : memref<524352xf32, #tpu.memory_space<vmem_shared>> -> memref<4096xf32, #tpu.memory_space<vmem_shared>>
      %dma_wait3A_464 = tpu.memref_slice %arg12[%add3A_309] : memref<524352xf32, #tpu.memory_space<vmem_shared>> -> memref<4096xf32, #tpu.memory_space<vmem_shared>>
      tpu.wait_dma2 semaphore(%run_scoped3A : memref<!tpu.dma_semaphore, #tpu.memory_space<semaphore_mem>>) src(%arg11 : memref<4096xf32, #tpu.memory_space<vmem>>) dst(%dma_wait3A_464 : memref<4096xf32, #tpu.memory_space<vmem_shared>>)
      tpu.yield
    }) : () -> ()
    %mul3A_310 = arith.constant 32768 : i32
    %mul3A_311 = arith.muli %arg1, %mul3A_310 : i32
    %add3A_312 = arith.constant 8192 : i32
    %add3A_313 = arith.addi %mul3A_311, %add3A_312 : i32
    "tpu.region"() ({
      %run_scoped3A = tpu.sem_alloc : memref<!tpu.dma_semaphore, #tpu.memory_space<semaphore_mem>>
      %dma_start3A = tpu.memref_slice %arg12[%add3A_313] : memref<524352xf32, #tpu.memory_space<vmem_shared>> -> memref<4096xf32, #tpu.memory_space<vmem_shared>>
      %dma_start3A_463 = tpu.memref_slice %arg12[%add3A_313] : memref<524352xf32, #tpu.memory_space<vmem_shared>> -> memref<4096xf32, #tpu.memory_space<vmem_shared>>
      tpu.enqueue_dma source(%arg11 : memref<4096xf32, #tpu.memory_space<vmem>>) target(%dma_start3A_463 : memref<4096xf32, #tpu.memory_space<vmem_shared>>) target_semaphore(%run_scoped3A : memref<!tpu.dma_semaphore, #tpu.memory_space<semaphore_mem>>)
      %dma_wait3A = tpu.memref_slice %arg12[%add3A_313] : memref<524352xf32, #tpu.memory_space<vmem_shared>> -> memref<4096xf32, #tpu.memory_space<vmem_shared>>
      %dma_wait3A_464 = tpu.memref_slice %arg12[%add3A_313] : memref<524352xf32, #tpu.memory_space<vmem_shared>> -> memref<4096xf32, #tpu.memory_space<vmem_shared>>
      tpu.wait_dma2 semaphore(%run_scoped3A : memref<!tpu.dma_semaphore, #tpu.memory_space<semaphore_mem>>) src(%arg11 : memref<4096xf32, #tpu.memory_space<vmem>>) dst(%dma_wait3A_464 : memref<4096xf32, #tpu.memory_space<vmem_shared>>)
      tpu.yield
    }) : () -> ()
    %mul3A_314 = arith.constant 32768 : i32
    %mul3A_315 = arith.muli %arg1, %mul3A_314 : i32
    %add3A_316 = arith.constant 12288 : i32
    %add3A_317 = arith.addi %mul3A_315, %add3A_316 : i32
    "tpu.region"() ({
      %run_scoped3A = tpu.sem_alloc : memref<!tpu.dma_semaphore, #tpu.memory_space<semaphore_mem>>
      %dma_start3A = tpu.memref_slice %arg12[%add3A_317] : memref<524352xf32, #tpu.memory_space<vmem_shared>> -> memref<4096xf32, #tpu.memory_space<vmem_shared>>
      %dma_start3A_463 = tpu.memref_slice %arg12[%add3A_317] : memref<524352xf32, #tpu.memory_space<vmem_shared>> -> memref<4096xf32, #tpu.memory_space<vmem_shared>>
      tpu.enqueue_dma source(%arg11 : memref<4096xf32, #tpu.memory_space<vmem>>) target(%dma_start3A_463 : memref<4096xf32, #tpu.memory_space<vmem_shared>>) target_semaphore(%run_scoped3A : memref<!tpu.dma_semaphore, #tpu.memory_space<semaphore_mem>>)
      %dma_wait3A = tpu.memref_slice %arg12[%add3A_317] : memref<524352xf32, #tpu.memory_space<vmem_shared>> -> memref<4096xf32, #tpu.memory_space<vmem_shared>>
      %dma_wait3A_464 = tpu.memref_slice %arg12[%add3A_317] : memref<524352xf32, #tpu.memory_space<vmem_shared>> -> memref<4096xf32, #tpu.memory_space<vmem_shared>>
      tpu.wait_dma2 semaphore(%run_scoped3A : memref<!tpu.dma_semaphore, #tpu.memory_space<semaphore_mem>>) src(%arg11 : memref<4096xf32, #tpu.memory_space<vmem>>) dst(%dma_wait3A_464 : memref<4096xf32, #tpu.memory_space<vmem_shared>>)
      tpu.yield
    }) : () -> ()
    %mul3A_318 = arith.constant 32768 : i32
    %mul3A_319 = arith.muli %arg1, %mul3A_318 : i32
    %add3A_320 = arith.constant 16384 : i32
    %add3A_321 = arith.addi %mul3A_319, %add3A_320 : i32
    "tpu.region"() ({
      %run_scoped3A = tpu.sem_alloc : memref<!tpu.dma_semaphore, #tpu.memory_space<semaphore_mem>>
      %dma_start3A = tpu.memref_slice %arg12[%add3A_321] : memref<524352xf32, #tpu.memory_space<vmem_shared>> -> memref<4096xf32, #tpu.memory_space<vmem_shared>>
      %dma_start3A_463 = tpu.memref_slice %arg12[%add3A_321] : memref<524352xf32, #tpu.memory_space<vmem_shared>> -> memref<4096xf32, #tpu.memory_space<vmem_shared>>
      tpu.enqueue_dma source(%arg11 : memref<4096xf32, #tpu.memory_space<vmem>>) target(%dma_start3A_463 : memref<4096xf32, #tpu.memory_space<vmem_shared>>) target_semaphore(%run_scoped3A : memref<!tpu.dma_semaphore, #tpu.memory_space<semaphore_mem>>)
      %dma_wait3A = tpu.memref_slice %arg12[%add3A_321] : memref<524352xf32, #tpu.memory_space<vmem_shared>> -> memref<4096xf32, #tpu.memory_space<vmem_shared>>
      %dma_wait3A_464 = tpu.memref_slice %arg12[%add3A_321] : memref<524352xf32, #tpu.memory_space<vmem_shared>> -> memref<4096xf32, #tpu.memory_space<vmem_shared>>
      tpu.wait_dma2 semaphore(%run_scoped3A : memref<!tpu.dma_semaphore, #tpu.memory_space<semaphore_mem>>) src(%arg11 : memref<4096xf32, #tpu.memory_space<vmem>>) dst(%dma_wait3A_464 : memref<4096xf32, #tpu.memory_space<vmem_shared>>)
      tpu.yield
    }) : () -> ()
    %mul3A_322 = arith.constant 32768 : i32
    %mul3A_323 = arith.muli %arg1, %mul3A_322 : i32
    %add3A_324 = arith.constant 20480 : i32
    %add3A_325 = arith.addi %mul3A_323, %add3A_324 : i32
    "tpu.region"() ({
      %run_scoped3A = tpu.sem_alloc : memref<!tpu.dma_semaphore, #tpu.memory_space<semaphore_mem>>
      %dma_start3A = tpu.memref_slice %arg12[%add3A_325] : memref<524352xf32, #tpu.memory_space<vmem_shared>> -> memref<4096xf32, #tpu.memory_space<vmem_shared>>
      %dma_start3A_463 = tpu.memref_slice %arg12[%add3A_325] : memref<524352xf32, #tpu.memory_space<vmem_shared>> -> memref<4096xf32, #tpu.memory_space<vmem_shared>>
      tpu.enqueue_dma source(%arg11 : memref<4096xf32, #tpu.memory_space<vmem>>) target(%dma_start3A_463 : memref<4096xf32, #tpu.memory_space<vmem_shared>>) target_semaphore(%run_scoped3A : memref<!tpu.dma_semaphore, #tpu.memory_space<semaphore_mem>>)
      %dma_wait3A = tpu.memref_slice %arg12[%add3A_325] : memref<524352xf32, #tpu.memory_space<vmem_shared>> -> memref<4096xf32, #tpu.memory_space<vmem_shared>>
      %dma_wait3A_464 = tpu.memref_slice %arg12[%add3A_325] : memref<524352xf32, #tpu.memory_space<vmem_shared>> -> memref<4096xf32, #tpu.memory_space<vmem_shared>>
      tpu.wait_dma2 semaphore(%run_scoped3A : memref<!tpu.dma_semaphore, #tpu.memory_space<semaphore_mem>>) src(%arg11 : memref<4096xf32, #tpu.memory_space<vmem>>) dst(%dma_wait3A_464 : memref<4096xf32, #tpu.memory_space<vmem_shared>>)
      tpu.yield
    }) : () -> ()
    %mul3A_326 = arith.constant 32768 : i32
    %mul3A_327 = arith.muli %arg1, %mul3A_326 : i32
    %add3A_328 = arith.constant 24576 : i32
    %add3A_329 = arith.addi %mul3A_327, %add3A_328 : i32
    "tpu.region"() ({
      %run_scoped3A = tpu.sem_alloc : memref<!tpu.dma_semaphore, #tpu.memory_space<semaphore_mem>>
      %dma_start3A = tpu.memref_slice %arg12[%add3A_329] : memref<524352xf32, #tpu.memory_space<vmem_shared>> -> memref<4096xf32, #tpu.memory_space<vmem_shared>>
      %dma_start3A_463 = tpu.memref_slice %arg12[%add3A_329] : memref<524352xf32, #tpu.memory_space<vmem_shared>> -> memref<4096xf32, #tpu.memory_space<vmem_shared>>
      tpu.enqueue_dma source(%arg11 : memref<4096xf32, #tpu.memory_space<vmem>>) target(%dma_start3A_463 : memref<4096xf32, #tpu.memory_space<vmem_shared>>) target_semaphore(%run_scoped3A : memref<!tpu.dma_semaphore, #tpu.memory_space<semaphore_mem>>)
      %dma_wait3A = tpu.memref_slice %arg12[%add3A_329] : memref<524352xf32, #tpu.memory_space<vmem_shared>> -> memref<4096xf32, #tpu.memory_space<vmem_shared>>
      %dma_wait3A_464 = tpu.memref_slice %arg12[%add3A_329] : memref<524352xf32, #tpu.memory_space<vmem_shared>> -> memref<4096xf32, #tpu.memory_space<vmem_shared>>
      tpu.wait_dma2 semaphore(%run_scoped3A : memref<!tpu.dma_semaphore, #tpu.memory_space<semaphore_mem>>) src(%arg11 : memref<4096xf32, #tpu.memory_space<vmem>>) dst(%dma_wait3A_464 : memref<4096xf32, #tpu.memory_space<vmem_shared>>)
      tpu.yield
    }) : () -> ()
    %mul3A_330 = arith.constant 32768 : i32
    %mul3A_331 = arith.muli %arg1, %mul3A_330 : i32
    %add3A_332 = arith.constant 28672 : i32
    %add3A_333 = arith.addi %mul3A_331, %add3A_332 : i32
    "tpu.region"() ({
      %run_scoped3A = tpu.sem_alloc : memref<!tpu.dma_semaphore, #tpu.memory_space<semaphore_mem>>
      %dma_start3A = tpu.memref_slice %arg12[%add3A_333] : memref<524352xf32, #tpu.memory_space<vmem_shared>> -> memref<4096xf32, #tpu.memory_space<vmem_shared>>
      %dma_start3A_463 = tpu.memref_slice %arg12[%add3A_333] : memref<524352xf32, #tpu.memory_space<vmem_shared>> -> memref<4096xf32, #tpu.memory_space<vmem_shared>>
      tpu.enqueue_dma source(%arg11 : memref<4096xf32, #tpu.memory_space<vmem>>) target(%dma_start3A_463 : memref<4096xf32, #tpu.memory_space<vmem_shared>>) target_semaphore(%run_scoped3A : memref<!tpu.dma_semaphore, #tpu.memory_space<semaphore_mem>>)
      %dma_wait3A = tpu.memref_slice %arg12[%add3A_333] : memref<524352xf32, #tpu.memory_space<vmem_shared>> -> memref<4096xf32, #tpu.memory_space<vmem_shared>>
      %dma_wait3A_464 = tpu.memref_slice %arg12[%add3A_333] : memref<524352xf32, #tpu.memory_space<vmem_shared>> -> memref<4096xf32, #tpu.memory_space<vmem_shared>>
      tpu.wait_dma2 semaphore(%run_scoped3A : memref<!tpu.dma_semaphore, #tpu.memory_space<semaphore_mem>>) src(%arg11 : memref<4096xf32, #tpu.memory_space<vmem>>) dst(%dma_wait3A_464 : memref<4096xf32, #tpu.memory_space<vmem_shared>>)
      tpu.yield
    }) : () -> ()
    %barrier3A_334 = arith.constant 0 : index
    tpu.barrier barrier_id(%barrier3A_334)
    %scan3A_335 = arith.constant 0 : i32
    %scan3A_336 = arith.constant 1024 : i32
    %scan3A_337 = arith.addi %scan3A_335, %scan3A_336 : i32
    %scan3A_338 = arith.constant 1 : i32
    scf.for %scan3A_463 = %scan3A_335 to %scan3A_337 step %scan3A_338  : i32 {
      %mul3A_464 = arith.constant 16 : i32
      %mul3A_465 = arith.muli %scan3A_463, %mul3A_464 : i32
      %get3A = arith.index_cast %mul3A_465 : i32 to index
      %get3A_466 = tpu.vector_load %arg5[%get3A] {strides = array<i32>} : memref<16384xi32, #tpu.memory_space<vmem>>, vector<16xi32>,
      %get3A_467 = vector.shape_cast %get3A_466 : vector<16xi32> to vector<16xi32>
      %mul3A_468 = arith.constant 262144 : i32
      %mul3A_469 = arith.muli %add3A_301, %mul3A_468 : i32
      %sub3A = vector.broadcast %mul3A_469 : i32 to vector<16xi32>
      %sub3A_470 = arith.subi %get3A_467, %sub3A : vector<16xi32>
      %ge3A = arith.constant 0 : i32
      %ge3A_471 = vector.broadcast %ge3A : i32 to vector<16xi32>
      %ge3A_472 = arith.cmpi sge, %sub3A_470, %ge3A_471 : vector<16xi32>
      %lt3A = arith.constant 524288 : i32
      %lt3A_473 = vector.broadcast %lt3A : i32 to vector<16xi32>
      %lt3A_474 = arith.cmpi slt, %sub3A_470, %lt3A_473 : vector<16xi32>
      %and3A = arith.andi %ge3A_472, %lt3A_474 : vector<16xi1>
      %jit3A = arith.constant 524288 : i32
      %broadcast_in_dim3A = vector.broadcast %jit3A : i32 to vector<16xi32>
      %select_n3A = arith.select %and3A, %sub3A_470, %broadcast_in_dim3A : vector<16xi1>, vector<16xi32>
      %shift_right_arithmetic3A = arith.constant 3 : i32
      %shift_right_arithmetic3A_475 = arith.shrsi %scan3A_463, %shift_right_arithmetic3A : i32
      %and3A_476 = arith.constant 7 : i32
      %and3A_477 = arith.andi %scan3A_463, %and3A_476 : i32
      %mul3A_478 = arith.constant 16 : i32
      %mul3A_479 = arith.muli %and3A_477, %mul3A_478 : i32
      %swap3A = arith.index_cast %shift_right_arithmetic3A_475 : i32 to index
      %swap3A_480 = arith.index_cast %mul3A_479 : i32 to index
      %swap3A_481 = tpu.vector_load %arg7[%swap3A, %swap3A_480] {strides = array<i32>} : memref<128x128xi32, #tpu.memory_space<vmem>>, vector<1x16xi32>,
      %swap3A_482 = vector.shape_cast %swap3A_481 : vector<1x16xi32> to vector<16xi32>
      %swap3A_483 = vector.shape_cast %select_n3A : vector<16xi32> to vector<1x16xi32>
      tpu.vector_store %arg7[%swap3A, %swap3A_480], %swap3A_483 {strides = array<i32>} : memref<128x128xi32, #tpu.memory_space<vmem>>, vector<1x16xi32>,
    }
    %scan3A_339 = arith.constant 1024 : i32
    %scan3A_340 = arith.constant 0 : i32
    %scan3A_341 = arith.constant 8 : i32
    %scan3A_342 = arith.addi %scan3A_340, %scan3A_341 : i32
    %scan3A_343 = arith.constant 1 : i32
    scf.for %scan3A_463 = %scan3A_340 to %scan3A_342 step %scan3A_343  : i32 {
      %add3A_464 = arith.constant 1 : i32
      %add3A_465 = arith.addi %scan3A_463, %add3A_464 : i32
      %convert_element_type3A = arith.sitofp %add3A_465 : i32 to f32
      %broadcast_in_dim3A = vector.broadcast %convert_element_type3A : f32 to vector<16xf32>
      %swap3A = arith.constant 0 : index
      %swap3A_466 = tpu.vector_load %arg10[%swap3A] {strides = array<i32>} : memref<128xf32, #tpu.memory_space<vmem>>, vector<16xf32>,
      %swap3A_467 = vector.shape_cast %swap3A_466 : vector<16xf32> to vector<16xf32>
      %swap3A_468 = vector.shape_cast %broadcast_in_dim3A : vector<16xf32> to vector<16xf32>
      tpu.vector_store %arg10[%swap3A], %swap3A_468 {strides = array<i32>} : memref<128xf32, #tpu.memory_space<vmem>>, vector<16xf32>,
      %add3A_469 = arith.constant 1 : i32
      %add3A_470 = arith.addi %scan3A_463, %add3A_469 : i32
      %convert_element_type3A_471 = arith.sitofp %add3A_470 : i32 to f32
      %broadcast_in_dim3A_472 = vector.broadcast %convert_element_type3A_471 : f32 to vector<16xf32>
      %swap3A_473 = arith.constant 16 : index
      %swap3A_474 = tpu.vector_load %arg10[%swap3A_473] {strides = array<i32>} : memref<128xf32, #tpu.memory_space<vmem>>, vector<16xf32>,
      %swap3A_475 = vector.shape_cast %swap3A_474 : vector<16xf32> to vector<16xf32>
      %swap3A_476 = vector.shape_cast %broadcast_in_dim3A_472 : vector<16xf32> to vector<16xf32>
      tpu.vector_store %arg10[%swap3A_473], %swap3A_476 {strides = array<i32>} : memref<128xf32, #tpu.memory_space<vmem>>, vector<16xf32>,
      %add3A_477 = arith.constant 1 : i32
      %add3A_478 = arith.addi %scan3A_463, %add3A_477 : i32
      %convert_element_type3A_479 = arith.sitofp %add3A_478 : i32 to f32
      %broadcast_in_dim3A_480 = vector.broadcast %convert_element_type3A_479 : f32 to vector<16xf32>
      %swap3A_481 = arith.constant 32 : index
      %swap3A_482 = tpu.vector_load %arg10[%swap3A_481] {strides = array<i32>} : memref<128xf32, #tpu.memory_space<vmem>>, vector<16xf32>,
      %swap3A_483 = vector.shape_cast %swap3A_482 : vector<16xf32> to vector<16xf32>
      %swap3A_484 = vector.shape_cast %broadcast_in_dim3A_480 : vector<16xf32> to vector<16xf32>
      tpu.vector_store %arg10[%swap3A_481], %swap3A_484 {strides = array<i32>} : memref<128xf32, #tpu.memory_space<vmem>>, vector<16xf32>,
      %add3A_485 = arith.constant 1 : i32
      %add3A_486 = arith.addi %scan3A_463, %add3A_485 : i32
      %convert_element_type3A_487 = arith.sitofp %add3A_486 : i32 to f32
      %broadcast_in_dim3A_488 = vector.broadcast %convert_element_type3A_487 : f32 to vector<16xf32>
      %swap3A_489 = arith.constant 48 : index
      %swap3A_490 = tpu.vector_load %arg10[%swap3A_489] {strides = array<i32>} : memref<128xf32, #tpu.memory_space<vmem>>, vector<16xf32>,
      %swap3A_491 = vector.shape_cast %swap3A_490 : vector<16xf32> to vector<16xf32>
      %swap3A_492 = vector.shape_cast %broadcast_in_dim3A_488 : vector<16xf32> to vector<16xf32>
      tpu.vector_store %arg10[%swap3A_489], %swap3A_492 {strides = array<i32>} : memref<128xf32, #tpu.memory_space<vmem>>, vector<16xf32>,
      %add3A_493 = arith.constant 1 : i32
      %add3A_494 = arith.addi %scan3A_463, %add3A_493 : i32
      %convert_element_type3A_495 = arith.sitofp %add3A_494 : i32 to f32
      %broadcast_in_dim3A_496 = vector.broadcast %convert_element_type3A_495 : f32 to vector<16xf32>
      %swap3A_497 = arith.constant 64 : index
      %swap3A_498 = tpu.vector_load %arg10[%swap3A_497] {strides = array<i32>} : memref<128xf32, #tpu.memory_space<vmem>>, vector<16xf32>,
      %swap3A_499 = vector.shape_cast %swap3A_498 : vector<16xf32> to vector<16xf32>
      %swap3A_500 = vector.shape_cast %broadcast_in_dim3A_496 : vector<16xf32> to vector<16xf32>
      tpu.vector_store %arg10[%swap3A_497], %swap3A_500 {strides = array<i32>} : memref<128xf32, #tpu.memory_space<vmem>>, vector<16xf32>,
      %add3A_501 = arith.constant 1 : i32
      %add3A_502 = arith.addi %scan3A_463, %add3A_501 : i32
      %convert_element_type3A_503 = arith.sitofp %add3A_502 : i32 to f32
      %broadcast_in_dim3A_504 = vector.broadcast %convert_element_type3A_503 : f32 to vector<16xf32>
      %swap3A_505 = arith.constant 80 : index
      %swap3A_506 = tpu.vector_load %arg10[%swap3A_505] {strides = array<i32>} : memref<128xf32, #tpu.memory_space<vmem>>, vector<16xf32>,
      %swap3A_507 = vector.shape_cast %swap3A_506 : vector<16xf32> to vector<16xf32>
      %swap3A_508 = vector.shape_cast %broadcast_in_dim3A_504 : vector<16xf32> to vector<16xf32>
      tpu.vector_store %arg10[%swap3A_505], %swap3A_508 {strides = array<i32>} : memref<128xf32, #tpu.memory_space<vmem>>, vector<16xf32>,
      %add3A_509 = arith.constant 1 : i32
      %add3A_510 = arith.addi %scan3A_463, %add3A_509 : i32
      %convert_element_type3A_511 = arith.sitofp %add3A_510 : i32 to f32
      %broadcast_in_dim3A_512 = vector.broadcast %convert_element_type3A_511 : f32 to vector<16xf32>
      %swap3A_513 = arith.constant 96 : index
      %swap3A_514 = tpu.vector_load %arg10[%swap3A_513] {strides = array<i32>} : memref<128xf32, #tpu.memory_space<vmem>>, vector<16xf32>,
      %swap3A_515 = vector.shape_cast %swap3A_514 : vector<16xf32> to vector<16xf32>
      %swap3A_516 = vector.shape_cast %broadcast_in_dim3A_512 : vector<16xf32> to vector<16xf32>
      tpu.vector_store %arg10[%swap3A_513], %swap3A_516 {strides = array<i32>} : memref<128xf32, #tpu.memory_space<vmem>>, vector<16xf32>,
      %add3A_517 = arith.constant 1 : i32
      %add3A_518 = arith.addi %scan3A_463, %add3A_517 : i32
      %convert_element_type3A_519 = arith.sitofp %add3A_518 : i32 to f32
      %broadcast_in_dim3A_520 = vector.broadcast %convert_element_type3A_519 : f32 to vector<16xf32>
      %swap3A_521 = arith.constant 112 : index
      %swap3A_522 = tpu.vector_load %arg10[%swap3A_521] {strides = array<i32>} : memref<128xf32, #tpu.memory_space<vmem>>, vector<16xf32>,
      %swap3A_523 = vector.shape_cast %swap3A_522 : vector<16xf32> to vector<16xf32>
      %swap3A_524 = vector.shape_cast %broadcast_in_dim3A_520 : vector<16xf32> to vector<16xf32>
      tpu.vector_store %arg10[%swap3A_521], %swap3A_524 {strides = array<i32>} : memref<128xf32, #tpu.memory_space<vmem>>, vector<16xf32>,
      %scan3A_525 = arith.constant 0 : i32
      %scan3A_526 = arith.constant 128 : i32
      %scan3A_527 = arith.addi %scan3A_525, %scan3A_526 : i32
      %scan3A_528 = arith.constant 1 : i32
      scf.for %scan3A_562 = %scan3A_525 to %scan3A_527 step %scan3A_528  : i32 {
        %dma_start3A = arith.constant 0 : i32
        %dma_start3A_563 = tpu.memref_slice %arg8[%scan3A_562, %dma_start3A] : memref<128x128xf32, #tpu.memory_space<vmem>> -> memref<1x128xf32, #tpu.memory_space<vmem>>
        %dma_start3A_564 = tpu.memref_squeeze %dma_start3A_563 : memref<1x128xf32, #tpu.memory_space<vmem>> -> memref<128xf32, #tpu.memory_space<vmem>>
        %dma_start3A_565 = arith.constant 0 : i32
        %dma_start3A_566 = tpu.memref_slice %arg7[%scan3A_562, %dma_start3A_565] : memref<128x128xi32, #tpu.memory_space<vmem>> -> memref<1x128xi32, #tpu.memory_space<vmem>>
        %dma_start3A_567 = tpu.memref_squeeze %dma_start3A_566 : memref<1x128xi32, #tpu.memory_space<vmem>> -> memref<128xi32, #tpu.memory_space<vmem>>
        %dma_start3A_568 = arith.constant 0 : i32
        %dma_start3A_569 = tpu.memref_slice %arg12[%dma_start3A_568] : memref<524352xf32, #tpu.memory_space<vmem_shared>> -> memref<524352xf32, #tpu.memory_space<vmem_shared>>
        tpu.enqueue_indirect_dma source(%dma_start3A_564 : memref<128xf32, #tpu.memory_space<vmem>>) target(%dma_start3A_569 : memref<524352xf32, #tpu.memory_space<vmem_shared>>) offsets(%dma_start3A_567 : memref<128xi32, #tpu.memory_space<vmem>>) semaphore(%arg13 : memref<!tpu.dma_semaphore, #tpu.memory_space<semaphore_mem>>)
      }
      %scan3A_529 = arith.constant 128 : i32
      %scan3A_530 = arith.constant 0 : i32
      %scan3A_531 = arith.constant 128 : i32
      %scan3A_532 = arith.addi %scan3A_530, %scan3A_531 : i32
      %scan3A_533 = arith.constant 1 : i32
      scf.for %scan3A_562 = %scan3A_530 to %scan3A_532 step %scan3A_533  : i32 {
        %dma_wait3A = arith.constant 0 : i32
        %dma_wait3A_563 = tpu.memref_slice %arg8[%scan3A_562, %dma_wait3A] : memref<128x128xf32, #tpu.memory_space<vmem>> -> memref<1x128xf32, #tpu.memory_space<vmem>>
        %dma_wait3A_564 = tpu.memref_squeeze %dma_wait3A_563 : memref<1x128xf32, #tpu.memory_space<vmem>> -> memref<128xf32, #tpu.memory_space<vmem>>
        %dma_wait3A_565 = arith.constant 0 : i32
        %dma_wait3A_566 = tpu.memref_slice %arg7[%scan3A_562, %dma_wait3A_565] : memref<128x128xi32, #tpu.memory_space<vmem>> -> memref<1x128xi32, #tpu.memory_space<vmem>>
        %dma_wait3A_567 = tpu.memref_squeeze %dma_wait3A_566 : memref<1x128xi32, #tpu.memory_space<vmem>> -> memref<128xi32, #tpu.memory_space<vmem>>
        %dma_wait3A_568 = arith.constant 0 : i32
        %dma_wait3A_569 = tpu.memref_slice %arg12[%dma_wait3A_568] : memref<524352xf32, #tpu.memory_space<vmem_shared>> -> memref<524352xf32, #tpu.memory_space<vmem_shared>>
        tpu.wait_indirect_dma semaphore(%arg13 : memref<!tpu.dma_semaphore, #tpu.memory_space<semaphore_mem>>) src(%dma_wait3A_564 : memref<128xf32, #tpu.memory_space<vmem>>) dst(%dma_wait3A_569 : memref<524352xf32, #tpu.memory_space<vmem_shared>>)
      }
      %scan3A_534 = arith.constant 128 : i32
      %barrier3A_535 = arith.constant 0 : index
      tpu.barrier barrier_id(%barrier3A_535)
      %scan3A_536 = arith.constant 0 : i32
      %scan3A_537 = arith.constant 128 : i32
      %scan3A_538 = arith.addi %scan3A_536, %scan3A_537 : i32
      %scan3A_539 = arith.constant 1 : i32
      scf.for %scan3A_562 = %scan3A_536 to %scan3A_538 step %scan3A_539  : i32 {
        %dma_start3A = arith.constant 0 : i32
        %dma_start3A_563 = tpu.memref_slice %arg9[%scan3A_562, %dma_start3A] : memref<128x128xf32, #tpu.memory_space<vmem>> -> memref<1x128xf32, #tpu.memory_space<vmem>>
        %dma_start3A_564 = tpu.memref_squeeze %dma_start3A_563 : memref<1x128xf32, #tpu.memory_space<vmem>> -> memref<128xf32, #tpu.memory_space<vmem>>
        %dma_start3A_565 = arith.constant 0 : i32
        %dma_start3A_566 = tpu.memref_slice %arg7[%scan3A_562, %dma_start3A_565] : memref<128x128xi32, #tpu.memory_space<vmem>> -> memref<1x128xi32, #tpu.memory_space<vmem>>
        %dma_start3A_567 = tpu.memref_squeeze %dma_start3A_566 : memref<1x128xi32, #tpu.memory_space<vmem>> -> memref<128xi32, #tpu.memory_space<vmem>>
        %dma_start3A_568 = arith.constant 0 : i32
        %dma_start3A_569 = tpu.memref_slice %arg12[%dma_start3A_568] : memref<524352xf32, #tpu.memory_space<vmem_shared>> -> memref<524352xf32, #tpu.memory_space<vmem_shared>>
        tpu.enqueue_indirect_dma source(%dma_start3A_569 : memref<524352xf32, #tpu.memory_space<vmem_shared>>) target(%dma_start3A_564 : memref<128xf32, #tpu.memory_space<vmem>>) offsets(%dma_start3A_567 : memref<128xi32, #tpu.memory_space<vmem>>) semaphore(%arg13 : memref<!tpu.dma_semaphore, #tpu.memory_space<semaphore_mem>>)
      }
      %scan3A_540 = arith.constant 128 : i32
      %scan3A_541 = arith.constant 0 : i32
      %scan3A_542 = arith.constant 128 : i32
      %scan3A_543 = arith.addi %scan3A_541, %scan3A_542 : i32
      %scan3A_544 = arith.constant 1 : i32
      scf.for %scan3A_562 = %scan3A_541 to %scan3A_543 step %scan3A_544  : i32 {
        %dma_wait3A = arith.constant 0 : i32
        %dma_wait3A_563 = tpu.memref_slice %arg9[%scan3A_562, %dma_wait3A] : memref<128x128xf32, #tpu.memory_space<vmem>> -> memref<1x128xf32, #tpu.memory_space<vmem>>
        %dma_wait3A_564 = tpu.memref_squeeze %dma_wait3A_563 : memref<1x128xf32, #tpu.memory_space<vmem>> -> memref<128xf32, #tpu.memory_space<vmem>>
        %dma_wait3A_565 = arith.constant 0 : i32
        %dma_wait3A_566 = tpu.memref_slice %arg7[%scan3A_562, %dma_wait3A_565] : memref<128x128xi32, #tpu.memory_space<vmem>> -> memref<1x128xi32, #tpu.memory_space<vmem>>
        %dma_wait3A_567 = tpu.memref_squeeze %dma_wait3A_566 : memref<1x128xi32, #tpu.memory_space<vmem>> -> memref<128xi32, #tpu.memory_space<vmem>>
        %dma_wait3A_568 = arith.constant 0 : i32
        %dma_wait3A_569 = tpu.memref_slice %arg12[%dma_wait3A_568] : memref<524352xf32, #tpu.memory_space<vmem_shared>> -> memref<524352xf32, #tpu.memory_space<vmem_shared>>
        tpu.wait_indirect_dma semaphore(%arg13 : memref<!tpu.dma_semaphore, #tpu.memory_space<semaphore_mem>>) src(%dma_wait3A_569 : memref<524352xf32, #tpu.memory_space<vmem_shared>>) dst(%dma_wait3A_564 : memref<128xf32, #tpu.memory_space<vmem>>)
      }
      %scan3A_545 = arith.constant 128 : i32
      %scan3A_546 = arith.constant 0 : i32
      %scan3A_547 = arith.constant 1024 : i32
      %scan3A_548 = arith.addi %scan3A_546, %scan3A_547 : i32
      %scan3A_549 = arith.constant 1 : i32
      scf.for %scan3A_562 = %scan3A_546 to %scan3A_548 step %scan3A_549  : i32 {
        %shift_right_arithmetic3A = arith.constant 3 : i32
        %shift_right_arithmetic3A_563 = arith.shrsi %scan3A_562, %shift_right_arithmetic3A : i32
        %and3A = arith.constant 7 : i32
        %and3A_564 = arith.andi %scan3A_562, %and3A : i32
        %mul3A_565 = arith.constant 16 : i32
        %mul3A_566 = arith.muli %and3A_564, %mul3A_565 : i32
        %get3A = arith.index_cast %shift_right_arithmetic3A_563 : i32 to index
        %get3A_567 = arith.index_cast %mul3A_566 : i32 to index
        %get3A_568 = tpu.vector_load %arg7[%get3A, %get3A_567] {strides = array<i32>} : memref<128x128xi32, #tpu.memory_space<vmem>>, vector<1x16xi32>,
        %get3A_569 = vector.shape_cast %get3A_568 : vector<1x16xi32> to vector<16xi32>
        %get3A_570 = arith.index_cast %shift_right_arithmetic3A_563 : i32 to index
        %get3A_571 = arith.index_cast %mul3A_566 : i32 to index
        %get3A_572 = tpu.vector_load %arg9[%get3A_570, %get3A_571] {strides = array<i32>} : memref<128x128xf32, #tpu.memory_space<vmem>>, vector<1x16xf32>,
        %get3A_573 = vector.shape_cast %get3A_572 : vector<1x16xf32> to vector<16xf32>
        %get3A_574 = arith.index_cast %shift_right_arithmetic3A_563 : i32 to index
        %get3A_575 = arith.index_cast %mul3A_566 : i32 to index
        %get3A_576 = tpu.vector_load %arg8[%get3A_574, %get3A_575] {strides = array<i32>} : memref<128x128xf32, #tpu.memory_space<vmem>>, vector<1x16xf32>,
        %get3A_577 = vector.shape_cast %get3A_576 : vector<1x16xf32> to vector<16xf32>
        %ne3A = arith.constant 524288 : i32
        %ne3A_578 = vector.broadcast %ne3A : i32 to vector<16xi32>
        %ne3A_579 = arith.cmpi ne, %get3A_569, %ne3A_578 : vector<16xi32>
        %eq3A = arith.cmpf oeq, %get3A_573, %get3A_577 : vector<16xf32>
        %and3A_580 = arith.andi %ne3A_579, %eq3A : vector<16xi1>
        %jit3A = arith.constant 524288 : i32
        %broadcast_in_dim3A_581 = vector.broadcast %jit3A : i32 to vector<16xi32>
        %select_n3A = arith.select %and3A_580, %broadcast_in_dim3A_581, %get3A_569 : vector<16xi1>, vector<16xi32>
        %swap3A_582 = arith.index_cast %shift_right_arithmetic3A_563 : i32 to index
        %swap3A_583 = arith.index_cast %mul3A_566 : i32 to index
        %swap3A_584 = tpu.vector_load %arg7[%swap3A_582, %swap3A_583] {strides = array<i32>} : memref<128x128xi32, #tpu.memory_space<vmem>>, vector<1x16xi32>,
        %swap3A_585 = vector.shape_cast %swap3A_584 : vector<1x16xi32> to vector<16xi32>
        %swap3A_586 = vector.shape_cast %select_n3A : vector<16xi32> to vector<1x16xi32>
        tpu.vector_store %arg7[%swap3A_582, %swap3A_583], %swap3A_586 {strides = array<i32>} : memref<128x128xi32, #tpu.memory_space<vmem>>, vector<1x16xi32>,
        %jit3A_587 = arith.constant 524288 : i32
        %broadcast_in_dim3A_588 = vector.broadcast %jit3A_587 : i32 to vector<16xi32>
        %select_n3A_589 = arith.select %and3A_580, %get3A_569, %broadcast_in_dim3A_588 : vector<16xi1>, vector<16xi32>
        %swap3A_590 = arith.index_cast %shift_right_arithmetic3A_563 : i32 to index
        %swap3A_591 = arith.index_cast %mul3A_566 : i32 to index
        %swap3A_592 = tpu.vector_load %arg6[%swap3A_590, %swap3A_591] {strides = array<i32>} : memref<128x128xi32, #tpu.memory_space<vmem>>, vector<1x16xi32>,
        %swap3A_593 = vector.shape_cast %swap3A_592 : vector<1x16xi32> to vector<16xi32>
        %swap3A_594 = vector.shape_cast %select_n3A_589 : vector<16xi32> to vector<1x16xi32>
        tpu.vector_store %arg6[%swap3A_590, %swap3A_591], %swap3A_594 {strides = array<i32>} : memref<128x128xi32, #tpu.memory_space<vmem>>, vector<1x16xi32>,
      }
      %scan3A_550 = arith.constant 1024 : i32
      %scan3A_551 = arith.constant 0 : i32
      %scan3A_552 = arith.constant 128 : i32
      %scan3A_553 = arith.addi %scan3A_551, %scan3A_552 : i32
      %scan3A_554 = arith.constant 1 : i32
      scf.for %scan3A_562 = %scan3A_551 to %scan3A_553 step %scan3A_554  : i32 {
        %dma_start3A = arith.constant 0 : i32
        %dma_start3A_563 = tpu.memref_slice %arg6[%scan3A_562, %dma_start3A] : memref<128x128xi32, #tpu.memory_space<vmem>> -> memref<1x128xi32, #tpu.memory_space<vmem>>
        %dma_start3A_564 = tpu.memref_squeeze %dma_start3A_563 : memref<1x128xi32, #tpu.memory_space<vmem>> -> memref<128xi32, #tpu.memory_space<vmem>>
        %dma_start3A_565 = arith.constant 0 : i32
        %dma_start3A_566 = tpu.memref_slice %arg12[%dma_start3A_565] : memref<524352xf32, #tpu.memory_space<vmem_shared>> -> memref<524352xf32, #tpu.memory_space<vmem_shared>>
        tpu.enqueue_indirect_dma source(%arg10 : memref<128xf32, #tpu.memory_space<vmem>>) target(%dma_start3A_566 : memref<524352xf32, #tpu.memory_space<vmem_shared>>) offsets(%dma_start3A_564 : memref<128xi32, #tpu.memory_space<vmem>>) semaphore(%arg13 : memref<!tpu.dma_semaphore, #tpu.memory_space<semaphore_mem>>)
      }
      %scan3A_555 = arith.constant 128 : i32
      %scan3A_556 = arith.constant 0 : i32
      %scan3A_557 = arith.constant 128 : i32
      %scan3A_558 = arith.addi %scan3A_556, %scan3A_557 : i32
      %scan3A_559 = arith.constant 1 : i32
      scf.for %scan3A_562 = %scan3A_556 to %scan3A_558 step %scan3A_559  : i32 {
        %dma_wait3A = arith.constant 0 : i32
        %dma_wait3A_563 = tpu.memref_slice %arg6[%scan3A_562, %dma_wait3A] : memref<128x128xi32, #tpu.memory_space<vmem>> -> memref<1x128xi32, #tpu.memory_space<vmem>>
        %dma_wait3A_564 = tpu.memref_squeeze %dma_wait3A_563 : memref<1x128xi32, #tpu.memory_space<vmem>> -> memref<128xi32, #tpu.memory_space<vmem>>
        %dma_wait3A_565 = arith.constant 0 : i32
        %dma_wait3A_566 = tpu.memref_slice %arg12[%dma_wait3A_565] : memref<524352xf32, #tpu.memory_space<vmem_shared>> -> memref<524352xf32, #tpu.memory_space<vmem_shared>>
        tpu.wait_indirect_dma semaphore(%arg13 : memref<!tpu.dma_semaphore, #tpu.memory_space<semaphore_mem>>) src(%arg10 : memref<128xf32, #tpu.memory_space<vmem>>) dst(%dma_wait3A_566 : memref<524352xf32, #tpu.memory_space<vmem_shared>>)
      }
      %scan3A_560 = arith.constant 128 : i32
      %barrier3A_561 = arith.constant 0 : index
      tpu.barrier barrier_id(%barrier3A_561)
    }
    %scan3A_344 = arith.constant 8 : i32
    %mul3A_345 = arith.constant 262144 : i32
    %mul3A_346 = arith.muli %add3A_301, %mul3A_345 : i32
    %mul3A_347 = arith.constant 32768 : i32
    %mul3A_348 = arith.muli %arg1, %mul3A_347 : i32
    %add3A_349 = arith.addi %mul3A_346, %mul3A_348 : i32
    %mul3A_350 = arith.constant 32768 : i32
    %mul3A_351 = arith.muli %arg1, %mul3A_350 : i32
    "tpu.region"() ({
      %run_scoped3A = tpu.sem_alloc : memref<!tpu.dma_semaphore, #tpu.memory_space<semaphore_mem>>
      %dma_start3A = tpu.memref_slice %arg4[%add3A_349] : memref<8388608xf32, #tpu.memory_space<hbm>> -> memref<32768xf32, #tpu.memory_space<hbm>>
      %dma_start3A_463 = tpu.memref_slice %arg12[%mul3A_351] : memref<524352xf32, #tpu.memory_space<vmem_shared>> -> memref<32768xf32, #tpu.memory_space<vmem_shared>>
      tpu.enqueue_dma source(%dma_start3A_463 : memref<32768xf32, #tpu.memory_space<vmem_shared>>) target(%dma_start3A : memref<32768xf32, #tpu.memory_space<hbm>>) target_semaphore(%run_scoped3A : memref<!tpu.dma_semaphore, #tpu.memory_space<semaphore_mem>>)
      %dma_wait3A = tpu.memref_slice %arg4[%add3A_349] : memref<8388608xf32, #tpu.memory_space<hbm>> -> memref<32768xf32, #tpu.memory_space<hbm>>
      %dma_wait3A_464 = tpu.memref_slice %arg12[%mul3A_351] : memref<524352xf32, #tpu.memory_space<vmem_shared>> -> memref<32768xf32, #tpu.memory_space<vmem_shared>>
      tpu.wait_dma2 semaphore(%run_scoped3A : memref<!tpu.dma_semaphore, #tpu.memory_space<semaphore_mem>>) src(%dma_wait3A_464 : memref<32768xf32, #tpu.memory_space<vmem_shared>>) dst(%dma_wait3A : memref<32768xf32, #tpu.memory_space<hbm>>)
      tpu.yield
    }) : () -> ()
    %barrier3A_352 = arith.constant 0 : index
    tpu.barrier barrier_id(%barrier3A_352)
    %mul3A_353 = arith.constant 16 : i32
    %mul3A_354 = arith.muli %arg0, %mul3A_353 : i32
    %add3A_355 = arith.constant 12 : i32
    %add3A_356 = arith.addi %mul3A_354, %add3A_355 : i32
    %mul3A_357 = arith.constant 32768 : i32
    %mul3A_358 = arith.muli %arg1, %mul3A_357 : i32
    %add3A_359 = arith.constant 0 : i32
    %add3A_360 = arith.addi %mul3A_358, %add3A_359 : i32
    "tpu.region"() ({
      %run_scoped3A = tpu.sem_alloc : memref<!tpu.dma_semaphore, #tpu.memory_space<semaphore_mem>>
      %dma_start3A = tpu.memref_slice %arg12[%add3A_360] : memref<524352xf32, #tpu.memory_space<vmem_shared>> -> memref<4096xf32, #tpu.memory_space<vmem_shared>>
      %dma_start3A_463 = tpu.memref_slice %arg12[%add3A_360] : memref<524352xf32, #tpu.memory_space<vmem_shared>> -> memref<4096xf32, #tpu.memory_space<vmem_shared>>
      tpu.enqueue_dma source(%arg11 : memref<4096xf32, #tpu.memory_space<vmem>>) target(%dma_start3A_463 : memref<4096xf32, #tpu.memory_space<vmem_shared>>) target_semaphore(%run_scoped3A : memref<!tpu.dma_semaphore, #tpu.memory_space<semaphore_mem>>)
      %dma_wait3A = tpu.memref_slice %arg12[%add3A_360] : memref<524352xf32, #tpu.memory_space<vmem_shared>> -> memref<4096xf32, #tpu.memory_space<vmem_shared>>
      %dma_wait3A_464 = tpu.memref_slice %arg12[%add3A_360] : memref<524352xf32, #tpu.memory_space<vmem_shared>> -> memref<4096xf32, #tpu.memory_space<vmem_shared>>
      tpu.wait_dma2 semaphore(%run_scoped3A : memref<!tpu.dma_semaphore, #tpu.memory_space<semaphore_mem>>) src(%arg11 : memref<4096xf32, #tpu.memory_space<vmem>>) dst(%dma_wait3A_464 : memref<4096xf32, #tpu.memory_space<vmem_shared>>)
      tpu.yield
    }) : () -> ()
    %mul3A_361 = arith.constant 32768 : i32
    %mul3A_362 = arith.muli %arg1, %mul3A_361 : i32
    %add3A_363 = arith.constant 4096 : i32
    %add3A_364 = arith.addi %mul3A_362, %add3A_363 : i32
    "tpu.region"() ({
      %run_scoped3A = tpu.sem_alloc : memref<!tpu.dma_semaphore, #tpu.memory_space<semaphore_mem>>
      %dma_start3A = tpu.memref_slice %arg12[%add3A_364] : memref<524352xf32, #tpu.memory_space<vmem_shared>> -> memref<4096xf32, #tpu.memory_space<vmem_shared>>
      %dma_start3A_463 = tpu.memref_slice %arg12[%add3A_364] : memref<524352xf32, #tpu.memory_space<vmem_shared>> -> memref<4096xf32, #tpu.memory_space<vmem_shared>>
      tpu.enqueue_dma source(%arg11 : memref<4096xf32, #tpu.memory_space<vmem>>) target(%dma_start3A_463 : memref<4096xf32, #tpu.memory_space<vmem_shared>>) target_semaphore(%run_scoped3A : memref<!tpu.dma_semaphore, #tpu.memory_space<semaphore_mem>>)
      %dma_wait3A = tpu.memref_slice %arg12[%add3A_364] : memref<524352xf32, #tpu.memory_space<vmem_shared>> -> memref<4096xf32, #tpu.memory_space<vmem_shared>>
      %dma_wait3A_464 = tpu.memref_slice %arg12[%add3A_364] : memref<524352xf32, #tpu.memory_space<vmem_shared>> -> memref<4096xf32, #tpu.memory_space<vmem_shared>>
      tpu.wait_dma2 semaphore(%run_scoped3A : memref<!tpu.dma_semaphore, #tpu.memory_space<semaphore_mem>>) src(%arg11 : memref<4096xf32, #tpu.memory_space<vmem>>) dst(%dma_wait3A_464 : memref<4096xf32, #tpu.memory_space<vmem_shared>>)
      tpu.yield
    }) : () -> ()
    %mul3A_365 = arith.constant 32768 : i32
    %mul3A_366 = arith.muli %arg1, %mul3A_365 : i32
    %add3A_367 = arith.constant 8192 : i32
    %add3A_368 = arith.addi %mul3A_366, %add3A_367 : i32
    "tpu.region"() ({
      %run_scoped3A = tpu.sem_alloc : memref<!tpu.dma_semaphore, #tpu.memory_space<semaphore_mem>>
      %dma_start3A = tpu.memref_slice %arg12[%add3A_368] : memref<524352xf32, #tpu.memory_space<vmem_shared>> -> memref<4096xf32, #tpu.memory_space<vmem_shared>>
      %dma_start3A_463 = tpu.memref_slice %arg12[%add3A_368] : memref<524352xf32, #tpu.memory_space<vmem_shared>> -> memref<4096xf32, #tpu.memory_space<vmem_shared>>
      tpu.enqueue_dma source(%arg11 : memref<4096xf32, #tpu.memory_space<vmem>>) target(%dma_start3A_463 : memref<4096xf32, #tpu.memory_space<vmem_shared>>) target_semaphore(%run_scoped3A : memref<!tpu.dma_semaphore, #tpu.memory_space<semaphore_mem>>)
      %dma_wait3A = tpu.memref_slice %arg12[%add3A_368] : memref<524352xf32, #tpu.memory_space<vmem_shared>> -> memref<4096xf32, #tpu.memory_space<vmem_shared>>
      %dma_wait3A_464 = tpu.memref_slice %arg12[%add3A_368] : memref<524352xf32, #tpu.memory_space<vmem_shared>> -> memref<4096xf32, #tpu.memory_space<vmem_shared>>
      tpu.wait_dma2 semaphore(%run_scoped3A : memref<!tpu.dma_semaphore, #tpu.memory_space<semaphore_mem>>) src(%arg11 : memref<4096xf32, #tpu.memory_space<vmem>>) dst(%dma_wait3A_464 : memref<4096xf32, #tpu.memory_space<vmem_shared>>)
      tpu.yield
    }) : () -> ()
    %mul3A_369 = arith.constant 32768 : i32
    %mul3A_370 = arith.muli %arg1, %mul3A_369 : i32
    %add3A_371 = arith.constant 12288 : i32
    %add3A_372 = arith.addi %mul3A_370, %add3A_371 : i32
    "tpu.region"() ({
      %run_scoped3A = tpu.sem_alloc : memref<!tpu.dma_semaphore, #tpu.memory_space<semaphore_mem>>
      %dma_start3A = tpu.memref_slice %arg12[%add3A_372] : memref<524352xf32, #tpu.memory_space<vmem_shared>> -> memref<4096xf32, #tpu.memory_space<vmem_shared>>
      %dma_start3A_463 = tpu.memref_slice %arg12[%add3A_372] : memref<524352xf32, #tpu.memory_space<vmem_shared>> -> memref<4096xf32, #tpu.memory_space<vmem_shared>>
      tpu.enqueue_dma source(%arg11 : memref<4096xf32, #tpu.memory_space<vmem>>) target(%dma_start3A_463 : memref<4096xf32, #tpu.memory_space<vmem_shared>>) target_semaphore(%run_scoped3A : memref<!tpu.dma_semaphore, #tpu.memory_space<semaphore_mem>>)
      %dma_wait3A = tpu.memref_slice %arg12[%add3A_372] : memref<524352xf32, #tpu.memory_space<vmem_shared>> -> memref<4096xf32, #tpu.memory_space<vmem_shared>>
      %dma_wait3A_464 = tpu.memref_slice %arg12[%add3A_372] : memref<524352xf32, #tpu.memory_space<vmem_shared>> -> memref<4096xf32, #tpu.memory_space<vmem_shared>>
      tpu.wait_dma2 semaphore(%run_scoped3A : memref<!tpu.dma_semaphore, #tpu.memory_space<semaphore_mem>>) src(%arg11 : memref<4096xf32, #tpu.memory_space<vmem>>) dst(%dma_wait3A_464 : memref<4096xf32, #tpu.memory_space<vmem_shared>>)
      tpu.yield
    }) : () -> ()
    %mul3A_373 = arith.constant 32768 : i32
    %mul3A_374 = arith.muli %arg1, %mul3A_373 : i32
    %add3A_375 = arith.constant 16384 : i32
    %add3A_376 = arith.addi %mul3A_374, %add3A_375 : i32
    "tpu.region"() ({
      %run_scoped3A = tpu.sem_alloc : memref<!tpu.dma_semaphore, #tpu.memory_space<semaphore_mem>>
      %dma_start3A = tpu.memref_slice %arg12[%add3A_376] : memref<524352xf32, #tpu.memory_space<vmem_shared>> -> memref<4096xf32, #tpu.memory_space<vmem_shared>>
      %dma_start3A_463 = tpu.memref_slice %arg12[%add3A_376] : memref<524352xf32, #tpu.memory_space<vmem_shared>> -> memref<4096xf32, #tpu.memory_space<vmem_shared>>
      tpu.enqueue_dma source(%arg11 : memref<4096xf32, #tpu.memory_space<vmem>>) target(%dma_start3A_463 : memref<4096xf32, #tpu.memory_space<vmem_shared>>) target_semaphore(%run_scoped3A : memref<!tpu.dma_semaphore, #tpu.memory_space<semaphore_mem>>)
      %dma_wait3A = tpu.memref_slice %arg12[%add3A_376] : memref<524352xf32, #tpu.memory_space<vmem_shared>> -> memref<4096xf32, #tpu.memory_space<vmem_shared>>
      %dma_wait3A_464 = tpu.memref_slice %arg12[%add3A_376] : memref<524352xf32, #tpu.memory_space<vmem_shared>> -> memref<4096xf32, #tpu.memory_space<vmem_shared>>
      tpu.wait_dma2 semaphore(%run_scoped3A : memref<!tpu.dma_semaphore, #tpu.memory_space<semaphore_mem>>) src(%arg11 : memref<4096xf32, #tpu.memory_space<vmem>>) dst(%dma_wait3A_464 : memref<4096xf32, #tpu.memory_space<vmem_shared>>)
      tpu.yield
    }) : () -> ()
    %mul3A_377 = arith.constant 32768 : i32
    %mul3A_378 = arith.muli %arg1, %mul3A_377 : i32
    %add3A_379 = arith.constant 20480 : i32
    %add3A_380 = arith.addi %mul3A_378, %add3A_379 : i32
    "tpu.region"() ({
      %run_scoped3A = tpu.sem_alloc : memref<!tpu.dma_semaphore, #tpu.memory_space<semaphore_mem>>
      %dma_start3A = tpu.memref_slice %arg12[%add3A_380] : memref<524352xf32, #tpu.memory_space<vmem_shared>> -> memref<4096xf32, #tpu.memory_space<vmem_shared>>
      %dma_start3A_463 = tpu.memref_slice %arg12[%add3A_380] : memref<524352xf32, #tpu.memory_space<vmem_shared>> -> memref<4096xf32, #tpu.memory_space<vmem_shared>>
      tpu.enqueue_dma source(%arg11 : memref<4096xf32, #tpu.memory_space<vmem>>) target(%dma_start3A_463 : memref<4096xf32, #tpu.memory_space<vmem_shared>>) target_semaphore(%run_scoped3A : memref<!tpu.dma_semaphore, #tpu.memory_space<semaphore_mem>>)
      %dma_wait3A = tpu.memref_slice %arg12[%add3A_380] : memref<524352xf32, #tpu.memory_space<vmem_shared>> -> memref<4096xf32, #tpu.memory_space<vmem_shared>>
      %dma_wait3A_464 = tpu.memref_slice %arg12[%add3A_380] : memref<524352xf32, #tpu.memory_space<vmem_shared>> -> memref<4096xf32, #tpu.memory_space<vmem_shared>>
      tpu.wait_dma2 semaphore(%run_scoped3A : memref<!tpu.dma_semaphore, #tpu.memory_space<semaphore_mem>>) src(%arg11 : memref<4096xf32, #tpu.memory_space<vmem>>) dst(%dma_wait3A_464 : memref<4096xf32, #tpu.memory_space<vmem_shared>>)
      tpu.yield
    }) : () -> ()
    %mul3A_381 = arith.constant 32768 : i32
    %mul3A_382 = arith.muli %arg1, %mul3A_381 : i32
    %add3A_383 = arith.constant 24576 : i32
    %add3A_384 = arith.addi %mul3A_382, %add3A_383 : i32
    "tpu.region"() ({
      %run_scoped3A = tpu.sem_alloc : memref<!tpu.dma_semaphore, #tpu.memory_space<semaphore_mem>>
      %dma_start3A = tpu.memref_slice %arg12[%add3A_384] : memref<524352xf32, #tpu.memory_space<vmem_shared>> -> memref<4096xf32, #tpu.memory_space<vmem_shared>>
      %dma_start3A_463 = tpu.memref_slice %arg12[%add3A_384] : memref<524352xf32, #tpu.memory_space<vmem_shared>> -> memref<4096xf32, #tpu.memory_space<vmem_shared>>
      tpu.enqueue_dma source(%arg11 : memref<4096xf32, #tpu.memory_space<vmem>>) target(%dma_start3A_463 : memref<4096xf32, #tpu.memory_space<vmem_shared>>) target_semaphore(%run_scoped3A : memref<!tpu.dma_semaphore, #tpu.memory_space<semaphore_mem>>)
      %dma_wait3A = tpu.memref_slice %arg12[%add3A_384] : memref<524352xf32, #tpu.memory_space<vmem_shared>> -> memref<4096xf32, #tpu.memory_space<vmem_shared>>
      %dma_wait3A_464 = tpu.memref_slice %arg12[%add3A_384] : memref<524352xf32, #tpu.memory_space<vmem_shared>> -> memref<4096xf32, #tpu.memory_space<vmem_shared>>
      tpu.wait_dma2 semaphore(%run_scoped3A : memref<!tpu.dma_semaphore, #tpu.memory_space<semaphore_mem>>) src(%arg11 : memref<4096xf32, #tpu.memory_space<vmem>>) dst(%dma_wait3A_464 : memref<4096xf32, #tpu.memory_space<vmem_shared>>)
      tpu.yield
    }) : () -> ()
    %mul3A_385 = arith.constant 32768 : i32
    %mul3A_386 = arith.muli %arg1, %mul3A_385 : i32
    %add3A_387 = arith.constant 28672 : i32
    %add3A_388 = arith.addi %mul3A_386, %add3A_387 : i32
    "tpu.region"() ({
      %run_scoped3A = tpu.sem_alloc : memref<!tpu.dma_semaphore, #tpu.memory_space<semaphore_mem>>
      %dma_start3A = tpu.memref_slice %arg12[%add3A_388] : memref<524352xf32, #tpu.memory_space<vmem_shared>> -> memref<4096xf32, #tpu.memory_space<vmem_shared>>
      %dma_start3A_463 = tpu.memref_slice %arg12[%add3A_388] : memref<524352xf32, #tpu.memory_space<vmem_shared>> -> memref<4096xf32, #tpu.memory_space<vmem_shared>>
      tpu.enqueue_dma source(%arg11 : memref<4096xf32, #tpu.memory_space<vmem>>) target(%dma_start3A_463 : memref<4096xf32, #tpu.memory_space<vmem_shared>>) target_semaphore(%run_scoped3A : memref<!tpu.dma_semaphore, #tpu.memory_space<semaphore_mem>>)
      %dma_wait3A = tpu.memref_slice %arg12[%add3A_388] : memref<524352xf32, #tpu.memory_space<vmem_shared>> -> memref<4096xf32, #tpu.memory_space<vmem_shared>>
      %dma_wait3A_464 = tpu.memref_slice %arg12[%add3A_388] : memref<524352xf32, #tpu.memory_space<vmem_shared>> -> memref<4096xf32, #tpu.memory_space<vmem_shared>>
      tpu.wait_dma2 semaphore(%run_scoped3A : memref<!tpu.dma_semaphore, #tpu.memory_space<semaphore_mem>>) src(%arg11 : memref<4096xf32, #tpu.memory_space<vmem>>) dst(%dma_wait3A_464 : memref<4096xf32, #tpu.memory_space<vmem_shared>>)
      tpu.yield
    }) : () -> ()
    %barrier3A_389 = arith.constant 0 : index
    tpu.barrier barrier_id(%barrier3A_389)
    %scan3A_390 = arith.constant 0 : i32
    %scan3A_391 = arith.constant 1024 : i32
    %scan3A_392 = arith.addi %scan3A_390, %scan3A_391 : i32
    %scan3A_393 = arith.constant 1 : i32
    scf.for %scan3A_463 = %scan3A_390 to %scan3A_392 step %scan3A_393  : i32 {
      %mul3A_464 = arith.constant 16 : i32
      %mul3A_465 = arith.muli %scan3A_463, %mul3A_464 : i32
      %get3A = arith.index_cast %mul3A_465 : i32 to index
      %get3A_466 = tpu.vector_load %arg5[%get3A] {strides = array<i32>} : memref<16384xi32, #tpu.memory_space<vmem>>, vector<16xi32>,
      %get3A_467 = vector.shape_cast %get3A_466 : vector<16xi32> to vector<16xi32>
      %mul3A_468 = arith.constant 262144 : i32
      %mul3A_469 = arith.muli %add3A_356, %mul3A_468 : i32
      %sub3A = vector.broadcast %mul3A_469 : i32 to vector<16xi32>
      %sub3A_470 = arith.subi %get3A_467, %sub3A : vector<16xi32>
      %ge3A = arith.constant 0 : i32
      %ge3A_471 = vector.broadcast %ge3A : i32 to vector<16xi32>
      %ge3A_472 = arith.cmpi sge, %sub3A_470, %ge3A_471 : vector<16xi32>
      %lt3A = arith.constant 524288 : i32
      %lt3A_473 = vector.broadcast %lt3A : i32 to vector<16xi32>
      %lt3A_474 = arith.cmpi slt, %sub3A_470, %lt3A_473 : vector<16xi32>
      %and3A = arith.andi %ge3A_472, %lt3A_474 : vector<16xi1>
      %jit3A = arith.constant 524288 : i32
      %broadcast_in_dim3A = vector.broadcast %jit3A : i32 to vector<16xi32>
      %select_n3A = arith.select %and3A, %sub3A_470, %broadcast_in_dim3A : vector<16xi1>, vector<16xi32>
      %shift_right_arithmetic3A = arith.constant 3 : i32
      %shift_right_arithmetic3A_475 = arith.shrsi %scan3A_463, %shift_right_arithmetic3A : i32
      %and3A_476 = arith.constant 7 : i32
      %and3A_477 = arith.andi %scan3A_463, %and3A_476 : i32
      %mul3A_478 = arith.constant 16 : i32
      %mul3A_479 = arith.muli %and3A_477, %mul3A_478 : i32
      %swap3A = arith.index_cast %shift_right_arithmetic3A_475 : i32 to index
      %swap3A_480 = arith.index_cast %mul3A_479 : i32 to index
      %swap3A_481 = tpu.vector_load %arg7[%swap3A, %swap3A_480] {strides = array<i32>} : memref<128x128xi32, #tpu.memory_space<vmem>>, vector<1x16xi32>,
      %swap3A_482 = vector.shape_cast %swap3A_481 : vector<1x16xi32> to vector<16xi32>
      %swap3A_483 = vector.shape_cast %select_n3A : vector<16xi32> to vector<1x16xi32>
      tpu.vector_store %arg7[%swap3A, %swap3A_480], %swap3A_483 {strides = array<i32>} : memref<128x128xi32, #tpu.memory_space<vmem>>, vector<1x16xi32>,
    }
    %scan3A_394 = arith.constant 1024 : i32
    %scan3A_395 = arith.constant 0 : i32
    %scan3A_396 = arith.constant 8 : i32
    %scan3A_397 = arith.addi %scan3A_395, %scan3A_396 : i32
    %scan3A_398 = arith.constant 1 : i32
    scf.for %scan3A_463 = %scan3A_395 to %scan3A_397 step %scan3A_398  : i32 {
      %add3A_464 = arith.constant 1 : i32
      %add3A_465 = arith.addi %scan3A_463, %add3A_464 : i32
      %convert_element_type3A = arith.sitofp %add3A_465 : i32 to f32
      %broadcast_in_dim3A = vector.broadcast %convert_element_type3A : f32 to vector<16xf32>
      %swap3A = arith.constant 0 : index
      %swap3A_466 = tpu.vector_load %arg10[%swap3A] {strides = array<i32>} : memref<128xf32, #tpu.memory_space<vmem>>, vector<16xf32>,
      %swap3A_467 = vector.shape_cast %swap3A_466 : vector<16xf32> to vector<16xf32>
      %swap3A_468 = vector.shape_cast %broadcast_in_dim3A : vector<16xf32> to vector<16xf32>
      tpu.vector_store %arg10[%swap3A], %swap3A_468 {strides = array<i32>} : memref<128xf32, #tpu.memory_space<vmem>>, vector<16xf32>,
      %add3A_469 = arith.constant 1 : i32
      %add3A_470 = arith.addi %scan3A_463, %add3A_469 : i32
      %convert_element_type3A_471 = arith.sitofp %add3A_470 : i32 to f32
      %broadcast_in_dim3A_472 = vector.broadcast %convert_element_type3A_471 : f32 to vector<16xf32>
      %swap3A_473 = arith.constant 16 : index
      %swap3A_474 = tpu.vector_load %arg10[%swap3A_473] {strides = array<i32>} : memref<128xf32, #tpu.memory_space<vmem>>, vector<16xf32>,
      %swap3A_475 = vector.shape_cast %swap3A_474 : vector<16xf32> to vector<16xf32>
      %swap3A_476 = vector.shape_cast %broadcast_in_dim3A_472 : vector<16xf32> to vector<16xf32>
      tpu.vector_store %arg10[%swap3A_473], %swap3A_476 {strides = array<i32>} : memref<128xf32, #tpu.memory_space<vmem>>, vector<16xf32>,
      %add3A_477 = arith.constant 1 : i32
      %add3A_478 = arith.addi %scan3A_463, %add3A_477 : i32
      %convert_element_type3A_479 = arith.sitofp %add3A_478 : i32 to f32
      %broadcast_in_dim3A_480 = vector.broadcast %convert_element_type3A_479 : f32 to vector<16xf32>
      %swap3A_481 = arith.constant 32 : index
      %swap3A_482 = tpu.vector_load %arg10[%swap3A_481] {strides = array<i32>} : memref<128xf32, #tpu.memory_space<vmem>>, vector<16xf32>,
      %swap3A_483 = vector.shape_cast %swap3A_482 : vector<16xf32> to vector<16xf32>
      %swap3A_484 = vector.shape_cast %broadcast_in_dim3A_480 : vector<16xf32> to vector<16xf32>
      tpu.vector_store %arg10[%swap3A_481], %swap3A_484 {strides = array<i32>} : memref<128xf32, #tpu.memory_space<vmem>>, vector<16xf32>,
      %add3A_485 = arith.constant 1 : i32
      %add3A_486 = arith.addi %scan3A_463, %add3A_485 : i32
      %convert_element_type3A_487 = arith.sitofp %add3A_486 : i32 to f32
      %broadcast_in_dim3A_488 = vector.broadcast %convert_element_type3A_487 : f32 to vector<16xf32>
      %swap3A_489 = arith.constant 48 : index
      %swap3A_490 = tpu.vector_load %arg10[%swap3A_489] {strides = array<i32>} : memref<128xf32, #tpu.memory_space<vmem>>, vector<16xf32>,
      %swap3A_491 = vector.shape_cast %swap3A_490 : vector<16xf32> to vector<16xf32>
      %swap3A_492 = vector.shape_cast %broadcast_in_dim3A_488 : vector<16xf32> to vector<16xf32>
      tpu.vector_store %arg10[%swap3A_489], %swap3A_492 {strides = array<i32>} : memref<128xf32, #tpu.memory_space<vmem>>, vector<16xf32>,
      %add3A_493 = arith.constant 1 : i32
      %add3A_494 = arith.addi %scan3A_463, %add3A_493 : i32
      %convert_element_type3A_495 = arith.sitofp %add3A_494 : i32 to f32
      %broadcast_in_dim3A_496 = vector.broadcast %convert_element_type3A_495 : f32 to vector<16xf32>
      %swap3A_497 = arith.constant 64 : index
      %swap3A_498 = tpu.vector_load %arg10[%swap3A_497] {strides = array<i32>} : memref<128xf32, #tpu.memory_space<vmem>>, vector<16xf32>,
      %swap3A_499 = vector.shape_cast %swap3A_498 : vector<16xf32> to vector<16xf32>
      %swap3A_500 = vector.shape_cast %broadcast_in_dim3A_496 : vector<16xf32> to vector<16xf32>
      tpu.vector_store %arg10[%swap3A_497], %swap3A_500 {strides = array<i32>} : memref<128xf32, #tpu.memory_space<vmem>>, vector<16xf32>,
      %add3A_501 = arith.constant 1 : i32
      %add3A_502 = arith.addi %scan3A_463, %add3A_501 : i32
      %convert_element_type3A_503 = arith.sitofp %add3A_502 : i32 to f32
      %broadcast_in_dim3A_504 = vector.broadcast %convert_element_type3A_503 : f32 to vector<16xf32>
      %swap3A_505 = arith.constant 80 : index
      %swap3A_506 = tpu.vector_load %arg10[%swap3A_505] {strides = array<i32>} : memref<128xf32, #tpu.memory_space<vmem>>, vector<16xf32>,
      %swap3A_507 = vector.shape_cast %swap3A_506 : vector<16xf32> to vector<16xf32>
      %swap3A_508 = vector.shape_cast %broadcast_in_dim3A_504 : vector<16xf32> to vector<16xf32>
      tpu.vector_store %arg10[%swap3A_505], %swap3A_508 {strides = array<i32>} : memref<128xf32, #tpu.memory_space<vmem>>, vector<16xf32>,
      %add3A_509 = arith.constant 1 : i32
      %add3A_510 = arith.addi %scan3A_463, %add3A_509 : i32
      %convert_element_type3A_511 = arith.sitofp %add3A_510 : i32 to f32
      %broadcast_in_dim3A_512 = vector.broadcast %convert_element_type3A_511 : f32 to vector<16xf32>
      %swap3A_513 = arith.constant 96 : index
      %swap3A_514 = tpu.vector_load %arg10[%swap3A_513] {strides = array<i32>} : memref<128xf32, #tpu.memory_space<vmem>>, vector<16xf32>,
      %swap3A_515 = vector.shape_cast %swap3A_514 : vector<16xf32> to vector<16xf32>
      %swap3A_516 = vector.shape_cast %broadcast_in_dim3A_512 : vector<16xf32> to vector<16xf32>
      tpu.vector_store %arg10[%swap3A_513], %swap3A_516 {strides = array<i32>} : memref<128xf32, #tpu.memory_space<vmem>>, vector<16xf32>,
      %add3A_517 = arith.constant 1 : i32
      %add3A_518 = arith.addi %scan3A_463, %add3A_517 : i32
      %convert_element_type3A_519 = arith.sitofp %add3A_518 : i32 to f32
      %broadcast_in_dim3A_520 = vector.broadcast %convert_element_type3A_519 : f32 to vector<16xf32>
      %swap3A_521 = arith.constant 112 : index
      %swap3A_522 = tpu.vector_load %arg10[%swap3A_521] {strides = array<i32>} : memref<128xf32, #tpu.memory_space<vmem>>, vector<16xf32>,
      %swap3A_523 = vector.shape_cast %swap3A_522 : vector<16xf32> to vector<16xf32>
      %swap3A_524 = vector.shape_cast %broadcast_in_dim3A_520 : vector<16xf32> to vector<16xf32>
      tpu.vector_store %arg10[%swap3A_521], %swap3A_524 {strides = array<i32>} : memref<128xf32, #tpu.memory_space<vmem>>, vector<16xf32>,
      %scan3A_525 = arith.constant 0 : i32
      %scan3A_526 = arith.constant 128 : i32
      %scan3A_527 = arith.addi %scan3A_525, %scan3A_526 : i32
      %scan3A_528 = arith.constant 1 : i32
      scf.for %scan3A_562 = %scan3A_525 to %scan3A_527 step %scan3A_528  : i32 {
        %dma_start3A = arith.constant 0 : i32
        %dma_start3A_563 = tpu.memref_slice %arg8[%scan3A_562, %dma_start3A] : memref<128x128xf32, #tpu.memory_space<vmem>> -> memref<1x128xf32, #tpu.memory_space<vmem>>
        %dma_start3A_564 = tpu.memref_squeeze %dma_start3A_563 : memref<1x128xf32, #tpu.memory_space<vmem>> -> memref<128xf32, #tpu.memory_space<vmem>>
        %dma_start3A_565 = arith.constant 0 : i32
        %dma_start3A_566 = tpu.memref_slice %arg7[%scan3A_562, %dma_start3A_565] : memref<128x128xi32, #tpu.memory_space<vmem>> -> memref<1x128xi32, #tpu.memory_space<vmem>>
        %dma_start3A_567 = tpu.memref_squeeze %dma_start3A_566 : memref<1x128xi32, #tpu.memory_space<vmem>> -> memref<128xi32, #tpu.memory_space<vmem>>
        %dma_start3A_568 = arith.constant 0 : i32
        %dma_start3A_569 = tpu.memref_slice %arg12[%dma_start3A_568] : memref<524352xf32, #tpu.memory_space<vmem_shared>> -> memref<524352xf32, #tpu.memory_space<vmem_shared>>
        tpu.enqueue_indirect_dma source(%dma_start3A_564 : memref<128xf32, #tpu.memory_space<vmem>>) target(%dma_start3A_569 : memref<524352xf32, #tpu.memory_space<vmem_shared>>) offsets(%dma_start3A_567 : memref<128xi32, #tpu.memory_space<vmem>>) semaphore(%arg13 : memref<!tpu.dma_semaphore, #tpu.memory_space<semaphore_mem>>)
      }
      %scan3A_529 = arith.constant 128 : i32
      %scan3A_530 = arith.constant 0 : i32
      %scan3A_531 = arith.constant 128 : i32
      %scan3A_532 = arith.addi %scan3A_530, %scan3A_531 : i32
      %scan3A_533 = arith.constant 1 : i32
      scf.for %scan3A_562 = %scan3A_530 to %scan3A_532 step %scan3A_533  : i32 {
        %dma_wait3A = arith.constant 0 : i32
        %dma_wait3A_563 = tpu.memref_slice %arg8[%scan3A_562, %dma_wait3A] : memref<128x128xf32, #tpu.memory_space<vmem>> -> memref<1x128xf32, #tpu.memory_space<vmem>>
        %dma_wait3A_564 = tpu.memref_squeeze %dma_wait3A_563 : memref<1x128xf32, #tpu.memory_space<vmem>> -> memref<128xf32, #tpu.memory_space<vmem>>
        %dma_wait3A_565 = arith.constant 0 : i32
        %dma_wait3A_566 = tpu.memref_slice %arg7[%scan3A_562, %dma_wait3A_565] : memref<128x128xi32, #tpu.memory_space<vmem>> -> memref<1x128xi32, #tpu.memory_space<vmem>>
        %dma_wait3A_567 = tpu.memref_squeeze %dma_wait3A_566 : memref<1x128xi32, #tpu.memory_space<vmem>> -> memref<128xi32, #tpu.memory_space<vmem>>
        %dma_wait3A_568 = arith.constant 0 : i32
        %dma_wait3A_569 = tpu.memref_slice %arg12[%dma_wait3A_568] : memref<524352xf32, #tpu.memory_space<vmem_shared>> -> memref<524352xf32, #tpu.memory_space<vmem_shared>>
        tpu.wait_indirect_dma semaphore(%arg13 : memref<!tpu.dma_semaphore, #tpu.memory_space<semaphore_mem>>) src(%dma_wait3A_564 : memref<128xf32, #tpu.memory_space<vmem>>) dst(%dma_wait3A_569 : memref<524352xf32, #tpu.memory_space<vmem_shared>>)
      }
      %scan3A_534 = arith.constant 128 : i32
      %barrier3A_535 = arith.constant 0 : index
      tpu.barrier barrier_id(%barrier3A_535)
      %scan3A_536 = arith.constant 0 : i32
      %scan3A_537 = arith.constant 128 : i32
      %scan3A_538 = arith.addi %scan3A_536, %scan3A_537 : i32
      %scan3A_539 = arith.constant 1 : i32
      scf.for %scan3A_562 = %scan3A_536 to %scan3A_538 step %scan3A_539  : i32 {
        %dma_start3A = arith.constant 0 : i32
        %dma_start3A_563 = tpu.memref_slice %arg9[%scan3A_562, %dma_start3A] : memref<128x128xf32, #tpu.memory_space<vmem>> -> memref<1x128xf32, #tpu.memory_space<vmem>>
        %dma_start3A_564 = tpu.memref_squeeze %dma_start3A_563 : memref<1x128xf32, #tpu.memory_space<vmem>> -> memref<128xf32, #tpu.memory_space<vmem>>
        %dma_start3A_565 = arith.constant 0 : i32
        %dma_start3A_566 = tpu.memref_slice %arg7[%scan3A_562, %dma_start3A_565] : memref<128x128xi32, #tpu.memory_space<vmem>> -> memref<1x128xi32, #tpu.memory_space<vmem>>
        %dma_start3A_567 = tpu.memref_squeeze %dma_start3A_566 : memref<1x128xi32, #tpu.memory_space<vmem>> -> memref<128xi32, #tpu.memory_space<vmem>>
        %dma_start3A_568 = arith.constant 0 : i32
        %dma_start3A_569 = tpu.memref_slice %arg12[%dma_start3A_568] : memref<524352xf32, #tpu.memory_space<vmem_shared>> -> memref<524352xf32, #tpu.memory_space<vmem_shared>>
        tpu.enqueue_indirect_dma source(%dma_start3A_569 : memref<524352xf32, #tpu.memory_space<vmem_shared>>) target(%dma_start3A_564 : memref<128xf32, #tpu.memory_space<vmem>>) offsets(%dma_start3A_567 : memref<128xi32, #tpu.memory_space<vmem>>) semaphore(%arg13 : memref<!tpu.dma_semaphore, #tpu.memory_space<semaphore_mem>>)
      }
      %scan3A_540 = arith.constant 128 : i32
      %scan3A_541 = arith.constant 0 : i32
      %scan3A_542 = arith.constant 128 : i32
      %scan3A_543 = arith.addi %scan3A_541, %scan3A_542 : i32
      %scan3A_544 = arith.constant 1 : i32
      scf.for %scan3A_562 = %scan3A_541 to %scan3A_543 step %scan3A_544  : i32 {
        %dma_wait3A = arith.constant 0 : i32
        %dma_wait3A_563 = tpu.memref_slice %arg9[%scan3A_562, %dma_wait3A] : memref<128x128xf32, #tpu.memory_space<vmem>> -> memref<1x128xf32, #tpu.memory_space<vmem>>
        %dma_wait3A_564 = tpu.memref_squeeze %dma_wait3A_563 : memref<1x128xf32, #tpu.memory_space<vmem>> -> memref<128xf32, #tpu.memory_space<vmem>>
        %dma_wait3A_565 = arith.constant 0 : i32
        %dma_wait3A_566 = tpu.memref_slice %arg7[%scan3A_562, %dma_wait3A_565] : memref<128x128xi32, #tpu.memory_space<vmem>> -> memref<1x128xi32, #tpu.memory_space<vmem>>
        %dma_wait3A_567 = tpu.memref_squeeze %dma_wait3A_566 : memref<1x128xi32, #tpu.memory_space<vmem>> -> memref<128xi32, #tpu.memory_space<vmem>>
        %dma_wait3A_568 = arith.constant 0 : i32
        %dma_wait3A_569 = tpu.memref_slice %arg12[%dma_wait3A_568] : memref<524352xf32, #tpu.memory_space<vmem_shared>> -> memref<524352xf32, #tpu.memory_space<vmem_shared>>
        tpu.wait_indirect_dma semaphore(%arg13 : memref<!tpu.dma_semaphore, #tpu.memory_space<semaphore_mem>>) src(%dma_wait3A_569 : memref<524352xf32, #tpu.memory_space<vmem_shared>>) dst(%dma_wait3A_564 : memref<128xf32, #tpu.memory_space<vmem>>)
      }
      %scan3A_545 = arith.constant 128 : i32
      %scan3A_546 = arith.constant 0 : i32
      %scan3A_547 = arith.constant 1024 : i32
      %scan3A_548 = arith.addi %scan3A_546, %scan3A_547 : i32
      %scan3A_549 = arith.constant 1 : i32
      scf.for %scan3A_562 = %scan3A_546 to %scan3A_548 step %scan3A_549  : i32 {
        %shift_right_arithmetic3A = arith.constant 3 : i32
        %shift_right_arithmetic3A_563 = arith.shrsi %scan3A_562, %shift_right_arithmetic3A : i32
        %and3A = arith.constant 7 : i32
        %and3A_564 = arith.andi %scan3A_562, %and3A : i32
        %mul3A_565 = arith.constant 16 : i32
        %mul3A_566 = arith.muli %and3A_564, %mul3A_565 : i32
        %get3A = arith.index_cast %shift_right_arithmetic3A_563 : i32 to index
        %get3A_567 = arith.index_cast %mul3A_566 : i32 to index
        %get3A_568 = tpu.vector_load %arg7[%get3A, %get3A_567] {strides = array<i32>} : memref<128x128xi32, #tpu.memory_space<vmem>>, vector<1x16xi32>,
        %get3A_569 = vector.shape_cast %get3A_568 : vector<1x16xi32> to vector<16xi32>
        %get3A_570 = arith.index_cast %shift_right_arithmetic3A_563 : i32 to index
        %get3A_571 = arith.index_cast %mul3A_566 : i32 to index
        %get3A_572 = tpu.vector_load %arg9[%get3A_570, %get3A_571] {strides = array<i32>} : memref<128x128xf32, #tpu.memory_space<vmem>>, vector<1x16xf32>,
        %get3A_573 = vector.shape_cast %get3A_572 : vector<1x16xf32> to vector<16xf32>
        %get3A_574 = arith.index_cast %shift_right_arithmetic3A_563 : i32 to index
        %get3A_575 = arith.index_cast %mul3A_566 : i32 to index
        %get3A_576 = tpu.vector_load %arg8[%get3A_574, %get3A_575] {strides = array<i32>} : memref<128x128xf32, #tpu.memory_space<vmem>>, vector<1x16xf32>,
        %get3A_577 = vector.shape_cast %get3A_576 : vector<1x16xf32> to vector<16xf32>
        %ne3A = arith.constant 524288 : i32
        %ne3A_578 = vector.broadcast %ne3A : i32 to vector<16xi32>
        %ne3A_579 = arith.cmpi ne, %get3A_569, %ne3A_578 : vector<16xi32>
        %eq3A = arith.cmpf oeq, %get3A_573, %get3A_577 : vector<16xf32>
        %and3A_580 = arith.andi %ne3A_579, %eq3A : vector<16xi1>
        %jit3A = arith.constant 524288 : i32
        %broadcast_in_dim3A_581 = vector.broadcast %jit3A : i32 to vector<16xi32>
        %select_n3A = arith.select %and3A_580, %broadcast_in_dim3A_581, %get3A_569 : vector<16xi1>, vector<16xi32>
        %swap3A_582 = arith.index_cast %shift_right_arithmetic3A_563 : i32 to index
        %swap3A_583 = arith.index_cast %mul3A_566 : i32 to index
        %swap3A_584 = tpu.vector_load %arg7[%swap3A_582, %swap3A_583] {strides = array<i32>} : memref<128x128xi32, #tpu.memory_space<vmem>>, vector<1x16xi32>,
        %swap3A_585 = vector.shape_cast %swap3A_584 : vector<1x16xi32> to vector<16xi32>
        %swap3A_586 = vector.shape_cast %select_n3A : vector<16xi32> to vector<1x16xi32>
        tpu.vector_store %arg7[%swap3A_582, %swap3A_583], %swap3A_586 {strides = array<i32>} : memref<128x128xi32, #tpu.memory_space<vmem>>, vector<1x16xi32>,
        %jit3A_587 = arith.constant 524288 : i32
        %broadcast_in_dim3A_588 = vector.broadcast %jit3A_587 : i32 to vector<16xi32>
        %select_n3A_589 = arith.select %and3A_580, %get3A_569, %broadcast_in_dim3A_588 : vector<16xi1>, vector<16xi32>
        %swap3A_590 = arith.index_cast %shift_right_arithmetic3A_563 : i32 to index
        %swap3A_591 = arith.index_cast %mul3A_566 : i32 to index
        %swap3A_592 = tpu.vector_load %arg6[%swap3A_590, %swap3A_591] {strides = array<i32>} : memref<128x128xi32, #tpu.memory_space<vmem>>, vector<1x16xi32>,
        %swap3A_593 = vector.shape_cast %swap3A_592 : vector<1x16xi32> to vector<16xi32>
        %swap3A_594 = vector.shape_cast %select_n3A_589 : vector<16xi32> to vector<1x16xi32>
        tpu.vector_store %arg6[%swap3A_590, %swap3A_591], %swap3A_594 {strides = array<i32>} : memref<128x128xi32, #tpu.memory_space<vmem>>, vector<1x16xi32>,
      }
      %scan3A_550 = arith.constant 1024 : i32
      %scan3A_551 = arith.constant 0 : i32
      %scan3A_552 = arith.constant 128 : i32
      %scan3A_553 = arith.addi %scan3A_551, %scan3A_552 : i32
      %scan3A_554 = arith.constant 1 : i32
      scf.for %scan3A_562 = %scan3A_551 to %scan3A_553 step %scan3A_554  : i32 {
        %dma_start3A = arith.constant 0 : i32
        %dma_start3A_563 = tpu.memref_slice %arg6[%scan3A_562, %dma_start3A] : memref<128x128xi32, #tpu.memory_space<vmem>> -> memref<1x128xi32, #tpu.memory_space<vmem>>
        %dma_start3A_564 = tpu.memref_squeeze %dma_start3A_563 : memref<1x128xi32, #tpu.memory_space<vmem>> -> memref<128xi32, #tpu.memory_space<vmem>>
        %dma_start3A_565 = arith.constant 0 : i32
        %dma_start3A_566 = tpu.memref_slice %arg12[%dma_start3A_565] : memref<524352xf32, #tpu.memory_space<vmem_shared>> -> memref<524352xf32, #tpu.memory_space<vmem_shared>>
        tpu.enqueue_indirect_dma source(%arg10 : memref<128xf32, #tpu.memory_space<vmem>>) target(%dma_start3A_566 : memref<524352xf32, #tpu.memory_space<vmem_shared>>) offsets(%dma_start3A_564 : memref<128xi32, #tpu.memory_space<vmem>>) semaphore(%arg13 : memref<!tpu.dma_semaphore, #tpu.memory_space<semaphore_mem>>)
      }
      %scan3A_555 = arith.constant 128 : i32
      %scan3A_556 = arith.constant 0 : i32
      %scan3A_557 = arith.constant 128 : i32
      %scan3A_558 = arith.addi %scan3A_556, %scan3A_557 : i32
      %scan3A_559 = arith.constant 1 : i32
      scf.for %scan3A_562 = %scan3A_556 to %scan3A_558 step %scan3A_559  : i32 {
        %dma_wait3A = arith.constant 0 : i32
        %dma_wait3A_563 = tpu.memref_slice %arg6[%scan3A_562, %dma_wait3A] : memref<128x128xi32, #tpu.memory_space<vmem>> -> memref<1x128xi32, #tpu.memory_space<vmem>>
        %dma_wait3A_564 = tpu.memref_squeeze %dma_wait3A_563 : memref<1x128xi32, #tpu.memory_space<vmem>> -> memref<128xi32, #tpu.memory_space<vmem>>
        %dma_wait3A_565 = arith.constant 0 : i32
        %dma_wait3A_566 = tpu.memref_slice %arg12[%dma_wait3A_565] : memref<524352xf32, #tpu.memory_space<vmem_shared>> -> memref<524352xf32, #tpu.memory_space<vmem_shared>>
        tpu.wait_indirect_dma semaphore(%arg13 : memref<!tpu.dma_semaphore, #tpu.memory_space<semaphore_mem>>) src(%arg10 : memref<128xf32, #tpu.memory_space<vmem>>) dst(%dma_wait3A_566 : memref<524352xf32, #tpu.memory_space<vmem_shared>>)
      }
      %scan3A_560 = arith.constant 128 : i32
      %barrier3A_561 = arith.constant 0 : index
      tpu.barrier barrier_id(%barrier3A_561)
    }
    %scan3A_399 = arith.constant 8 : i32
    %mul3A_400 = arith.constant 262144 : i32
    %mul3A_401 = arith.muli %add3A_356, %mul3A_400 : i32
    %mul3A_402 = arith.constant 32768 : i32
    %mul3A_403 = arith.muli %arg1, %mul3A_402 : i32
    %add3A_404 = arith.addi %mul3A_401, %mul3A_403 : i32
    %mul3A_405 = arith.constant 32768 : i32
    %mul3A_406 = arith.muli %arg1, %mul3A_405 : i32
    "tpu.region"() ({
      %run_scoped3A = tpu.sem_alloc : memref<!tpu.dma_semaphore, #tpu.memory_space<semaphore_mem>>
      %dma_start3A = tpu.memref_slice %arg4[%add3A_404] : memref<8388608xf32, #tpu.memory_space<hbm>> -> memref<32768xf32, #tpu.memory_space<hbm>>
      %dma_start3A_463 = tpu.memref_slice %arg12[%mul3A_406] : memref<524352xf32, #tpu.memory_space<vmem_shared>> -> memref<32768xf32, #tpu.memory_space<vmem_shared>>
      tpu.enqueue_dma source(%dma_start3A_463 : memref<32768xf32, #tpu.memory_space<vmem_shared>>) target(%dma_start3A : memref<32768xf32, #tpu.memory_space<hbm>>) target_semaphore(%run_scoped3A : memref<!tpu.dma_semaphore, #tpu.memory_space<semaphore_mem>>)
      %dma_wait3A = tpu.memref_slice %arg4[%add3A_404] : memref<8388608xf32, #tpu.memory_space<hbm>> -> memref<32768xf32, #tpu.memory_space<hbm>>
      %dma_wait3A_464 = tpu.memref_slice %arg12[%mul3A_406] : memref<524352xf32, #tpu.memory_space<vmem_shared>> -> memref<32768xf32, #tpu.memory_space<vmem_shared>>
      tpu.wait_dma2 semaphore(%run_scoped3A : memref<!tpu.dma_semaphore, #tpu.memory_space<semaphore_mem>>) src(%dma_wait3A_464 : memref<32768xf32, #tpu.memory_space<vmem_shared>>) dst(%dma_wait3A : memref<32768xf32, #tpu.memory_space<hbm>>)
      tpu.yield
    }) : () -> ()
    %barrier3A_407 = arith.constant 0 : index
    tpu.barrier barrier_id(%barrier3A_407)
    %mul3A_408 = arith.constant 16 : i32
    %mul3A_409 = arith.muli %arg0, %mul3A_408 : i32
    %add3A_410 = arith.constant 14 : i32
    %add3A_411 = arith.addi %mul3A_409, %add3A_410 : i32
    %mul3A_412 = arith.constant 32768 : i32
    %mul3A_413 = arith.muli %arg1, %mul3A_412 : i32
    %add3A_414 = arith.constant 0 : i32
    %add3A_415 = arith.addi %mul3A_413, %add3A_414 : i32
    "tpu.region"() ({
      %run_scoped3A = tpu.sem_alloc : memref<!tpu.dma_semaphore, #tpu.memory_space<semaphore_mem>>
      %dma_start3A = tpu.memref_slice %arg12[%add3A_415] : memref<524352xf32, #tpu.memory_space<vmem_shared>> -> memref<4096xf32, #tpu.memory_space<vmem_shared>>
      %dma_start3A_463 = tpu.memref_slice %arg12[%add3A_415] : memref<524352xf32, #tpu.memory_space<vmem_shared>> -> memref<4096xf32, #tpu.memory_space<vmem_shared>>
      tpu.enqueue_dma source(%arg11 : memref<4096xf32, #tpu.memory_space<vmem>>) target(%dma_start3A_463 : memref<4096xf32, #tpu.memory_space<vmem_shared>>) target_semaphore(%run_scoped3A : memref<!tpu.dma_semaphore, #tpu.memory_space<semaphore_mem>>)
      %dma_wait3A = tpu.memref_slice %arg12[%add3A_415] : memref<524352xf32, #tpu.memory_space<vmem_shared>> -> memref<4096xf32, #tpu.memory_space<vmem_shared>>
      %dma_wait3A_464 = tpu.memref_slice %arg12[%add3A_415] : memref<524352xf32, #tpu.memory_space<vmem_shared>> -> memref<4096xf32, #tpu.memory_space<vmem_shared>>
      tpu.wait_dma2 semaphore(%run_scoped3A : memref<!tpu.dma_semaphore, #tpu.memory_space<semaphore_mem>>) src(%arg11 : memref<4096xf32, #tpu.memory_space<vmem>>) dst(%dma_wait3A_464 : memref<4096xf32, #tpu.memory_space<vmem_shared>>)
      tpu.yield
    }) : () -> ()
    %mul3A_416 = arith.constant 32768 : i32
    %mul3A_417 = arith.muli %arg1, %mul3A_416 : i32
    %add3A_418 = arith.constant 4096 : i32
    %add3A_419 = arith.addi %mul3A_417, %add3A_418 : i32
    "tpu.region"() ({
      %run_scoped3A = tpu.sem_alloc : memref<!tpu.dma_semaphore, #tpu.memory_space<semaphore_mem>>
      %dma_start3A = tpu.memref_slice %arg12[%add3A_419] : memref<524352xf32, #tpu.memory_space<vmem_shared>> -> memref<4096xf32, #tpu.memory_space<vmem_shared>>
      %dma_start3A_463 = tpu.memref_slice %arg12[%add3A_419] : memref<524352xf32, #tpu.memory_space<vmem_shared>> -> memref<4096xf32, #tpu.memory_space<vmem_shared>>
      tpu.enqueue_dma source(%arg11 : memref<4096xf32, #tpu.memory_space<vmem>>) target(%dma_start3A_463 : memref<4096xf32, #tpu.memory_space<vmem_shared>>) target_semaphore(%run_scoped3A : memref<!tpu.dma_semaphore, #tpu.memory_space<semaphore_mem>>)
      %dma_wait3A = tpu.memref_slice %arg12[%add3A_419] : memref<524352xf32, #tpu.memory_space<vmem_shared>> -> memref<4096xf32, #tpu.memory_space<vmem_shared>>
      %dma_wait3A_464 = tpu.memref_slice %arg12[%add3A_419] : memref<524352xf32, #tpu.memory_space<vmem_shared>> -> memref<4096xf32, #tpu.memory_space<vmem_shared>>
      tpu.wait_dma2 semaphore(%run_scoped3A : memref<!tpu.dma_semaphore, #tpu.memory_space<semaphore_mem>>) src(%arg11 : memref<4096xf32, #tpu.memory_space<vmem>>) dst(%dma_wait3A_464 : memref<4096xf32, #tpu.memory_space<vmem_shared>>)
      tpu.yield
    }) : () -> ()
    %mul3A_420 = arith.constant 32768 : i32
    %mul3A_421 = arith.muli %arg1, %mul3A_420 : i32
    %add3A_422 = arith.constant 8192 : i32
    %add3A_423 = arith.addi %mul3A_421, %add3A_422 : i32
    "tpu.region"() ({
      %run_scoped3A = tpu.sem_alloc : memref<!tpu.dma_semaphore, #tpu.memory_space<semaphore_mem>>
      %dma_start3A = tpu.memref_slice %arg12[%add3A_423] : memref<524352xf32, #tpu.memory_space<vmem_shared>> -> memref<4096xf32, #tpu.memory_space<vmem_shared>>
      %dma_start3A_463 = tpu.memref_slice %arg12[%add3A_423] : memref<524352xf32, #tpu.memory_space<vmem_shared>> -> memref<4096xf32, #tpu.memory_space<vmem_shared>>
      tpu.enqueue_dma source(%arg11 : memref<4096xf32, #tpu.memory_space<vmem>>) target(%dma_start3A_463 : memref<4096xf32, #tpu.memory_space<vmem_shared>>) target_semaphore(%run_scoped3A : memref<!tpu.dma_semaphore, #tpu.memory_space<semaphore_mem>>)
      %dma_wait3A = tpu.memref_slice %arg12[%add3A_423] : memref<524352xf32, #tpu.memory_space<vmem_shared>> -> memref<4096xf32, #tpu.memory_space<vmem_shared>>
      %dma_wait3A_464 = tpu.memref_slice %arg12[%add3A_423] : memref<524352xf32, #tpu.memory_space<vmem_shared>> -> memref<4096xf32, #tpu.memory_space<vmem_shared>>
      tpu.wait_dma2 semaphore(%run_scoped3A : memref<!tpu.dma_semaphore, #tpu.memory_space<semaphore_mem>>) src(%arg11 : memref<4096xf32, #tpu.memory_space<vmem>>) dst(%dma_wait3A_464 : memref<4096xf32, #tpu.memory_space<vmem_shared>>)
      tpu.yield
    }) : () -> ()
    %mul3A_424 = arith.constant 32768 : i32
    %mul3A_425 = arith.muli %arg1, %mul3A_424 : i32
    %add3A_426 = arith.constant 12288 : i32
    %add3A_427 = arith.addi %mul3A_425, %add3A_426 : i32
    "tpu.region"() ({
      %run_scoped3A = tpu.sem_alloc : memref<!tpu.dma_semaphore, #tpu.memory_space<semaphore_mem>>
      %dma_start3A = tpu.memref_slice %arg12[%add3A_427] : memref<524352xf32, #tpu.memory_space<vmem_shared>> -> memref<4096xf32, #tpu.memory_space<vmem_shared>>
      %dma_start3A_463 = tpu.memref_slice %arg12[%add3A_427] : memref<524352xf32, #tpu.memory_space<vmem_shared>> -> memref<4096xf32, #tpu.memory_space<vmem_shared>>
      tpu.enqueue_dma source(%arg11 : memref<4096xf32, #tpu.memory_space<vmem>>) target(%dma_start3A_463 : memref<4096xf32, #tpu.memory_space<vmem_shared>>) target_semaphore(%run_scoped3A : memref<!tpu.dma_semaphore, #tpu.memory_space<semaphore_mem>>)
      %dma_wait3A = tpu.memref_slice %arg12[%add3A_427] : memref<524352xf32, #tpu.memory_space<vmem_shared>> -> memref<4096xf32, #tpu.memory_space<vmem_shared>>
      %dma_wait3A_464 = tpu.memref_slice %arg12[%add3A_427] : memref<524352xf32, #tpu.memory_space<vmem_shared>> -> memref<4096xf32, #tpu.memory_space<vmem_shared>>
      tpu.wait_dma2 semaphore(%run_scoped3A : memref<!tpu.dma_semaphore, #tpu.memory_space<semaphore_mem>>) src(%arg11 : memref<4096xf32, #tpu.memory_space<vmem>>) dst(%dma_wait3A_464 : memref<4096xf32, #tpu.memory_space<vmem_shared>>)
      tpu.yield
    }) : () -> ()
    %mul3A_428 = arith.constant 32768 : i32
    %mul3A_429 = arith.muli %arg1, %mul3A_428 : i32
    %add3A_430 = arith.constant 16384 : i32
    %add3A_431 = arith.addi %mul3A_429, %add3A_430 : i32
    "tpu.region"() ({
      %run_scoped3A = tpu.sem_alloc : memref<!tpu.dma_semaphore, #tpu.memory_space<semaphore_mem>>
      %dma_start3A = tpu.memref_slice %arg12[%add3A_431] : memref<524352xf32, #tpu.memory_space<vmem_shared>> -> memref<4096xf32, #tpu.memory_space<vmem_shared>>
      %dma_start3A_463 = tpu.memref_slice %arg12[%add3A_431] : memref<524352xf32, #tpu.memory_space<vmem_shared>> -> memref<4096xf32, #tpu.memory_space<vmem_shared>>
      tpu.enqueue_dma source(%arg11 : memref<4096xf32, #tpu.memory_space<vmem>>) target(%dma_start3A_463 : memref<4096xf32, #tpu.memory_space<vmem_shared>>) target_semaphore(%run_scoped3A : memref<!tpu.dma_semaphore, #tpu.memory_space<semaphore_mem>>)
      %dma_wait3A = tpu.memref_slice %arg12[%add3A_431] : memref<524352xf32, #tpu.memory_space<vmem_shared>> -> memref<4096xf32, #tpu.memory_space<vmem_shared>>
      %dma_wait3A_464 = tpu.memref_slice %arg12[%add3A_431] : memref<524352xf32, #tpu.memory_space<vmem_shared>> -> memref<4096xf32, #tpu.memory_space<vmem_shared>>
      tpu.wait_dma2 semaphore(%run_scoped3A : memref<!tpu.dma_semaphore, #tpu.memory_space<semaphore_mem>>) src(%arg11 : memref<4096xf32, #tpu.memory_space<vmem>>) dst(%dma_wait3A_464 : memref<4096xf32, #tpu.memory_space<vmem_shared>>)
      tpu.yield
    }) : () -> ()
    %mul3A_432 = arith.constant 32768 : i32
    %mul3A_433 = arith.muli %arg1, %mul3A_432 : i32
    %add3A_434 = arith.constant 20480 : i32
    %add3A_435 = arith.addi %mul3A_433, %add3A_434 : i32
    "tpu.region"() ({
      %run_scoped3A = tpu.sem_alloc : memref<!tpu.dma_semaphore, #tpu.memory_space<semaphore_mem>>
      %dma_start3A = tpu.memref_slice %arg12[%add3A_435] : memref<524352xf32, #tpu.memory_space<vmem_shared>> -> memref<4096xf32, #tpu.memory_space<vmem_shared>>
      %dma_start3A_463 = tpu.memref_slice %arg12[%add3A_435] : memref<524352xf32, #tpu.memory_space<vmem_shared>> -> memref<4096xf32, #tpu.memory_space<vmem_shared>>
      tpu.enqueue_dma source(%arg11 : memref<4096xf32, #tpu.memory_space<vmem>>) target(%dma_start3A_463 : memref<4096xf32, #tpu.memory_space<vmem_shared>>) target_semaphore(%run_scoped3A : memref<!tpu.dma_semaphore, #tpu.memory_space<semaphore_mem>>)
      %dma_wait3A = tpu.memref_slice %arg12[%add3A_435] : memref<524352xf32, #tpu.memory_space<vmem_shared>> -> memref<4096xf32, #tpu.memory_space<vmem_shared>>
      %dma_wait3A_464 = tpu.memref_slice %arg12[%add3A_435] : memref<524352xf32, #tpu.memory_space<vmem_shared>> -> memref<4096xf32, #tpu.memory_space<vmem_shared>>
      tpu.wait_dma2 semaphore(%run_scoped3A : memref<!tpu.dma_semaphore, #tpu.memory_space<semaphore_mem>>) src(%arg11 : memref<4096xf32, #tpu.memory_space<vmem>>) dst(%dma_wait3A_464 : memref<4096xf32, #tpu.memory_space<vmem_shared>>)
      tpu.yield
    }) : () -> ()
    %mul3A_436 = arith.constant 32768 : i32
    %mul3A_437 = arith.muli %arg1, %mul3A_436 : i32
    %add3A_438 = arith.constant 24576 : i32
    %add3A_439 = arith.addi %mul3A_437, %add3A_438 : i32
    "tpu.region"() ({
      %run_scoped3A = tpu.sem_alloc : memref<!tpu.dma_semaphore, #tpu.memory_space<semaphore_mem>>
      %dma_start3A = tpu.memref_slice %arg12[%add3A_439] : memref<524352xf32, #tpu.memory_space<vmem_shared>> -> memref<4096xf32, #tpu.memory_space<vmem_shared>>
      %dma_start3A_463 = tpu.memref_slice %arg12[%add3A_439] : memref<524352xf32, #tpu.memory_space<vmem_shared>> -> memref<4096xf32, #tpu.memory_space<vmem_shared>>
      tpu.enqueue_dma source(%arg11 : memref<4096xf32, #tpu.memory_space<vmem>>) target(%dma_start3A_463 : memref<4096xf32, #tpu.memory_space<vmem_shared>>) target_semaphore(%run_scoped3A : memref<!tpu.dma_semaphore, #tpu.memory_space<semaphore_mem>>)
      %dma_wait3A = tpu.memref_slice %arg12[%add3A_439] : memref<524352xf32, #tpu.memory_space<vmem_shared>> -> memref<4096xf32, #tpu.memory_space<vmem_shared>>
      %dma_wait3A_464 = tpu.memref_slice %arg12[%add3A_439] : memref<524352xf32, #tpu.memory_space<vmem_shared>> -> memref<4096xf32, #tpu.memory_space<vmem_shared>>
      tpu.wait_dma2 semaphore(%run_scoped3A : memref<!tpu.dma_semaphore, #tpu.memory_space<semaphore_mem>>) src(%arg11 : memref<4096xf32, #tpu.memory_space<vmem>>) dst(%dma_wait3A_464 : memref<4096xf32, #tpu.memory_space<vmem_shared>>)
      tpu.yield
    }) : () -> ()
    %mul3A_440 = arith.constant 32768 : i32
    %mul3A_441 = arith.muli %arg1, %mul3A_440 : i32
    %add3A_442 = arith.constant 28672 : i32
    %add3A_443 = arith.addi %mul3A_441, %add3A_442 : i32
    "tpu.region"() ({
      %run_scoped3A = tpu.sem_alloc : memref<!tpu.dma_semaphore, #tpu.memory_space<semaphore_mem>>
      %dma_start3A = tpu.memref_slice %arg12[%add3A_443] : memref<524352xf32, #tpu.memory_space<vmem_shared>> -> memref<4096xf32, #tpu.memory_space<vmem_shared>>
      %dma_start3A_463 = tpu.memref_slice %arg12[%add3A_443] : memref<524352xf32, #tpu.memory_space<vmem_shared>> -> memref<4096xf32, #tpu.memory_space<vmem_shared>>
      tpu.enqueue_dma source(%arg11 : memref<4096xf32, #tpu.memory_space<vmem>>) target(%dma_start3A_463 : memref<4096xf32, #tpu.memory_space<vmem_shared>>) target_semaphore(%run_scoped3A : memref<!tpu.dma_semaphore, #tpu.memory_space<semaphore_mem>>)
      %dma_wait3A = tpu.memref_slice %arg12[%add3A_443] : memref<524352xf32, #tpu.memory_space<vmem_shared>> -> memref<4096xf32, #tpu.memory_space<vmem_shared>>
      %dma_wait3A_464 = tpu.memref_slice %arg12[%add3A_443] : memref<524352xf32, #tpu.memory_space<vmem_shared>> -> memref<4096xf32, #tpu.memory_space<vmem_shared>>
      tpu.wait_dma2 semaphore(%run_scoped3A : memref<!tpu.dma_semaphore, #tpu.memory_space<semaphore_mem>>) src(%arg11 : memref<4096xf32, #tpu.memory_space<vmem>>) dst(%dma_wait3A_464 : memref<4096xf32, #tpu.memory_space<vmem_shared>>)
      tpu.yield
    }) : () -> ()
    %barrier3A_444 = arith.constant 0 : index
    tpu.barrier barrier_id(%barrier3A_444)
    %scan3A_445 = arith.constant 0 : i32
    %scan3A_446 = arith.constant 1024 : i32
    %scan3A_447 = arith.addi %scan3A_445, %scan3A_446 : i32
    %scan3A_448 = arith.constant 1 : i32
    scf.for %scan3A_463 = %scan3A_445 to %scan3A_447 step %scan3A_448  : i32 {
      %mul3A_464 = arith.constant 16 : i32
      %mul3A_465 = arith.muli %scan3A_463, %mul3A_464 : i32
      %get3A = arith.index_cast %mul3A_465 : i32 to index
      %get3A_466 = tpu.vector_load %arg5[%get3A] {strides = array<i32>} : memref<16384xi32, #tpu.memory_space<vmem>>, vector<16xi32>,
      %get3A_467 = vector.shape_cast %get3A_466 : vector<16xi32> to vector<16xi32>
      %mul3A_468 = arith.constant 262144 : i32
      %mul3A_469 = arith.muli %add3A_411, %mul3A_468 : i32
      %sub3A = vector.broadcast %mul3A_469 : i32 to vector<16xi32>
      %sub3A_470 = arith.subi %get3A_467, %sub3A : vector<16xi32>
      %ge3A = arith.constant 0 : i32
      %ge3A_471 = vector.broadcast %ge3A : i32 to vector<16xi32>
      %ge3A_472 = arith.cmpi sge, %sub3A_470, %ge3A_471 : vector<16xi32>
      %lt3A = arith.constant 524288 : i32
      %lt3A_473 = vector.broadcast %lt3A : i32 to vector<16xi32>
      %lt3A_474 = arith.cmpi slt, %sub3A_470, %lt3A_473 : vector<16xi32>
      %and3A = arith.andi %ge3A_472, %lt3A_474 : vector<16xi1>
      %jit3A = arith.constant 524288 : i32
      %broadcast_in_dim3A = vector.broadcast %jit3A : i32 to vector<16xi32>
      %select_n3A = arith.select %and3A, %sub3A_470, %broadcast_in_dim3A : vector<16xi1>, vector<16xi32>
      %shift_right_arithmetic3A = arith.constant 3 : i32
      %shift_right_arithmetic3A_475 = arith.shrsi %scan3A_463, %shift_right_arithmetic3A : i32
      %and3A_476 = arith.constant 7 : i32
      %and3A_477 = arith.andi %scan3A_463, %and3A_476 : i32
      %mul3A_478 = arith.constant 16 : i32
      %mul3A_479 = arith.muli %and3A_477, %mul3A_478 : i32
      %swap3A = arith.index_cast %shift_right_arithmetic3A_475 : i32 to index
      %swap3A_480 = arith.index_cast %mul3A_479 : i32 to index
      %swap3A_481 = tpu.vector_load %arg7[%swap3A, %swap3A_480] {strides = array<i32>} : memref<128x128xi32, #tpu.memory_space<vmem>>, vector<1x16xi32>,
      %swap3A_482 = vector.shape_cast %swap3A_481 : vector<1x16xi32> to vector<16xi32>
      %swap3A_483 = vector.shape_cast %select_n3A : vector<16xi32> to vector<1x16xi32>
      tpu.vector_store %arg7[%swap3A, %swap3A_480], %swap3A_483 {strides = array<i32>} : memref<128x128xi32, #tpu.memory_space<vmem>>, vector<1x16xi32>,
    }
    %scan3A_449 = arith.constant 1024 : i32
    %scan3A_450 = arith.constant 0 : i32
    %scan3A_451 = arith.constant 8 : i32
    %scan3A_452 = arith.addi %scan3A_450, %scan3A_451 : i32
    %scan3A_453 = arith.constant 1 : i32
    scf.for %scan3A_463 = %scan3A_450 to %scan3A_452 step %scan3A_453  : i32 {
      %add3A_464 = arith.constant 1 : i32
      %add3A_465 = arith.addi %scan3A_463, %add3A_464 : i32
      %convert_element_type3A = arith.sitofp %add3A_465 : i32 to f32
      %broadcast_in_dim3A = vector.broadcast %convert_element_type3A : f32 to vector<16xf32>
      %swap3A = arith.constant 0 : index
      %swap3A_466 = tpu.vector_load %arg10[%swap3A] {strides = array<i32>} : memref<128xf32, #tpu.memory_space<vmem>>, vector<16xf32>,
      %swap3A_467 = vector.shape_cast %swap3A_466 : vector<16xf32> to vector<16xf32>
      %swap3A_468 = vector.shape_cast %broadcast_in_dim3A : vector<16xf32> to vector<16xf32>
      tpu.vector_store %arg10[%swap3A], %swap3A_468 {strides = array<i32>} : memref<128xf32, #tpu.memory_space<vmem>>, vector<16xf32>,
      %add3A_469 = arith.constant 1 : i32
      %add3A_470 = arith.addi %scan3A_463, %add3A_469 : i32
      %convert_element_type3A_471 = arith.sitofp %add3A_470 : i32 to f32
      %broadcast_in_dim3A_472 = vector.broadcast %convert_element_type3A_471 : f32 to vector<16xf32>
      %swap3A_473 = arith.constant 16 : index
      %swap3A_474 = tpu.vector_load %arg10[%swap3A_473] {strides = array<i32>} : memref<128xf32, #tpu.memory_space<vmem>>, vector<16xf32>,
      %swap3A_475 = vector.shape_cast %swap3A_474 : vector<16xf32> to vector<16xf32>
      %swap3A_476 = vector.shape_cast %broadcast_in_dim3A_472 : vector<16xf32> to vector<16xf32>
      tpu.vector_store %arg10[%swap3A_473], %swap3A_476 {strides = array<i32>} : memref<128xf32, #tpu.memory_space<vmem>>, vector<16xf32>,
      %add3A_477 = arith.constant 1 : i32
      %add3A_478 = arith.addi %scan3A_463, %add3A_477 : i32
      %convert_element_type3A_479 = arith.sitofp %add3A_478 : i32 to f32
      %broadcast_in_dim3A_480 = vector.broadcast %convert_element_type3A_479 : f32 to vector<16xf32>
      %swap3A_481 = arith.constant 32 : index
      %swap3A_482 = tpu.vector_load %arg10[%swap3A_481] {strides = array<i32>} : memref<128xf32, #tpu.memory_space<vmem>>, vector<16xf32>,
      %swap3A_483 = vector.shape_cast %swap3A_482 : vector<16xf32> to vector<16xf32>
      %swap3A_484 = vector.shape_cast %broadcast_in_dim3A_480 : vector<16xf32> to vector<16xf32>
      tpu.vector_store %arg10[%swap3A_481], %swap3A_484 {strides = array<i32>} : memref<128xf32, #tpu.memory_space<vmem>>, vector<16xf32>,
      %add3A_485 = arith.constant 1 : i32
      %add3A_486 = arith.addi %scan3A_463, %add3A_485 : i32
      %convert_element_type3A_487 = arith.sitofp %add3A_486 : i32 to f32
      %broadcast_in_dim3A_488 = vector.broadcast %convert_element_type3A_487 : f32 to vector<16xf32>
      %swap3A_489 = arith.constant 48 : index
      %swap3A_490 = tpu.vector_load %arg10[%swap3A_489] {strides = array<i32>} : memref<128xf32, #tpu.memory_space<vmem>>, vector<16xf32>,
      %swap3A_491 = vector.shape_cast %swap3A_490 : vector<16xf32> to vector<16xf32>
      %swap3A_492 = vector.shape_cast %broadcast_in_dim3A_488 : vector<16xf32> to vector<16xf32>
      tpu.vector_store %arg10[%swap3A_489], %swap3A_492 {strides = array<i32>} : memref<128xf32, #tpu.memory_space<vmem>>, vector<16xf32>,
      %add3A_493 = arith.constant 1 : i32
      %add3A_494 = arith.addi %scan3A_463, %add3A_493 : i32
      %convert_element_type3A_495 = arith.sitofp %add3A_494 : i32 to f32
      %broadcast_in_dim3A_496 = vector.broadcast %convert_element_type3A_495 : f32 to vector<16xf32>
      %swap3A_497 = arith.constant 64 : index
      %swap3A_498 = tpu.vector_load %arg10[%swap3A_497] {strides = array<i32>} : memref<128xf32, #tpu.memory_space<vmem>>, vector<16xf32>,
      %swap3A_499 = vector.shape_cast %swap3A_498 : vector<16xf32> to vector<16xf32>
      %swap3A_500 = vector.shape_cast %broadcast_in_dim3A_496 : vector<16xf32> to vector<16xf32>
      tpu.vector_store %arg10[%swap3A_497], %swap3A_500 {strides = array<i32>} : memref<128xf32, #tpu.memory_space<vmem>>, vector<16xf32>,
      %add3A_501 = arith.constant 1 : i32
      %add3A_502 = arith.addi %scan3A_463, %add3A_501 : i32
      %convert_element_type3A_503 = arith.sitofp %add3A_502 : i32 to f32
      %broadcast_in_dim3A_504 = vector.broadcast %convert_element_type3A_503 : f32 to vector<16xf32>
      %swap3A_505 = arith.constant 80 : index
      %swap3A_506 = tpu.vector_load %arg10[%swap3A_505] {strides = array<i32>} : memref<128xf32, #tpu.memory_space<vmem>>, vector<16xf32>,
      %swap3A_507 = vector.shape_cast %swap3A_506 : vector<16xf32> to vector<16xf32>
      %swap3A_508 = vector.shape_cast %broadcast_in_dim3A_504 : vector<16xf32> to vector<16xf32>
      tpu.vector_store %arg10[%swap3A_505], %swap3A_508 {strides = array<i32>} : memref<128xf32, #tpu.memory_space<vmem>>, vector<16xf32>,
      %add3A_509 = arith.constant 1 : i32
      %add3A_510 = arith.addi %scan3A_463, %add3A_509 : i32
      %convert_element_type3A_511 = arith.sitofp %add3A_510 : i32 to f32
      %broadcast_in_dim3A_512 = vector.broadcast %convert_element_type3A_511 : f32 to vector<16xf32>
      %swap3A_513 = arith.constant 96 : index
      %swap3A_514 = tpu.vector_load %arg10[%swap3A_513] {strides = array<i32>} : memref<128xf32, #tpu.memory_space<vmem>>, vector<16xf32>,
      %swap3A_515 = vector.shape_cast %swap3A_514 : vector<16xf32> to vector<16xf32>
      %swap3A_516 = vector.shape_cast %broadcast_in_dim3A_512 : vector<16xf32> to vector<16xf32>
      tpu.vector_store %arg10[%swap3A_513], %swap3A_516 {strides = array<i32>} : memref<128xf32, #tpu.memory_space<vmem>>, vector<16xf32>,
      %add3A_517 = arith.constant 1 : i32
      %add3A_518 = arith.addi %scan3A_463, %add3A_517 : i32
      %convert_element_type3A_519 = arith.sitofp %add3A_518 : i32 to f32
      %broadcast_in_dim3A_520 = vector.broadcast %convert_element_type3A_519 : f32 to vector<16xf32>
      %swap3A_521 = arith.constant 112 : index
      %swap3A_522 = tpu.vector_load %arg10[%swap3A_521] {strides = array<i32>} : memref<128xf32, #tpu.memory_space<vmem>>, vector<16xf32>,
      %swap3A_523 = vector.shape_cast %swap3A_522 : vector<16xf32> to vector<16xf32>
      %swap3A_524 = vector.shape_cast %broadcast_in_dim3A_520 : vector<16xf32> to vector<16xf32>
      tpu.vector_store %arg10[%swap3A_521], %swap3A_524 {strides = array<i32>} : memref<128xf32, #tpu.memory_space<vmem>>, vector<16xf32>,
      %scan3A_525 = arith.constant 0 : i32
      %scan3A_526 = arith.constant 128 : i32
      %scan3A_527 = arith.addi %scan3A_525, %scan3A_526 : i32
      %scan3A_528 = arith.constant 1 : i32
      scf.for %scan3A_562 = %scan3A_525 to %scan3A_527 step %scan3A_528  : i32 {
        %dma_start3A = arith.constant 0 : i32
        %dma_start3A_563 = tpu.memref_slice %arg8[%scan3A_562, %dma_start3A] : memref<128x128xf32, #tpu.memory_space<vmem>> -> memref<1x128xf32, #tpu.memory_space<vmem>>
        %dma_start3A_564 = tpu.memref_squeeze %dma_start3A_563 : memref<1x128xf32, #tpu.memory_space<vmem>> -> memref<128xf32, #tpu.memory_space<vmem>>
        %dma_start3A_565 = arith.constant 0 : i32
        %dma_start3A_566 = tpu.memref_slice %arg7[%scan3A_562, %dma_start3A_565] : memref<128x128xi32, #tpu.memory_space<vmem>> -> memref<1x128xi32, #tpu.memory_space<vmem>>
        %dma_start3A_567 = tpu.memref_squeeze %dma_start3A_566 : memref<1x128xi32, #tpu.memory_space<vmem>> -> memref<128xi32, #tpu.memory_space<vmem>>
        %dma_start3A_568 = arith.constant 0 : i32
        %dma_start3A_569 = tpu.memref_slice %arg12[%dma_start3A_568] : memref<524352xf32, #tpu.memory_space<vmem_shared>> -> memref<524352xf32, #tpu.memory_space<vmem_shared>>
        tpu.enqueue_indirect_dma source(%dma_start3A_564 : memref<128xf32, #tpu.memory_space<vmem>>) target(%dma_start3A_569 : memref<524352xf32, #tpu.memory_space<vmem_shared>>) offsets(%dma_start3A_567 : memref<128xi32, #tpu.memory_space<vmem>>) semaphore(%arg13 : memref<!tpu.dma_semaphore, #tpu.memory_space<semaphore_mem>>)
      }
      %scan3A_529 = arith.constant 128 : i32
      %scan3A_530 = arith.constant 0 : i32
      %scan3A_531 = arith.constant 128 : i32
      %scan3A_532 = arith.addi %scan3A_530, %scan3A_531 : i32
      %scan3A_533 = arith.constant 1 : i32
      scf.for %scan3A_562 = %scan3A_530 to %scan3A_532 step %scan3A_533  : i32 {
        %dma_wait3A = arith.constant 0 : i32
        %dma_wait3A_563 = tpu.memref_slice %arg8[%scan3A_562, %dma_wait3A] : memref<128x128xf32, #tpu.memory_space<vmem>> -> memref<1x128xf32, #tpu.memory_space<vmem>>
        %dma_wait3A_564 = tpu.memref_squeeze %dma_wait3A_563 : memref<1x128xf32, #tpu.memory_space<vmem>> -> memref<128xf32, #tpu.memory_space<vmem>>
        %dma_wait3A_565 = arith.constant 0 : i32
        %dma_wait3A_566 = tpu.memref_slice %arg7[%scan3A_562, %dma_wait3A_565] : memref<128x128xi32, #tpu.memory_space<vmem>> -> memref<1x128xi32, #tpu.memory_space<vmem>>
        %dma_wait3A_567 = tpu.memref_squeeze %dma_wait3A_566 : memref<1x128xi32, #tpu.memory_space<vmem>> -> memref<128xi32, #tpu.memory_space<vmem>>
        %dma_wait3A_568 = arith.constant 0 : i32
        %dma_wait3A_569 = tpu.memref_slice %arg12[%dma_wait3A_568] : memref<524352xf32, #tpu.memory_space<vmem_shared>> -> memref<524352xf32, #tpu.memory_space<vmem_shared>>
        tpu.wait_indirect_dma semaphore(%arg13 : memref<!tpu.dma_semaphore, #tpu.memory_space<semaphore_mem>>) src(%dma_wait3A_564 : memref<128xf32, #tpu.memory_space<vmem>>) dst(%dma_wait3A_569 : memref<524352xf32, #tpu.memory_space<vmem_shared>>)
      }
      %scan3A_534 = arith.constant 128 : i32
      %barrier3A_535 = arith.constant 0 : index
      tpu.barrier barrier_id(%barrier3A_535)
      %scan3A_536 = arith.constant 0 : i32
      %scan3A_537 = arith.constant 128 : i32
      %scan3A_538 = arith.addi %scan3A_536, %scan3A_537 : i32
      %scan3A_539 = arith.constant 1 : i32
      scf.for %scan3A_562 = %scan3A_536 to %scan3A_538 step %scan3A_539  : i32 {
        %dma_start3A = arith.constant 0 : i32
        %dma_start3A_563 = tpu.memref_slice %arg9[%scan3A_562, %dma_start3A] : memref<128x128xf32, #tpu.memory_space<vmem>> -> memref<1x128xf32, #tpu.memory_space<vmem>>
        %dma_start3A_564 = tpu.memref_squeeze %dma_start3A_563 : memref<1x128xf32, #tpu.memory_space<vmem>> -> memref<128xf32, #tpu.memory_space<vmem>>
        %dma_start3A_565 = arith.constant 0 : i32
        %dma_start3A_566 = tpu.memref_slice %arg7[%scan3A_562, %dma_start3A_565] : memref<128x128xi32, #tpu.memory_space<vmem>> -> memref<1x128xi32, #tpu.memory_space<vmem>>
        %dma_start3A_567 = tpu.memref_squeeze %dma_start3A_566 : memref<1x128xi32, #tpu.memory_space<vmem>> -> memref<128xi32, #tpu.memory_space<vmem>>
        %dma_start3A_568 = arith.constant 0 : i32
        %dma_start3A_569 = tpu.memref_slice %arg12[%dma_start3A_568] : memref<524352xf32, #tpu.memory_space<vmem_shared>> -> memref<524352xf32, #tpu.memory_space<vmem_shared>>
        tpu.enqueue_indirect_dma source(%dma_start3A_569 : memref<524352xf32, #tpu.memory_space<vmem_shared>>) target(%dma_start3A_564 : memref<128xf32, #tpu.memory_space<vmem>>) offsets(%dma_start3A_567 : memref<128xi32, #tpu.memory_space<vmem>>) semaphore(%arg13 : memref<!tpu.dma_semaphore, #tpu.memory_space<semaphore_mem>>)
      }
      %scan3A_540 = arith.constant 128 : i32
      %scan3A_541 = arith.constant 0 : i32
      %scan3A_542 = arith.constant 128 : i32
      %scan3A_543 = arith.addi %scan3A_541, %scan3A_542 : i32
      %scan3A_544 = arith.constant 1 : i32
      scf.for %scan3A_562 = %scan3A_541 to %scan3A_543 step %scan3A_544  : i32 {
        %dma_wait3A = arith.constant 0 : i32
        %dma_wait3A_563 = tpu.memref_slice %arg9[%scan3A_562, %dma_wait3A] : memref<128x128xf32, #tpu.memory_space<vmem>> -> memref<1x128xf32, #tpu.memory_space<vmem>>
        %dma_wait3A_564 = tpu.memref_squeeze %dma_wait3A_563 : memref<1x128xf32, #tpu.memory_space<vmem>> -> memref<128xf32, #tpu.memory_space<vmem>>
        %dma_wait3A_565 = arith.constant 0 : i32
        %dma_wait3A_566 = tpu.memref_slice %arg7[%scan3A_562, %dma_wait3A_565] : memref<128x128xi32, #tpu.memory_space<vmem>> -> memref<1x128xi32, #tpu.memory_space<vmem>>
        %dma_wait3A_567 = tpu.memref_squeeze %dma_wait3A_566 : memref<1x128xi32, #tpu.memory_space<vmem>> -> memref<128xi32, #tpu.memory_space<vmem>>
        %dma_wait3A_568 = arith.constant 0 : i32
        %dma_wait3A_569 = tpu.memref_slice %arg12[%dma_wait3A_568] : memref<524352xf32, #tpu.memory_space<vmem_shared>> -> memref<524352xf32, #tpu.memory_space<vmem_shared>>
        tpu.wait_indirect_dma semaphore(%arg13 : memref<!tpu.dma_semaphore, #tpu.memory_space<semaphore_mem>>) src(%dma_wait3A_569 : memref<524352xf32, #tpu.memory_space<vmem_shared>>) dst(%dma_wait3A_564 : memref<128xf32, #tpu.memory_space<vmem>>)
      }
      %scan3A_545 = arith.constant 128 : i32
      %scan3A_546 = arith.constant 0 : i32
      %scan3A_547 = arith.constant 1024 : i32
      %scan3A_548 = arith.addi %scan3A_546, %scan3A_547 : i32
      %scan3A_549 = arith.constant 1 : i32
      scf.for %scan3A_562 = %scan3A_546 to %scan3A_548 step %scan3A_549  : i32 {
        %shift_right_arithmetic3A = arith.constant 3 : i32
        %shift_right_arithmetic3A_563 = arith.shrsi %scan3A_562, %shift_right_arithmetic3A : i32
        %and3A = arith.constant 7 : i32
        %and3A_564 = arith.andi %scan3A_562, %and3A : i32
        %mul3A_565 = arith.constant 16 : i32
        %mul3A_566 = arith.muli %and3A_564, %mul3A_565 : i32
        %get3A = arith.index_cast %shift_right_arithmetic3A_563 : i32 to index
        %get3A_567 = arith.index_cast %mul3A_566 : i32 to index
        %get3A_568 = tpu.vector_load %arg7[%get3A, %get3A_567] {strides = array<i32>} : memref<128x128xi32, #tpu.memory_space<vmem>>, vector<1x16xi32>,
        %get3A_569 = vector.shape_cast %get3A_568 : vector<1x16xi32> to vector<16xi32>
        %get3A_570 = arith.index_cast %shift_right_arithmetic3A_563 : i32 to index
        %get3A_571 = arith.index_cast %mul3A_566 : i32 to index
        %get3A_572 = tpu.vector_load %arg9[%get3A_570, %get3A_571] {strides = array<i32>} : memref<128x128xf32, #tpu.memory_space<vmem>>, vector<1x16xf32>,
        %get3A_573 = vector.shape_cast %get3A_572 : vector<1x16xf32> to vector<16xf32>
        %get3A_574 = arith.index_cast %shift_right_arithmetic3A_563 : i32 to index
        %get3A_575 = arith.index_cast %mul3A_566 : i32 to index
        %get3A_576 = tpu.vector_load %arg8[%get3A_574, %get3A_575] {strides = array<i32>} : memref<128x128xf32, #tpu.memory_space<vmem>>, vector<1x16xf32>,
        %get3A_577 = vector.shape_cast %get3A_576 : vector<1x16xf32> to vector<16xf32>
        %ne3A = arith.constant 524288 : i32
        %ne3A_578 = vector.broadcast %ne3A : i32 to vector<16xi32>
        %ne3A_579 = arith.cmpi ne, %get3A_569, %ne3A_578 : vector<16xi32>
        %eq3A = arith.cmpf oeq, %get3A_573, %get3A_577 : vector<16xf32>
        %and3A_580 = arith.andi %ne3A_579, %eq3A : vector<16xi1>
        %jit3A = arith.constant 524288 : i32
        %broadcast_in_dim3A_581 = vector.broadcast %jit3A : i32 to vector<16xi32>
        %select_n3A = arith.select %and3A_580, %broadcast_in_dim3A_581, %get3A_569 : vector<16xi1>, vector<16xi32>
        %swap3A_582 = arith.index_cast %shift_right_arithmetic3A_563 : i32 to index
        %swap3A_583 = arith.index_cast %mul3A_566 : i32 to index
        %swap3A_584 = tpu.vector_load %arg7[%swap3A_582, %swap3A_583] {strides = array<i32>} : memref<128x128xi32, #tpu.memory_space<vmem>>, vector<1x16xi32>,
        %swap3A_585 = vector.shape_cast %swap3A_584 : vector<1x16xi32> to vector<16xi32>
        %swap3A_586 = vector.shape_cast %select_n3A : vector<16xi32> to vector<1x16xi32>
        tpu.vector_store %arg7[%swap3A_582, %swap3A_583], %swap3A_586 {strides = array<i32>} : memref<128x128xi32, #tpu.memory_space<vmem>>, vector<1x16xi32>,
        %jit3A_587 = arith.constant 524288 : i32
        %broadcast_in_dim3A_588 = vector.broadcast %jit3A_587 : i32 to vector<16xi32>
        %select_n3A_589 = arith.select %and3A_580, %get3A_569, %broadcast_in_dim3A_588 : vector<16xi1>, vector<16xi32>
        %swap3A_590 = arith.index_cast %shift_right_arithmetic3A_563 : i32 to index
        %swap3A_591 = arith.index_cast %mul3A_566 : i32 to index
        %swap3A_592 = tpu.vector_load %arg6[%swap3A_590, %swap3A_591] {strides = array<i32>} : memref<128x128xi32, #tpu.memory_space<vmem>>, vector<1x16xi32>,
        %swap3A_593 = vector.shape_cast %swap3A_592 : vector<1x16xi32> to vector<16xi32>
        %swap3A_594 = vector.shape_cast %select_n3A_589 : vector<16xi32> to vector<1x16xi32>
        tpu.vector_store %arg6[%swap3A_590, %swap3A_591], %swap3A_594 {strides = array<i32>} : memref<128x128xi32, #tpu.memory_space<vmem>>, vector<1x16xi32>,
      }
      %scan3A_550 = arith.constant 1024 : i32
      %scan3A_551 = arith.constant 0 : i32
      %scan3A_552 = arith.constant 128 : i32
      %scan3A_553 = arith.addi %scan3A_551, %scan3A_552 : i32
      %scan3A_554 = arith.constant 1 : i32
      scf.for %scan3A_562 = %scan3A_551 to %scan3A_553 step %scan3A_554  : i32 {
        %dma_start3A = arith.constant 0 : i32
        %dma_start3A_563 = tpu.memref_slice %arg6[%scan3A_562, %dma_start3A] : memref<128x128xi32, #tpu.memory_space<vmem>> -> memref<1x128xi32, #tpu.memory_space<vmem>>
        %dma_start3A_564 = tpu.memref_squeeze %dma_start3A_563 : memref<1x128xi32, #tpu.memory_space<vmem>> -> memref<128xi32, #tpu.memory_space<vmem>>
        %dma_start3A_565 = arith.constant 0 : i32
        %dma_start3A_566 = tpu.memref_slice %arg12[%dma_start3A_565] : memref<524352xf32, #tpu.memory_space<vmem_shared>> -> memref<524352xf32, #tpu.memory_space<vmem_shared>>
        tpu.enqueue_indirect_dma source(%arg10 : memref<128xf32, #tpu.memory_space<vmem>>) target(%dma_start3A_566 : memref<524352xf32, #tpu.memory_space<vmem_shared>>) offsets(%dma_start3A_564 : memref<128xi32, #tpu.memory_space<vmem>>) semaphore(%arg13 : memref<!tpu.dma_semaphore, #tpu.memory_space<semaphore_mem>>)
      }
      %scan3A_555 = arith.constant 128 : i32
      %scan3A_556 = arith.constant 0 : i32
      %scan3A_557 = arith.constant 128 : i32
      %scan3A_558 = arith.addi %scan3A_556, %scan3A_557 : i32
      %scan3A_559 = arith.constant 1 : i32
      scf.for %scan3A_562 = %scan3A_556 to %scan3A_558 step %scan3A_559  : i32 {
        %dma_wait3A = arith.constant 0 : i32
        %dma_wait3A_563 = tpu.memref_slice %arg6[%scan3A_562, %dma_wait3A] : memref<128x128xi32, #tpu.memory_space<vmem>> -> memref<1x128xi32, #tpu.memory_space<vmem>>
        %dma_wait3A_564 = tpu.memref_squeeze %dma_wait3A_563 : memref<1x128xi32, #tpu.memory_space<vmem>> -> memref<128xi32, #tpu.memory_space<vmem>>
        %dma_wait3A_565 = arith.constant 0 : i32
        %dma_wait3A_566 = tpu.memref_slice %arg12[%dma_wait3A_565] : memref<524352xf32, #tpu.memory_space<vmem_shared>> -> memref<524352xf32, #tpu.memory_space<vmem_shared>>
        tpu.wait_indirect_dma semaphore(%arg13 : memref<!tpu.dma_semaphore, #tpu.memory_space<semaphore_mem>>) src(%arg10 : memref<128xf32, #tpu.memory_space<vmem>>) dst(%dma_wait3A_566 : memref<524352xf32, #tpu.memory_space<vmem_shared>>)
      }
      %scan3A_560 = arith.constant 128 : i32
      %barrier3A_561 = arith.constant 0 : index
      tpu.barrier barrier_id(%barrier3A_561)
    }
    %scan3A_454 = arith.constant 8 : i32
    %mul3A_455 = arith.constant 262144 : i32
    %mul3A_456 = arith.muli %add3A_411, %mul3A_455 : i32
    %mul3A_457 = arith.constant 32768 : i32
    %mul3A_458 = arith.muli %arg1, %mul3A_457 : i32
    %add3A_459 = arith.addi %mul3A_456, %mul3A_458 : i32
    %mul3A_460 = arith.constant 32768 : i32
    %mul3A_461 = arith.muli %arg1, %mul3A_460 : i32
    "tpu.region"() ({
      %run_scoped3A = tpu.sem_alloc : memref<!tpu.dma_semaphore, #tpu.memory_space<semaphore_mem>>
      %dma_start3A = tpu.memref_slice %arg4[%add3A_459] : memref<8388608xf32, #tpu.memory_space<hbm>> -> memref<32768xf32, #tpu.memory_space<hbm>>
      %dma_start3A_463 = tpu.memref_slice %arg12[%mul3A_461] : memref<524352xf32, #tpu.memory_space<vmem_shared>> -> memref<32768xf32, #tpu.memory_space<vmem_shared>>
      tpu.enqueue_dma source(%dma_start3A_463 : memref<32768xf32, #tpu.memory_space<vmem_shared>>) target(%dma_start3A : memref<32768xf32, #tpu.memory_space<hbm>>) target_semaphore(%run_scoped3A : memref<!tpu.dma_semaphore, #tpu.memory_space<semaphore_mem>>)
      %dma_wait3A = tpu.memref_slice %arg4[%add3A_459] : memref<8388608xf32, #tpu.memory_space<hbm>> -> memref<32768xf32, #tpu.memory_space<hbm>>
      %dma_wait3A_464 = tpu.memref_slice %arg12[%mul3A_461] : memref<524352xf32, #tpu.memory_space<vmem_shared>> -> memref<32768xf32, #tpu.memory_space<vmem_shared>>
      tpu.wait_dma2 semaphore(%run_scoped3A : memref<!tpu.dma_semaphore, #tpu.memory_space<semaphore_mem>>) src(%dma_wait3A_464 : memref<32768xf32, #tpu.memory_space<vmem_shared>>) dst(%dma_wait3A : memref<32768xf32, #tpu.memory_space<hbm>>)
      tpu.yield
    }) : () -> ()
    %barrier3A_462 = arith.constant 0 : index
    tpu.barrier barrier_id(%barrier3A_462)
    return
  }
}

module attributes {stable_mosaic.version = 14 : i64} {
  func.func @_tc_body(%arg0: i32, %arg1: memref<1x512x4xf32, #tpu.memory_space<vmem>>, %arg2: memref<1x512x512xf32, #tpu.memory_space<vmem>>, %arg3: memref<4x64xf32, #tpu.memory_space<vmem>>, %arg4: memref<1x64xf32, #tpu.memory_space<vmem>>, %arg5: memref<3x64x64xf32, #tpu.memory_space<vmem>>, %arg6: memref<3x64x64xf32, #tpu.memory_space<vmem>>, %arg7: memref<3x64x64xf32, #tpu.memory_space<vmem>>, %arg8: memref<3x1x64xf32, #tpu.memory_space<vmem>>, %arg9: memref<64x1xf32, #tpu.memory_space<vmem>>, %arg10: memref<64x1xf32, #tpu.memory_space<vmem>>, %arg11: memref<1x1xf32, #tpu.memory_space<vmem>>, %arg12: memref<2x64x64xf32, #tpu.memory_space<vmem>>, %arg13: memref<64x64xf32, #tpu.memory_space<vmem>>, %arg14: memref<64x128xf32, #tpu.memory_space<vmem>>, %arg15: memref<2x64x64xf32, #tpu.memory_space<vmem>>, %arg16: memref<64x64xf32, #tpu.memory_space<vmem>>, %arg17: memref<1x64xf32, #tpu.memory_space<vmem>>, %arg18: memref<64x1xf32, #tpu.memory_space<vmem>>, %arg19: memref<1x1xf32, #tpu.memory_space<vmem>>, %arg20: memref<1x1x1xf32, #tpu.memory_space<vmem>>) attributes {dimension_semantics = [#tpu.dimension_semantics<arbitrary>], iteration_bounds = array<i64: 32>, scalar_prefetch = 0 : i64, scratch_operands = 0 : i64, tpu.core_type = #tpu.core_type<tc>, window_params = [{transform_indices = @transform_0, window_bounds = array<i64: 1, 512, 4>}, {transform_indices = @transform_1, window_bounds = array<i64: 1, 512, 512>}, {pipeline_mode = #tpu.pipeline_mode<synchronous>, transform_indices = @transform_2, window_bounds = array<i64: 4, 64>}, {pipeline_mode = #tpu.pipeline_mode<synchronous>, transform_indices = @transform_3, window_bounds = array<i64: 1, 64>}, {pipeline_mode = #tpu.pipeline_mode<synchronous>, transform_indices = @transform_4, window_bounds = array<i64: 3, 64, 64>}, {pipeline_mode = #tpu.pipeline_mode<synchronous>, transform_indices = @transform_5, window_bounds = array<i64: 3, 64, 64>}, {pipeline_mode = #tpu.pipeline_mode<synchronous>, transform_indices = @transform_6, window_bounds = array<i64: 3, 64, 64>}, {pipeline_mode = #tpu.pipeline_mode<synchronous>, transform_indices = @transform_7, window_bounds = array<i64: 3, 1, 64>}, {pipeline_mode = #tpu.pipeline_mode<synchronous>, transform_indices = @transform_8, window_bounds = array<i64: 64, 1>}, {pipeline_mode = #tpu.pipeline_mode<synchronous>, transform_indices = @transform_9, window_bounds = array<i64: 64, 1>}, {pipeline_mode = #tpu.pipeline_mode<synchronous>, transform_indices = @transform_10, window_bounds = array<i64: 1, 1>}, {pipeline_mode = #tpu.pipeline_mode<synchronous>, transform_indices = @transform_11, window_bounds = array<i64: 2, 64, 64>}, {pipeline_mode = #tpu.pipeline_mode<synchronous>, transform_indices = @transform_12, window_bounds = array<i64: 64, 64>}, {pipeline_mode = #tpu.pipeline_mode<synchronous>, transform_indices = @transform_13, window_bounds = array<i64: 64, 128>}, {pipeline_mode = #tpu.pipeline_mode<synchronous>, transform_indices = @transform_14, window_bounds = array<i64: 2, 64, 64>}, {pipeline_mode = #tpu.pipeline_mode<synchronous>, transform_indices = @transform_15, window_bounds = array<i64: 64, 64>}, {pipeline_mode = #tpu.pipeline_mode<synchronous>, transform_indices = @transform_16, window_bounds = array<i64: 1, 64>}, {pipeline_mode = #tpu.pipeline_mode<synchronous>, transform_indices = @transform_17, window_bounds = array<i64: 64, 1>}, {pipeline_mode = #tpu.pipeline_mode<synchronous>, transform_indices = @transform_18, window_bounds = array<i64: 1, 1>}, {transform_indices = @transform_19, window_bounds = array<i64: 1, 1, 1>}]} {
    %get3A = arith.constant 0 : index
    %get3A_0 = arith.constant 0 : index
    %get3A_1 = arith.constant 0 : index
    %get3A_2 = vector.load %arg1[%get3A, %get3A_0, %get3A_1] : memref<1x512x4xf32, #tpu.memory_space<vmem>>, vector<1x512x4xf32>
    %get3A_3 = vector.shape_cast %get3A_2 : vector<1x512x4xf32> to vector<512x4xf32>
    %get3A_4 = arith.constant 0 : index
    %get3A_5 = arith.constant 0 : index
    %get3A_6 = arith.constant 0 : index
    %get3A_7 = vector.load %arg2[%get3A_4, %get3A_5, %get3A_6] : memref<1x512x512xf32, #tpu.memory_space<vmem>>, vector<1x512x512xf32>
    %get3A_8 = vector.shape_cast %get3A_7 : vector<1x512x512xf32> to vector<512x512xf32>
    %get3A_9 = arith.constant 0 : index
    %get3A_10 = arith.constant 0 : index
    %get3A_11 = vector.load %arg3[%get3A_9, %get3A_10] : memref<4x64xf32, #tpu.memory_space<vmem>>, vector<4x64xf32>
    %dot_general3A = arith.constant dense<0.000000e+00> : vector<512x64xf32>
    %dot_general3A_12 = tpu.matmul %get3A_3, %get3A_11, %dot_general3A {dimension_numbers = #tpu.dot_dimension_numbers<[1], [0], [0], [1], [0, 0, 1, 1], [], []>, precision = #tpu.contract_precision<fp32>, transpose_lhs_hint = false} : vector<512x4xf32>, vector<4x64xf32>, vector<512x64xf32> -> vector<512x64xf32>
    %get3A_13 = arith.constant 0 : index
    %get3A_14 = arith.constant 0 : index
    %get3A_15 = vector.load %arg4[%get3A_13, %get3A_14] : memref<1x64xf32, #tpu.memory_space<vmem>>, vector<1x64xf32>
    %add3A = vector.broadcast %get3A_15 : vector<1x64xf32> to vector<512x64xf32>
    %add3A_16 = arith.addf %dot_general3A_12, %add3A : vector<512x64xf32>
    %tanh3A = math.tanh %add3A_16 : vector<512x64xf32>
    %get3A_17 = arith.constant 0 : index
    %get3A_18 = arith.constant 0 : index
    %get3A_19 = arith.constant 0 : index
    %get3A_20 = vector.load %arg5[%get3A_17, %get3A_18, %get3A_19] : memref<3x64x64xf32, #tpu.memory_space<vmem>>, vector<1x64x64xf32>
    %get3A_21 = vector.shape_cast %get3A_20 : vector<1x64x64xf32> to vector<64x64xf32>
    %dot_general3A_22 = arith.constant dense<0.000000e+00> : vector<512x64xf32>
    %dot_general3A_23 = tpu.matmul %tanh3A, %get3A_21, %dot_general3A_22 {dimension_numbers = #tpu.dot_dimension_numbers<[1], [0], [0], [1], [0, 0, 1, 1], [], []>, precision = #tpu.contract_precision<fp32>, transpose_lhs_hint = false} : vector<512x64xf32>, vector<64x64xf32>, vector<512x64xf32> -> vector<512x64xf32>
    %dot_general3A_24 = arith.constant dense<0.000000e+00> : vector<512x64xf32>
    %dot_general3A_25 = tpu.matmul %get3A_8, %dot_general3A_23, %dot_general3A_24 {dimension_numbers = #tpu.dot_dimension_numbers<[0], [0], [1], [1], [0, 1, 1, 1], [], []>, precision = #tpu.contract_precision<fp32>, transpose_lhs_hint = false} : vector<512x512xf32>, vector<512x64xf32>, vector<512x64xf32> -> vector<512x64xf32>
    %get3A_26 = arith.constant 0 : index
    %get3A_27 = arith.constant 0 : index
    %get3A_28 = arith.constant 0 : index
    %get3A_29 = vector.load %arg6[%get3A_26, %get3A_27, %get3A_28] : memref<3x64x64xf32, #tpu.memory_space<vmem>>, vector<1x64x64xf32>
    %get3A_30 = vector.shape_cast %get3A_29 : vector<1x64x64xf32> to vector<64x64xf32>
    %dot_general3A_31 = arith.constant dense<0.000000e+00> : vector<512x64xf32>
    %dot_general3A_32 = tpu.matmul %tanh3A, %get3A_30, %dot_general3A_31 {dimension_numbers = #tpu.dot_dimension_numbers<[1], [0], [0], [1], [0, 0, 1, 1], [], []>, precision = #tpu.contract_precision<fp32>, transpose_lhs_hint = false} : vector<512x64xf32>, vector<64x64xf32>, vector<512x64xf32> -> vector<512x64xf32>
    %get3A_33 = arith.constant 0 : index
    %get3A_34 = arith.constant 0 : index
    %get3A_35 = arith.constant 0 : index
    %get3A_36 = vector.load %arg7[%get3A_33, %get3A_34, %get3A_35] : memref<3x64x64xf32, #tpu.memory_space<vmem>>, vector<1x64x64xf32>
    %get3A_37 = vector.shape_cast %get3A_36 : vector<1x64x64xf32> to vector<64x64xf32>
    %dot_general3A_38 = arith.constant dense<0.000000e+00> : vector<512x64xf32>
    %dot_general3A_39 = tpu.matmul %dot_general3A_25, %get3A_37, %dot_general3A_38 {dimension_numbers = #tpu.dot_dimension_numbers<[1], [0], [0], [1], [0, 0, 1, 1], [], []>, precision = #tpu.contract_precision<fp32>, transpose_lhs_hint = false} : vector<512x64xf32>, vector<64x64xf32>, vector<512x64xf32> -> vector<512x64xf32>
    %add3A_40 = arith.addf %dot_general3A_32, %dot_general3A_39 : vector<512x64xf32>
    %get3A_41 = arith.constant 0 : index
    %get3A_42 = arith.constant 0 : index
    %get3A_43 = arith.constant 0 : index
    %get3A_44 = vector.load %arg8[%get3A_41, %get3A_42, %get3A_43] : memref<3x1x64xf32, #tpu.memory_space<vmem>>, vector<1x1x64xf32>
    %get3A_45 = vector.shape_cast %get3A_44 : vector<1x1x64xf32> to vector<1x64xf32>
    %add3A_46 = vector.broadcast %get3A_45 : vector<1x64xf32> to vector<512x64xf32>
    %add3A_47 = arith.addf %add3A_40, %add3A_46 : vector<512x64xf32>
    %tanh3A_48 = math.tanh %add3A_47 : vector<512x64xf32>
    %get3A_49 = arith.constant 1 : index
    %get3A_50 = arith.constant 0 : index
    %get3A_51 = arith.constant 0 : index
    %get3A_52 = vector.load %arg5[%get3A_49, %get3A_50, %get3A_51] : memref<3x64x64xf32, #tpu.memory_space<vmem>>, vector<1x64x64xf32>
    %get3A_53 = vector.shape_cast %get3A_52 : vector<1x64x64xf32> to vector<64x64xf32>
    %dot_general3A_54 = arith.constant dense<0.000000e+00> : vector<512x64xf32>
    %dot_general3A_55 = tpu.matmul %tanh3A_48, %get3A_53, %dot_general3A_54 {dimension_numbers = #tpu.dot_dimension_numbers<[1], [0], [0], [1], [0, 0, 1, 1], [], []>, precision = #tpu.contract_precision<fp32>, transpose_lhs_hint = false} : vector<512x64xf32>, vector<64x64xf32>, vector<512x64xf32> -> vector<512x64xf32>
    %dot_general3A_56 = arith.constant dense<0.000000e+00> : vector<512x64xf32>
    %dot_general3A_57 = tpu.matmul %get3A_8, %dot_general3A_55, %dot_general3A_56 {dimension_numbers = #tpu.dot_dimension_numbers<[0], [0], [1], [1], [0, 1, 1, 1], [], []>, precision = #tpu.contract_precision<fp32>, transpose_lhs_hint = false} : vector<512x512xf32>, vector<512x64xf32>, vector<512x64xf32> -> vector<512x64xf32>
    %get3A_58 = arith.constant 1 : index
    %get3A_59 = arith.constant 0 : index
    %get3A_60 = arith.constant 0 : index
    %get3A_61 = vector.load %arg6[%get3A_58, %get3A_59, %get3A_60] : memref<3x64x64xf32, #tpu.memory_space<vmem>>, vector<1x64x64xf32>
    %get3A_62 = vector.shape_cast %get3A_61 : vector<1x64x64xf32> to vector<64x64xf32>
    %dot_general3A_63 = arith.constant dense<0.000000e+00> : vector<512x64xf32>
    %dot_general3A_64 = tpu.matmul %tanh3A_48, %get3A_62, %dot_general3A_63 {dimension_numbers = #tpu.dot_dimension_numbers<[1], [0], [0], [1], [0, 0, 1, 1], [], []>, precision = #tpu.contract_precision<fp32>, transpose_lhs_hint = false} : vector<512x64xf32>, vector<64x64xf32>, vector<512x64xf32> -> vector<512x64xf32>
    %get3A_65 = arith.constant 1 : index
    %get3A_66 = arith.constant 0 : index
    %get3A_67 = arith.constant 0 : index
    %get3A_68 = vector.load %arg7[%get3A_65, %get3A_66, %get3A_67] : memref<3x64x64xf32, #tpu.memory_space<vmem>>, vector<1x64x64xf32>
    %get3A_69 = vector.shape_cast %get3A_68 : vector<1x64x64xf32> to vector<64x64xf32>
    %dot_general3A_70 = arith.constant dense<0.000000e+00> : vector<512x64xf32>
    %dot_general3A_71 = tpu.matmul %dot_general3A_57, %get3A_69, %dot_general3A_70 {dimension_numbers = #tpu.dot_dimension_numbers<[1], [0], [0], [1], [0, 0, 1, 1], [], []>, precision = #tpu.contract_precision<fp32>, transpose_lhs_hint = false} : vector<512x64xf32>, vector<64x64xf32>, vector<512x64xf32> -> vector<512x64xf32>
    %add3A_72 = arith.addf %dot_general3A_64, %dot_general3A_71 : vector<512x64xf32>
    %get3A_73 = arith.constant 1 : index
    %get3A_74 = arith.constant 0 : index
    %get3A_75 = arith.constant 0 : index
    %get3A_76 = vector.load %arg8[%get3A_73, %get3A_74, %get3A_75] : memref<3x1x64xf32, #tpu.memory_space<vmem>>, vector<1x1x64xf32>
    %get3A_77 = vector.shape_cast %get3A_76 : vector<1x1x64xf32> to vector<1x64xf32>
    %add3A_78 = vector.broadcast %get3A_77 : vector<1x64xf32> to vector<512x64xf32>
    %add3A_79 = arith.addf %add3A_72, %add3A_78 : vector<512x64xf32>
    %tanh3A_80 = math.tanh %add3A_79 : vector<512x64xf32>
    %get3A_81 = arith.constant 2 : index
    %get3A_82 = arith.constant 0 : index
    %get3A_83 = arith.constant 0 : index
    %get3A_84 = vector.load %arg5[%get3A_81, %get3A_82, %get3A_83] : memref<3x64x64xf32, #tpu.memory_space<vmem>>, vector<1x64x64xf32>
    %get3A_85 = vector.shape_cast %get3A_84 : vector<1x64x64xf32> to vector<64x64xf32>
    %dot_general3A_86 = arith.constant dense<0.000000e+00> : vector<512x64xf32>
    %dot_general3A_87 = tpu.matmul %tanh3A_80, %get3A_85, %dot_general3A_86 {dimension_numbers = #tpu.dot_dimension_numbers<[1], [0], [0], [1], [0, 0, 1, 1], [], []>, precision = #tpu.contract_precision<fp32>, transpose_lhs_hint = false} : vector<512x64xf32>, vector<64x64xf32>, vector<512x64xf32> -> vector<512x64xf32>
    %dot_general3A_88 = arith.constant dense<0.000000e+00> : vector<512x64xf32>
    %dot_general3A_89 = tpu.matmul %get3A_8, %dot_general3A_87, %dot_general3A_88 {dimension_numbers = #tpu.dot_dimension_numbers<[0], [0], [1], [1], [0, 1, 1, 1], [], []>, precision = #tpu.contract_precision<fp32>, transpose_lhs_hint = false} : vector<512x512xf32>, vector<512x64xf32>, vector<512x64xf32> -> vector<512x64xf32>
    %get3A_90 = arith.constant 2 : index
    %get3A_91 = arith.constant 0 : index
    %get3A_92 = arith.constant 0 : index
    %get3A_93 = vector.load %arg6[%get3A_90, %get3A_91, %get3A_92] : memref<3x64x64xf32, #tpu.memory_space<vmem>>, vector<1x64x64xf32>
    %get3A_94 = vector.shape_cast %get3A_93 : vector<1x64x64xf32> to vector<64x64xf32>
    %dot_general3A_95 = arith.constant dense<0.000000e+00> : vector<512x64xf32>
    %dot_general3A_96 = tpu.matmul %tanh3A_80, %get3A_94, %dot_general3A_95 {dimension_numbers = #tpu.dot_dimension_numbers<[1], [0], [0], [1], [0, 0, 1, 1], [], []>, precision = #tpu.contract_precision<fp32>, transpose_lhs_hint = false} : vector<512x64xf32>, vector<64x64xf32>, vector<512x64xf32> -> vector<512x64xf32>
    %get3A_97 = arith.constant 2 : index
    %get3A_98 = arith.constant 0 : index
    %get3A_99 = arith.constant 0 : index
    %get3A_100 = vector.load %arg7[%get3A_97, %get3A_98, %get3A_99] : memref<3x64x64xf32, #tpu.memory_space<vmem>>, vector<1x64x64xf32>
    %get3A_101 = vector.shape_cast %get3A_100 : vector<1x64x64xf32> to vector<64x64xf32>
    %dot_general3A_102 = arith.constant dense<0.000000e+00> : vector<512x64xf32>
    %dot_general3A_103 = tpu.matmul %dot_general3A_89, %get3A_101, %dot_general3A_102 {dimension_numbers = #tpu.dot_dimension_numbers<[1], [0], [0], [1], [0, 0, 1, 1], [], []>, precision = #tpu.contract_precision<fp32>, transpose_lhs_hint = false} : vector<512x64xf32>, vector<64x64xf32>, vector<512x64xf32> -> vector<512x64xf32>
    %add3A_104 = arith.addf %dot_general3A_96, %dot_general3A_103 : vector<512x64xf32>
    %get3A_105 = arith.constant 2 : index
    %get3A_106 = arith.constant 0 : index
    %get3A_107 = arith.constant 0 : index
    %get3A_108 = vector.load %arg8[%get3A_105, %get3A_106, %get3A_107] : memref<3x1x64xf32, #tpu.memory_space<vmem>>, vector<1x1x64xf32>
    %get3A_109 = vector.shape_cast %get3A_108 : vector<1x1x64xf32> to vector<1x64xf32>
    %add3A_110 = vector.broadcast %get3A_109 : vector<1x64xf32> to vector<512x64xf32>
    %add3A_111 = arith.addf %add3A_104, %add3A_110 : vector<512x64xf32>
    %tanh3A_112 = math.tanh %add3A_111 : vector<512x64xf32>
    %get3A_113 = arith.constant 0 : index
    %get3A_114 = arith.constant 0 : index
    %get3A_115 = vector.load %arg9[%get3A_113, %get3A_114] : memref<64x1xf32, #tpu.memory_space<vmem>>, vector<64x1xf32>
    %dot_general3A_116 = arith.constant dense<0.000000e+00> : vector<512x1xf32>
    %dot_general3A_117 = tpu.matmul %tanh3A_112, %get3A_115, %dot_general3A_116 {dimension_numbers = #tpu.dot_dimension_numbers<[1], [0], [0], [1], [0, 0, 1, 1], [], []>, precision = #tpu.contract_precision<fp32>, transpose_lhs_hint = false} : vector<512x64xf32>, vector<64x1xf32>, vector<512x1xf32> -> vector<512x1xf32>
    %get3A_118 = arith.constant 0 : index
    %get3A_119 = arith.constant 0 : index
    %get3A_120 = vector.load %arg10[%get3A_118, %get3A_119] : memref<64x1xf32, #tpu.memory_space<vmem>>, vector<64x1xf32>
    %dot_general3A_121 = arith.constant dense<0.000000e+00> : vector<1x512xf32>
    %dot_general3A_122 = tpu.matmul %get3A_120, %tanh3A_112, %dot_general3A_121 {dimension_numbers = #tpu.dot_dimension_numbers<[0], [1], [1], [0], [0, 1, 1, 0], [], []>, precision = #tpu.contract_precision<fp32>, transpose_lhs_hint = false} : vector<64x1xf32>, vector<512x64xf32>, vector<1x512xf32> -> vector<1x512xf32>
    %gt3A = arith.constant 0.000000e+00 : f32
    %gt3A_123 = vector.broadcast %gt3A : f32 to vector<512x512xf32>
    %gt3A_124 = arith.cmpf ogt, %get3A_8, %gt3A_123 : vector<512x512xf32>
    %add3A_125 = vector.broadcast %dot_general3A_117 : vector<512x1xf32> to vector<512x512xf32>
    %add3A_126 = vector.broadcast %dot_general3A_122 : vector<1x512xf32> to vector<512x512xf32>
    %add3A_127 = arith.addf %add3A_125, %add3A_126 : vector<512x512xf32>
    %get3A_128 = arith.constant 0 : index
    %get3A_129 = arith.constant 0 : index
    %get3A_130 = vector.load %arg11[%get3A_128, %get3A_129] : memref<1x1xf32, #tpu.memory_space<vmem>>, vector<1x1xf32>
    %get3A_131 = vector.extract %get3A_130[0, 0] : f32 from vector<1x1xf32>
    %add3A_132 = vector.broadcast %get3A_131 : f32 to vector<512x512xf32>
    %add3A_133 = arith.addf %add3A_127, %add3A_132 : vector<512x512xf32>
    %logistic3A = arith.negf %add3A_133 : vector<512x512xf32>
    %logistic3A_134 = math.exp %logistic3A : vector<512x512xf32>
    %logistic3A_135 = arith.constant 1.000000e+00 : f32
    %logistic3A_136 = vector.broadcast %logistic3A_135 : f32 to vector<512x512xf32>
    %logistic3A_137 = arith.addf %logistic3A_136, %logistic3A_134 : vector<512x512xf32>
    %logistic3A_138 = arith.divf %logistic3A_136, %logistic3A_137 : vector<512x512xf32>
    %jit3A = arith.constant 0.000000e+00 : f32
    %broadcast_in_dim3A = vector.broadcast %jit3A : f32 to vector<512x512xf32>
    %select_n3A = arith.select %gt3A_124, %logistic3A_138, %broadcast_in_dim3A : vector<512x512xi1>, vector<512x512xf32>
    %iota3A = tpu.iota {dimensions = array<i32: 0>} : vector<512x512xi32>
    %iota3A_139 = tpu.iota {dimensions = array<i32: 1>} : vector<512x512xi32>
    %eq3A = arith.cmpi eq, %iota3A, %iota3A_139 : vector<512x512xi32>
    %add3A_140 = arith.constant 1.000000e+00 : f32
    %add3A_141 = vector.broadcast %add3A_140 : f32 to vector<512x512xf32>
    %add3A_142 = arith.addf %select_n3A, %add3A_141 : vector<512x512xf32>
    %select_n3A_143 = arith.select %eq3A, %add3A_142, %select_n3A : vector<512x512xi1>, vector<512x512xf32>
    %dot_general3A_144 = arith.constant dense<0.000000e+00> : vector<512x64xf32>
    %dot_general3A_145 = tpu.matmul %select_n3A_143, %tanh3A_112, %dot_general3A_144 {dimension_numbers = #tpu.dot_dimension_numbers<[1], [0], [0], [1], [0, 0, 1, 1], [], []>, transpose_lhs_hint = false} : vector<512x512xf32>, vector<512x64xf32>, vector<512x64xf32> -> vector<512x64xf32>
    %get3A_146 = arith.constant 0 : index
    %get3A_147 = arith.constant 0 : index
    %get3A_148 = arith.constant 0 : index
    %get3A_149 = vector.load %arg12[%get3A_146, %get3A_147, %get3A_148] : memref<2x64x64xf32, #tpu.memory_space<vmem>>, vector<1x64x64xf32>
    %get3A_150 = vector.shape_cast %get3A_149 : vector<1x64x64xf32> to vector<64x64xf32>
    %dot_general3A_151 = arith.constant dense<0.000000e+00> : vector<512x64xf32>
    %dot_general3A_152 = tpu.matmul %dot_general3A_145, %get3A_150, %dot_general3A_151 {dimension_numbers = #tpu.dot_dimension_numbers<[1], [0], [0], [1], [0, 0, 1, 1], [], []>, transpose_lhs_hint = false} : vector<512x64xf32>, vector<64x64xf32>, vector<512x64xf32> -> vector<512x64xf32>
    %max3A = arith.constant 0.000000e+00 : f32
    %max3A_153 = vector.broadcast %max3A : f32 to vector<512x64xf32>
    %max3A_154 = arith.maximumf %dot_general3A_152, %max3A_153 : vector<512x64xf32>
    %dot_general3A_155 = arith.constant dense<0.000000e+00> : vector<512x64xf32>
    %dot_general3A_156 = tpu.matmul %select_n3A_143, %max3A_154, %dot_general3A_155 {dimension_numbers = #tpu.dot_dimension_numbers<[1], [0], [0], [1], [0, 0, 1, 1], [], []>, transpose_lhs_hint = false} : vector<512x512xf32>, vector<512x64xf32>, vector<512x64xf32> -> vector<512x64xf32>
    %get3A_157 = arith.constant 1 : index
    %get3A_158 = arith.constant 0 : index
    %get3A_159 = arith.constant 0 : index
    %get3A_160 = vector.load %arg12[%get3A_157, %get3A_158, %get3A_159] : memref<2x64x64xf32, #tpu.memory_space<vmem>>, vector<1x64x64xf32>
    %get3A_161 = vector.shape_cast %get3A_160 : vector<1x64x64xf32> to vector<64x64xf32>
    %dot_general3A_162 = arith.constant dense<0.000000e+00> : vector<512x64xf32>
    %dot_general3A_163 = tpu.matmul %dot_general3A_156, %get3A_161, %dot_general3A_162 {dimension_numbers = #tpu.dot_dimension_numbers<[1], [0], [0], [1], [0, 0, 1, 1], [], []>, transpose_lhs_hint = false} : vector<512x64xf32>, vector<64x64xf32>, vector<512x64xf32> -> vector<512x64xf32>
    %max3A_164 = arith.constant 0.000000e+00 : f32
    %max3A_165 = vector.broadcast %max3A_164 : f32 to vector<512x64xf32>
    %max3A_166 = arith.maximumf %dot_general3A_163, %max3A_165 : vector<512x64xf32>
    %dot_general3A_167 = arith.constant dense<0.000000e+00> : vector<512x64xf32>
    %dot_general3A_168 = tpu.matmul %select_n3A_143, %tanh3A_112, %dot_general3A_167 {dimension_numbers = #tpu.dot_dimension_numbers<[1], [0], [0], [1], [0, 0, 1, 1], [], []>, transpose_lhs_hint = false} : vector<512x512xf32>, vector<512x64xf32>, vector<512x64xf32> -> vector<512x64xf32>
    %get3A_169 = arith.constant 0 : index
    %get3A_170 = arith.constant 0 : index
    %get3A_171 = vector.load %arg13[%get3A_169, %get3A_170] : memref<64x64xf32, #tpu.memory_space<vmem>>, vector<64x64xf32>
    %dot_general3A_172 = arith.constant dense<0.000000e+00> : vector<512x64xf32>
    %dot_general3A_173 = tpu.matmul %dot_general3A_168, %get3A_171, %dot_general3A_172 {dimension_numbers = #tpu.dot_dimension_numbers<[1], [0], [0], [1], [0, 0, 1, 1], [], []>, transpose_lhs_hint = false} : vector<512x64xf32>, vector<64x64xf32>, vector<512x64xf32> -> vector<512x64xf32>
    %max3A_174 = arith.constant 0.000000e+00 : f32
    %max3A_175 = vector.broadcast %max3A_174 : f32 to vector<512x64xf32>
    %max3A_176 = arith.maximumf %dot_general3A_173, %max3A_175 : vector<512x64xf32>
    %dot_general3A_177 = arith.constant dense<0.000000e+00> : vector<512x64xf32>
    %dot_general3A_178 = tpu.matmul %select_n3A_143, %max3A_176, %dot_general3A_177 {dimension_numbers = #tpu.dot_dimension_numbers<[1], [0], [0], [1], [0, 0, 1, 1], [], []>, transpose_lhs_hint = false} : vector<512x512xf32>, vector<512x64xf32>, vector<512x64xf32> -> vector<512x64xf32>
    %get3A_179 = arith.constant 0 : index
    %get3A_180 = arith.constant 0 : index
    %get3A_181 = vector.load %arg14[%get3A_179, %get3A_180] : memref<64x128xf32, #tpu.memory_space<vmem>>, vector<64x128xf32>
    %dot_general3A_182 = arith.constant dense<0.000000e+00> : vector<512x128xf32>
    %dot_general3A_183 = tpu.matmul %dot_general3A_178, %get3A_181, %dot_general3A_182 {dimension_numbers = #tpu.dot_dimension_numbers<[1], [0], [0], [1], [0, 0, 1, 1], [], []>, transpose_lhs_hint = false} : vector<512x64xf32>, vector<64x128xf32>, vector<512x128xf32> -> vector<512x128xf32>
    %reduce_max3A = arith.constant dense<0xFF800000> : vector<512xf32>
    %reduce_max3A_184 = vector.multi_reduction <maximumf>, %dot_general3A_183, %reduce_max3A [1] : vector<512x128xf32> to vector<512xf32>
    %broadcast_in_dim3A_185 = vector.shape_cast %reduce_max3A_184 : vector<512xf32> to vector<512x1xf32>
    %sub3A = vector.broadcast %broadcast_in_dim3A_185 : vector<512x1xf32> to vector<512x128xf32>
    %sub3A_186 = arith.subf %dot_general3A_183, %sub3A : vector<512x128xf32>
    %exp3A = math.exp %sub3A_186 : vector<512x128xf32>
    %reduce_sum3A = arith.constant dense<0.000000e+00> : vector<512xf32>
    %reduce_sum3A_187 = vector.multi_reduction <add>, %exp3A, %reduce_sum3A [1] : vector<512x128xf32> to vector<512xf32>
    %broadcast_in_dim3A_188 = vector.shape_cast %reduce_sum3A_187 : vector<512xf32> to vector<512x1xf32>
    %div3A = vector.broadcast %broadcast_in_dim3A_188 : vector<512x1xf32> to vector<512x128xf32>
    %div3A_189 = arith.divf %exp3A, %div3A : vector<512x128xf32>
    %dot_general3A_190 = arith.constant dense<0.000000e+00> : vector<128x64xf32>
    %dot_general3A_191 = tpu.matmul %div3A_189, %max3A_166, %dot_general3A_190 {dimension_numbers = #tpu.dot_dimension_numbers<[0], [0], [1], [1], [0, 1, 1, 1], [], []>, transpose_lhs_hint = false} : vector<512x128xf32>, vector<512x64xf32>, vector<128x64xf32> -> vector<128x64xf32>
    %dot_general3A_192 = arith.constant dense<0.000000e+00> : vector<128x512xf32>
    %dot_general3A_193 = tpu.matmul %div3A_189, %select_n3A, %dot_general3A_192 {dimension_numbers = #tpu.dot_dimension_numbers<[0], [0], [1], [1], [0, 1, 1, 1], [], []>, transpose_lhs_hint = false} : vector<512x128xf32>, vector<512x512xf32>, vector<128x512xf32> -> vector<128x512xf32>
    %dot_general3A_194 = arith.constant dense<0.000000e+00> : vector<128x128xf32>
    %dot_general3A_195 = tpu.matmul %dot_general3A_193, %div3A_189, %dot_general3A_194 {dimension_numbers = #tpu.dot_dimension_numbers<[1], [0], [0], [1], [0, 0, 1, 1], [], []>, transpose_lhs_hint = false} : vector<128x512xf32>, vector<512x128xf32>, vector<128x128xf32> -> vector<128x128xf32>
    %iota3A_196 = tpu.iota {dimensions = array<i32: 0>} : vector<128x128xi32>
    %iota3A_197 = tpu.iota {dimensions = array<i32: 1>} : vector<128x128xi32>
    %eq3A_198 = arith.cmpi eq, %iota3A_196, %iota3A_197 : vector<128x128xi32>
    %add3A_199 = arith.constant 1.000000e+00 : f32
    %add3A_200 = vector.broadcast %add3A_199 : f32 to vector<128x128xf32>
    %add3A_201 = arith.addf %dot_general3A_195, %add3A_200 : vector<128x128xf32>
    %select_n3A_202 = arith.select %eq3A_198, %add3A_201, %dot_general3A_195 : vector<128x128xi1>, vector<128x128xf32>
    %dot_general3A_203 = arith.constant dense<0.000000e+00> : vector<128x64xf32>
    %dot_general3A_204 = tpu.matmul %select_n3A_202, %dot_general3A_191, %dot_general3A_203 {dimension_numbers = #tpu.dot_dimension_numbers<[1], [0], [0], [1], [0, 0, 1, 1], [], []>, transpose_lhs_hint = false} : vector<128x128xf32>, vector<128x64xf32>, vector<128x64xf32> -> vector<128x64xf32>
    %get3A_205 = arith.constant 0 : index
    %get3A_206 = arith.constant 0 : index
    %get3A_207 = arith.constant 0 : index
    %get3A_208 = vector.load %arg15[%get3A_205, %get3A_206, %get3A_207] : memref<2x64x64xf32, #tpu.memory_space<vmem>>, vector<1x64x64xf32>
    %get3A_209 = vector.shape_cast %get3A_208 : vector<1x64x64xf32> to vector<64x64xf32>
    %dot_general3A_210 = arith.constant dense<0.000000e+00> : vector<128x64xf32>
    %dot_general3A_211 = tpu.matmul %dot_general3A_204, %get3A_209, %dot_general3A_210 {dimension_numbers = #tpu.dot_dimension_numbers<[1], [0], [0], [1], [0, 0, 1, 1], [], []>, transpose_lhs_hint = false} : vector<128x64xf32>, vector<64x64xf32>, vector<128x64xf32> -> vector<128x64xf32>
    %max3A_212 = arith.constant 0.000000e+00 : f32
    %max3A_213 = vector.broadcast %max3A_212 : f32 to vector<128x64xf32>
    %max3A_214 = arith.maximumf %dot_general3A_211, %max3A_213 : vector<128x64xf32>
    %dot_general3A_215 = arith.constant dense<0.000000e+00> : vector<128x64xf32>
    %dot_general3A_216 = tpu.matmul %select_n3A_202, %max3A_214, %dot_general3A_215 {dimension_numbers = #tpu.dot_dimension_numbers<[1], [0], [0], [1], [0, 0, 1, 1], [], []>, transpose_lhs_hint = false} : vector<128x128xf32>, vector<128x64xf32>, vector<128x64xf32> -> vector<128x64xf32>
    %get3A_217 = arith.constant 1 : index
    %get3A_218 = arith.constant 0 : index
    %get3A_219 = arith.constant 0 : index
    %get3A_220 = vector.load %arg15[%get3A_217, %get3A_218, %get3A_219] : memref<2x64x64xf32, #tpu.memory_space<vmem>>, vector<1x64x64xf32>
    %get3A_221 = vector.shape_cast %get3A_220 : vector<1x64x64xf32> to vector<64x64xf32>
    %dot_general3A_222 = arith.constant dense<0.000000e+00> : vector<128x64xf32>
    %dot_general3A_223 = tpu.matmul %dot_general3A_216, %get3A_221, %dot_general3A_222 {dimension_numbers = #tpu.dot_dimension_numbers<[1], [0], [0], [1], [0, 0, 1, 1], [], []>, transpose_lhs_hint = false} : vector<128x64xf32>, vector<64x64xf32>, vector<128x64xf32> -> vector<128x64xf32>
    %max3A_224 = arith.constant 0.000000e+00 : f32
    %max3A_225 = vector.broadcast %max3A_224 : f32 to vector<128x64xf32>
    %max3A_226 = arith.maximumf %dot_general3A_223, %max3A_225 : vector<128x64xf32>
    %reduce_max3A_227 = arith.constant dense<0xFF800000> : vector<64xf32>
    %reduce_max3A_228 = vector.multi_reduction <maximumf>, %max3A_226, %reduce_max3A_227 [0] : vector<128x64xf32> to vector<64xf32>
    %broadcast_in_dim3A_229 = vector.shape_cast %reduce_max3A_228 : vector<64xf32> to vector<1x64xf32>
    %get3A_230 = arith.constant 0 : index
    %get3A_231 = arith.constant 0 : index
    %get3A_232 = vector.load %arg16[%get3A_230, %get3A_231] : memref<64x64xf32, #tpu.memory_space<vmem>>, vector<64x64xf32>
    %dot_general3A_233 = arith.constant dense<0.000000e+00> : vector<1x64xf32>
    %dot_general3A_234 = tpu.matmul %broadcast_in_dim3A_229, %get3A_232, %dot_general3A_233 {dimension_numbers = #tpu.dot_dimension_numbers<[1], [0], [0], [1], [0, 0, 1, 1], [], []>, transpose_lhs_hint = false} : vector<1x64xf32>, vector<64x64xf32>, vector<1x64xf32> -> vector<1x64xf32>
    %get3A_235 = arith.constant 0 : index
    %get3A_236 = arith.constant 0 : index
    %get3A_237 = vector.load %arg17[%get3A_235, %get3A_236] : memref<1x64xf32, #tpu.memory_space<vmem>>, vector<1x64xf32>
    %add3A_238 = arith.addf %dot_general3A_234, %get3A_237 : vector<1x64xf32>
    %max3A_239 = arith.constant 0.000000e+00 : f32
    %max3A_240 = vector.broadcast %max3A_239 : f32 to vector<1x64xf32>
    %max3A_241 = arith.maximumf %add3A_238, %max3A_240 : vector<1x64xf32>
    %get3A_242 = arith.constant 0 : index
    %get3A_243 = arith.constant 0 : index
    %get3A_244 = vector.load %arg18[%get3A_242, %get3A_243] : memref<64x1xf32, #tpu.memory_space<vmem>>, vector<64x1xf32>
    %dot_general3A_245 = arith.constant dense<0.000000e+00> : vector<1x1xf32>
    %dot_general3A_246 = tpu.matmul %max3A_241, %get3A_244, %dot_general3A_245 {dimension_numbers = #tpu.dot_dimension_numbers<[1], [0], [0], [1], [0, 0, 1, 1], [], []>, transpose_lhs_hint = false} : vector<1x64xf32>, vector<64x1xf32>, vector<1x1xf32> -> vector<1x1xf32>
    %get3A_247 = arith.constant 0 : index
    %get3A_248 = arith.constant 0 : index
    %get3A_249 = vector.load %arg19[%get3A_247, %get3A_248] : memref<1x1xf32, #tpu.memory_space<vmem>>, vector<1x1xf32>
    %add3A_250 = arith.addf %dot_general3A_246, %get3A_249 : vector<1x1xf32>
    %swap3A = arith.constant 0 : index
    %swap3A_251 = arith.constant 0 : index
    %swap3A_252 = arith.constant 0 : index
    %swap3A_253 = vector.load %arg20[%swap3A, %swap3A_251, %swap3A_252] : memref<1x1x1xf32, #tpu.memory_space<vmem>>, vector<1x1x1xf32>
    %swap3A_254 = vector.shape_cast %swap3A_253 : vector<1x1x1xf32> to vector<1x1xf32>
    %swap3A_255 = vector.shape_cast %add3A_250 : vector<1x1xf32> to vector<1x1x1xf32>
    tpu.vector_store %arg20[%swap3A, %swap3A_251, %swap3A_252], %swap3A_255 {strides = array<i32>} : memref<1x1x1xf32, #tpu.memory_space<vmem>>, vector<1x1x1xf32>,
    return
  }
  func.func @transform_0(%arg0: i32) -> (i32, i32, i32) {
    %c0_i32 = arith.constant 0 : i32
    %c0_i32_0 = arith.constant 0 : i32
    %c0_i32_1 = arith.constant 0 : i32
    return %arg0, %c0_i32, %c0_i32_0 : i32, i32, i32
  }
  func.func @transform_1(%arg0: i32) -> (i32, i32, i32) {
    %c0_i32 = arith.constant 0 : i32
    %c0_i32_0 = arith.constant 0 : i32
    %c0_i32_1 = arith.constant 0 : i32
    return %arg0, %c0_i32, %c0_i32_0 : i32, i32, i32
  }
  func.func @transform_2(%arg0: i32) -> (i32, i32) {
    %c0_i32 = arith.constant 0 : i32
    %c0_i32_0 = arith.constant 0 : i32
    %c0_i32_1 = arith.constant 0 : i32
    return %c0_i32, %c0_i32_0 : i32, i32
  }
  func.func @transform_3(%arg0: i32) -> (i32, i32) {
    %c0_i32 = arith.constant 0 : i32
    %c0_i32_0 = arith.constant 0 : i32
    %c0_i32_1 = arith.constant 0 : i32
    return %c0_i32, %c0_i32_0 : i32, i32
  }
  func.func @transform_4(%arg0: i32) -> (i32, i32, i32) {
    %c0_i32 = arith.constant 0 : i32
    %c0_i32_0 = arith.constant 0 : i32
    %c0_i32_1 = arith.constant 0 : i32
    %c0_i32_2 = arith.constant 0 : i32
    return %c0_i32, %c0_i32_0, %c0_i32_1 : i32, i32, i32
  }
  func.func @transform_5(%arg0: i32) -> (i32, i32, i32) {
    %c0_i32 = arith.constant 0 : i32
    %c0_i32_0 = arith.constant 0 : i32
    %c0_i32_1 = arith.constant 0 : i32
    %c0_i32_2 = arith.constant 0 : i32
    return %c0_i32, %c0_i32_0, %c0_i32_1 : i32, i32, i32
  }
  func.func @transform_6(%arg0: i32) -> (i32, i32, i32) {
    %c0_i32 = arith.constant 0 : i32
    %c0_i32_0 = arith.constant 0 : i32
    %c0_i32_1 = arith.constant 0 : i32
    %c0_i32_2 = arith.constant 0 : i32
    return %c0_i32, %c0_i32_0, %c0_i32_1 : i32, i32, i32
  }
  func.func @transform_7(%arg0: i32) -> (i32, i32, i32) {
    %c0_i32 = arith.constant 0 : i32
    %c0_i32_0 = arith.constant 0 : i32
    %c0_i32_1 = arith.constant 0 : i32
    %c0_i32_2 = arith.constant 0 : i32
    return %c0_i32, %c0_i32_0, %c0_i32_1 : i32, i32, i32
  }
  func.func @transform_8(%arg0: i32) -> (i32, i32) {
    %c0_i32 = arith.constant 0 : i32
    %c0_i32_0 = arith.constant 0 : i32
    %c0_i32_1 = arith.constant 0 : i32
    return %c0_i32, %c0_i32_0 : i32, i32
  }
  func.func @transform_9(%arg0: i32) -> (i32, i32) {
    %c0_i32 = arith.constant 0 : i32
    %c0_i32_0 = arith.constant 0 : i32
    %c0_i32_1 = arith.constant 0 : i32
    return %c0_i32, %c0_i32_0 : i32, i32
  }
  func.func @transform_10(%arg0: i32) -> (i32, i32) {
    %c0_i32 = arith.constant 0 : i32
    %c0_i32_0 = arith.constant 0 : i32
    %c0_i32_1 = arith.constant 0 : i32
    return %c0_i32, %c0_i32_0 : i32, i32
  }
  func.func @transform_11(%arg0: i32) -> (i32, i32, i32) {
    %c0_i32 = arith.constant 0 : i32
    %c0_i32_0 = arith.constant 0 : i32
    %c0_i32_1 = arith.constant 0 : i32
    %c0_i32_2 = arith.constant 0 : i32
    return %c0_i32, %c0_i32_0, %c0_i32_1 : i32, i32, i32
  }
  func.func @transform_12(%arg0: i32) -> (i32, i32) {
    %c0_i32 = arith.constant 0 : i32
    %c0_i32_0 = arith.constant 0 : i32
    %c0_i32_1 = arith.constant 0 : i32
    return %c0_i32, %c0_i32_0 : i32, i32
  }
  func.func @transform_13(%arg0: i32) -> (i32, i32) {
    %c0_i32 = arith.constant 0 : i32
    %c0_i32_0 = arith.constant 0 : i32
    %c0_i32_1 = arith.constant 0 : i32
    return %c0_i32, %c0_i32_0 : i32, i32
  }
  func.func @transform_14(%arg0: i32) -> (i32, i32, i32) {
    %c0_i32 = arith.constant 0 : i32
    %c0_i32_0 = arith.constant 0 : i32
    %c0_i32_1 = arith.constant 0 : i32
    %c0_i32_2 = arith.constant 0 : i32
    return %c0_i32, %c0_i32_0, %c0_i32_1 : i32, i32, i32
  }
  func.func @transform_15(%arg0: i32) -> (i32, i32) {
    %c0_i32 = arith.constant 0 : i32
    %c0_i32_0 = arith.constant 0 : i32
    %c0_i32_1 = arith.constant 0 : i32
    return %c0_i32, %c0_i32_0 : i32, i32
  }
  func.func @transform_16(%arg0: i32) -> (i32, i32) {
    %c0_i32 = arith.constant 0 : i32
    %c0_i32_0 = arith.constant 0 : i32
    %c0_i32_1 = arith.constant 0 : i32
    return %c0_i32, %c0_i32_0 : i32, i32
  }
  func.func @transform_17(%arg0: i32) -> (i32, i32) {
    %c0_i32 = arith.constant 0 : i32
    %c0_i32_0 = arith.constant 0 : i32
    %c0_i32_1 = arith.constant 0 : i32
    return %c0_i32, %c0_i32_0 : i32, i32
  }
  func.func @transform_18(%arg0: i32) -> (i32, i32) {
    %c0_i32 = arith.constant 0 : i32
    %c0_i32_0 = arith.constant 0 : i32
    %c0_i32_1 = arith.constant 0 : i32
    return %c0_i32, %c0_i32_0 : i32, i32
  }
  func.func @transform_19(%arg0: i32) -> (i32, i32, i32) {
    %c0_i32 = arith.constant 0 : i32
    %c0_i32_0 = arith.constant 0 : i32
    %c0_i32_1 = arith.constant 0 : i32
    return %arg0, %c0_i32, %c0_i32_0 : i32, i32, i32
  }
}

</mosaic_0001>

<sc_bundles>
// kernel: kernel.4.cloned.1.call-start
scs
__scs_entry_jumppad:
0x0: {  	(pc) =	sbr.rel $0x88, $3  }
0x1: {  	(tag) =	ssettag $0x0;
	lr =	simm.s32 $0x1  }
0x2: {  	[smem:$0x3F87] =	sst lr;
	_ =	strace $0xD0000000  }
0x3: {  	_ = 	snop  }
0x4: {  	_ = 	snop  }
0x5: {  	_ = 	snop  }
0x6: {  	_ = 	snop  }
0x7: {  	_ = 	snop  }
__scs_overlays_trampoline_lowered:
0x8: {  	[smem:$0x3F96] =	sst s0  }
0x9: {  	[smem:$0x3F97] =	sst s1  }
0xa: {  	[smem:$0x3F98] =	sst s2  }
0xb: {  	[smem:$0x3F99] =	sst s3  }
0xc: {  	[smem:$0x3F9A] =	sst s4  }
0xd: {  	[smem:$0x3F9B] =	sst s5  }
0xe: {  	[smem:$0x3F9C] =	sst s6  }
0xf: {  	[smem:$0x3F9D] =	sst s7  }
0x10: {  	[smem:$0x3F9E] =	sst s8  }
0x11: {  	[smem:$0x3F9F] =	sst s9;
	s0 =	simm.s32 @!p0 $0x0  }
0x12: {  	s1 =	sld [smem:$0x3F85];
	s0 =	simm.s32 @p0 $0x1  }
0x13: {  	[smem:$0x3FA0] =	sst s0;
	s0 =	simm.s32 @!p1 $0x0  }
0x14: {  	s2 =	sld [smem:$0x3F84];
	s0 =	simm.s32 @p1 $0x1  }
0x15: {  	[smem:$0x3FA1] =	sst s0;
	s0 =	simm.s32 @!p2 $0x0  }
0x16: {  	s3 =	sld [smem:$0x3FDB];
	s0 =	simm.s32 @p2 $0x1  }
0x17: {  	s4 =	simm.s32 $0x1BF5;
	[smem:$0x3FA3] =	sst s0  }
0x18: {  	s0 =	sld [smem:$0x3F86];
	_ =	swait.ge [sflag:s4], $0x0  }
0x19: {  	s7 =	sld [smem:$0x3F87]  }
0x1a: {  	s8 =	sadd.s32 $0xFFFFE003, lr  }
0x1b: {  	s9 =	sadd.s32 $0xFFFFFEF7, lr;
	s5 =	simm.s32 $0xFFFFFFFF;
	p2 =	slt.u32 s8, $0xFFFFF086  }
0x1c: {  	p1 =	slt.u32 s9, $0xF7A;
	s5 =	simm.s32 @!p2 $0x0  }
0x1d: {  	s5 =	simm.s32 @p1 $0x1;
	p0 =	seq.s32 s7, s2  }
0x1e: {  	s7 =	smul.u32 @!p0 $0xF7A, s2;
	p2 =	seq.s32 @!p0 s5, $0x0  }
0x1f: {  	s9 =	smul.u32 $0xF7A, s1;
	s8 =	simm.s32 @!p0 $0x1BF5;
	p2 =	por !p2, p0  }
0x20: {  	[sflag:s8] =	ssyncset.s32 @!p0 $0xFFFFF086;
	s6 =	sadd.s32 @!p0 s3, s7;
	s7 =	simm.s32 @!p0 $0x108  }
0x21: {  	s3 =	sadd.s32 s3, s9;
	s6 =	sadd.s32 @!p0 $0x88, s6;
	s7 =	simm.s32 @p2 $0x1082  }
0x22: {  	[simem:s7], [sflag:s8] =	dma.local @!p0 [hbm:s6], $0xF7A  }
0x23: {  	s9 =	sor.u32 $0xD0000000, s2;
	s6 =	simm.s32 $0x108;
	_ =	swait.ge @!p0 [sflag:s8], $0x0  }
0x24: {  	s3 =	sadd.s32 $0x88, s3;
	s6 =	simm.s32 @!p1 $0x1082;
	[sflag:s4] =	ssyncset.s32 $0xFFFFF086  }
0x25: {  	[simem:s6], [sflag:s4] =	dma.local [hbm:s3], $0xF7A  }
0x26: {  	[smem:$0x3F87] =	sst s1;
	(tag) =	ssettag s2;
	_ =	strace s9  }
0x27: {  	s1 =	sld [smem:$0x3F97]  }
0x28: {  	s2 =	sld [smem:$0x3F98]  }
0x29: {  	s4 =	sld [smem:$0x3F9A]  }
0x2a: {  	p0 =	seq.s32 s5, $0x0;
	s5 =	sld [smem:$0x3F9B]  }
0x2b: {  	s6 =	sld [smem:$0x3F9C]  }
0x2c: {  	s7 =	sld [smem:$0x3F9D]  }
0x2d: {  	s3 =	simm.s32 $0x108;
	s8 =	sld [smem:$0x3F9E]  }
0x2e: {  	s3 =	simm.s32 @!p0 $0x1082;
	s9 =	sld [smem:$0x3F9F]  }
0x2f: {  	lr =	sadd.s32 s0, s3;
	s0 =	sld [smem:$0x3F96]  }
0x30: {  	s3 =	sld [smem:$0x3F99]  }
0x31: {  	[smem:$0x3FA2] =	sst s10  }
0x32: {  	s10 =	sld [smem:$0x3FA0];
	_ =	sdelay $0x3  }
0x33: {  	p0 =	seq.s32 s10, $0x1;
	s10 =	sld [smem:$0x3FA2];
	_ =	sdelay $0x3  }
0x34: {  	[smem:$0x3FA2] =	sst s10  }
0x35: {  	s10 =	sld [smem:$0x3FA1];
	_ =	sdelay $0x3  }
0x36: {  	p1 =	seq.s32 s10, $0x1;
	s10 =	sld [smem:$0x3FA2];
	_ =	sdelay $0x3  }
0x37: {  	[smem:$0x3FA2] =	sst s10  }
0x38: {  	s10 =	sld [smem:$0x3FA3]  }
0x39: {  	_ = 	snop;
	(pc) =	sbr.ind lr, $3  }
0x3a: {  	_ = 	snop  }
0x3b: {  	_ = 	snop  }
0x3c: {  	p2 =	seq.s32 s10, $0x1;
	s10 =	sld [smem:$0x3FA2]  }
0x3d: {  	_ =	shalt  }
0x3e: {  	_ =	shalt  }
0x3f: {  	_ =	shalt  }
0x40: {  	_ =	shalt  }
0x41: {  	_ =	shalt  }
0x42: {  	_ =	shalt  }
0x43: {  	_ =	shalt  }
0x44: {  	_ =	shalt  }
0x45: {  	_ =	shalt  }
0x46: {  	_ =	shalt  }
0x47: {  	_ =	shalt  }
0x48: {  	_ =	shalt  }
0x49: {  	_ =	shalt  }
0x4a: {  	_ =	shalt  }
0x4b: {  	_ =	shalt  }
0x4c: {  	_ =	shalt  }
0x4d: {  	_ =	shalt  }
0x4e: {  	_ =	shalt  }
0x4f: {  	_ =	shalt  }
0x50: {  	_ =	shalt  }
0x51: {  	_ =	shalt  }
0x52: {  	_ =	shalt  }
0x53: {  	_ =	shalt  }
0x54: {  	_ =	shalt  }
0x55: {  	_ =	shalt  }
0x56: {  	_ =	shalt  }
0x57: {  	_ =	shalt  }
0x58: {  	_ =	shalt  }
0x59: {  	_ =	shalt  }
0x5a: {  	_ =	shalt  }
0x5b: {  	_ =	shalt  }
0x5c: {  	_ =	shalt  }
0x5d: {  	_ =	shalt  }
0x5e: {  	_ =	shalt  }
0x5f: {  	_ =	shalt  }
0x60: {  	_ =	shalt  }
0x61: {  	_ =	shalt  }
0x62: {  	_ =	shalt  }
0x63: {  	_ =	shalt  }
0x64: {  	_ =	shalt  }
0x65: {  	_ =	shalt  }
0x66: {  	_ =	shalt  }
0x67: {  	_ =	shalt  }
0x68: {  	_ =	shalt  }
0x69: {  	_ =	shalt  }
0x6a: {  	_ =	shalt  }
0x6b: {  	_ =	shalt  }
0x6c: {  	_ =	shalt  }
0x6d: {  	_ =	shalt  }
0x6e: {  	_ =	shalt  }
0x6f: {  	_ =	shalt  }
0x70: {  	_ =	shalt  }
0x71: {  	_ =	shalt  }
0x72: {  	_ =	shalt  }
0x73: {  	_ =	shalt  }
0x74: {  	_ =	shalt  }
0x75: {  	_ =	shalt  }
0x76: {  	_ =	shalt  }
0x77: {  	_ =	shalt  }
0x78: {  	_ =	shalt  }
0x79: {  	_ =	shalt  }
0x7a: {  	_ =	shalt  }
0x7b: {  	_ =	shalt  }
0x7c: {  	_ =	shalt  }
0x7d: {  	_ =	shalt  }
0x7e: {  	_ =	shalt  }
0x7f: {  	_ =	shalt  }
0x80: {  	_ =	shalt  }
0x81: {  	_ =	shalt  }
0x82: {  	_ =	shalt  }
0x83: {  	_ =	shalt  }
0x84: {  	_ =	shalt  }
0x85: {  	_ =	shalt  }
0x86: {  	_ =	shalt  }
0x87: {  	_ =	shalt  }
.Lfunc_end0:
.L_simem_size_0:
called_computation_lowered:
.L_overlay_start_0:
0x88: {  	s2 =	sld [smem:$0x3FD9]  }
0x89: {  	s3 =	sld [smem:$0x3FFE];
	_ =	sdelay $0x1  }
0x8a: {  	s1 =	srdreg.scid  }
0x8b: {  	s0 =	sand.u32 $0x1, s1  }
0x8c: {  	s16 =	sshll.u32 s0, $0xA;
	s2 =	sadd.s32 s3, s2  }
0x8d: {  	s2 =	sadd.s32 s2, s16  }
0x8e: {  	[smem:$0x3FAE] =	sst s2  }
0x8f: {  	_ = 	snop  }
0x90: {  	(tm) =	ssettm $0x1  }
0x91: {  	s17 =	sld [smem:$0x3FFB];
	_ =	sdelay $0x3  }
0x92: {  	_ =	strace s17  }
0x93: {  	s2 =	sld [smem:$0x3FFC];
	_ =	sdelay $0x3  }
0x94: {  	_ =	strace s2  }
0x95: {  	s2 =	sld [smem:$0x3FFD];
	_ =	sdelay $0x3  }
0x96: {  	_ =	strace s2  }
0x97: {  	_ =	strace $0x8FFFFFFF  }
0x98: {  	s18 =	sld [smem:$0x3FDB];
	_ =	sdelay $0x1  }
0x99: {  	s19 =	simm.s32 $_scs_section_size  }
0x9a: {  	s4 =	simm.s32 $_size__tile_overlayer_lowered;
	s5 =	simm.s32 $_tile_overlayer_lowered  }
0x9b: {  	s22 =	simm.s32 $0x1BFF;
	s21 =	sshll.u32 s5, $0x1;
	s2 =	sadd.s32 s19, s18  }
0x9c: {  	s6 =	simm.s32 $0x0;
	s20 =	sshll.u32 s4, $0x1;
	s4 =	sadd.s32 s21, s2  }
0x9d: {  	[timem:s6], [sflag:s22] =	dma.local [hbm:s4], s20  }
0x9e: {  	_ =	swait.ge [sflag:s22], s20  }
0x9f: {  	s3 =	ssub.s32 $0x0, s20;
	[sflag:s22] =	ssyncset.done $0x0  }
0xa0: {  	[sflag:s22] =	ssyncadd.s32 s3;
	_ =	sdelay $0x1  }
0xa1: {  	s23 =	simm.s32 $0x1B8B  }
0xa2: {  	_ =	swait.ge [sflag:s23], $0x1  }
0xa3: {  	[sflag:s23] =	ssyncset.done $0x0  }
0xa4: {  	s25 =	simm.s32 $0x1B8E;
	s24 =	sld [smem:$0x3FFE];
	[sflag:s23] =	ssyncadd.s32 $0xFFFFFFFF  }
0xa5: {  	s26 =	simm.s32 $execute0_lowered;
	[smem:$0x3FD2] =	sst s25  }
0xa6: {  	s4 =	sshll.u32 s26, $0x1;
	_ =	strace $0x80000046;
	[dreg:$0x1] =	wrdreg $0xFFFFFFFF  }
0xa7: {  	s28 =	simm.s32 $_size_execute0_lowered;
	s2 =	sadd.s32 s2, s4;
	[dreg:$0x0] =	wrdreg $0x0  }
0xa8: {  	s4 =	sshll.u32 s28, $0x1;
	[dreg:$0x2] =	wrdreg s2  }
0xa9: {  	[dreg:$0x3] =	wrdreg s4  }
0xaa: {  	[dreg:$0x4] =	wrdreg $0xC0  }
0xab: {  	_ =	task [dreg:s6], $0x5FFFF  }
0xac: {  	[dreg:$0x1] =	wrdreg $0xFFFFFFFF  }
0xad: {  	[dreg:$0x0] =	wrdreg $0x60  }
0xae: {  	[dreg:$0x2] =	wrdreg s24  }
0xaf: {  	[dreg:$0x3] =	wrdreg $0x150800  }
0xb0: {  	[dreg:$0x4] =	wrdreg $0x9  }
0xb1: {  	_ =	task.clear_ibuf [dreg:s6], $0x5FFFF;
	_ =	strace $0x90000046  }
0xb2: {  	s29 =	simm.s32 $0x9;
	_ =	strace $0x80000048  }
0xb3: {  	_ =	swait.ge [sflag:s29], $0x1  }
0xb4: {  	[sflag:s29] =	ssyncadd.s32 $0xFFFFFFFF  }
0xb5: {  	_ =	strace $0x90000048  }
0xb6: {  	_ =	sfence  }
0xb7: {  	s30 =	sld [smem:$0x0];
	_ =	sdelay $0x2  }
0xb8: {  	s31 =	sshll.u32 s1, $0xD;
	s1 =	sshrl.u32 s1, $0x2  }
0xb9: {  	s3 =	sand.u32 $0x4000, s31;
	s1 =	sadd.s32 s1, s30  }
0xba: {  	s0 =	sor.u32 s3, s0;
	s1 =	sshll.u32 s1, $0x11  }
0xbb: {  	s0 =	sor.u32 s1, s0  }
0xbc: {  	s0 =	sadd.s32 $0x8F2B, s0  }
0xbd: {  	[sflag:s0] =	ssyncadd.remote.s32 $0x1  }
0xbe: {  	_ =	sfence.sel $0xFFFF  }
0xbf: {  	[dreg:$0x0] =	wrdreg $0xFFFFFFFF;
	(pc) =	sbr.abs _section_cstart, $3  }
0xc0: {  	[dreg:$0x1] =	wrdreg $0xFFFFFFFF  }
0xc1: {  	_ =	task.clear_ibuf [dreg:s6], $0x2FFFF;
	_ =	strace $0x9FFFFFFF  }
0xc2: {  	(tm) =	ssettm $0x7FFFFFFF  }
0xc3: {  	_ =	shalt  }
tec
execute0_lowered:
.L_overlay_start_1:
0x0: {  	(tag) =	ssettag $0x1  }
0x1: {  	s0 =	rddreg [dreg:$0x0]  }
0x2: {  	s1 =	rddreg [dreg:$0x1];
	s3 =	simm.s32 $0x0;
	s2 =	srdreg.scid  }
0x3: {  	s6 =	stileid.u32;
	s28 =	simm.s32 $0x14000;
	s29 =	simm.s32 $0x0  }
0x4: {  	[smem:$0x7FF] =	sst s3;
	s2 =	sand.u32 $0x1, s2;
	s4 =	sshll.u32 s6, $0xB  }
0x5: {  	s8 =	sshll.u32 s6, $0xF;
	_ =	strace $0x80000047;
	s5 =	ssub.s32 $0x2, s2  }
0x6: {  	s7 =	sadd.s32 s4, s0;
	s0 =	sadd.s32 $0x13400, s0;
	s2 =	sshll.u32 s2, $0x16  }
0x7: {  	s4 =	sshll.u32 s6, $0xE;
	s6 =	sadd.s32 s8, s1;
	s23 =	sshrl.u32 s5, $0x1  }
0x8: {  	s24 =	sor.u32 s8, s2;
	s20 =	sor.u32 $0x80000, s2;
	s9 =	sadd.s32 $0xB400, s7  }
0x9: {  	s21 =	sor.u32 $0x100000, s2;
	s22 =	sor.u32 $0x180000, s2;
	s15 =	sadd.s32 $0x1000, s6  }
0xa: {  	s16 =	sadd.s32 $0x2000, s6;
	s17 =	sadd.s32 $0x3000, s6;
	s18 =	sadd.s32 $0x4000, s6  }
0xb: {  	s19 =	sadd.s32 $0x5000, s6;
	s5 =	ssub.s32 s5, s23;
	[dreg:$0x3] =	wrdreg s9  }
0xc: {  	s25 =	sshrl.u32 s24, $0x3;
	s10 =	sor.u32 s8, s20;
	s30 =	sor.u32 s8, s21  }
0xd: {  	s31 =	sor.u32 s8, s22;
	s23 =	sor.u32 $0x200000, s2;
	s24 =	sor.u32 $0x280000, s2  }
0xe: {  	v2 =	vmov s21;
	v3 =	vmov s22;
	s21 =	sadd.s32 $0x6000, s6;
	s22 =	sadd.s32 $0x7000, s6;
	s9 =	sadd.s32 s0, s25  }
0xf: {  	s26 =	sshrl.u32 s10, $0x3;
	s10 =	sshrl.u32 s31, $0x3;
	s11 =	sor.u32 s8, s23  }
0x10: {  	v1 =	vmov s20;
	s25 =	sor.u32 $0x300000, s2;
	s12 =	sor.u32 s8, s24;
	s20 =	smax.u32 s5, $0x1  }
0x11: {  	v4 =	vmov s23;
	v5 =	vmov s24;
	s23 =	sadd.s32 $0x3400, s7;
	s24 =	simm.s32 $0x2;
	[dreg:$0x4] =	wrdreg s9  }
0x12: {  	s9 =	sadd.s32 s0, s26;
	s10 =	sadd.s32 s0, s10;
	s11 =	sshrl.u32 s11, $0x3  }
0x13: {  	s13 =	sor.u32 s8, s25;
	s26 =	sor.u32 $0x380000, s2;
	s12 =	sshrl.u32 s12, $0x3  }
0x14: {  	v6 =	vmov s25;
	s25 =	simm.s32 $0x1;
	[dreg:$0x5] =	wrdreg s9;
	s9 =	sshrl.u32 s30, $0x3  }
0x15: {  	s11 =	sadd.s32 s0, s11;
	s13 =	sshrl.u32 s13, $0x3;
	s8 =	sor.u32 s8, s26  }
0x16: {  	s12 =	sadd.s32 s0, s12;
	v7 =	vmov s26;
	s26 =	simm.s32 $0x14080;
	s8 =	sshrl.u32 s8, $0x3  }
0x17: {  	v8 =	vimm.f32 $0.0e+00;
	v9 =	vlaneseq.u32;
	v0 =	vmov s2;
	s9 =	sadd.s32 s0, s9;
	s13 =	sadd.s32 s0, s13;
	s14 =	sadd.s32 s0, s8  }
.LBB2_1:
0x18: {  	s0 =	simm.s32 $0x0  }
.LBB2_2:
0x19: {  	p0 =	sne.s32 s0, $0x3FC0  }
.Ltmp0:
0x1a: {  	_ = 	snop;
	(pc) =	sbr.rel @p0 .LBB2_2-.Ltmp0, $3  }
0x1b: {  	_ =	sdelay $0x1  }
0x1c: {  	s2 =	sshra.s32 s0, $0x2  }
0x1d: {  	s0 =	sadd.s32 $0x40, s0;
	[tilespmem:s2+$0x14080] =	vst v8  }
0x1e: {  	s0 =	sadd.s32 $0x0, s4  }
0x1f: {  	v10 =	vor.u32 s0, v9  }
0x20: {  	s2 =	simm.s32 $0x0;
	v10 =	vcvt.s32.f32 v10  }
0x21: {  	s0 =	simm.s32 $0x10;
	s2 =	sand.u32 $0x3FF0, s2  }
.LBB2_4:
0x22: {  	p0 =	sne.s32 s0, $0x3FF0;
	[tilespmem:s2+$0xC000] =	vst v10;
	s2 =	smov.u32 s0;
	s0 =	sadd.s32 $0x10, s0  }
.Ltmp1:
0x23: {  	(pc) =	sbr.rel @p0 .LBB2_4-.Ltmp1, $4  }
0x24: {  	s5 =	sadd.s32 s2, s4  }
0x25: {  	v10 =	vor.u32 s5, v9  }
0x26: {  	v10 =	vcvt.s32.f32 v10  }
0x27: {  	s2 =	sand.u32 $0x3FF0, s2  }
0x28: {  	[tilespmem:s2+$0xC000] =	vst v10;
	s0 =	simm.s32 $0x0;
	s31 =	rddreg [dreg:$0x3]  }
0x29: {  	[tilespmem:s0], [sflag:$0x2] =	stream.linear.gather [hbm4b:s31+s0], $0x4000, $0x38;
	[tilespmem:$0x1D088] =	vst v63  }
0x2a: {  	_ =	swait.ge [sflag:s24], $0x4000  }
0x2b: {  	[sflag:s24] =	ssyncset.done $0x0  }
0x2c: {  	s2 =	simm.s32 $0x4000;
	[sflag:s24] =	ssyncadd.s32 $0xFFFFC000  }
.LBB2_6:
0x2d: {  	p0 =	sne.s32 s0, $0x7F0  }
.Ltmp2:
0x2e: {  	_ = 	snop;
	(pc) =	sbr.rel @p0 .LBB2_6-.Ltmp2, $4  }
0x2f: {  	_ = 	snop  }
0x30: {  	s5 =	sadd.s32 s0, s23  }
0x31: {  	[tilespmem:s2], [sflag:$0x1] =	stream.linear.gather [hbm4b:s5+s3], $0x80, $0x38;
	[tilespmem:$0x1D088] =	vst v63  }
0x32: {  	s0 =	sadd.s32 $0x10, s0;
	s2 =	sadd.s32 $0x80, s2  }
0x33: {  	s0 =	simm.s32 $0x80  }
.LBB2_8:
0x34: {  	p0 =	sne.s32 s0, $0x1  }
.Ltmp3:
0x35: {  	_ = 	snop;
	(pc) =	sbr.rel @p0 .LBB2_8-.Ltmp3, $4  }
0x36: {  	_ = 	snop  }
0x37: {  	_ =	swait.ge [sflag:s25], $0x80  }
0x38: {  	[sflag:s25] =	ssyncset.done $0x0  }
0x39: {  	s0 =	sadd.s32 $0xFFFFFFFF, s0;
	[sflag:s25] =	ssyncadd.s32 $0xFFFFFF80  }
0x3a: {  	s0 =	simm.s32 $0x0  }
0x3b: {  	s2 =	simm.s32 $0x10;
	v10 =	vld [tilespmem:s0+$0x0];
	s5 =	sand.u32 $0x3FF0, s0  }
.LBB2_10:
0x3c: {  	p0 =	sne.s32 s2, $0x3FF0;
	v11 =	vld [tilespmem:s5+$0x4000];
	_ =	sdelay $0x3  }
.Ltmp4:
0x3d: {  	(pc) =	sbr.rel @p0 .LBB2_10-.Ltmp4, $4  }
0x3e: {  	v10 =	vshll.u32 v10, $0x9;
	v11 =	vand.u32 $0x1FF, v11  }
0x3f: {  	v10 =	vor.u32 v10, v11  }
0x40: {  	[tilespmem:s0+$0x0] =	vst v10;
	s0 =	sadd.s32 $0x10, s0  }
0x41: {  	s5 =	sand.u32 $0x3FF0, s2;
	s2 =	sadd.s32 $0x10, s2;
	v10 =	vld [tilespmem:s0+$0x0]  }
0x42: {  	v11 =	vld [tilespmem:s5+$0x4000];
	_ =	sdelay $0x4  }
0x43: {  	v10 =	vshll.u32 v10, $0x9;
	v11 =	vand.u32 $0x1FF, v11  }
0x44: {  	v10 =	vor.u32 v10, v11  }
0x45: {  	[tilespmem:s0+$0x0] =	vst v10  }
0x46: {  	[spmem:s6] =	stream.linear.scatter [tilespmem:s26], [sflag:$0x2], $0x1000, $0x38;
	[tilespmem:$0x1D088] =	vst v63  }
0x47: {  	_ =	swait.ge [sflag:s24], $0x1000  }
0x48: {  	[sflag:s24] =	ssyncset.done $0x0  }
0x49: {  	[sflag:s24] =	ssyncadd.s32 $0xFFFFF000  }
0x4a: {  	[spmem:s15] =	stream.linear.scatter [tilespmem:s26], [sflag:$0x2], $0x1000, $0x38;
	[tilespmem:$0x1D088] =	vst v63  }
0x4b: {  	_ =	swait.ge [sflag:s24], $0x1000  }
0x4c: {  	[sflag:s24] =	ssyncset.done $0x0  }
0x4d: {  	[sflag:s24] =	ssyncadd.s32 $0xFFFFF000  }
0x4e: {  	[spmem:s16] =	stream.linear.scatter [tilespmem:s26], [sflag:$0x2], $0x1000, $0x38;
	[tilespmem:$0x1D088] =	vst v63  }
0x4f: {  	_ =	swait.ge [sflag:s24], $0x1000  }
0x50: {  	[sflag:s24] =	ssyncset.done $0x0  }
0x51: {  	[sflag:s24] =	ssyncadd.s32 $0xFFFFF000  }
0x52: {  	[spmem:s17] =	stream.linear.scatter [tilespmem:s26], [sflag:$0x2], $0x1000, $0x38;
	[tilespmem:$0x1D088] =	vst v63  }
0x53: {  	_ =	swait.ge [sflag:s24], $0x1000  }
0x54: {  	[sflag:s24] =	ssyncset.done $0x0  }
0x55: {  	[sflag:s24] =	ssyncadd.s32 $0xFFFFF000  }
0x56: {  	[spmem:s18] =	stream.linear.scatter [tilespmem:s26], [sflag:$0x2], $0x1000, $0x38;
	[tilespmem:$0x1D088] =	vst v63  }
0x57: {  	_ =	swait.ge [sflag:s24], $0x1000  }
0x58: {  	[sflag:s24] =	ssyncset.done $0x0  }
0x59: {  	[sflag:s24] =	ssyncadd.s32 $0xFFFFF000  }
0x5a: {  	[spmem:s19] =	stream.linear.scatter [tilespmem:s26], [sflag:$0x2], $0x1000, $0x38;
	[tilespmem:$0x1D088] =	vst v63  }
0x5b: {  	_ =	swait.ge [sflag:s24], $0x1000  }
0x5c: {  	[sflag:s24] =	ssyncset.done $0x0  }
0x5d: {  	[sflag:s24] =	ssyncadd.s32 $0xFFFFF000  }
0x5e: {  	[spmem:s21] =	stream.linear.scatter [tilespmem:s26], [sflag:$0x2], $0x1000, $0x38;
	[tilespmem:$0x1D088] =	vst v63  }
0x5f: {  	_ =	swait.ge [sflag:s24], $0x1000  }
0x60: {  	[sflag:s24] =	ssyncset.done $0x0  }
0x61: {  	[sflag:s24] =	ssyncadd.s32 $0xFFFFF000  }
0x62: {  	[spmem:s22] =	stream.linear.scatter [tilespmem:s26], [sflag:$0x2], $0x1000, $0x38;
	[tilespmem:$0x1D088] =	vst v63  }
0x63: {  	_ =	swait.ge [sflag:s24], $0x1000  }
0x64: {  	[sflag:s24] =	ssyncset.done $0x0  }
0x65: {  	[sflag:s24] =	ssyncadd.s32 $0xFFFFF000  }
0x66: {  	s30 =	simm.s32 $0x0;
	[bflag:$0x0] =	sbarrier.arrive $0xFFFF  }
0x67: {  	s2 =	simm.s32 $0x10;
	s5 =	simm.s32 $0x0;
	s0 =	simm.s32 $0x0;
	v10 =	vld [tilespmem:s30+$0x0]  }
.LBB2_12:
0x68: {  	p0 =	sne.s32 s2, $0x3FF0;
	_ =	sdelay $0x2  }
.Ltmp5:
0x69: {  	(pc) =	sbr.rel @p0 .LBB2_12-.Ltmp5, $4  }
0x6a: {  	v10 =	vsub.s32 v10, v0  }
0x6b: {  	s7 =	sand.u32 $0x3FF0, s0;
	s0 =	smov.u32 s2;
	v10 =	vmin.u32 v10, $0x80000  }
0x6c: {  	s5 =	sadd.s32 $0x10, s5;
	[tilespmem:s7+$0x8000] =	vst v10  }
0x6d: {  	s2 =	sadd.s32 $0x10, s2;
	v10 =	vld [tilespmem:s5+$0x0]  }
0x6e: {  	_ =	sdelay $0x3  }
0x6f: {  	v10 =	vsub.s32 v10, v0  }
0x70: {  	s0 =	sand.u32 $0x3FF0, s0;
	v10 =	vmin.u32 v10, $0x80000  }
0x71: {  	[tilespmem:s0+$0x8000] =	vst v10  }
.LBB2_14:
0x72: {  	s30 =	sadd.s32 $0x1, s30  }
0x73: {  	s0 =	scvt.s32.f32 s30;
	_ =	sdelay $0x1  }
0x74: {  	v10 =	vmov s0  }
0x75: {  	[tilespmem:$0x14000] =	vst v10  }
0x76: {  	[tilespmem:$0x14010] =	vst v10  }
0x77: {  	[tilespmem:$0x14020] =	vst v10  }
0x78: {  	[tilespmem:$0x14030] =	vst v10  }
0x79: {  	[tilespmem:$0x14040] =	vst v10  }
0x7a: {  	[tilespmem:$0x14050] =	vst v10  }
0x7b: {  	s5 =	simm.s32 $0xC000;
	[tilespmem:$0x14060] =	vst v10  }
0x7c: {  	s7 =	simm.s32 $0x8000;
	s2 =	simm.s32 $0x80;
	s0 =	simm.s32 $0x200;
	[tilespmem:$0x14070] =	vst v10  }
.LBB2_15:
0x7d: {  	[spmem:s1] =	stream.indirect.scatter [tilespmem:s5], [sflag:$0x1], $0x1, s7, s2, $0xb8;
	[tilespmem:$0x1D088] =	vst v63  }
0x7e: {  	s5 =	smov.u32 s0;
	p0 =	sne.s32 s0, $0xFE00  }
.Ltmp6:
0x7f: {  	s0 =	sadd.s32 $0x200, s0;
	(pc) =	sbr.rel @p0 .LBB2_15-.Ltmp6, $3  }
0x80: {  	_ =	sdelay $0x1  }
0x81: {  	s7 =	sshra.s32 s5, $0x2  }
0x82: {  	s5 =	sadd.s32 $0xC000, s7;
	s7 =	sadd.s32 $0x8000, s7  }
0x83: {  	[spmem:s1] =	stream.indirect.scatter [tilespmem:s5], [sflag:$0x1], $0x1, s7, s2, $0xb8;
	[tilespmem:$0x1D088] =	vst v63  }
0x84: {  	_ =	swait.ge [sflag:s25], $0x80  }
0x85: {  	s0 =	simm.s32 $0x7F;
	[sflag:s25] =	ssyncset.done $0x0  }
.LBB2_17:
0x86: {  	p0 =	sne.s32 s0, $0x1;
	s0 =	sadd.s32 $0xFFFFFFFF, s0;
	[sflag:s25] =	ssyncadd.s32 $0xFFFFFF80  }
.Ltmp7:
0x87: {  	(pc) =	sbr.rel @p0 .LBB2_17-.Ltmp7, $3  }
0x88: {  	_ =	sdelay $0x1  }
0x89: {  	_ =	swait.ge [sflag:s25], $0x80  }
0x8a: {  	[sflag:s25] =	ssyncset.done $0x0  }
0x8b: {  	[sflag:s25] =	ssyncadd.s32 $0xFFFFFF80;
	s0 =	simm.s32 $0x200;
	s5 =	simm.s32 $0x10000  }
0x8c: {  	s7 =	simm.s32 $0x8000;
	s2 =	simm.s32 $0x80;
	[bflag:$0x0] =	sbarrier.arrive $0xFFFF  }
.LBB2_19:
0x8d: {  	[tilespmem:s5], [sflag:$0x1] =	stream.indirect.gather [spmem:s1], $0x1, s7, s2, $0xb8;
	[tilespmem:$0x1D088] =	vst v63  }
0x8e: {  	s5 =	smov.u32 s0;
	p0 =	sne.s32 s0, $0xFE00  }
.Ltmp8:
0x8f: {  	s0 =	sadd.s32 $0x200, s0;
	(pc) =	sbr.rel @p0 .LBB2_19-.Ltmp8, $3  }
0x90: {  	_ =	sdelay $0x1  }
0x91: {  	s7 =	sshra.s32 s5, $0x2  }
0x92: {  	s5 =	sadd.s32 $0x10000, s7;
	s7 =	sadd.s32 $0x8000, s7  }
0x93: {  	[tilespmem:s5], [sflag:$0x1] =	stream.indirect.gather [spmem:s1], $0x1, s7, s2, $0xb8;
	[tilespmem:$0x1D088] =	vst v63  }
0x94: {  	_ =	swait.ge [sflag:s25], $0x80  }
0x95: {  	s0 =	simm.s32 $0x7F;
	[sflag:s25] =	ssyncset.done $0x0  }
.LBB2_21:
0x96: {  	p0 =	sne.s32 s0, $0x1;
	s0 =	sadd.s32 $0xFFFFFFFF, s0;
	[sflag:s25] =	ssyncadd.s32 $0xFFFFFF80  }
.Ltmp9:
0x97: {  	(pc) =	sbr.rel @p0 .LBB2_21-.Ltmp9, $3  }
0x98: {  	_ =	sdelay $0x1  }
0x99: {  	_ =	swait.ge [sflag:s25], $0x80  }
0x9a: {  	[sflag:s25] =	ssyncset.done $0x0  }
0x9b: {  	[sflag:s25] =	ssyncadd.s32 $0xFFFFFF80;
	s0 =	simm.s32 $0x0  }
0x9c: {  	v10 =	vld [tilespmem:s0+$0x10000]  }
0x9d: {  	v11 =	vld [tilespmem:s0+$0xC000]  }
0x9e: {  	v13 =	vld [tilespmem:s0+$0x8000];
	_ =	sdelay $0x3  }
0x9f: {  	s2 =	simm.s32 $0x10;
	vm0 =	veq.f32 v10, v11  }
0xa0: {  	s5 =	simm.s32 $0x80;
	v10 =	vld [tilespmem:s2+$0x10000];
	v12 =	vsel vm0, $0x80000, v13;
	v11 =	vnsel vm0, $0x80000, v13  }
.LBB2_23:
0xa1: {  	p0 =	sne.s32 s5, $0xFFC0;
	v13 =	vld [tilespmem:s2+$0xC000];
	[tilespmem:s0+$0x8000] =	vst v12  }
0xa2: {  	v14 =	vld [tilespmem:s2+$0x8000];
	[tilespmem:s0+$0x4000] =	vst v11;
	s0 =	smov.u32 s2  }
.Ltmp10:
0xa3: {  	(pc) =	sbr.rel @p0 .LBB2_23-.Ltmp10, $3  }
0xa4: {  	_ =	sdelay $0x1  }
0xa5: {  	s2 =	sshra.s32 s5, $0x2;
	vm0 =	veq.f32 v10, v13  }
0xa6: {  	s5 =	sadd.s32 $0x40, s5;
	v10 =	vld [tilespmem:s2+$0x10000];
	v12 =	vsel vm0, $0x80000, v14;
	v11 =	vnsel vm0, $0x80000, v14  }
0xa7: {  	v13 =	vld [tilespmem:s2+$0xC000];
	[tilespmem:s0+$0x8000] =	vst v12  }
0xa8: {  	v12 =	vld [tilespmem:s2+$0x8000];
	_ =	sdelay $0x3  }
0xa9: {  	vm0 =	veq.f32 v10, v13  }
0xaa: {  	[tilespmem:s0+$0x4000] =	vst v11;
	v10 =	vsel vm0, $0x80000, v12  }
0xab: {  	v11 =	vnsel vm0, $0x80000, v12;
	[tilespmem:s2+$0x8000] =	vst v10  }
0xac: {  	s5 =	simm.s32 $0x4000;
	s0 =	simm.s32 $0x200;
	[tilespmem:s2+$0x4000] =	vst v11;
	s2 =	simm.s32 $0x80  }
.LBB2_25:
0xad: {  	[spmem:s1] =	stream.indirect.scatter [tilespmem:s28], [sflag:$0x1], $0x1, s5, s2, $0xb8;
	[tilespmem:$0x1D088] =	vst v63  }
0xae: {  	s5 =	smov.u32 s0;
	p0 =	sne.s32 s0, $0xFE00  }
.Ltmp11:
0xaf: {  	s0 =	sadd.s32 $0x200, s0;
	(pc) =	sbr.rel @p0 .LBB2_25-.Ltmp11, $3  }
0xb0: {  	_ =	sdelay $0x1  }
0xb1: {  	s5 =	sshra.s32 s5, $0x2  }
0xb2: {  	s5 =	sadd.s32 $0x4000, s5  }
0xb3: {  	[spmem:s1] =	stream.indirect.scatter [tilespmem:s28], [sflag:$0x1], $0x1, s5, s2, $0xb8;
	[tilespmem:$0x1D088] =	vst v63  }
0xb4: {  	_ =	swait.ge [sflag:s25], $0x80  }
0xb5: {  	s0 =	simm.s32 $0x7F;
	[sflag:s25] =	ssyncset.done $0x0  }
.LBB2_27:
0xb6: {  	p0 =	sne.s32 s0, $0x1;
	s0 =	sadd.s32 $0xFFFFFFFF, s0;
	[sflag:s25] =	ssyncadd.s32 $0xFFFFFF80  }
.Ltmp12:
0xb7: {  	(pc) =	sbr.rel @p0 .LBB2_27-.Ltmp12, $3  }
0xb8: {  	_ =	sdelay $0x1  }
0xb9: {  	_ =	swait.ge [sflag:s25], $0x80  }
0xba: {  	[sflag:s25] =	ssyncset.done $0x0  }
0xbb: {  	p0 =	sne.s32 s30, $0x8  }
.Ltmp13:
0xbc: {  	_ = 	snop;
	(pc) =	sbr.rel @p0 .LBB2_14-.Ltmp13, $3  }
0xbd: {  	_ = 	snop  }
0xbe: {  	[sflag:s25] =	ssyncadd.s32 $0xFFFFFF80  }
0xbf: {  	[bflag:$0x0] =	sbarrier.arrive $0xFFFF;
	_ =	sdelay $0x1  }
0xc0: {  	s0 =	stileid.u32  }
0xc1: {  	s0 =	sshll.u32 s0, $0x6  }
0xc2: {  	s31 =	sshrl.u32 s6, $0x3;
	s8 =	rddreg [dreg:$0x4];
	s30 =	sor.u32 $0x1C02, s0  }
0xc3: {  	[hbm:s8], [sflag:s30] =	dma.local [spmem:s31], $0x1000  }
0xc4: {  	_ =	swait.ge [sflag:s24], $0x1000  }
0xc5: {  	[sflag:s24] =	ssyncset.done $0x0  }
0xc6: {  	[sflag:s24] =	ssyncadd.s32 $0xFFFFF000  }
0xc7: {  	[bflag:$0x0] =	sbarrier.arrive $0xFFFF  }
0xc8: {  	[spmem:s6] =	stream.linear.scatter [tilespmem:s26], [sflag:$0x2], $0x1000, $0x38;
	[tilespmem:$0x1D088] =	vst v63  }
0xc9: {  	_ =	swait.ge [sflag:s24], $0x1000  }
0xca: {  	[sflag:s24] =	ssyncset.done $0x0  }
0xcb: {  	[sflag:s24] =	ssyncadd.s32 $0xFFFFF000  }
0xcc: {  	[spmem:s15] =	stream.linear.scatter [tilespmem:s26], [sflag:$0x2], $0x1000, $0x38;
	[tilespmem:$0x1D088] =	vst v63  }
0xcd: {  	_ =	swait.ge [sflag:s24], $0x1000  }
0xce: {  	[sflag:s24] =	ssyncset.done $0x0  }
0xcf: {  	[sflag:s24] =	ssyncadd.s32 $0xFFFFF000  }
0xd0: {  	[spmem:s16] =	stream.linear.scatter [tilespmem:s26], [sflag:$0x2], $0x1000, $0x38;
	[tilespmem:$0x1D088] =	vst v63  }
0xd1: {  	_ =	swait.ge [sflag:s24], $0x1000  }
0xd2: {  	[sflag:s24] =	ssyncset.done $0x0  }
0xd3: {  	[sflag:s24] =	ssyncadd.s32 $0xFFFFF000  }
0xd4: {  	[spmem:s17] =	stream.linear.scatter [tilespmem:s26], [sflag:$0x2], $0x1000, $0x38;
	[tilespmem:$0x1D088] =	vst v63  }
0xd5: {  	_ =	swait.ge [sflag:s24], $0x1000  }
0xd6: {  	[sflag:s24] =	ssyncset.done $0x0  }
0xd7: {  	[sflag:s24] =	ssyncadd.s32 $0xFFFFF000  }
0xd8: {  	[spmem:s18] =	stream.linear.scatter [tilespmem:s26], [sflag:$0x2], $0x1000, $0x38;
	[tilespmem:$0x1D088] =	vst v63  }
0xd9: {  	_ =	swait.ge [sflag:s24], $0x1000  }
0xda: {  	[sflag:s24] =	ssyncset.done $0x0  }
0xdb: {  	[sflag:s24] =	ssyncadd.s32 $0xFFFFF000  }
0xdc: {  	[spmem:s19] =	stream.linear.scatter [tilespmem:s26], [sflag:$0x2], $0x1000, $0x38;
	[tilespmem:$0x1D088] =	vst v63  }
0xdd: {  	_ =	swait.ge [sflag:s24], $0x1000  }
0xde: {  	[sflag:s24] =	ssyncset.done $0x0  }
0xdf: {  	[sflag:s24] =	ssyncadd.s32 $0xFFFFF000  }
0xe0: {  	[spmem:s21] =	stream.linear.scatter [tilespmem:s26], [sflag:$0x2], $0x1000, $0x38;
	[tilespmem:$0x1D088] =	vst v63  }
0xe1: {  	_ =	swait.ge [sflag:s24], $0x1000  }
0xe2: {  	[sflag:s24] =	ssyncset.done $0x0  }
0xe3: {  	[sflag:s24] =	ssyncadd.s32 $0xFFFFF000  }
0xe4: {  	[spmem:s22] =	stream.linear.scatter [tilespmem:s26], [sflag:$0x2], $0x1000, $0x38;
	[tilespmem:$0x1D088] =	vst v63  }
0xe5: {  	_ =	swait.ge [sflag:s24], $0x1000  }
0xe6: {  	[sflag:s24] =	ssyncset.done $0x0  }
0xe7: {  	[sflag:s24] =	ssyncadd.s32 $0xFFFFF000  }
0xe8: {  	s0 =	simm.s32 $0x0;
	[bflag:$0x0] =	sbarrier.arrive $0xFFFF  }
0xe9: {  	s5 =	simm.s32 $0x10;
	s2 =	simm.s32 $0x0;
	s7 =	simm.s32 $0x0;
	v10 =	vld [tilespmem:s0+$0x0]  }
.LBB2_30:
0xea: {  	p0 =	sne.s32 s5, $0x3FF0;
	_ =	sdelay $0x2  }
.Ltmp14:
0xeb: {  	(pc) =	sbr.rel @p0 .LBB2_30-.Ltmp14, $4  }
0xec: {  	v10 =	vsub.s32 v10, v1  }
0xed: {  	s8 =	sand.u32 $0x3FF0, s2;
	s2 =	smov.u32 s5;
	v10 =	vmin.u32 v10, $0x80000  }
0xee: {  	s7 =	sadd.s32 $0x10, s7;
	[tilespmem:s8+$0x8000] =	vst v10  }
0xef: {  	s5 =	sadd.s32 $0x10, s5;
	v10 =	vld [tilespmem:s7+$0x0]  }
0xf0: {  	_ =	sdelay $0x3  }
0xf1: {  	v10 =	vsub.s32 v10, v1  }
0xf2: {  	s2 =	sand.u32 $0x3FF0, s2;
	v10 =	vmin.u32 v10, $0x80000  }
0xf3: {  	[tilespmem:s2+$0x8000] =	vst v10  }
.LBB2_32:
0xf4: {  	s0 =	sadd.s32 $0x1, s0  }
0xf5: {  	s2 =	scvt.s32.f32 s0;
	_ =	sdelay $0x1  }
0xf6: {  	v10 =	vmov s2  }
0xf7: {  	[tilespmem:$0x14000] =	vst v10  }
0xf8: {  	[tilespmem:$0x14010] =	vst v10  }
0xf9: {  	[tilespmem:$0x14020] =	vst v10  }
0xfa: {  	[tilespmem:$0x14030] =	vst v10  }
0xfb: {  	[tilespmem:$0x14040] =	vst v10  }
0xfc: {  	[tilespmem:$0x14050] =	vst v10  }
0xfd: {  	s7 =	simm.s32 $0xC000;
	[tilespmem:$0x14060] =	vst v10  }
0xfe: {  	s8 =	simm.s32 $0x8000;
	s5 =	simm.s32 $0x80;
	s2 =	simm.s32 $0x200;
	[tilespmem:$0x14070] =	vst v10  }
.LBB2_33:
0xff: {  	[spmem:s1] =	stream.indirect.scatter [tilespmem:s7], [sflag:$0x1], $0x1, s8, s5, $0xb8;
	[tilespmem:$0x1D088] =	vst v63  }
0x100: {  	s7 =	smov.u32 s2;
	p0 =	sne.s32 s2, $0xFE00  }
.Ltmp15:
0x101: {  	s2 =	sadd.s32 $0x200, s2;
	(pc) =	sbr.rel @p0 .LBB2_33-.Ltmp15, $3  }
0x102: {  	_ =	sdelay $0x1  }
0x103: {  	s8 =	sshra.s32 s7, $0x2  }
0x104: {  	s7 =	sadd.s32 $0xC000, s8;
	s8 =	sadd.s32 $0x8000, s8  }
0x105: {  	[spmem:s1] =	stream.indirect.scatter [tilespmem:s7], [sflag:$0x1], $0x1, s8, s5, $0xb8;
	[tilespmem:$0x1D088] =	vst v63  }
0x106: {  	_ =	swait.ge [sflag:s25], $0x80  }
0x107: {  	s2 =	simm.s32 $0x7F;
	[sflag:s25] =	ssyncset.done $0x0  }
.LBB2_35:
0x108: {  	p0 =	sne.s32 s2, $0x1;
	s2 =	sadd.s32 $0xFFFFFFFF, s2;
	[sflag:s25] =	ssyncadd.s32 $0xFFFFFF80  }
.Ltmp16:
0x109: {  	(pc) =	sbr.rel @p0 .LBB2_35-.Ltmp16, $3  }
0x10a: {  	_ =	sdelay $0x1  }
0x10b: {  	_ =	swait.ge [sflag:s25], $0x80  }
0x10c: {  	[sflag:s25] =	ssyncset.done $0x0  }
0x10d: {  	[sflag:s25] =	ssyncadd.s32 $0xFFFFFF80;
	s2 =	simm.s32 $0x200;
	s7 =	simm.s32 $0x10000  }
0x10e: {  	s8 =	simm.s32 $0x8000;
	s5 =	simm.s32 $0x80;
	[bflag:$0x0] =	sbarrier.arrive $0xFFFF  }
.LBB2_37:
0x10f: {  	[tilespmem:s7], [sflag:$0x1] =	stream.indirect.gather [spmem:s1], $0x1, s8, s5, $0xb8;
	[tilespmem:$0x1D088] =	vst v63  }
0x110: {  	s7 =	smov.u32 s2;
	p0 =	sne.s32 s2, $0xFE00  }
.Ltmp17:
0x111: {  	s2 =	sadd.s32 $0x200, s2;
	(pc) =	sbr.rel @p0 .LBB2_37-.Ltmp17, $3  }
0x112: {  	_ =	sdelay $0x1  }
0x113: {  	s8 =	sshra.s32 s7, $0x2  }
0x114: {  	s7 =	sadd.s32 $0x10000, s8;
	s8 =	sadd.s32 $0x8000, s8  }
0x115: {  	[tilespmem:s7], [sflag:$0x1] =	stream.indirect.gather [spmem:s1], $0x1, s8, s5, $0xb8;
	[tilespmem:$0x1D088] =	vst v63  }
0x116: {  	_ =	swait.ge [sflag:s25], $0x80  }
0x117: {  	s2 =	simm.s32 $0x7F;
	[sflag:s25] =	ssyncset.done $0x0  }
.LBB2_39:
0x118: {  	p0 =	sne.s32 s2, $0x1;
	s2 =	sadd.s32 $0xFFFFFFFF, s2;
	[sflag:s25] =	ssyncadd.s32 $0xFFFFFF80  }
.Ltmp18:
0x119: {  	(pc) =	sbr.rel @p0 .LBB2_39-.Ltmp18, $3  }
0x11a: {  	_ =	sdelay $0x1  }
0x11b: {  	_ =	swait.ge [sflag:s25], $0x80  }
0x11c: {  	[sflag:s25] =	ssyncset.done $0x0  }
0x11d: {  	[sflag:s25] =	ssyncadd.s32 $0xFFFFFF80;
	s2 =	simm.s32 $0x0  }
0x11e: {  	v10 =	vld [tilespmem:s2+$0x10000]  }
0x11f: {  	v11 =	vld [tilespmem:s2+$0xC000]  }
0x120: {  	v13 =	vld [tilespmem:s2+$0x8000];
	_ =	sdelay $0x3  }
0x121: {  	s5 =	simm.s32 $0x10;
	vm0 =	veq.f32 v10, v11  }
0x122: {  	s7 =	simm.s32 $0x80;
	v10 =	vld [tilespmem:s5+$0x10000];
	v12 =	vsel vm0, $0x80000, v13;
	v11 =	vnsel vm0, $0x80000, v13  }
.LBB2_41:
0x123: {  	p0 =	sne.s32 s7, $0xFFC0;
	v13 =	vld [tilespmem:s5+$0xC000];
	[tilespmem:s2+$0x8000] =	vst v12  }
0x124: {  	v14 =	vld [tilespmem:s5+$0x8000];
	[tilespmem:s2+$0x4000] =	vst v11;
	s2 =	smov.u32 s5  }
.Ltmp19:
0x125: {  	(pc) =	sbr.rel @p0 .LBB2_41-.Ltmp19, $3  }
0x126: {  	_ =	sdelay $0x1  }
0x127: {  	s5 =	sshra.s32 s7, $0x2;
	vm0 =	veq.f32 v10, v13  }
0x128: {  	s7 =	sadd.s32 $0x40, s7;
	v10 =	vld [tilespmem:s5+$0x10000];
	v12 =	vsel vm0, $0x80000, v14;
	v11 =	vnsel vm0, $0x80000, v14  }
0x129: {  	v13 =	vld [tilespmem:s5+$0xC000];
	[tilespmem:s2+$0x8000] =	vst v12  }
0x12a: {  	v12 =	vld [tilespmem:s5+$0x8000];
	_ =	sdelay $0x3  }
0x12b: {  	vm0 =	veq.f32 v10, v13  }
0x12c: {  	[tilespmem:s2+$0x4000] =	vst v11;
	v10 =	vsel vm0, $0x80000, v12  }
0x12d: {  	v11 =	vnsel vm0, $0x80000, v12;
	[tilespmem:s5+$0x8000] =	vst v10  }
0x12e: {  	s7 =	simm.s32 $0x4000;
	s2 =	simm.s32 $0x200;
	[tilespmem:s5+$0x4000] =	vst v11;
	s5 =	simm.s32 $0x80  }
.LBB2_43:
0x12f: {  	[spmem:s1] =	stream.indirect.scatter [tilespmem:s28], [sflag:$0x1], $0x1, s7, s5, $0xb8;
	[tilespmem:$0x1D088] =	vst v63  }
0x130: {  	s7 =	smov.u32 s2;
	p0 =	sne.s32 s2, $0xFE00  }
.Ltmp20:
0x131: {  	s2 =	sadd.s32 $0x200, s2;
	(pc) =	sbr.rel @p0 .LBB2_43-.Ltmp20, $3  }
0x132: {  	_ =	sdelay $0x1  }
0x133: {  	s7 =	sshra.s32 s7, $0x2  }
0x134: {  	s7 =	sadd.s32 $0x4000, s7  }
0x135: {  	[spmem:s1] =	stream.indirect.scatter [tilespmem:s28], [sflag:$0x1], $0x1, s7, s5, $0xb8;
	[tilespmem:$0x1D088] =	vst v63  }
0x136: {  	_ =	swait.ge [sflag:s25], $0x80  }
0x137: {  	s2 =	simm.s32 $0x7F;
	[sflag:s25] =	ssyncset.done $0x0  }
.LBB2_45:
0x138: {  	p0 =	sne.s32 s2, $0x1;
	s2 =	sadd.s32 $0xFFFFFFFF, s2;
	[sflag:s25] =	ssyncadd.s32 $0xFFFFFF80  }
.Ltmp21:
0x139: {  	(pc) =	sbr.rel @p0 .LBB2_45-.Ltmp21, $3  }
0x13a: {  	_ =	sdelay $0x1  }
0x13b: {  	_ =	swait.ge [sflag:s25], $0x80  }
0x13c: {  	[sflag:s25] =	ssyncset.done $0x0  }
0x13d: {  	p0 =	sne.s32 s0, $0x8  }
.Ltmp22:
0x13e: {  	_ = 	snop;
	(pc) =	sbr.rel @p0 .LBB2_32-.Ltmp22, $3  }
0x13f: {  	_ = 	snop  }
0x140: {  	[sflag:s25] =	ssyncadd.s32 $0xFFFFFF80  }
0x141: {  	[bflag:$0x0] =	sbarrier.arrive $0xFFFF;
	_ =	sdelay $0x1  }
0x142: {  	s0 =	rddreg [dreg:$0x5]  }
0x143: {  	[hbm:s0], [sflag:s30] =	dma.local [spmem:s31], $0x1000  }
0x144: {  	_ =	swait.ge [sflag:s24], $0x1000  }
0x145: {  	[sflag:s24] =	ssyncset.done $0x0  }
0x146: {  	[sflag:s24] =	ssyncadd.s32 $0xFFFFF000  }
0x147: {  	[bflag:$0x0] =	sbarrier.arrive $0xFFFF  }
0x148: {  	[spmem:s6] =	stream.linear.scatter [tilespmem:s26], [sflag:$0x2], $0x1000, $0x38;
	[tilespmem:$0x1D088] =	vst v63  }
0x149: {  	_ =	swait.ge [sflag:s24], $0x1000  }
0x14a: {  	[sflag:s24] =	ssyncset.done $0x0  }
0x14b: {  	[sflag:s24] =	ssyncadd.s32 $0xFFFFF000  }
0x14c: {  	[spmem:s15] =	stream.linear.scatter [tilespmem:s26], [sflag:$0x2], $0x1000, $0x38;
	[tilespmem:$0x1D088] =	vst v63  }
0x14d: {  	_ =	swait.ge [sflag:s24], $0x1000  }
0x14e: {  	[sflag:s24] =	ssyncset.done $0x0  }
0x14f: {  	[sflag:s24] =	ssyncadd.s32 $0xFFFFF000  }
0x150: {  	[spmem:s16] =	stream.linear.scatter [tilespmem:s26], [sflag:$0x2], $0x1000, $0x38;
	[tilespmem:$0x1D088] =	vst v63  }
0x151: {  	_ =	swait.ge [sflag:s24], $0x1000  }
0x152: {  	[sflag:s24] =	ssyncset.done $0x0  }
0x153: {  	[sflag:s24] =	ssyncadd.s32 $0xFFFFF000  }
0x154: {  	[spmem:s17] =	stream.linear.scatter [tilespmem:s26], [sflag:$0x2], $0x1000, $0x38;
	[tilespmem:$0x1D088] =	vst v63  }
0x155: {  	_ =	swait.ge [sflag:s24], $0x1000  }
0x156: {  	[sflag:s24] =	ssyncset.done $0x0  }
0x157: {  	[sflag:s24] =	ssyncadd.s32 $0xFFFFF000  }
0x158: {  	[spmem:s18] =	stream.linear.scatter [tilespmem:s26], [sflag:$0x2], $0x1000, $0x38;
	[tilespmem:$0x1D088] =	vst v63  }
0x159: {  	_ =	swait.ge [sflag:s24], $0x1000  }
0x15a: {  	[sflag:s24] =	ssyncset.done $0x0  }
0x15b: {  	[sflag:s24] =	ssyncadd.s32 $0xFFFFF000  }
0x15c: {  	[spmem:s19] =	stream.linear.scatter [tilespmem:s26], [sflag:$0x2], $0x1000, $0x38;
	[tilespmem:$0x1D088] =	vst v63  }
0x15d: {  	_ =	swait.ge [sflag:s24], $0x1000  }
0x15e: {  	[sflag:s24] =	ssyncset.done $0x0  }
0x15f: {  	[sflag:s24] =	ssyncadd.s32 $0xFFFFF000  }
0x160: {  	[spmem:s21] =	stream.linear.scatter [tilespmem:s26], [sflag:$0x2], $0x1000, $0x38;
	[tilespmem:$0x1D088] =	vst v63  }
0x161: {  	_ =	swait.ge [sflag:s24], $0x1000  }
0x162: {  	[sflag:s24] =	ssyncset.done $0x0  }
0x163: {  	[sflag:s24] =	ssyncadd.s32 $0xFFFFF000  }
0x164: {  	[spmem:s22] =	stream.linear.scatter [tilespmem:s26], [sflag:$0x2], $0x1000, $0x38;
	[tilespmem:$0x1D088] =	vst v63  }
0x165: {  	_ =	swait.ge [sflag:s24], $0x1000  }
0x166: {  	[sflag:s24] =	ssyncset.done $0x0  }
0x167: {  	[sflag:s24] =	ssyncadd.s32 $0xFFFFF000  }
0x168: {  	s0 =	simm.s32 $0x0;
	[bflag:$0x0] =	sbarrier.arrive $0xFFFF  }
0x169: {  	s5 =	simm.s32 $0x10;
	s2 =	simm.s32 $0x0;
	s7 =	simm.s32 $0x0;
	v10 =	vld [tilespmem:s0+$0x0]  }
.LBB2_48:
0x16a: {  	p0 =	sne.s32 s5, $0x3FF0;
	_ =	sdelay $0x2  }
.Ltmp23:
0x16b: {  	(pc) =	sbr.rel @p0 .LBB2_48-.Ltmp23, $4  }
0x16c: {  	v10 =	vsub.s32 v10, v2  }
0x16d: {  	s8 =	sand.u32 $0x3FF0, s2;
	s2 =	smov.u32 s5;
	v10 =	vmin.u32 v10, $0x80000  }
0x16e: {  	s7 =	sadd.s32 $0x10, s7;
	[tilespmem:s8+$0x8000] =	vst v10  }
0x16f: {  	s5 =	sadd.s32 $0x10, s5;
	v10 =	vld [tilespmem:s7+$0x0]  }
0x170: {  	_ =	sdelay $0x3  }
0x171: {  	v10 =	vsub.s32 v10, v2  }
0x172: {  	s2 =	sand.u32 $0x3FF0, s2;
	v10 =	vmin.u32 v10, $0x80000  }
0x173: {  	[tilespmem:s2+$0x8000] =	vst v10  }
.LBB2_50:
0x174: {  	s0 =	sadd.s32 $0x1, s0  }
0x175: {  	s2 =	scvt.s32.f32 s0;
	_ =	sdelay $0x1  }
0x176: {  	v10 =	vmov s2  }
0x177: {  	[tilespmem:$0x14000] =	vst v10  }
0x178: {  	[tilespmem:$0x14010] =	vst v10  }
0x179: {  	[tilespmem:$0x14020] =	vst v10  }
0x17a: {  	[tilespmem:$0x14030] =	vst v10  }
0x17b: {  	[tilespmem:$0x14040] =	vst v10  }
0x17c: {  	[tilespmem:$0x14050] =	vst v10  }
0x17d: {  	s7 =	simm.s32 $0xC000;
	[tilespmem:$0x14060] =	vst v10  }
0x17e: {  	s8 =	simm.s32 $0x8000;
	s5 =	simm.s32 $0x80;
	s2 =	simm.s32 $0x200;
	[tilespmem:$0x14070] =	vst v10  }
.LBB2_51:
0x17f: {  	[spmem:s1] =	stream.indirect.scatter [tilespmem:s7], [sflag:$0x1], $0x1, s8, s5, $0xb8;
	[tilespmem:$0x1D088] =	vst v63  }
0x180: {  	s7 =	smov.u32 s2;
	p0 =	sne.s32 s2, $0xFE00  }
.Ltmp24:
0x181: {  	s2 =	sadd.s32 $0x200, s2;
	(pc) =	sbr.rel @p0 .LBB2_51-.Ltmp24, $3  }
0x182: {  	_ =	sdelay $0x1  }
0x183: {  	s8 =	sshra.s32 s7, $0x2  }
0x184: {  	s7 =	sadd.s32 $0xC000, s8;
	s8 =	sadd.s32 $0x8000, s8  }
0x185: {  	[spmem:s1] =	stream.indirect.scatter [tilespmem:s7], [sflag:$0x1], $0x1, s8, s5, $0xb8;
	[tilespmem:$0x1D088] =	vst v63  }
0x186: {  	_ =	swait.ge [sflag:s25], $0x80  }
0x187: {  	s2 =	simm.s32 $0x7F;
	[sflag:s25] =	ssyncset.done $0x0  }
.LBB2_53:
0x188: {  	p0 =	sne.s32 s2, $0x1;
	s2 =	sadd.s32 $0xFFFFFFFF, s2;
	[sflag:s25] =	ssyncadd.s32 $0xFFFFFF80  }
.Ltmp25:
0x189: {  	(pc) =	sbr.rel @p0 .LBB2_53-.Ltmp25, $3  }
0x18a: {  	_ =	sdelay $0x1  }
0x18b: {  	_ =	swait.ge [sflag:s25], $0x80  }
0x18c: {  	[sflag:s25] =	ssyncset.done $0x0  }
0x18d: {  	[sflag:s25] =	ssyncadd.s32 $0xFFFFFF80;
	s2 =	simm.s32 $0x200;
	s7 =	simm.s32 $0x10000  }
0x18e: {  	s8 =	simm.s32 $0x8000;
	s5 =	simm.s32 $0x80;
	[bflag:$0x0] =	sbarrier.arrive $0xFFFF  }
.LBB2_55:
0x18f: {  	[tilespmem:s7], [sflag:$0x1] =	stream.indirect.gather [spmem:s1], $0x1, s8, s5, $0xb8;
	[tilespmem:$0x1D088] =	vst v63  }
0x190: {  	s7 =	smov.u32 s2;
	p0 =	sne.s32 s2, $0xFE00  }
.Ltmp26:
0x191: {  	s2 =	sadd.s32 $0x200, s2;
	(pc) =	sbr.rel @p0 .LBB2_55-.Ltmp26, $3  }
0x192: {  	_ =	sdelay $0x1  }
0x193: {  	s8 =	sshra.s32 s7, $0x2  }
0x194: {  	s7 =	sadd.s32 $0x10000, s8;
	s8 =	sadd.s32 $0x8000, s8  }
0x195: {  	[tilespmem:s7], [sflag:$0x1] =	stream.indirect.gather [spmem:s1], $0x1, s8, s5, $0xb8;
	[tilespmem:$0x1D088] =	vst v63  }
0x196: {  	_ =	swait.ge [sflag:s25], $0x80  }
0x197: {  	s2 =	simm.s32 $0x7F;
	[sflag:s25] =	ssyncset.done $0x0  }
.LBB2_57:
0x198: {  	p0 =	sne.s32 s2, $0x1;
	s2 =	sadd.s32 $0xFFFFFFFF, s2;
	[sflag:s25] =	ssyncadd.s32 $0xFFFFFF80  }
.Ltmp27:
0x199: {  	(pc) =	sbr.rel @p0 .LBB2_57-.Ltmp27, $3  }
0x19a: {  	_ =	sdelay $0x1  }
0x19b: {  	_ =	swait.ge [sflag:s25], $0x80  }
0x19c: {  	[sflag:s25] =	ssyncset.done $0x0  }
0x19d: {  	[sflag:s25] =	ssyncadd.s32 $0xFFFFFF80;
	s2 =	simm.s32 $0x0  }
0x19e: {  	v10 =	vld [tilespmem:s2+$0x10000]  }
0x19f: {  	v11 =	vld [tilespmem:s2+$0xC000]  }
0x1a0: {  	v13 =	vld [tilespmem:s2+$0x8000];
	_ =	sdelay $0x3  }
0x1a1: {  	s5 =	simm.s32 $0x10;
	vm0 =	veq.f32 v10, v11  }
0x1a2: {  	s7 =	simm.s32 $0x80;
	v10 =	vld [tilespmem:s5+$0x10000];
	v12 =	vsel vm0, $0x80000, v13;
	v11 =	vnsel vm0, $0x80000, v13  }
.LBB2_59:
0x1a3: {  	p0 =	sne.s32 s7, $0xFFC0;
	v13 =	vld [tilespmem:s5+$0xC000];
	[tilespmem:s2+$0x8000] =	vst v12  }
0x1a4: {  	v14 =	vld [tilespmem:s5+$0x8000];
	[tilespmem:s2+$0x4000] =	vst v11;
	s2 =	smov.u32 s5  }
.Ltmp28:
0x1a5: {  	(pc) =	sbr.rel @p0 .LBB2_59-.Ltmp28, $3  }
0x1a6: {  	_ =	sdelay $0x1  }
0x1a7: {  	s5 =	sshra.s32 s7, $0x2;
	vm0 =	veq.f32 v10, v13  }
0x1a8: {  	s7 =	sadd.s32 $0x40, s7;
	v10 =	vld [tilespmem:s5+$0x10000];
	v12 =	vsel vm0, $0x80000, v14;
	v11 =	vnsel vm0, $0x80000, v14  }
0x1a9: {  	v13 =	vld [tilespmem:s5+$0xC000];
	[tilespmem:s2+$0x8000] =	vst v12  }
0x1aa: {  	v12 =	vld [tilespmem:s5+$0x8000];
	_ =	sdelay $0x3  }
0x1ab: {  	vm0 =	veq.f32 v10, v13  }
0x1ac: {  	[tilespmem:s2+$0x4000] =	vst v11;
	v10 =	vsel vm0, $0x80000, v12  }
0x1ad: {  	v11 =	vnsel vm0, $0x80000, v12;
	[tilespmem:s5+$0x8000] =	vst v10  }
0x1ae: {  	s7 =	simm.s32 $0x4000;
	s2 =	simm.s32 $0x200;
	[tilespmem:s5+$0x4000] =	vst v11;
	s5 =	simm.s32 $0x80  }
.LBB2_61:
0x1af: {  	[spmem:s1] =	stream.indirect.scatter [tilespmem:s28], [sflag:$0x1], $0x1, s7, s5, $0xb8;
	[tilespmem:$0x1D088] =	vst v63  }
0x1b0: {  	s7 =	smov.u32 s2;
	p0 =	sne.s32 s2, $0xFE00  }
.Ltmp29:
0x1b1: {  	s2 =	sadd.s32 $0x200, s2;
	(pc) =	sbr.rel @p0 .LBB2_61-.Ltmp29, $3  }
0x1b2: {  	_ =	sdelay $0x1  }
0x1b3: {  	s7 =	sshra.s32 s7, $0x2  }
0x1b4: {  	s7 =	sadd.s32 $0x4000, s7  }
0x1b5: {  	[spmem:s1] =	stream.indirect.scatter [tilespmem:s28], [sflag:$0x1], $0x1, s7, s5, $0xb8;
	[tilespmem:$0x1D088] =	vst v63  }
0x1b6: {  	_ =	swait.ge [sflag:s25], $0x80  }
0x1b7: {  	s2 =	simm.s32 $0x7F;
	[sflag:s25] =	ssyncset.done $0x0  }
.LBB2_63:
0x1b8: {  	p0 =	sne.s32 s2, $0x1;
	s2 =	sadd.s32 $0xFFFFFFFF, s2;
	[sflag:s25] =	ssyncadd.s32 $0xFFFFFF80  }
.Ltmp30:
0x1b9: {  	(pc) =	sbr.rel @p0 .LBB2_63-.Ltmp30, $3  }
0x1ba: {  	_ =	sdelay $0x1  }
0x1bb: {  	_ =	swait.ge [sflag:s25], $0x80  }
0x1bc: {  	[sflag:s25] =	ssyncset.done $0x0  }
0x1bd: {  	p0 =	sne.s32 s0, $0x8  }
.Ltmp31:
0x1be: {  	_ = 	snop;
	(pc) =	sbr.rel @p0 .LBB2_50-.Ltmp31, $3  }
0x1bf: {  	_ = 	snop  }
0x1c0: {  	[sflag:s25] =	ssyncadd.s32 $0xFFFFFF80  }
0x1c1: {  	[bflag:$0x0] =	sbarrier.arrive $0xFFFF;
	_ =	sdelay $0x1  }
0x1c2: {  	[hbm:s9], [sflag:s30] =	dma.local [spmem:s31], $0x1000  }
0x1c3: {  	_ =	swait.ge [sflag:s24], $0x1000  }
0x1c4: {  	[sflag:s24] =	ssyncset.done $0x0  }
0x1c5: {  	[sflag:s24] =	ssyncadd.s32 $0xFFFFF000  }
0x1c6: {  	[bflag:$0x0] =	sbarrier.arrive $0xFFFF  }
0x1c7: {  	[spmem:s6] =	stream.linear.scatter [tilespmem:s26], [sflag:$0x2], $0x1000, $0x38;
	[tilespmem:$0x1D088] =	vst v63  }
0x1c8: {  	_ =	swait.ge [sflag:s24], $0x1000  }
0x1c9: {  	[sflag:s24] =	ssyncset.done $0x0  }
0x1ca: {  	[sflag:s24] =	ssyncadd.s32 $0xFFFFF000  }
0x1cb: {  	[spmem:s15] =	stream.linear.scatter [tilespmem:s26], [sflag:$0x2], $0x1000, $0x38;
	[tilespmem:$0x1D088] =	vst v63  }
0x1cc: {  	_ =	swait.ge [sflag:s24], $0x1000  }
0x1cd: {  	[sflag:s24] =	ssyncset.done $0x0  }
0x1ce: {  	[sflag:s24] =	ssyncadd.s32 $0xFFFFF000  }
0x1cf: {  	[spmem:s16] =	stream.linear.scatter [tilespmem:s26], [sflag:$0x2], $0x1000, $0x38;
	[tilespmem:$0x1D088] =	vst v63  }
0x1d0: {  	_ =	swait.ge [sflag:s24], $0x1000  }
0x1d1: {  	[sflag:s24] =	ssyncset.done $0x0  }
0x1d2: {  	[sflag:s24] =	ssyncadd.s32 $0xFFFFF000  }
0x1d3: {  	[spmem:s17] =	stream.linear.scatter [tilespmem:s26], [sflag:$0x2], $0x1000, $0x38;
	[tilespmem:$0x1D088] =	vst v63  }
0x1d4: {  	_ =	swait.ge [sflag:s24], $0x1000  }
0x1d5: {  	[sflag:s24] =	ssyncset.done $0x0  }
0x1d6: {  	[sflag:s24] =	ssyncadd.s32 $0xFFFFF000  }
0x1d7: {  	[spmem:s18] =	stream.linear.scatter [tilespmem:s26], [sflag:$0x2], $0x1000, $0x38;
	[tilespmem:$0x1D088] =	vst v63  }
0x1d8: {  	_ =	swait.ge [sflag:s24], $0x1000  }
0x1d9: {  	[sflag:s24] =	ssyncset.done $0x0  }
0x1da: {  	[sflag:s24] =	ssyncadd.s32 $0xFFFFF000  }
0x1db: {  	[spmem:s19] =	stream.linear.scatter [tilespmem:s26], [sflag:$0x2], $0x1000, $0x38;
	[tilespmem:$0x1D088] =	vst v63  }
0x1dc: {  	_ =	swait.ge [sflag:s24], $0x1000  }
0x1dd: {  	[sflag:s24] =	ssyncset.done $0x0  }
0x1de: {  	[sflag:s24] =	ssyncadd.s32 $0xFFFFF000  }
0x1df: {  	[spmem:s21] =	stream.linear.scatter [tilespmem:s26], [sflag:$0x2], $0x1000, $0x38;
	[tilespmem:$0x1D088] =	vst v63  }
0x1e0: {  	_ =	swait.ge [sflag:s24], $0x1000  }
0x1e1: {  	[sflag:s24] =	ssyncset.done $0x0  }
0x1e2: {  	[sflag:s24] =	ssyncadd.s32 $0xFFFFF000  }
0x1e3: {  	[spmem:s22] =	stream.linear.scatter [tilespmem:s26], [sflag:$0x2], $0x1000, $0x38;
	[tilespmem:$0x1D088] =	vst v63  }
0x1e4: {  	_ =	swait.ge [sflag:s24], $0x1000  }
0x1e5: {  	[sflag:s24] =	ssyncset.done $0x0  }
0x1e6: {  	[sflag:s24] =	ssyncadd.s32 $0xFFFFF000  }
0x1e7: {  	s0 =	simm.s32 $0x0;
	[bflag:$0x0] =	sbarrier.arrive $0xFFFF  }
0x1e8: {  	s5 =	simm.s32 $0x10;
	s2 =	simm.s32 $0x0;
	s7 =	simm.s32 $0x0;
	v10 =	vld [tilespmem:s0+$0x0]  }
.LBB2_66:
0x1e9: {  	p0 =	sne.s32 s5, $0x3FF0;
	_ =	sdelay $0x2  }
.Ltmp32:
0x1ea: {  	(pc) =	sbr.rel @p0 .LBB2_66-.Ltmp32, $4  }
0x1eb: {  	v10 =	vsub.s32 v10, v3  }
0x1ec: {  	s8 =	sand.u32 $0x3FF0, s2;
	s2 =	smov.u32 s5;
	v10 =	vmin.u32 v10, $0x80000  }
0x1ed: {  	s7 =	sadd.s32 $0x10, s7;
	[tilespmem:s8+$0x8000] =	vst v10  }
0x1ee: {  	s5 =	sadd.s32 $0x10, s5;
	v10 =	vld [tilespmem:s7+$0x0]  }
0x1ef: {  	_ =	sdelay $0x3  }
0x1f0: {  	v10 =	vsub.s32 v10, v3  }
0x1f1: {  	s2 =	sand.u32 $0x3FF0, s2;
	v10 =	vmin.u32 v10, $0x80000  }
0x1f2: {  	[tilespmem:s2+$0x8000] =	vst v10  }
.LBB2_68:
0x1f3: {  	s0 =	sadd.s32 $0x1, s0  }
0x1f4: {  	s2 =	scvt.s32.f32 s0;
	_ =	sdelay $0x1  }
0x1f5: {  	v10 =	vmov s2  }
0x1f6: {  	[tilespmem:$0x14000] =	vst v10  }
0x1f7: {  	[tilespmem:$0x14010] =	vst v10  }
0x1f8: {  	[tilespmem:$0x14020] =	vst v10  }
0x1f9: {  	[tilespmem:$0x14030] =	vst v10  }
0x1fa: {  	[tilespmem:$0x14040] =	vst v10  }
0x1fb: {  	[tilespmem:$0x14050] =	vst v10  }
0x1fc: {  	s7 =	simm.s32 $0xC000;
	[tilespmem:$0x14060] =	vst v10  }
0x1fd: {  	s8 =	simm.s32 $0x8000;
	s5 =	simm.s32 $0x80;
	s2 =	simm.s32 $0x200;
	[tilespmem:$0x14070] =	vst v10  }
.LBB2_69:
0x1fe: {  	[spmem:s1] =	stream.indirect.scatter [tilespmem:s7], [sflag:$0x1], $0x1, s8, s5, $0xb8;
	[tilespmem:$0x1D088] =	vst v63  }
0x1ff: {  	s7 =	smov.u32 s2;
	p0 =	sne.s32 s2, $0xFE00  }
.Ltmp33:
0x200: {  	s2 =	sadd.s32 $0x200, s2;
	(pc) =	sbr.rel @p0 .LBB2_69-.Ltmp33, $3  }
0x201: {  	_ =	sdelay $0x1  }
0x202: {  	s8 =	sshra.s32 s7, $0x2  }
0x203: {  	s7 =	sadd.s32 $0xC000, s8;
	s8 =	sadd.s32 $0x8000, s8  }
0x204: {  	[spmem:s1] =	stream.indirect.scatter [tilespmem:s7], [sflag:$0x1], $0x1, s8, s5, $0xb8;
	[tilespmem:$0x1D088] =	vst v63  }
0x205: {  	_ =	swait.ge [sflag:s25], $0x80  }
0x206: {  	s2 =	simm.s32 $0x7F;
	[sflag:s25] =	ssyncset.done $0x0  }
.LBB2_71:
0x207: {  	p0 =	sne.s32 s2, $0x1;
	s2 =	sadd.s32 $0xFFFFFFFF, s2;
	[sflag:s25] =	ssyncadd.s32 $0xFFFFFF80  }
.Ltmp34:
0x208: {  	(pc) =	sbr.rel @p0 .LBB2_71-.Ltmp34, $3  }
0x209: {  	_ =	sdelay $0x1  }
0x20a: {  	_ =	swait.ge [sflag:s25], $0x80  }
0x20b: {  	[sflag:s25] =	ssyncset.done $0x0  }
0x20c: {  	[sflag:s25] =	ssyncadd.s32 $0xFFFFFF80;
	s2 =	simm.s32 $0x200;
	s7 =	simm.s32 $0x10000  }
0x20d: {  	s8 =	simm.s32 $0x8000;
	s5 =	simm.s32 $0x80;
	[bflag:$0x0] =	sbarrier.arrive $0xFFFF  }
.LBB2_73:
0x20e: {  	[tilespmem:s7], [sflag:$0x1] =	stream.indirect.gather [spmem:s1], $0x1, s8, s5, $0xb8;
	[tilespmem:$0x1D088] =	vst v63  }
0x20f: {  	s7 =	smov.u32 s2;
	p0 =	sne.s32 s2, $0xFE00  }
.Ltmp35:
0x210: {  	s2 =	sadd.s32 $0x200, s2;
	(pc) =	sbr.rel @p0 .LBB2_73-.Ltmp35, $3  }
0x211: {  	_ =	sdelay $0x1  }
0x212: {  	s8 =	sshra.s32 s7, $0x2  }
0x213: {  	s7 =	sadd.s32 $0x10000, s8;
	s8 =	sadd.s32 $0x8000, s8  }
0x214: {  	[tilespmem:s7], [sflag:$0x1] =	stream.indirect.gather [spmem:s1], $0x1, s8, s5, $0xb8;
	[tilespmem:$0x1D088] =	vst v63  }
0x215: {  	_ =	swait.ge [sflag:s25], $0x80  }
0x216: {  	s2 =	simm.s32 $0x7F;
	[sflag:s25] =	ssyncset.done $0x0  }
.LBB2_75:
0x217: {  	p0 =	sne.s32 s2, $0x1;
	s2 =	sadd.s32 $0xFFFFFFFF, s2;
	[sflag:s25] =	ssyncadd.s32 $0xFFFFFF80  }
.Ltmp36:
0x218: {  	(pc) =	sbr.rel @p0 .LBB2_75-.Ltmp36, $3  }
0x219: {  	_ =	sdelay $0x1  }
0x21a: {  	_ =	swait.ge [sflag:s25], $0x80  }
0x21b: {  	[sflag:s25] =	ssyncset.done $0x0  }
0x21c: {  	[sflag:s25] =	ssyncadd.s32 $0xFFFFFF80;
	s2 =	simm.s32 $0x0  }
0x21d: {  	v10 =	vld [tilespmem:s2+$0x10000]  }
0x21e: {  	v11 =	vld [tilespmem:s2+$0xC000]  }
0x21f: {  	v13 =	vld [tilespmem:s2+$0x8000];
	_ =	sdelay $0x3  }
0x220: {  	s5 =	simm.s32 $0x10;
	vm0 =	veq.f32 v10, v11  }
0x221: {  	s7 =	simm.s32 $0x80;
	v10 =	vld [tilespmem:s5+$0x10000];
	v12 =	vsel vm0, $0x80000, v13;
	v11 =	vnsel vm0, $0x80000, v13  }
.LBB2_77:
0x222: {  	p0 =	sne.s32 s7, $0xFFC0;
	v13 =	vld [tilespmem:s5+$0xC000];
	[tilespmem:s2+$0x8000] =	vst v12  }
0x223: {  	v14 =	vld [tilespmem:s5+$0x8000];
	[tilespmem:s2+$0x4000] =	vst v11;
	s2 =	smov.u32 s5  }
.Ltmp37:
0x224: {  	(pc) =	sbr.rel @p0 .LBB2_77-.Ltmp37, $3  }
0x225: {  	_ =	sdelay $0x1  }
0x226: {  	s5 =	sshra.s32 s7, $0x2;
	vm0 =	veq.f32 v10, v13  }
0x227: {  	s7 =	sadd.s32 $0x40, s7;
	v10 =	vld [tilespmem:s5+$0x10000];
	v12 =	vsel vm0, $0x80000, v14;
	v11 =	vnsel vm0, $0x80000, v14  }
0x228: {  	v13 =	vld [tilespmem:s5+$0xC000];
	[tilespmem:s2+$0x8000] =	vst v12  }
0x229: {  	v12 =	vld [tilespmem:s5+$0x8000];
	_ =	sdelay $0x3  }
0x22a: {  	vm0 =	veq.f32 v10, v13  }
0x22b: {  	[tilespmem:s2+$0x4000] =	vst v11;
	v10 =	vsel vm0, $0x80000, v12  }
0x22c: {  	v11 =	vnsel vm0, $0x80000, v12;
	[tilespmem:s5+$0x8000] =	vst v10  }
0x22d: {  	s7 =	simm.s32 $0x4000;
	s2 =	simm.s32 $0x200;
	[tilespmem:s5+$0x4000] =	vst v11;
	s5 =	simm.s32 $0x80  }
.LBB2_79:
0x22e: {  	[spmem:s1] =	stream.indirect.scatter [tilespmem:s28], [sflag:$0x1], $0x1, s7, s5, $0xb8;
	[tilespmem:$0x1D088] =	vst v63  }
0x22f: {  	s7 =	smov.u32 s2;
	p0 =	sne.s32 s2, $0xFE00  }
.Ltmp38:
0x230: {  	s2 =	sadd.s32 $0x200, s2;
	(pc) =	sbr.rel @p0 .LBB2_79-.Ltmp38, $3  }
0x231: {  	_ =	sdelay $0x1  }
0x232: {  	s7 =	sshra.s32 s7, $0x2  }
0x233: {  	s7 =	sadd.s32 $0x4000, s7  }
0x234: {  	[spmem:s1] =	stream.indirect.scatter [tilespmem:s28], [sflag:$0x1], $0x1, s7, s5, $0xb8;
	[tilespmem:$0x1D088] =	vst v63  }
0x235: {  	_ =	swait.ge [sflag:s25], $0x80  }
0x236: {  	s2 =	simm.s32 $0x7F;
	[sflag:s25] =	ssyncset.done $0x0  }
.LBB2_81:
0x237: {  	p0 =	sne.s32 s2, $0x1;
	s2 =	sadd.s32 $0xFFFFFFFF, s2;
	[sflag:s25] =	ssyncadd.s32 $0xFFFFFF80  }
.Ltmp39:
0x238: {  	(pc) =	sbr.rel @p0 .LBB2_81-.Ltmp39, $3  }
0x239: {  	_ =	sdelay $0x1  }
0x23a: {  	_ =	swait.ge [sflag:s25], $0x80  }
0x23b: {  	[sflag:s25] =	ssyncset.done $0x0  }
0x23c: {  	p0 =	sne.s32 s0, $0x8  }
.Ltmp40:
0x23d: {  	_ = 	snop;
	(pc) =	sbr.rel @p0 .LBB2_68-.Ltmp40, $3  }
0x23e: {  	_ = 	snop  }
0x23f: {  	[sflag:s25] =	ssyncadd.s32 $0xFFFFFF80  }
0x240: {  	[bflag:$0x0] =	sbarrier.arrive $0xFFFF;
	_ =	sdelay $0x1  }
0x241: {  	[hbm:s10], [sflag:s30] =	dma.local [spmem:s31], $0x1000  }
0x242: {  	_ =	swait.ge [sflag:s24], $0x1000  }
0x243: {  	[sflag:s24] =	ssyncset.done $0x0  }
0x244: {  	[sflag:s24] =	ssyncadd.s32 $0xFFFFF000  }
0x245: {  	[bflag:$0x0] =	sbarrier.arrive $0xFFFF  }
0x246: {  	[spmem:s6] =	stream.linear.scatter [tilespmem:s26], [sflag:$0x2], $0x1000, $0x38;
	[tilespmem:$0x1D088] =	vst v63  }
0x247: {  	_ =	swait.ge [sflag:s24], $0x1000  }
0x248: {  	[sflag:s24] =	ssyncset.done $0x0  }
0x249: {  	[sflag:s24] =	ssyncadd.s32 $0xFFFFF000  }
0x24a: {  	[spmem:s15] =	stream.linear.scatter [tilespmem:s26], [sflag:$0x2], $0x1000, $0x38;
	[tilespmem:$0x1D088] =	vst v63  }
0x24b: {  	_ =	swait.ge [sflag:s24], $0x1000  }
0x24c: {  	[sflag:s24] =	ssyncset.done $0x0  }
0x24d: {  	[sflag:s24] =	ssyncadd.s32 $0xFFFFF000  }
0x24e: {  	[spmem:s16] =	stream.linear.scatter [tilespmem:s26], [sflag:$0x2], $0x1000, $0x38;
	[tilespmem:$0x1D088] =	vst v63  }
0x24f: {  	_ =	swait.ge [sflag:s24], $0x1000  }
0x250: {  	[sflag:s24] =	ssyncset.done $0x0  }
0x251: {  	[sflag:s24] =	ssyncadd.s32 $0xFFFFF000  }
0x252: {  	[spmem:s17] =	stream.linear.scatter [tilespmem:s26], [sflag:$0x2], $0x1000, $0x38;
	[tilespmem:$0x1D088] =	vst v63  }
0x253: {  	_ =	swait.ge [sflag:s24], $0x1000  }
0x254: {  	[sflag:s24] =	ssyncset.done $0x0  }
0x255: {  	[sflag:s24] =	ssyncadd.s32 $0xFFFFF000  }
0x256: {  	[spmem:s18] =	stream.linear.scatter [tilespmem:s26], [sflag:$0x2], $0x1000, $0x38;
	[tilespmem:$0x1D088] =	vst v63  }
0x257: {  	_ =	swait.ge [sflag:s24], $0x1000  }
0x258: {  	[sflag:s24] =	ssyncset.done $0x0  }
0x259: {  	[sflag:s24] =	ssyncadd.s32 $0xFFFFF000  }
0x25a: {  	[spmem:s19] =	stream.linear.scatter [tilespmem:s26], [sflag:$0x2], $0x1000, $0x38;
	[tilespmem:$0x1D088] =	vst v63  }
0x25b: {  	_ =	swait.ge [sflag:s24], $0x1000  }
0x25c: {  	[sflag:s24] =	ssyncset.done $0x0  }
0x25d: {  	[sflag:s24] =	ssyncadd.s32 $0xFFFFF000  }
0x25e: {  	[spmem:s21] =	stream.linear.scatter [tilespmem:s26], [sflag:$0x2], $0x1000, $0x38;
	[tilespmem:$0x1D088] =	vst v63  }
0x25f: {  	_ =	swait.ge [sflag:s24], $0x1000  }
0x260: {  	[sflag:s24] =	ssyncset.done $0x0  }
0x261: {  	[sflag:s24] =	ssyncadd.s32 $0xFFFFF000  }
0x262: {  	[spmem:s22] =	stream.linear.scatter [tilespmem:s26], [sflag:$0x2], $0x1000, $0x38;
	[tilespmem:$0x1D088] =	vst v63  }
0x263: {  	_ =	swait.ge [sflag:s24], $0x1000  }
0x264: {  	[sflag:s24] =	ssyncset.done $0x0  }
0x265: {  	[sflag:s24] =	ssyncadd.s32 $0xFFFFF000  }
0x266: {  	s0 =	simm.s32 $0x0;
	[bflag:$0x0] =	sbarrier.arrive $0xFFFF  }
0x267: {  	s5 =	simm.s32 $0x10;
	s2 =	simm.s32 $0x0;
	s7 =	simm.s32 $0x0;
	v10 =	vld [tilespmem:s0+$0x0]  }
.LBB2_84:
0x268: {  	p0 =	sne.s32 s5, $0x3FF0;
	_ =	sdelay $0x2  }
.Ltmp41:
0x269: {  	(pc) =	sbr.rel @p0 .LBB2_84-.Ltmp41, $4  }
0x26a: {  	v10 =	vsub.s32 v10, v4  }
0x26b: {  	s8 =	sand.u32 $0x3FF0, s2;
	s2 =	smov.u32 s5;
	v10 =	vmin.u32 v10, $0x80000  }
0x26c: {  	s7 =	sadd.s32 $0x10, s7;
	[tilespmem:s8+$0x8000] =	vst v10  }
0x26d: {  	s5 =	sadd.s32 $0x10, s5;
	v10 =	vld [tilespmem:s7+$0x0]  }
0x26e: {  	_ =	sdelay $0x3  }
0x26f: {  	v10 =	vsub.s32 v10, v4  }
0x270: {  	s2 =	sand.u32 $0x3FF0, s2;
	v10 =	vmin.u32 v10, $0x80000  }
0x271: {  	[tilespmem:s2+$0x8000] =	vst v10  }
.LBB2_86:
0x272: {  	s0 =	sadd.s32 $0x1, s0  }
0x273: {  	s2 =	scvt.s32.f32 s0;
	_ =	sdelay $0x1  }
0x274: {  	v10 =	vmov s2  }
0x275: {  	[tilespmem:$0x14000] =	vst v10  }
0x276: {  	[tilespmem:$0x14010] =	vst v10  }
0x277: {  	[tilespmem:$0x14020] =	vst v10  }
0x278: {  	[tilespmem:$0x14030] =	vst v10  }
0x279: {  	[tilespmem:$0x14040] =	vst v10  }
0x27a: {  	[tilespmem:$0x14050] =	vst v10  }
0x27b: {  	s7 =	simm.s32 $0xC000;
	[tilespmem:$0x14060] =	vst v10  }
0x27c: {  	s8 =	simm.s32 $0x8000;
	s5 =	simm.s32 $0x80;
	s2 =	simm.s32 $0x200;
	[tilespmem:$0x14070] =	vst v10  }
.LBB2_87:
0x27d: {  	[spmem:s1] =	stream.indirect.scatter [tilespmem:s7], [sflag:$0x1], $0x1, s8, s5, $0xb8;
	[tilespmem:$0x1D088] =	vst v63  }
0x27e: {  	s7 =	smov.u32 s2;
	p0 =	sne.s32 s2, $0xFE00  }
.Ltmp42:
0x27f: {  	s2 =	sadd.s32 $0x200, s2;
	(pc) =	sbr.rel @p0 .LBB2_87-.Ltmp42, $3  }
0x280: {  	_ =	sdelay $0x1  }
0x281: {  	s8 =	sshra.s32 s7, $0x2  }
0x282: {  	s7 =	sadd.s32 $0xC000, s8;
	s8 =	sadd.s32 $0x8000, s8  }
0x283: {  	[spmem:s1] =	stream.indirect.scatter [tilespmem:s7], [sflag:$0x1], $0x1, s8, s5, $0xb8;
	[tilespmem:$0x1D088] =	vst v63  }
0x284: {  	_ =	swait.ge [sflag:s25], $0x80  }
0x285: {  	s2 =	simm.s32 $0x7F;
	[sflag:s25] =	ssyncset.done $0x0  }
.LBB2_89:
0x286: {  	p0 =	sne.s32 s2, $0x1;
	s2 =	sadd.s32 $0xFFFFFFFF, s2;
	[sflag:s25] =	ssyncadd.s32 $0xFFFFFF80  }
.Ltmp43:
0x287: {  	(pc) =	sbr.rel @p0 .LBB2_89-.Ltmp43, $3  }
0x288: {  	_ =	sdelay $0x1  }
0x289: {  	_ =	swait.ge [sflag:s25], $0x80  }
0x28a: {  	[sflag:s25] =	ssyncset.done $0x0  }
0x28b: {  	[sflag:s25] =	ssyncadd.s32 $0xFFFFFF80;
	s2 =	simm.s32 $0x200;
	s7 =	simm.s32 $0x10000  }
0x28c: {  	s8 =	simm.s32 $0x8000;
	s5 =	simm.s32 $0x80;
	[bflag:$0x0] =	sbarrier.arrive $0xFFFF  }
.LBB2_91:
0x28d: {  	[tilespmem:s7], [sflag:$0x1] =	stream.indirect.gather [spmem:s1], $0x1, s8, s5, $0xb8;
	[tilespmem:$0x1D088] =	vst v63  }
0x28e: {  	s7 =	smov.u32 s2;
	p0 =	sne.s32 s2, $0xFE00  }
.Ltmp44:
0x28f: {  	s2 =	sadd.s32 $0x200, s2;
	(pc) =	sbr.rel @p0 .LBB2_91-.Ltmp44, $3  }
0x290: {  	_ =	sdelay $0x1  }
0x291: {  	s8 =	sshra.s32 s7, $0x2  }
0x292: {  	s7 =	sadd.s32 $0x10000, s8;
	s8 =	sadd.s32 $0x8000, s8  }
0x293: {  	[tilespmem:s7], [sflag:$0x1] =	stream.indirect.gather [spmem:s1], $0x1, s8, s5, $0xb8;
	[tilespmem:$0x1D088] =	vst v63  }
0x294: {  	_ =	swait.ge [sflag:s25], $0x80  }
0x295: {  	s2 =	simm.s32 $0x7F;
	[sflag:s25] =	ssyncset.done $0x0  }
.LBB2_93:
0x296: {  	p0 =	sne.s32 s2, $0x1;
	s2 =	sadd.s32 $0xFFFFFFFF, s2;
	[sflag:s25] =	ssyncadd.s32 $0xFFFFFF80  }
.Ltmp45:
0x297: {  	(pc) =	sbr.rel @p0 .LBB2_93-.Ltmp45, $3  }
0x298: {  	_ =	sdelay $0x1  }
0x299: {  	_ =	swait.ge [sflag:s25], $0x80  }
0x29a: {  	[sflag:s25] =	ssyncset.done $0x0  }
0x29b: {  	[sflag:s25] =	ssyncadd.s32 $0xFFFFFF80;
	s2 =	simm.s32 $0x0  }
0x29c: {  	v10 =	vld [tilespmem:s2+$0x10000]  }
0x29d: {  	v11 =	vld [tilespmem:s2+$0xC000]  }
0x29e: {  	v13 =	vld [tilespmem:s2+$0x8000];
	_ =	sdelay $0x3  }
0x29f: {  	s5 =	simm.s32 $0x10;
	vm0 =	veq.f32 v10, v11  }
0x2a0: {  	s7 =	simm.s32 $0x80;
	v10 =	vld [tilespmem:s5+$0x10000];
	v12 =	vsel vm0, $0x80000, v13;
	v11 =	vnsel vm0, $0x80000, v13  }
.LBB2_95:
0x2a1: {  	p0 =	sne.s32 s7, $0xFFC0;
	v13 =	vld [tilespmem:s5+$0xC000];
	[tilespmem:s2+$0x8000] =	vst v12  }
0x2a2: {  	v14 =	vld [tilespmem:s5+$0x8000];
	[tilespmem:s2+$0x4000] =	vst v11;
	s2 =	smov.u32 s5  }
.Ltmp46:
0x2a3: {  	(pc) =	sbr.rel @p0 .LBB2_95-.Ltmp46, $3  }
0x2a4: {  	_ =	sdelay $0x1  }
0x2a5: {  	s5 =	sshra.s32 s7, $0x2;
	vm0 =	veq.f32 v10, v13  }
0x2a6: {  	s7 =	sadd.s32 $0x40, s7;
	v10 =	vld [tilespmem:s5+$0x10000];
	v12 =	vsel vm0, $0x80000, v14;
	v11 =	vnsel vm0, $0x80000, v14  }
0x2a7: {  	v13 =	vld [tilespmem:s5+$0xC000];
	[tilespmem:s2+$0x8000] =	vst v12  }
0x2a8: {  	v12 =	vld [tilespmem:s5+$0x8000];
	_ =	sdelay $0x3  }
0x2a9: {  	vm0 =	veq.f32 v10, v13  }
0x2aa: {  	[tilespmem:s2+$0x4000] =	vst v11;
	v10 =	vsel vm0, $0x80000, v12  }
0x2ab: {  	v11 =	vnsel vm0, $0x80000, v12;
	[tilespmem:s5+$0x8000] =	vst v10  }
0x2ac: {  	s7 =	simm.s32 $0x4000;
	s2 =	simm.s32 $0x200;
	[tilespmem:s5+$0x4000] =	vst v11;
	s5 =	simm.s32 $0x80  }
.LBB2_97:
0x2ad: {  	[spmem:s1] =	stream.indirect.scatter [tilespmem:s28], [sflag:$0x1], $0x1, s7, s5, $0xb8;
	[tilespmem:$0x1D088] =	vst v63  }
0x2ae: {  	s7 =	smov.u32 s2;
	p0 =	sne.s32 s2, $0xFE00  }
.Ltmp47:
0x2af: {  	s2 =	sadd.s32 $0x200, s2;
	(pc) =	sbr.rel @p0 .LBB2_97-.Ltmp47, $3  }
0x2b0: {  	_ =	sdelay $0x1  }
0x2b1: {  	s7 =	sshra.s32 s7, $0x2  }
0x2b2: {  	s7 =	sadd.s32 $0x4000, s7  }
0x2b3: {  	[spmem:s1] =	stream.indirect.scatter [tilespmem:s28], [sflag:$0x1], $0x1, s7, s5, $0xb8;
	[tilespmem:$0x1D088] =	vst v63  }
0x2b4: {  	_ =	swait.ge [sflag:s25], $0x80  }
0x2b5: {  	s2 =	simm.s32 $0x7F;
	[sflag:s25] =	ssyncset.done $0x0  }
.LBB2_99:
0x2b6: {  	p0 =	sne.s32 s2, $0x1;
	s2 =	sadd.s32 $0xFFFFFFFF, s2;
	[sflag:s25] =	ssyncadd.s32 $0xFFFFFF80  }
.Ltmp48:
0x2b7: {  	(pc) =	sbr.rel @p0 .LBB2_99-.Ltmp48, $3  }
0x2b8: {  	_ =	sdelay $0x1  }
0x2b9: {  	_ =	swait.ge [sflag:s25], $0x80  }
0x2ba: {  	[sflag:s25] =	ssyncset.done $0x0  }
0x2bb: {  	p0 =	sne.s32 s0, $0x8  }
.Ltmp49:
0x2bc: {  	_ = 	snop;
	(pc) =	sbr.rel @p0 .LBB2_86-.Ltmp49, $3  }
0x2bd: {  	_ = 	snop  }
0x2be: {  	[sflag:s25] =	ssyncadd.s32 $0xFFFFFF80  }
0x2bf: {  	[bflag:$0x0] =	sbarrier.arrive $0xFFFF;
	_ =	sdelay $0x1  }
0x2c0: {  	[hbm:s11], [sflag:s30] =	dma.local [spmem:s31], $0x1000  }
0x2c1: {  	_ =	swait.ge [sflag:s24], $0x1000  }
0x2c2: {  	[sflag:s24] =	ssyncset.done $0x0  }
0x2c3: {  	[sflag:s24] =	ssyncadd.s32 $0xFFFFF000  }
0x2c4: {  	[bflag:$0x0] =	sbarrier.arrive $0xFFFF  }
0x2c5: {  	[spmem:s6] =	stream.linear.scatter [tilespmem:s26], [sflag:$0x2], $0x1000, $0x38;
	[tilespmem:$0x1D088] =	vst v63  }
0x2c6: {  	_ =	swait.ge [sflag:s24], $0x1000  }
0x2c7: {  	[sflag:s24] =	ssyncset.done $0x0  }
0x2c8: {  	[sflag:s24] =	ssyncadd.s32 $0xFFFFF000  }
0x2c9: {  	[spmem:s15] =	stream.linear.scatter [tilespmem:s26], [sflag:$0x2], $0x1000, $0x38;
	[tilespmem:$0x1D088] =	vst v63  }
0x2ca: {  	_ =	swait.ge [sflag:s24], $0x1000  }
0x2cb: {  	[sflag:s24] =	ssyncset.done $0x0  }
0x2cc: {  	[sflag:s24] =	ssyncadd.s32 $0xFFFFF000  }
0x2cd: {  	[spmem:s16] =	stream.linear.scatter [tilespmem:s26], [sflag:$0x2], $0x1000, $0x38;
	[tilespmem:$0x1D088] =	vst v63  }
0x2ce: {  	_ =	swait.ge [sflag:s24], $0x1000  }
0x2cf: {  	[sflag:s24] =	ssyncset.done $0x0  }
0x2d0: {  	[sflag:s24] =	ssyncadd.s32 $0xFFFFF000  }
0x2d1: {  	[spmem:s17] =	stream.linear.scatter [tilespmem:s26], [sflag:$0x2], $0x1000, $0x38;
	[tilespmem:$0x1D088] =	vst v63  }
0x2d2: {  	_ =	swait.ge [sflag:s24], $0x1000  }
0x2d3: {  	[sflag:s24] =	ssyncset.done $0x0  }
0x2d4: {  	[sflag:s24] =	ssyncadd.s32 $0xFFFFF000  }
0x2d5: {  	[spmem:s18] =	stream.linear.scatter [tilespmem:s26], [sflag:$0x2], $0x1000, $0x38;
	[tilespmem:$0x1D088] =	vst v63  }
0x2d6: {  	_ =	swait.ge [sflag:s24], $0x1000  }
0x2d7: {  	[sflag:s24] =	ssyncset.done $0x0  }
0x2d8: {  	[sflag:s24] =	ssyncadd.s32 $0xFFFFF000  }
0x2d9: {  	[spmem:s19] =	stream.linear.scatter [tilespmem:s26], [sflag:$0x2], $0x1000, $0x38;
	[tilespmem:$0x1D088] =	vst v63  }
0x2da: {  	_ =	swait.ge [sflag:s24], $0x1000  }
0x2db: {  	[sflag:s24] =	ssyncset.done $0x0  }
0x2dc: {  	[sflag:s24] =	ssyncadd.s32 $0xFFFFF000  }
0x2dd: {  	[spmem:s21] =	stream.linear.scatter [tilespmem:s26], [sflag:$0x2], $0x1000, $0x38;
	[tilespmem:$0x1D088] =	vst v63  }
0x2de: {  	_ =	swait.ge [sflag:s24], $0x1000  }
0x2df: {  	[sflag:s24] =	ssyncset.done $0x0  }
0x2e0: {  	[sflag:s24] =	ssyncadd.s32 $0xFFFFF000  }
0x2e1: {  	[spmem:s22] =	stream.linear.scatter [tilespmem:s26], [sflag:$0x2], $0x1000, $0x38;
	[tilespmem:$0x1D088] =	vst v63  }
0x2e2: {  	_ =	swait.ge [sflag:s24], $0x1000  }
0x2e3: {  	[sflag:s24] =	ssyncset.done $0x0  }
0x2e4: {  	[sflag:s24] =	ssyncadd.s32 $0xFFFFF000  }
0x2e5: {  	s0 =	simm.s32 $0x0;
	[bflag:$0x0] =	sbarrier.arrive $0xFFFF  }
0x2e6: {  	s5 =	simm.s32 $0x10;
	s2 =	simm.s32 $0x0;
	s7 =	simm.s32 $0x0;
	v10 =	vld [tilespmem:s0+$0x0]  }
.LBB2_102:
0x2e7: {  	p0 =	sne.s32 s5, $0x3FF0;
	_ =	sdelay $0x2  }
.Ltmp50:
0x2e8: {  	(pc) =	sbr.rel @p0 .LBB2_102-.Ltmp50, $4  }
0x2e9: {  	v10 =	vsub.s32 v10, v5  }
0x2ea: {  	s8 =	sand.u32 $0x3FF0, s2;
	s2 =	smov.u32 s5;
	v10 =	vmin.u32 v10, $0x80000  }
0x2eb: {  	s7 =	sadd.s32 $0x10, s7;
	[tilespmem:s8+$0x8000] =	vst v10  }
0x2ec: {  	s5 =	sadd.s32 $0x10, s5;
	v10 =	vld [tilespmem:s7+$0x0]  }
0x2ed: {  	_ =	sdelay $0x3  }
0x2ee: {  	v10 =	vsub.s32 v10, v5  }
0x2ef: {  	s2 =	sand.u32 $0x3FF0, s2;
	v10 =	vmin.u32 v10, $0x80000  }
0x2f0: {  	[tilespmem:s2+$0x8000] =	vst v10  }
.LBB2_104:
0x2f1: {  	s0 =	sadd.s32 $0x1, s0  }
0x2f2: {  	s2 =	scvt.s32.f32 s0;
	_ =	sdelay $0x1  }
0x2f3: {  	v10 =	vmov s2  }
0x2f4: {  	[tilespmem:$0x14000] =	vst v10  }
0x2f5: {  	[tilespmem:$0x14010] =	vst v10  }
0x2f6: {  	[tilespmem:$0x14020] =	vst v10  }
0x2f7: {  	[tilespmem:$0x14030] =	vst v10  }
0x2f8: {  	[tilespmem:$0x14040] =	vst v10  }
0x2f9: {  	[tilespmem:$0x14050] =	vst v10  }
0x2fa: {  	s7 =	simm.s32 $0xC000;
	[tilespmem:$0x14060] =	vst v10  }
0x2fb: {  	s8 =	simm.s32 $0x8000;
	s5 =	simm.s32 $0x80;
	s2 =	simm.s32 $0x200;
	[tilespmem:$0x14070] =	vst v10  }
.LBB2_105:
0x2fc: {  	[spmem:s1] =	stream.indirect.scatter [tilespmem:s7], [sflag:$0x1], $0x1, s8, s5, $0xb8;
	[tilespmem:$0x1D088] =	vst v63  }
0x2fd: {  	s7 =	smov.u32 s2;
	p0 =	sne.s32 s2, $0xFE00  }
.Ltmp51:
0x2fe: {  	s2 =	sadd.s32 $0x200, s2;
	(pc) =	sbr.rel @p0 .LBB2_105-.Ltmp51, $3  }
0x2ff: {  	_ =	sdelay $0x1  }
0x300: {  	s8 =	sshra.s32 s7, $0x2  }
0x301: {  	s7 =	sadd.s32 $0xC000, s8;
	s8 =	sadd.s32 $0x8000, s8  }
0x302: {  	[spmem:s1] =	stream.indirect.scatter [tilespmem:s7], [sflag:$0x1], $0x1, s8, s5, $0xb8;
	[tilespmem:$0x1D088] =	vst v63  }
0x303: {  	_ =	swait.ge [sflag:s25], $0x80  }
0x304: {  	s2 =	simm.s32 $0x7F;
	[sflag:s25] =	ssyncset.done $0x0  }
.LBB2_107:
0x305: {  	p0 =	sne.s32 s2, $0x1;
	s2 =	sadd.s32 $0xFFFFFFFF, s2;
	[sflag:s25] =	ssyncadd.s32 $0xFFFFFF80  }
.Ltmp52:
0x306: {  	(pc) =	sbr.rel @p0 .LBB2_107-.Ltmp52, $3  }
0x307: {  	_ =	sdelay $0x1  }
0x308: {  	_ =	swait.ge [sflag:s25], $0x80  }
0x309: {  	[sflag:s25] =	ssyncset.done $0x0  }
0x30a: {  	[sflag:s25] =	ssyncadd.s32 $0xFFFFFF80;
	s2 =	simm.s32 $0x200;
	s7 =	simm.s32 $0x10000  }
0x30b: {  	s8 =	simm.s32 $0x8000;
	s5 =	simm.s32 $0x80;
	[bflag:$0x0] =	sbarrier.arrive $0xFFFF  }
.LBB2_109:
0x30c: {  	[tilespmem:s7], [sflag:$0x1] =	stream.indirect.gather [spmem:s1], $0x1, s8, s5, $0xb8;
	[tilespmem:$0x1D088] =	vst v63  }
0x30d: {  	s7 =	smov.u32 s2;
	p0 =	sne.s32 s2, $0xFE00  }
.Ltmp53:
0x30e: {  	s2 =	sadd.s32 $0x200, s2;
	(pc) =	sbr.rel @p0 .LBB2_109-.Ltmp53, $3  }
0x30f: {  	_ =	sdelay $0x1  }
0x310: {  	s8 =	sshra.s32 s7, $0x2  }
0x311: {  	s7 =	sadd.s32 $0x10000, s8;
	s8 =	sadd.s32 $0x8000, s8  }
0x312: {  	[tilespmem:s7], [sflag:$0x1] =	stream.indirect.gather [spmem:s1], $0x1, s8, s5, $0xb8;
	[tilespmem:$0x1D088] =	vst v63  }
0x313: {  	_ =	swait.ge [sflag:s25], $0x80  }
0x314: {  	s2 =	simm.s32 $0x7F;
	[sflag:s25] =	ssyncset.done $0x0  }
.LBB2_111:
0x315: {  	p0 =	sne.s32 s2, $0x1;
	s2 =	sadd.s32 $0xFFFFFFFF, s2;
	[sflag:s25] =	ssyncadd.s32 $0xFFFFFF80  }
.Ltmp54:
0x316: {  	(pc) =	sbr.rel @p0 .LBB2_111-.Ltmp54, $3  }
0x317: {  	_ =	sdelay $0x1  }
0x318: {  	_ =	swait.ge [sflag:s25], $0x80  }
0x319: {  	[sflag:s25] =	ssyncset.done $0x0  }
0x31a: {  	[sflag:s25] =	ssyncadd.s32 $0xFFFFFF80;
	s2 =	simm.s32 $0x0  }
0x31b: {  	v10 =	vld [tilespmem:s2+$0x10000]  }
0x31c: {  	v11 =	vld [tilespmem:s2+$0xC000]  }
0x31d: {  	v13 =	vld [tilespmem:s2+$0x8000];
	_ =	sdelay $0x3  }
0x31e: {  	s5 =	simm.s32 $0x10;
	vm0 =	veq.f32 v10, v11  }
0x31f: {  	s7 =	simm.s32 $0x80;
	v10 =	vld [tilespmem:s5+$0x10000];
	v12 =	vsel vm0, $0x80000, v13;
	v11 =	vnsel vm0, $0x80000, v13  }
.LBB2_113:
0x320: {  	p0 =	sne.s32 s7, $0xFFC0;
	v13 =	vld [tilespmem:s5+$0xC000];
	[tilespmem:s2+$0x8000] =	vst v12  }
0x321: {  	v14 =	vld [tilespmem:s5+$0x8000];
	[tilespmem:s2+$0x4000] =	vst v11;
	s2 =	smov.u32 s5  }
.Ltmp55:
0x322: {  	(pc) =	sbr.rel @p0 .LBB2_113-.Ltmp55, $3  }
0x323: {  	_ =	sdelay $0x1  }
0x324: {  	s5 =	sshra.s32 s7, $0x2;
	vm0 =	veq.f32 v10, v13  }
0x325: {  	s7 =	sadd.s32 $0x40, s7;
	v10 =	vld [tilespmem:s5+$0x10000];
	v12 =	vsel vm0, $0x80000, v14;
	v11 =	vnsel vm0, $0x80000, v14  }
0x326: {  	v13 =	vld [tilespmem:s5+$0xC000];
	[tilespmem:s2+$0x8000] =	vst v12  }
0x327: {  	v12 =	vld [tilespmem:s5+$0x8000];
	_ =	sdelay $0x3  }
0x328: {  	vm0 =	veq.f32 v10, v13  }
0x329: {  	[tilespmem:s2+$0x4000] =	vst v11;
	v10 =	vsel vm0, $0x80000, v12  }
0x32a: {  	v11 =	vnsel vm0, $0x80000, v12;
	[tilespmem:s5+$0x8000] =	vst v10  }
0x32b: {  	s7 =	simm.s32 $0x4000;
	s2 =	simm.s32 $0x200;
	[tilespmem:s5+$0x4000] =	vst v11;
	s5 =	simm.s32 $0x80  }
.LBB2_115:
0x32c: {  	[spmem:s1] =	stream.indirect.scatter [tilespmem:s28], [sflag:$0x1], $0x1, s7, s5, $0xb8;
	[tilespmem:$0x1D088] =	vst v63  }
0x32d: {  	s7 =	smov.u32 s2;
	p0 =	sne.s32 s2, $0xFE00  }
.Ltmp56:
0x32e: {  	s2 =	sadd.s32 $0x200, s2;
	(pc) =	sbr.rel @p0 .LBB2_115-.Ltmp56, $3  }
0x32f: {  	_ =	sdelay $0x1  }
0x330: {  	s7 =	sshra.s32 s7, $0x2  }
0x331: {  	s7 =	sadd.s32 $0x4000, s7  }
0x332: {  	[spmem:s1] =	stream.indirect.scatter [tilespmem:s28], [sflag:$0x1], $0x1, s7, s5, $0xb8;
	[tilespmem:$0x1D088] =	vst v63  }
0x333: {  	_ =	swait.ge [sflag:s25], $0x80  }
0x334: {  	s2 =	simm.s32 $0x7F;
	[sflag:s25] =	ssyncset.done $0x0  }
.LBB2_117:
0x335: {  	p0 =	sne.s32 s2, $0x1;
	s2 =	sadd.s32 $0xFFFFFFFF, s2;
	[sflag:s25] =	ssyncadd.s32 $0xFFFFFF80  }
.Ltmp57:
0x336: {  	(pc) =	sbr.rel @p0 .LBB2_117-.Ltmp57, $3  }
0x337: {  	_ =	sdelay $0x1  }
0x338: {  	_ =	swait.ge [sflag:s25], $0x80  }
0x339: {  	[sflag:s25] =	ssyncset.done $0x0  }
0x33a: {  	p0 =	sne.s32 s0, $0x8  }
.Ltmp58:
0x33b: {  	_ = 	snop;
	(pc) =	sbr.rel @p0 .LBB2_104-.Ltmp58, $3  }
0x33c: {  	_ = 	snop  }
0x33d: {  	[sflag:s25] =	ssyncadd.s32 $0xFFFFFF80  }
0x33e: {  	[bflag:$0x0] =	sbarrier.arrive $0xFFFF;
	_ =	sdelay $0x1  }
0x33f: {  	[hbm:s12], [sflag:s30] =	dma.local [spmem:s31], $0x1000  }
0x340: {  	_ =	swait.ge [sflag:s24], $0x1000  }
0x341: {  	[sflag:s24] =	ssyncset.done $0x0  }
0x342: {  	[sflag:s24] =	ssyncadd.s32 $0xFFFFF000  }
0x343: {  	[bflag:$0x0] =	sbarrier.arrive $0xFFFF  }
0x344: {  	[spmem:s6] =	stream.linear.scatter [tilespmem:s26], [sflag:$0x2], $0x1000, $0x38;
	[tilespmem:$0x1D088] =	vst v63  }
0x345: {  	_ =	swait.ge [sflag:s24], $0x1000  }
0x346: {  	[sflag:s24] =	ssyncset.done $0x0  }
0x347: {  	[sflag:s24] =	ssyncadd.s32 $0xFFFFF000  }
0x348: {  	[spmem:s15] =	stream.linear.scatter [tilespmem:s26], [sflag:$0x2], $0x1000, $0x38;
	[tilespmem:$0x1D088] =	vst v63  }
0x349: {  	_ =	swait.ge [sflag:s24], $0x1000  }
0x34a: {  	[sflag:s24] =	ssyncset.done $0x0  }
0x34b: {  	[sflag:s24] =	ssyncadd.s32 $0xFFFFF000  }
0x34c: {  	[spmem:s16] =	stream.linear.scatter [tilespmem:s26], [sflag:$0x2], $0x1000, $0x38;
	[tilespmem:$0x1D088] =	vst v63  }
0x34d: {  	_ =	swait.ge [sflag:s24], $0x1000  }
0x34e: {  	[sflag:s24] =	ssyncset.done $0x0  }
0x34f: {  	[sflag:s24] =	ssyncadd.s32 $0xFFFFF000  }
0x350: {  	[spmem:s17] =	stream.linear.scatter [tilespmem:s26], [sflag:$0x2], $0x1000, $0x38;
	[tilespmem:$0x1D088] =	vst v63  }
0x351: {  	_ =	swait.ge [sflag:s24], $0x1000  }
0x352: {  	[sflag:s24] =	ssyncset.done $0x0  }
0x353: {  	[sflag:s24] =	ssyncadd.s32 $0xFFFFF000  }
0x354: {  	[spmem:s18] =	stream.linear.scatter [tilespmem:s26], [sflag:$0x2], $0x1000, $0x38;
	[tilespmem:$0x1D088] =	vst v63  }
0x355: {  	_ =	swait.ge [sflag:s24], $0x1000  }
0x356: {  	[sflag:s24] =	ssyncset.done $0x0  }
0x357: {  	[sflag:s24] =	ssyncadd.s32 $0xFFFFF000  }
0x358: {  	[spmem:s19] =	stream.linear.scatter [tilespmem:s26], [sflag:$0x2], $0x1000, $0x38;
	[tilespmem:$0x1D088] =	vst v63  }
0x359: {  	_ =	swait.ge [sflag:s24], $0x1000  }
0x35a: {  	[sflag:s24] =	ssyncset.done $0x0  }
0x35b: {  	[sflag:s24] =	ssyncadd.s32 $0xFFFFF000  }
0x35c: {  	[spmem:s21] =	stream.linear.scatter [tilespmem:s26], [sflag:$0x2], $0x1000, $0x38;
	[tilespmem:$0x1D088] =	vst v63  }
0x35d: {  	_ =	swait.ge [sflag:s24], $0x1000  }
0x35e: {  	[sflag:s24] =	ssyncset.done $0x0  }
0x35f: {  	[sflag:s24] =	ssyncadd.s32 $0xFFFFF000  }
0x360: {  	[spmem:s22] =	stream.linear.scatter [tilespmem:s26], [sflag:$0x2], $0x1000, $0x38;
	[tilespmem:$0x1D088] =	vst v63  }
0x361: {  	_ =	swait.ge [sflag:s24], $0x1000  }
0x362: {  	[sflag:s24] =	ssyncset.done $0x0  }
0x363: {  	[sflag:s24] =	ssyncadd.s32 $0xFFFFF000  }
0x364: {  	s0 =	simm.s32 $0x0;
	[bflag:$0x0] =	sbarrier.arrive $0xFFFF  }
0x365: {  	s5 =	simm.s32 $0x10;
	s2 =	simm.s32 $0x0;
	s7 =	simm.s32 $0x0;
	v10 =	vld [tilespmem:s0+$0x0]  }
.LBB2_120:
0x366: {  	p0 =	sne.s32 s5, $0x3FF0;
	_ =	sdelay $0x2  }
.Ltmp59:
0x367: {  	(pc) =	sbr.rel @p0 .LBB2_120-.Ltmp59, $4  }
0x368: {  	v10 =	vsub.s32 v10, v6  }
0x369: {  	s8 =	sand.u32 $0x3FF0, s2;
	s2 =	smov.u32 s5;
	v10 =	vmin.u32 v10, $0x80000  }
0x36a: {  	s7 =	sadd.s32 $0x10, s7;
	[tilespmem:s8+$0x8000] =	vst v10  }
0x36b: {  	s5 =	sadd.s32 $0x10, s5;
	v10 =	vld [tilespmem:s7+$0x0]  }
0x36c: {  	_ =	sdelay $0x3  }
0x36d: {  	v10 =	vsub.s32 v10, v6  }
0x36e: {  	s2 =	sand.u32 $0x3FF0, s2;
	v10 =	vmin.u32 v10, $0x80000  }
0x36f: {  	[tilespmem:s2+$0x8000] =	vst v10  }
.LBB2_122:
0x370: {  	s0 =	sadd.s32 $0x1, s0  }
0x371: {  	s2 =	scvt.s32.f32 s0;
	_ =	sdelay $0x1  }
0x372: {  	v10 =	vmov s2  }
0x373: {  	[tilespmem:$0x14000] =	vst v10  }
0x374: {  	[tilespmem:$0x14010] =	vst v10  }
0x375: {  	[tilespmem:$0x14020] =	vst v10  }
0x376: {  	[tilespmem:$0x14030] =	vst v10  }
0x377: {  	[tilespmem:$0x14040] =	vst v10  }
0x378: {  	[tilespmem:$0x14050] =	vst v10  }
0x379: {  	s7 =	simm.s32 $0xC000;
	[tilespmem:$0x14060] =	vst v10  }
0x37a: {  	s8 =	simm.s32 $0x8000;
	s5 =	simm.s32 $0x80;
	s2 =	simm.s32 $0x200;
	[tilespmem:$0x14070] =	vst v10  }
.LBB2_123:
0x37b: {  	[spmem:s1] =	stream.indirect.scatter [tilespmem:s7], [sflag:$0x1], $0x1, s8, s5, $0xb8;
	[tilespmem:$0x1D088] =	vst v63  }
0x37c: {  	s7 =	smov.u32 s2;
	p0 =	sne.s32 s2, $0xFE00  }
.Ltmp60:
0x37d: {  	s2 =	sadd.s32 $0x200, s2;
	(pc) =	sbr.rel @p0 .LBB2_123-.Ltmp60, $3  }
0x37e: {  	_ =	sdelay $0x1  }
0x37f: {  	s8 =	sshra.s32 s7, $0x2  }
0x380: {  	s7 =	sadd.s32 $0xC000, s8;
	s8 =	sadd.s32 $0x8000, s8  }
0x381: {  	[spmem:s1] =	stream.indirect.scatter [tilespmem:s7], [sflag:$0x1], $0x1, s8, s5, $0xb8;
	[tilespmem:$0x1D088] =	vst v63  }
0x382: {  	_ =	swait.ge [sflag:s25], $0x80  }
0x383: {  	s2 =	simm.s32 $0x7F;
	[sflag:s25] =	ssyncset.done $0x0  }
.LBB2_125:
0x384: {  	p0 =	sne.s32 s2, $0x1;
	s2 =	sadd.s32 $0xFFFFFFFF, s2;
	[sflag:s25] =	ssyncadd.s32 $0xFFFFFF80  }
.Ltmp61:
0x385: {  	(pc) =	sbr.rel @p0 .LBB2_125-.Ltmp61, $3  }
0x386: {  	_ =	sdelay $0x1  }
0x387: {  	_ =	swait.ge [sflag:s25], $0x80  }
0x388: {  	[sflag:s25] =	ssyncset.done $0x0  }
0x389: {  	[sflag:s25] =	ssyncadd.s32 $0xFFFFFF80;
	s2 =	simm.s32 $0x200;
	s7 =	simm.s32 $0x10000  }
0x38a: {  	s8 =	simm.s32 $0x8000;
	s5 =	simm.s32 $0x80;
	[bflag:$0x0] =	sbarrier.arrive $0xFFFF  }
.LBB2_127:
0x38b: {  	[tilespmem:s7], [sflag:$0x1] =	stream.indirect.gather [spmem:s1], $0x1, s8, s5, $0xb8;
	[tilespmem:$0x1D088] =	vst v63  }
0x38c: {  	s7 =	smov.u32 s2;
	p0 =	sne.s32 s2, $0xFE00  }
.Ltmp62:
0x38d: {  	s2 =	sadd.s32 $0x200, s2;
	(pc) =	sbr.rel @p0 .LBB2_127-.Ltmp62, $3  }
0x38e: {  	_ =	sdelay $0x1  }
0x38f: {  	s8 =	sshra.s32 s7, $0x2  }
0x390: {  	s7 =	sadd.s32 $0x10000, s8;
	s8 =	sadd.s32 $0x8000, s8  }
0x391: {  	[tilespmem:s7], [sflag:$0x1] =	stream.indirect.gather [spmem:s1], $0x1, s8, s5, $0xb8;
	[tilespmem:$0x1D088] =	vst v63  }
0x392: {  	_ =	swait.ge [sflag:s25], $0x80  }
0x393: {  	s2 =	simm.s32 $0x7F;
	[sflag:s25] =	ssyncset.done $0x0  }
.LBB2_129:
0x394: {  	p0 =	sne.s32 s2, $0x1;
	s2 =	sadd.s32 $0xFFFFFFFF, s2;
	[sflag:s25] =	ssyncadd.s32 $0xFFFFFF80  }
.Ltmp63:
0x395: {  	(pc) =	sbr.rel @p0 .LBB2_129-.Ltmp63, $3  }
0x396: {  	_ =	sdelay $0x1  }
0x397: {  	_ =	swait.ge [sflag:s25], $0x80  }
0x398: {  	[sflag:s25] =	ssyncset.done $0x0  }
0x399: {  	[sflag:s25] =	ssyncadd.s32 $0xFFFFFF80;
	s2 =	simm.s32 $0x0  }
0x39a: {  	v10 =	vld [tilespmem:s2+$0x10000]  }
0x39b: {  	v11 =	vld [tilespmem:s2+$0xC000]  }
0x39c: {  	v13 =	vld [tilespmem:s2+$0x8000];
	_ =	sdelay $0x3  }
0x39d: {  	s5 =	simm.s32 $0x10;
	vm0 =	veq.f32 v10, v11  }
0x39e: {  	s7 =	simm.s32 $0x80;
	v10 =	vld [tilespmem:s5+$0x10000];
	v12 =	vsel vm0, $0x80000, v13;
	v11 =	vnsel vm0, $0x80000, v13  }
.LBB2_131:
0x39f: {  	p0 =	sne.s32 s7, $0xFFC0;
	v13 =	vld [tilespmem:s5+$0xC000];
	[tilespmem:s2+$0x8000] =	vst v12  }
0x3a0: {  	v14 =	vld [tilespmem:s5+$0x8000];
	[tilespmem:s2+$0x4000] =	vst v11;
	s2 =	smov.u32 s5  }
.Ltmp64:
0x3a1: {  	(pc) =	sbr.rel @p0 .LBB2_131-.Ltmp64, $3  }
0x3a2: {  	_ =	sdelay $0x1  }
0x3a3: {  	s5 =	sshra.s32 s7, $0x2;
	vm0 =	veq.f32 v10, v13  }
0x3a4: {  	s7 =	sadd.s32 $0x40, s7;
	v10 =	vld [tilespmem:s5+$0x10000];
	v12 =	vsel vm0, $0x80000, v14;
	v11 =	vnsel vm0, $0x80000, v14  }
0x3a5: {  	v13 =	vld [tilespmem:s5+$0xC000];
	[tilespmem:s2+$0x8000] =	vst v12  }
0x3a6: {  	v12 =	vld [tilespmem:s5+$0x8000];
	_ =	sdelay $0x3  }
0x3a7: {  	vm0 =	veq.f32 v10, v13  }
0x3a8: {  	[tilespmem:s2+$0x4000] =	vst v11;
	v10 =	vsel vm0, $0x80000, v12  }
0x3a9: {  	v11 =	vnsel vm0, $0x80000, v12;
	[tilespmem:s5+$0x8000] =	vst v10  }
0x3aa: {  	s7 =	simm.s32 $0x4000;
	s2 =	simm.s32 $0x200;
	[tilespmem:s5+$0x4000] =	vst v11;
	s5 =	simm.s32 $0x80  }
.LBB2_133:
0x3ab: {  	[spmem:s1] =	stream.indirect.scatter [tilespmem:s28], [sflag:$0x1], $0x1, s7, s5, $0xb8;
	[tilespmem:$0x1D088] =	vst v63  }
0x3ac: {  	s7 =	smov.u32 s2;
	p0 =	sne.s32 s2, $0xFE00  }
.Ltmp65:
0x3ad: {  	s2 =	sadd.s32 $0x200, s2;
	(pc) =	sbr.rel @p0 .LBB2_133-.Ltmp65, $3  }
0x3ae: {  	_ =	sdelay $0x1  }
0x3af: {  	s7 =	sshra.s32 s7, $0x2  }
0x3b0: {  	s7 =	sadd.s32 $0x4000, s7  }
0x3b1: {  	[spmem:s1] =	stream.indirect.scatter [tilespmem:s28], [sflag:$0x1], $0x1, s7, s5, $0xb8;
	[tilespmem:$0x1D088] =	vst v63  }
0x3b2: {  	_ =	swait.ge [sflag:s25], $0x80  }
0x3b3: {  	s2 =	simm.s32 $0x7F;
	[sflag:s25] =	ssyncset.done $0x0  }
.LBB2_135:
0x3b4: {  	p0 =	sne.s32 s2, $0x1;
	s2 =	sadd.s32 $0xFFFFFFFF, s2;
	[sflag:s25] =	ssyncadd.s32 $0xFFFFFF80  }
.Ltmp66:
0x3b5: {  	(pc) =	sbr.rel @p0 .LBB2_135-.Ltmp66, $3  }
0x3b6: {  	_ =	sdelay $0x1  }
0x3b7: {  	_ =	swait.ge [sflag:s25], $0x80  }
0x3b8: {  	[sflag:s25] =	ssyncset.done $0x0  }
0x3b9: {  	p0 =	sne.s32 s0, $0x8  }
.Ltmp67:
0x3ba: {  	_ = 	snop;
	(pc) =	sbr.rel @p0 .LBB2_122-.Ltmp67, $3  }
0x3bb: {  	_ = 	snop  }
0x3bc: {  	[sflag:s25] =	ssyncadd.s32 $0xFFFFFF80  }
0x3bd: {  	[bflag:$0x0] =	sbarrier.arrive $0xFFFF;
	_ =	sdelay $0x1  }
0x3be: {  	[hbm:s13], [sflag:s30] =	dma.local [spmem:s31], $0x1000  }
0x3bf: {  	_ =	swait.ge [sflag:s24], $0x1000  }
0x3c0: {  	[sflag:s24] =	ssyncset.done $0x0  }
0x3c1: {  	[sflag:s24] =	ssyncadd.s32 $0xFFFFF000  }
0x3c2: {  	[bflag:$0x0] =	sbarrier.arrive $0xFFFF  }
0x3c3: {  	[spmem:s6] =	stream.linear.scatter [tilespmem:s26], [sflag:$0x2], $0x1000, $0x38;
	[tilespmem:$0x1D088] =	vst v63  }
0x3c4: {  	_ =	swait.ge [sflag:s24], $0x1000  }
0x3c5: {  	[sflag:s24] =	ssyncset.done $0x0  }
0x3c6: {  	[sflag:s24] =	ssyncadd.s32 $0xFFFFF000  }
0x3c7: {  	[spmem:s15] =	stream.linear.scatter [tilespmem:s26], [sflag:$0x2], $0x1000, $0x38;
	[tilespmem:$0x1D088] =	vst v63  }
0x3c8: {  	_ =	swait.ge [sflag:s24], $0x1000  }
0x3c9: {  	[sflag:s24] =	ssyncset.done $0x0  }
0x3ca: {  	[sflag:s24] =	ssyncadd.s32 $0xFFFFF000  }
0x3cb: {  	[spmem:s16] =	stream.linear.scatter [tilespmem:s26], [sflag:$0x2], $0x1000, $0x38;
	[tilespmem:$0x1D088] =	vst v63  }
0x3cc: {  	_ =	swait.ge [sflag:s24], $0x1000  }
0x3cd: {  	[sflag:s24] =	ssyncset.done $0x0  }
0x3ce: {  	[sflag:s24] =	ssyncadd.s32 $0xFFFFF000  }
0x3cf: {  	[spmem:s17] =	stream.linear.scatter [tilespmem:s26], [sflag:$0x2], $0x1000, $0x38;
	[tilespmem:$0x1D088] =	vst v63  }
0x3d0: {  	_ =	swait.ge [sflag:s24], $0x1000  }
0x3d1: {  	[sflag:s24] =	ssyncset.done $0x0  }
0x3d2: {  	[sflag:s24] =	ssyncadd.s32 $0xFFFFF000  }
0x3d3: {  	[spmem:s18] =	stream.linear.scatter [tilespmem:s26], [sflag:$0x2], $0x1000, $0x38;
	[tilespmem:$0x1D088] =	vst v63  }
0x3d4: {  	_ =	swait.ge [sflag:s24], $0x1000  }
0x3d5: {  	[sflag:s24] =	ssyncset.done $0x0  }
0x3d6: {  	[sflag:s24] =	ssyncadd.s32 $0xFFFFF000  }
0x3d7: {  	[spmem:s19] =	stream.linear.scatter [tilespmem:s26], [sflag:$0x2], $0x1000, $0x38;
	[tilespmem:$0x1D088] =	vst v63  }
0x3d8: {  	_ =	swait.ge [sflag:s24], $0x1000  }
0x3d9: {  	[sflag:s24] =	ssyncset.done $0x0  }
0x3da: {  	[sflag:s24] =	ssyncadd.s32 $0xFFFFF000  }
0x3db: {  	[spmem:s21] =	stream.linear.scatter [tilespmem:s26], [sflag:$0x2], $0x1000, $0x38;
	[tilespmem:$0x1D088] =	vst v63  }
0x3dc: {  	_ =	swait.ge [sflag:s24], $0x1000  }
0x3dd: {  	[sflag:s24] =	ssyncset.done $0x0  }
0x3de: {  	[sflag:s24] =	ssyncadd.s32 $0xFFFFF000  }
0x3df: {  	[spmem:s22] =	stream.linear.scatter [tilespmem:s26], [sflag:$0x2], $0x1000, $0x38;
	[tilespmem:$0x1D088] =	vst v63  }
0x3e0: {  	_ =	swait.ge [sflag:s24], $0x1000  }
0x3e1: {  	[sflag:s24] =	ssyncset.done $0x0  }
0x3e2: {  	[sflag:s24] =	ssyncadd.s32 $0xFFFFF000  }
0x3e3: {  	s0 =	simm.s32 $0x0;
	[bflag:$0x0] =	sbarrier.arrive $0xFFFF  }
0x3e4: {  	s5 =	simm.s32 $0x10;
	s2 =	simm.s32 $0x0;
	s7 =	simm.s32 $0x0;
	v10 =	vld [tilespmem:s0+$0x0]  }
.LBB2_138:
0x3e5: {  	p0 =	sne.s32 s5, $0x3FF0;
	_ =	sdelay $0x2  }
.Ltmp68:
0x3e6: {  	(pc) =	sbr.rel @p0 .LBB2_138-.Ltmp68, $4  }
0x3e7: {  	v10 =	vsub.s32 v10, v7  }
0x3e8: {  	s8 =	sand.u32 $0x3FF0, s2;
	s2 =	smov.u32 s5;
	v10 =	vmin.u32 v10, $0x80000  }
0x3e9: {  	s7 =	sadd.s32 $0x10, s7;
	[tilespmem:s8+$0x8000] =	vst v10  }
0x3ea: {  	s5 =	sadd.s32 $0x10, s5;
	v10 =	vld [tilespmem:s7+$0x0]  }
0x3eb: {  	_ =	sdelay $0x3  }
0x3ec: {  	v10 =	vsub.s32 v10, v7  }
0x3ed: {  	s2 =	sand.u32 $0x3FF0, s2;
	v10 =	vmin.u32 v10, $0x80000  }
0x3ee: {  	[tilespmem:s2+$0x8000] =	vst v10  }
.LBB2_140:
0x3ef: {  	s0 =	sadd.s32 $0x1, s0  }
0x3f0: {  	s2 =	scvt.s32.f32 s0;
	_ =	sdelay $0x1  }
0x3f1: {  	v10 =	vmov s2  }
0x3f2: {  	[tilespmem:$0x14000] =	vst v10  }
0x3f3: {  	[tilespmem:$0x14010] =	vst v10  }
0x3f4: {  	[tilespmem:$0x14020] =	vst v10  }
0x3f5: {  	[tilespmem:$0x14030] =	vst v10  }
0x3f6: {  	[tilespmem:$0x14040] =	vst v10  }
0x3f7: {  	[tilespmem:$0x14050] =	vst v10  }
0x3f8: {  	s7 =	simm.s32 $0xC000;
	[tilespmem:$0x14060] =	vst v10  }
0x3f9: {  	s8 =	simm.s32 $0x8000;
	s5 =	simm.s32 $0x80;
	s2 =	simm.s32 $0x200;
	[tilespmem:$0x14070] =	vst v10  }
.LBB2_141:
0x3fa: {  	[spmem:s1] =	stream.indirect.scatter [tilespmem:s7], [sflag:$0x1], $0x1, s8, s5, $0xb8;
	[tilespmem:$0x1D088] =	vst v63  }
0x3fb: {  	s7 =	smov.u32 s2;
	p0 =	sne.s32 s2, $0xFE00  }
.Ltmp69:
0x3fc: {  	s2 =	sadd.s32 $0x200, s2;
	(pc) =	sbr.rel @p0 .LBB2_141-.Ltmp69, $3  }
0x3fd: {  	_ =	sdelay $0x1  }
0x3fe: {  	s8 =	sshra.s32 s7, $0x2  }
0x3ff: {  	s7 =	sadd.s32 $0xC000, s8;
	s8 =	sadd.s32 $0x8000, s8  }
0x400: {  	[spmem:s1] =	stream.indirect.scatter [tilespmem:s7], [sflag:$0x1], $0x1, s8, s5, $0xb8;
	[tilespmem:$0x1D088] =	vst v63  }
0x401: {  	_ =	swait.ge [sflag:s25], $0x80  }
0x402: {  	s2 =	simm.s32 $0x7F;
	[sflag:s25] =	ssyncset.done $0x0  }
.LBB2_143:
0x403: {  	p0 =	sne.s32 s2, $0x1;
	s2 =	sadd.s32 $0xFFFFFFFF, s2;
	[sflag:s25] =	ssyncadd.s32 $0xFFFFFF80  }
.Ltmp70:
0x404: {  	(pc) =	sbr.rel @p0 .LBB2_143-.Ltmp70, $3  }
0x405: {  	_ =	sdelay $0x1  }
0x406: {  	_ =	swait.ge [sflag:s25], $0x80  }
0x407: {  	[sflag:s25] =	ssyncset.done $0x0  }
0x408: {  	[sflag:s25] =	ssyncadd.s32 $0xFFFFFF80;
	s2 =	simm.s32 $0x200;
	s7 =	simm.s32 $0x10000  }
0x409: {  	s8 =	simm.s32 $0x8000;
	s5 =	simm.s32 $0x80;
	[bflag:$0x0] =	sbarrier.arrive $0xFFFF  }
.LBB2_145:
0x40a: {  	[tilespmem:s7], [sflag:$0x1] =	stream.indirect.gather [spmem:s1], $0x1, s8, s5, $0xb8;
	[tilespmem:$0x1D088] =	vst v63  }
0x40b: {  	s7 =	smov.u32 s2;
	p0 =	sne.s32 s2, $0xFE00  }
.Ltmp71:
0x40c: {  	s2 =	sadd.s32 $0x200, s2;
	(pc) =	sbr.rel @p0 .LBB2_145-.Ltmp71, $3  }
0x40d: {  	_ =	sdelay $0x1  }
0x40e: {  	s8 =	sshra.s32 s7, $0x2  }
0x40f: {  	s7 =	sadd.s32 $0x10000, s8;
	s8 =	sadd.s32 $0x8000, s8  }
0x410: {  	[tilespmem:s7], [sflag:$0x1] =	stream.indirect.gather [spmem:s1], $0x1, s8, s5, $0xb8;
	[tilespmem:$0x1D088] =	vst v63  }
0x411: {  	_ =	swait.ge [sflag:s25], $0x80  }
0x412: {  	s2 =	simm.s32 $0x7F;
	[sflag:s25] =	ssyncset.done $0x0  }
.LBB2_147:
0x413: {  	p0 =	sne.s32 s2, $0x1;
	s2 =	sadd.s32 $0xFFFFFFFF, s2;
	[sflag:s25] =	ssyncadd.s32 $0xFFFFFF80  }
.Ltmp72:
0x414: {  	(pc) =	sbr.rel @p0 .LBB2_147-.Ltmp72, $3  }
0x415: {  	_ =	sdelay $0x1  }
0x416: {  	_ =	swait.ge [sflag:s25], $0x80  }
0x417: {  	[sflag:s25] =	ssyncset.done $0x0  }
0x418: {  	[sflag:s25] =	ssyncadd.s32 $0xFFFFFF80;
	s2 =	simm.s32 $0x0  }
0x419: {  	v10 =	vld [tilespmem:s2+$0x10000]  }
0x41a: {  	v11 =	vld [tilespmem:s2+$0xC000]  }
0x41b: {  	v13 =	vld [tilespmem:s2+$0x8000];
	_ =	sdelay $0x3  }
0x41c: {  	s5 =	simm.s32 $0x10;
	vm0 =	veq.f32 v10, v11  }
0x41d: {  	s7 =	simm.s32 $0x80;
	v10 =	vld [tilespmem:s5+$0x10000];
	v12 =	vsel vm0, $0x80000, v13;
	v11 =	vnsel vm0, $0x80000, v13  }
.LBB2_149:
0x41e: {  	p0 =	sne.s32 s7, $0xFFC0;
	v13 =	vld [tilespmem:s5+$0xC000];
	[tilespmem:s2+$0x8000] =	vst v12  }
0x41f: {  	v14 =	vld [tilespmem:s5+$0x8000];
	[tilespmem:s2+$0x4000] =	vst v11;
	s2 =	smov.u32 s5  }
.Ltmp73:
0x420: {  	(pc) =	sbr.rel @p0 .LBB2_149-.Ltmp73, $3  }
0x421: {  	_ =	sdelay $0x1  }
0x422: {  	s5 =	sshra.s32 s7, $0x2;
	vm0 =	veq.f32 v10, v13  }
0x423: {  	s7 =	sadd.s32 $0x40, s7;
	v10 =	vld [tilespmem:s5+$0x10000];
	v12 =	vsel vm0, $0x80000, v14;
	v11 =	vnsel vm0, $0x80000, v14  }
0x424: {  	v13 =	vld [tilespmem:s5+$0xC000];
	[tilespmem:s2+$0x8000] =	vst v12  }
0x425: {  	v12 =	vld [tilespmem:s5+$0x8000];
	_ =	sdelay $0x3  }
0x426: {  	vm0 =	veq.f32 v10, v13  }
0x427: {  	[tilespmem:s2+$0x4000] =	vst v11;
	v10 =	vsel vm0, $0x80000, v12  }
0x428: {  	v11 =	vnsel vm0, $0x80000, v12;
	[tilespmem:s5+$0x8000] =	vst v10  }
0x429: {  	s7 =	simm.s32 $0x4000;
	s2 =	simm.s32 $0x200;
	[tilespmem:s5+$0x4000] =	vst v11;
	s5 =	simm.s32 $0x80  }
.LBB2_151:
0x42a: {  	[spmem:s1] =	stream.indirect.scatter [tilespmem:s28], [sflag:$0x1], $0x1, s7, s5, $0xb8;
	[tilespmem:$0x1D088] =	vst v63  }
0x42b: {  	s7 =	smov.u32 s2;
	p0 =	sne.s32 s2, $0xFE00  }
.Ltmp74:
0x42c: {  	s2 =	sadd.s32 $0x200, s2;
	(pc) =	sbr.rel @p0 .LBB2_151-.Ltmp74, $3  }
0x42d: {  	_ =	sdelay $0x1  }
0x42e: {  	s7 =	sshra.s32 s7, $0x2  }
0x42f: {  	s7 =	sadd.s32 $0x4000, s7  }
0x430: {  	[spmem:s1] =	stream.indirect.scatter [tilespmem:s28], [sflag:$0x1], $0x1, s7, s5, $0xb8;
	[tilespmem:$0x1D088] =	vst v63  }
0x431: {  	_ =	swait.ge [sflag:s25], $0x80  }
0x432: {  	s2 =	simm.s32 $0x7F;
	[sflag:s25] =	ssyncset.done $0x0  }
.LBB2_153:
0x433: {  	p0 =	sne.s32 s2, $0x1;
	s2 =	sadd.s32 $0xFFFFFFFF, s2;
	[sflag:s25] =	ssyncadd.s32 $0xFFFFFF80  }
.Ltmp75:
0x434: {  	(pc) =	sbr.rel @p0 .LBB2_153-.Ltmp75, $3  }
0x435: {  	_ =	sdelay $0x1  }
0x436: {  	_ =	swait.ge [sflag:s25], $0x80  }
0x437: {  	[sflag:s25] =	ssyncset.done $0x0  }
0x438: {  	p0 =	sne.s32 s0, $0x8  }
.Ltmp76:
0x439: {  	_ = 	snop;
	(pc) =	sbr.rel @p0 .LBB2_140-.Ltmp76, $3  }
0x43a: {  	_ = 	snop  }
0x43b: {  	[sflag:s25] =	ssyncadd.s32 $0xFFFFFF80  }
0x43c: {  	[bflag:$0x0] =	sbarrier.arrive $0xFFFF;
	_ =	sdelay $0x1  }
0x43d: {  	[hbm:s14], [sflag:s30] =	dma.local [spmem:s31], $0x1000  }
0x43e: {  	s29 =	sadd.s32 $0x1, s29  }
0x43f: {  	p0 =	sne.s32 s29, s20  }
.Ltmp77:
0x440: {  	_ =	swait.ge [sflag:s24], $0x1000;
	(pc) =	sbr.rel @p0 .LBB2_1-.Ltmp77, $3  }
0x441: {  	[sflag:s24] =	ssyncset.done $0x0  }
0x442: {  	[sflag:s24] =	ssyncadd.s32 $0xFFFFF000  }
0x443: {  	[bflag:$0x0] =	sbarrier.arrive $0xFFFF;
	_ =	sdelay $0x1  }
0x444: {  	_ =	sfence.sel $0x180000  }
0x445: {  	[bflag:$0x0] =	sbarrier.arrive $0xFFFF  }
0x446: {  	_ =	strace $0x90000047  }
0x447: {  	s0 =	stileid.u32;
	[bflag:$0x2] =	sbarrier.arrive $0xFFFF  }
0x448: {  	p0 =	sne.s32 s0, $0x0;
	s0 =	rddreg [dreg:$0x2]  }
0x449: {  	s0 =	sadd.s32 @!p0 $0x100000, s0  }
0x44a: {  	[sflag:s0] =	ssyncadd.tile.s32 @!p0 $0x1;
	_ =	shalt  }
.Lfunc_end2:
_tile_overlayer_lowered:
.L_overlay_start_2:
0x44b: {  	(tag) =	ssettag $0x2  }
0x44c: {  	s0 =	rddreg [dreg:$0x0];
	s2 =	stileid.u32  }
0x44d: {  	s1 =	rddreg [dreg:$0x1];
	p0 =	sne.s32 s2, $0x0  }
0x44e: {  	s3 =	rddreg [dreg:$0x2];
	[bflag:$0x3] =	sbarrier.arrive $0xFFFF;
	s2 =	simm.s32 @!p0 $0x1C02  }
0x44f: {  	[timem:s3], [sflag:s2] =	dma.local @!p0 [hbm:s0], s1  }
0x450: {  	s0 =	simm.s32 @!p0 $0x2  }
0x451: {  	_ =	swait.ge @!p0 [sflag:s0], s1  }
0x452: {  	s1 =	ssub.s32 @!p0 $0x0, s1;
	[sflag:s0] =	ssyncset.done @!p0 $0x0  }
0x453: {  	[sflag:s0] =	ssyncadd.s32 @!p0 s1  }
0x454: {  	[bflag:$0x3] =	sbarrier.arrive $0xFFFF  }
0x455: {  	_ =	shalt  }

</sc_bundles>
